<compile_context>
chip_gen: v7x
topology: tpu7x:2x2x1
jax: 0.10.2.dev20260603
libtpu: 0.0.44.dev20260713+nightly
codegen_flags: <defaults>
</compile_context>

<pallas_src>
import dataclasses
import functools

import jax
import jax.numpy as jnp
from jax import lax
from jax.experimental import pallas as pl
from jax.experimental.pallas import tpu as pltpu
from jax.experimental.pallas import tpu_sc as plsc

NC, NS, L = 2, 16, 16
NW = NC * NS


def _quantize(v1, v2):
    d = v1 - v2
    x = (jnp.minimum(jnp.maximum(d, -4.0), 4.0) + 4.0) * 10.0
    r = (x + 0.5).astype(jnp.int32)
    tie = (r.astype(jnp.float32) - x) == 0.5
    odd = (r & 1) == 1
    return jnp.where(tie & odd, r - 1, r)


def _sc_edge_vector(in1b, in2t, table, *, B, N1, N2, C):
    rows = B * N1
    rows_per_w = rows // NW
    row_len = N2 * C
    blk = row_len * L
    V = table.shape[0]
    mesh = plsc.VectorSubcoreMesh(
        core_axis_name="core", subcore_axis_name="subcore",
        num_cores=NC, num_subcores=NS)
    cp = pltpu.CompilerParams()
    fields = pltpu.CompilerParams.__dataclass_fields__
    if "needs_layout_passes" in fields:
        cp = dataclasses.replace(cp, needs_layout_passes=False)
    if "use_tc_tiling_on_sc" in fields:
        cp = dataclasses.replace(cp, use_tc_tiling_on_sc=False)

    @functools.partial(
        pl.kernel,
        out_type=jax.ShapeDtypeStruct((rows * blk,), jnp.float32),
        mesh=mesh,
        scratch_types=[
            pltpu.VMEM((V * L,), jnp.float32),
            pltpu.VMEM((C, rows_per_w, L), jnp.float32),
            pltpu.VMEM((B * C, N2), jnp.float32),
            pltpu.VMEM((blk,), jnp.float32),
            pltpu.VMEM((blk,), jnp.float32),
            pltpu.SemaphoreType.DMA,
            pltpu.SemaphoreType.DMA,
        ],
        compiler_params=cp,
    )
    def k(in1b_hbm, in2t_hbm, table_hbm, out_hbm, table_v, in1_v, in2_v,
          ob0, ob1, sem0, sem1):
        wid = lax.axis_index("subcore") * NC + lax.axis_index("core")
        r0 = wid * rows_per_w
        b = r0 // N1
        i0 = r0 % N1
        iota = lax.iota(jnp.int32, L)
        pat48 = iota * (L * C)
        diag = [(iota + s) & (L - 1) for s in range(L)]

        pltpu.sync_copy(table_hbm, table_v)
        for c in range(C):
            pltpu.sync_copy(
                in1b_hbm.at[pl.ds((b * C + c) * N1 + i0, rows_per_w)],
                in1_v.at[c])
        pltpu.sync_copy(in2t_hbm, in2_v)

        def fill(ob, ri):
            for c in range(C):
                v1 = in1_v[c, ri]
                @plsc.parallel_loop(0, N2 // L, unroll=4)
                def _(t):
                    q = _quantize(v1, in2_v[b * C + c, pl.ds(t * L, L)])
                    src = q * L
                    dst = pat48 + (t * (L * C * L) + c * L)
                    for s in range(L):
                        col = plsc.load_gather(table_v, [src + diag[s]])
                        plsc.store_scatter(ob, [dst + diag[s]], col)

        def drain(ob, sem):
            pltpu.make_async_copy(
                ob.at[pl.ds(0, blk // 2)],
                out_hbm.at[pl.ds(r0 * blk, blk // 2)], sem).wait()

        obr = [ob0, ob1]
        sems = [sem0, sem1]

        @pl.loop(0, rows_per_w // 2)
        def _(g):
            for h in range(2):
                ob, sem = obr[h], sems[h]

                @pl.when(g > 0)
                def _():
                    drain(ob, sem)

                fill(ob, 2 * g + h)
                pltpu.async_copy(
                    ob.at[pl.ds(0, blk // 2)],
                    out_hbm.at[pl.ds((r0 + 2 * g + h) * blk, blk // 2)],
                    sem)

        drain(obr[0], sem0)
        drain(obr[1], sem1)

    return k(in1b, in2t, table.reshape(V * L))


def kernel(input1, input2, relative_coords_weight):
    B, N1, C = input1.shape
    N2 = input2.shape[1]
    in1b = jnp.broadcast_to(
        jnp.transpose(input1, (0, 2, 1))[..., None],
        (B, C, N1, L)).reshape(B * C * N1, L)
    in2t = jnp.transpose(input2, (0, 2, 1)).reshape(B * C, N2)
    out = _sc_edge_vector(in1b, in2t, relative_coords_weight,
                          B=B, N1=N1, N2=N2, C=C)
    return out.reshape(B, N1, N2, C * L)

# --- scband reference (transcript-rebuilt; emitter-appended) ---
"""Pipeline reference for scband-edge-vector-25640954757165 (READ-ONLY COPY).

The authoritative reference and input builder live on the scoring server;
editing this copy changes nothing except your own understanding.
"""

import jax, jax.numpy as jnp
import numpy as np


def setup_inputs(seed: int = 0) -> dict:
    key = jax.random.key(seed)
    k1, k2, k3 = jax.random.split(key, 3)
    input1 = jax.random.normal(k1, (4, 512, 3), dtype=jnp.float32)
    input2 = jax.random.normal(k2, (4, 512, 3), dtype=jnp.float32)
    # nn.Embedding(85, 16) default init: N(0, 1)
    relative_coords_weight = jax.random.normal(k3, (85, 16), dtype=jnp.float32)
    return {"input1": input1, "input2": input2, "relative_coords_weight": relative_coords_weight}


def reference(input1, input2, relative_coords_weight):
    # input1: [B, N1, C], input2: [B, N2, C]
    input1_new = input1[:, :, None, :]          # [B, N1, 1, C]
    input2_new = input2[:, None, :, :]          # [B, 1, N2, C]
    diff = input1_new - input2_new              # [B, N1, N2, C]
    new_vec = jnp.round((jnp.clip(diff, -4.0, 4.0) + 4.0) * 10.0).astype(jnp.int32)
    # embedding lookup: gather rows of the [85, 16] table
    new_vec1 = jnp.take(relative_coords_weight, new_vec, axis=0)  # [B, N1, N2, C, 16]
    new_vec2 = new_vec1.reshape(input1.shape[0], input1.shape[1], input2.shape[1], -1)
    return new_vec2

if __name__ == "__main__":
    import jax
    _d = setup_inputs()
    print(jax.jit(kernel)(*tuple(_d.values())))

</pallas_src>

<mosaic_0001>
#map = affine_map<(d0, d1) -> (0, 0)>
#map1 = affine_map<(d0, d1) -> (0)>
module attributes {stable_mosaic.version = 14 : i64} {
  func.func @k(%arg0: i32, %arg1: i32, %arg2: memref<6144x16xf32, #tpu.memory_space<hbm>>, %arg3: memref<12x512xf32, #tpu.memory_space<hbm>>, %arg4: memref<1360xf32, #tpu.memory_space<hbm>>, %arg5: memref<50331648xf32, #tpu.memory_space<hbm>>, %arg6: memref<1360xf32, #tpu.memory_space<vmem>>, %arg7: memref<3x64x16xf32, #tpu.memory_space<vmem>>, %arg8: memref<12x512xf32, #tpu.memory_space<vmem>>, %arg9: memref<24576xf32, #tpu.memory_space<vmem>>, %arg10: memref<24576xf32, #tpu.memory_space<vmem>>, %arg11: memref<!tpu.dma_semaphore, #tpu.memory_space<semaphore_mem>>, %arg12: memref<!tpu.dma_semaphore, #tpu.memory_space<semaphore_mem>>) attributes {dimension_semantics = [#tpu.dimension_semantics<core_parallel>, #tpu.dimension_semantics<subcore_parallel>], iteration_bounds = array<i64: 2, 16>, scalar_prefetch = 0 : i64, scratch_operands = 7 : i64, tpu.core_type = #tpu.core_type<sc_vector_subcore>, window_params = [{transform_indices = #map}, {transform_indices = #map}, {transform_indices = #map1}, {transform_indices = #map1}]} {
    %mul3A = arith.constant 2 : i32
    %mul3A_0 = arith.muli %arg1, %mul3A : i32
    %add3A = arith.addi %mul3A_0, %arg0 : i32
    %mul3A_1 = arith.constant 64 : i32
    %mul3A_2 = arith.muli %add3A, %mul3A_1 : i32
    %jit3A = arith.constant 512 : i32
    %div3A = arith.divsi %mul3A_2, %jit3A : i32
    %sign3A = arith.constant 0 : i32
    %sign3A_3 = arith.cmpi sgt, %mul3A_2, %sign3A : i32
    %sign3A_4 = arith.extui %sign3A_3 : i1 to i32
    %sign3A_5 = arith.constant 0 : i32
    %sign3A_6 = arith.cmpi slt, %mul3A_2, %sign3A_5 : i32
    %sign3A_7 = arith.extui %sign3A_6 : i1 to i32
    %sign3A_8 = arith.subi %sign3A_4, %sign3A_7 : i32
    %sign3A_9 = arith.constant 0 : i32
    %sign3A_10 = arith.cmpi sgt, %jit3A, %sign3A_9 : i32
    %sign3A_11 = arith.extui %sign3A_10 : i1 to i32
    %sign3A_12 = arith.constant 0 : i32
    %sign3A_13 = arith.cmpi slt, %jit3A, %sign3A_12 : i32
    %sign3A_14 = arith.extui %sign3A_13 : i1 to i32
    %sign3A_15 = arith.subi %sign3A_11, %sign3A_14 : i32
    %ne3A = arith.cmpi ne, %sign3A_8, %sign3A_15 : i32
    %rem3A = arith.remsi %mul3A_2, %jit3A : i32
    %ne3A_16 = arith.constant 0 : i32
    %ne3A_17 = arith.cmpi ne, %rem3A, %ne3A_16 : i32
    %and3A = arith.andi %ne3A, %ne3A_17 : i1
    %sub3A = arith.constant 1 : i32
    %sub3A_18 = arith.subi %div3A, %sub3A : i32
    %select_n3A = arith.select %and3A, %sub3A_18, %div3A : i32
    %jit3A_19 = arith.constant 512 : i32
    %eq3A = arith.constant 0 : i32
    %eq3A_20 = arith.cmpi eq, %jit3A_19, %eq3A : i32
    %jit3A_21 = arith.constant 1 : i32
    %select_n3A_22 = arith.select %eq3A_20, %jit3A_21, %jit3A_19 : i32
    %rem3A_23 = arith.remsi %mul3A_2, %select_n3A_22 : i32
    %ne3A_24 = arith.constant 0 : i32
    %ne3A_25 = arith.cmpi ne, %rem3A_23, %ne3A_24 : i32
    %lt3A = arith.constant 0 : i32
    %lt3A_26 = arith.cmpi slt, %rem3A_23, %lt3A : i32
    %lt3A_27 = arith.constant 0 : i32
    %lt3A_28 = arith.cmpi slt, %select_n3A_22, %lt3A_27 : i32
    %ne3A_29 = arith.xori %lt3A_26, %lt3A_28 : i1
    %and3A_30 = arith.andi %ne3A_29, %ne3A_25 : i1
    %add3A_31 = arith.addi %rem3A_23, %select_n3A_22 : i32
    %select_n3A_32 = arith.select %and3A_30, %add3A_31, %rem3A_23 : i32
    %iota3A = tpu.iota {dimensions = array<i32: 0>} : vector<16xi32>
    %mul3A_33 = arith.constant 48 : i32
    %mul3A_34 = vector.broadcast %mul3A_33 : i32 to vector<16xi32>
    %mul3A_35 = arith.muli %iota3A, %mul3A_34 : vector<16xi32>
    %add3A_36 = arith.constant 0 : i32
    %add3A_37 = vector.broadcast %add3A_36 : i32 to vector<16xi32>
    %add3A_38 = arith.addi %iota3A, %add3A_37 : vector<16xi32>
    %and3A_39 = arith.constant 15 : i32
    %and3A_40 = vector.broadcast %and3A_39 : i32 to vector<16xi32>
    %and3A_41 = arith.andi %add3A_38, %and3A_40 : vector<16xi32>
    %add3A_42 = arith.constant 1 : i32
    %add3A_43 = vector.broadcast %add3A_42 : i32 to vector<16xi32>
    %add3A_44 = arith.addi %iota3A, %add3A_43 : vector<16xi32>
    %and3A_45 = arith.constant 15 : i32
    %and3A_46 = vector.broadcast %and3A_45 : i32 to vector<16xi32>
    %and3A_47 = arith.andi %add3A_44, %and3A_46 : vector<16xi32>
    %add3A_48 = arith.constant 2 : i32
    %add3A_49 = vector.broadcast %add3A_48 : i32 to vector<16xi32>
    %add3A_50 = arith.addi %iota3A, %add3A_49 : vector<16xi32>
    %and3A_51 = arith.constant 15 : i32
    %and3A_52 = vector.broadcast %and3A_51 : i32 to vector<16xi32>
    %and3A_53 = arith.andi %add3A_50, %and3A_52 : vector<16xi32>
    %add3A_54 = arith.constant 3 : i32
    %add3A_55 = vector.broadcast %add3A_54 : i32 to vector<16xi32>
    %add3A_56 = arith.addi %iota3A, %add3A_55 : vector<16xi32>
    %and3A_57 = arith.constant 15 : i32
    %and3A_58 = vector.broadcast %and3A_57 : i32 to vector<16xi32>
    %and3A_59 = arith.andi %add3A_56, %and3A_58 : vector<16xi32>
    %add3A_60 = arith.constant 4 : i32
    %add3A_61 = vector.broadcast %add3A_60 : i32 to vector<16xi32>
    %add3A_62 = arith.addi %iota3A, %add3A_61 : vector<16xi32>
    %and3A_63 = arith.constant 15 : i32
    %and3A_64 = vector.broadcast %and3A_63 : i32 to vector<16xi32>
    %and3A_65 = arith.andi %add3A_62, %and3A_64 : vector<16xi32>
    %add3A_66 = arith.constant 5 : i32
    %add3A_67 = vector.broadcast %add3A_66 : i32 to vector<16xi32>
    %add3A_68 = arith.addi %iota3A, %add3A_67 : vector<16xi32>
    %and3A_69 = arith.constant 15 : i32
    %and3A_70 = vector.broadcast %and3A_69 : i32 to vector<16xi32>
    %and3A_71 = arith.andi %add3A_68, %and3A_70 : vector<16xi32>
    %add3A_72 = arith.constant 6 : i32
    %add3A_73 = vector.broadcast %add3A_72 : i32 to vector<16xi32>
    %add3A_74 = arith.addi %iota3A, %add3A_73 : vector<16xi32>
    %and3A_75 = arith.constant 15 : i32
    %and3A_76 = vector.broadcast %and3A_75 : i32 to vector<16xi32>
    %and3A_77 = arith.andi %add3A_74, %and3A_76 : vector<16xi32>
    %add3A_78 = arith.constant 7 : i32
    %add3A_79 = vector.broadcast %add3A_78 : i32 to vector<16xi32>
    %add3A_80 = arith.addi %iota3A, %add3A_79 : vector<16xi32>
    %and3A_81 = arith.constant 15 : i32
    %and3A_82 = vector.broadcast %and3A_81 : i32 to vector<16xi32>
    %and3A_83 = arith.andi %add3A_80, %and3A_82 : vector<16xi32>
    %add3A_84 = arith.constant 8 : i32
    %add3A_85 = vector.broadcast %add3A_84 : i32 to vector<16xi32>
    %add3A_86 = arith.addi %iota3A, %add3A_85 : vector<16xi32>
    %and3A_87 = arith.constant 15 : i32
    %and3A_88 = vector.broadcast %and3A_87 : i32 to vector<16xi32>
    %and3A_89 = arith.andi %add3A_86, %and3A_88 : vector<16xi32>
    %add3A_90 = arith.constant 9 : i32
    %add3A_91 = vector.broadcast %add3A_90 : i32 to vector<16xi32>
    %add3A_92 = arith.addi %iota3A, %add3A_91 : vector<16xi32>
    %and3A_93 = arith.constant 15 : i32
    %and3A_94 = vector.broadcast %and3A_93 : i32 to vector<16xi32>
    %and3A_95 = arith.andi %add3A_92, %and3A_94 : vector<16xi32>
    %add3A_96 = arith.constant 10 : i32
    %add3A_97 = vector.broadcast %add3A_96 : i32 to vector<16xi32>
    %add3A_98 = arith.addi %iota3A, %add3A_97 : vector<16xi32>
    %and3A_99 = arith.constant 15 : i32
    %and3A_100 = vector.broadcast %and3A_99 : i32 to vector<16xi32>
    %and3A_101 = arith.andi %add3A_98, %and3A_100 : vector<16xi32>
    %add3A_102 = arith.constant 11 : i32
    %add3A_103 = vector.broadcast %add3A_102 : i32 to vector<16xi32>
    %add3A_104 = arith.addi %iota3A, %add3A_103 : vector<16xi32>
    %and3A_105 = arith.constant 15 : i32
    %and3A_106 = vector.broadcast %and3A_105 : i32 to vector<16xi32>
    %and3A_107 = arith.andi %add3A_104, %and3A_106 : vector<16xi32>
    %add3A_108 = arith.constant 12 : i32
    %add3A_109 = vector.broadcast %add3A_108 : i32 to vector<16xi32>
    %add3A_110 = arith.addi %iota3A, %add3A_109 : vector<16xi32>
    %and3A_111 = arith.constant 15 : i32
    %and3A_112 = vector.broadcast %and3A_111 : i32 to vector<16xi32>
    %and3A_113 = arith.andi %add3A_110, %and3A_112 : vector<16xi32>
    %add3A_114 = arith.constant 13 : i32
    %add3A_115 = vector.broadcast %add3A_114 : i32 to vector<16xi32>
    %add3A_116 = arith.addi %iota3A, %add3A_115 : vector<16xi32>
    %and3A_117 = arith.constant 15 : i32
    %and3A_118 = vector.broadcast %and3A_117 : i32 to vector<16xi32>
    %and3A_119 = arith.andi %add3A_116, %and3A_118 : vector<16xi32>
    %add3A_120 = arith.constant 14 : i32
    %add3A_121 = vector.broadcast %add3A_120 : i32 to vector<16xi32>
    %add3A_122 = arith.addi %iota3A, %add3A_121 : vector<16xi32>
    %and3A_123 = arith.constant 15 : i32
    %and3A_124 = vector.broadcast %and3A_123 : i32 to vector<16xi32>
    %and3A_125 = arith.andi %add3A_122, %and3A_124 : vector<16xi32>
    %add3A_126 = arith.constant 15 : i32
    %add3A_127 = vector.broadcast %add3A_126 : i32 to vector<16xi32>
    %add3A_128 = arith.addi %iota3A, %add3A_127 : vector<16xi32>
    %and3A_129 = arith.constant 15 : i32
    %and3A_130 = vector.broadcast %and3A_129 : i32 to vector<16xi32>
    %and3A_131 = arith.andi %add3A_128, %and3A_130 : vector<16xi32>
    "tpu.region"() ({
      %run_scoped3A_174 = tpu.sem_alloc : memref<!tpu.dma_semaphore, #tpu.memory_space<semaphore_mem>>
      tpu.enqueue_dma source(%arg4 : memref<1360xf32, #tpu.memory_space<hbm>>) target(%arg6 : memref<1360xf32, #tpu.memory_space<vmem>>) target_semaphore(%run_scoped3A_174 : memref<!tpu.dma_semaphore, #tpu.memory_space<semaphore_mem>>)
      tpu.wait_dma2 semaphore(%run_scoped3A_174 : memref<!tpu.dma_semaphore, #tpu.memory_space<semaphore_mem>>) src(%arg4 : memref<1360xf32, #tpu.memory_space<hbm>>) dst(%arg6 : memref<1360xf32, #tpu.memory_space<vmem>>)
      tpu.yield
    }) : () -> ()
    %mul3A_132 = arith.constant 3 : i32
    %mul3A_133 = arith.muli %select_n3A, %mul3A_132 : i32
    %add3A_134 = arith.constant 0 : i32
    %add3A_135 = arith.addi %mul3A_133, %add3A_134 : i32
    %mul3A_136 = arith.constant 512 : i32
    %mul3A_137 = arith.muli %add3A_135, %mul3A_136 : i32
    %add3A_138 = arith.addi %mul3A_137, %select_n3A_32 : i32
    %run_scoped3A = arith.constant 0 : i32
    "tpu.region"() ({
      %run_scoped3A_174 = tpu.sem_alloc : memref<!tpu.dma_semaphore, #tpu.memory_space<semaphore_mem>>
      %dma_start3A = arith.constant 0 : i32
      %dma_start3A_175 = arith.constant 0 : i32
      %dma_start3A_176 = tpu.memref_slice %arg7[%run_scoped3A, %dma_start3A, %dma_start3A_175] : memref<3x64x16xf32, #tpu.memory_space<vmem>> -> memref<1x64x16xf32, #tpu.memory_space<vmem>>
      %dma_start3A_177 = tpu.memref_squeeze %dma_start3A_176 : memref<1x64x16xf32, #tpu.memory_space<vmem>> -> memref<64x16xf32, #tpu.memory_space<vmem>>
      %dma_start3A_178 = arith.constant 0 : i32
      %dma_start3A_179 = tpu.memref_slice %arg2[%add3A_138, %dma_start3A_178] : memref<6144x16xf32, #tpu.memory_space<hbm>> -> memref<64x16xf32, #tpu.memory_space<hbm>>
      %dma_start3A_180 = arith.constant 0 : i32
      %dma_start3A_181 = arith.constant 0 : i32
      %dma_start3A_182 = tpu.memref_slice %arg7[%run_scoped3A, %dma_start3A_180, %dma_start3A_181] : memref<3x64x16xf32, #tpu.memory_space<vmem>> -> memref<1x64x16xf32, #tpu.memory_space<vmem>>
      %dma_start3A_183 = tpu.memref_squeeze %dma_start3A_182 : memref<1x64x16xf32, #tpu.memory_space<vmem>> -> memref<64x16xf32, #tpu.memory_space<vmem>>
      %dma_start3A_184 = arith.constant 0 : i32
      %dma_start3A_185 = tpu.memref_slice %arg2[%add3A_138, %dma_start3A_184] : memref<6144x16xf32, #tpu.memory_space<hbm>> -> memref<64x16xf32, #tpu.memory_space<hbm>>
      tpu.enqueue_dma source(%dma_start3A_185 : memref<64x16xf32, #tpu.memory_space<hbm>>) target(%dma_start3A_183 : memref<64x16xf32, #tpu.memory_space<vmem>>) target_semaphore(%run_scoped3A_174 : memref<!tpu.dma_semaphore, #tpu.memory_space<semaphore_mem>>)
      %dma_wait3A_186 = arith.constant 0 : i32
      %dma_wait3A_187 = arith.constant 0 : i32
      %dma_wait3A_188 = tpu.memref_slice %arg7[%run_scoped3A, %dma_wait3A_186, %dma_wait3A_187] : memref<3x64x16xf32, #tpu.memory_space<vmem>> -> memref<1x64x16xf32, #tpu.memory_space<vmem>>
      %dma_wait3A_189 = tpu.memref_squeeze %dma_wait3A_188 : memref<1x64x16xf32, #tpu.memory_space<vmem>> -> memref<64x16xf32, #tpu.memory_space<vmem>>
      %dma_wait3A_190 = arith.constant 0 : i32
      %dma_wait3A_191 = tpu.memref_slice %arg2[%add3A_138, %dma_wait3A_190] : memref<6144x16xf32, #tpu.memory_space<hbm>> -> memref<64x16xf32, #tpu.memory_space<hbm>>
      %dma_wait3A_192 = arith.constant 0 : i32
      %dma_wait3A_193 = arith.constant 0 : i32
      %dma_wait3A_194 = tpu.memref_slice %arg7[%run_scoped3A, %dma_wait3A_192, %dma_wait3A_193] : memref<3x64x16xf32, #tpu.memory_space<vmem>> -> memref<1x64x16xf32, #tpu.memory_space<vmem>>
      %dma_wait3A_195 = tpu.memref_squeeze %dma_wait3A_194 : memref<1x64x16xf32, #tpu.memory_space<vmem>> -> memref<64x16xf32, #tpu.memory_space<vmem>>
      %dma_wait3A_196 = arith.constant 0 : i32
      %dma_wait3A_197 = tpu.memref_slice %arg2[%add3A_138, %dma_wait3A_196] : memref<6144x16xf32, #tpu.memory_space<hbm>> -> memref<64x16xf32, #tpu.memory_space<hbm>>
      tpu.wait_dma2 semaphore(%run_scoped3A_174 : memref<!tpu.dma_semaphore, #tpu.memory_space<semaphore_mem>>) src(%dma_wait3A_197 : memref<64x16xf32, #tpu.memory_space<hbm>>) dst(%dma_wait3A_195 : memref<64x16xf32, #tpu.memory_space<vmem>>)
      tpu.yield
    }) : () -> ()
    %mul3A_139 = arith.constant 3 : i32
    %mul3A_140 = arith.muli %select_n3A, %mul3A_139 : i32
    %add3A_141 = arith.constant 1 : i32
    %add3A_142 = arith.addi %mul3A_140, %add3A_141 : i32
    %mul3A_143 = arith.constant 512 : i32
    %mul3A_144 = arith.muli %add3A_142, %mul3A_143 : i32
    %add3A_145 = arith.addi %mul3A_144, %select_n3A_32 : i32
    %run_scoped3A_146 = arith.constant 1 : i32
    "tpu.region"() ({
      %run_scoped3A_174 = tpu.sem_alloc : memref<!tpu.dma_semaphore, #tpu.memory_space<semaphore_mem>>
      %dma_start3A = arith.constant 0 : i32
      %dma_start3A_175 = arith.constant 0 : i32
      %dma_start3A_176 = tpu.memref_slice %arg7[%run_scoped3A_146, %dma_start3A, %dma_start3A_175] : memref<3x64x16xf32, #tpu.memory_space<vmem>> -> memref<1x64x16xf32, #tpu.memory_space<vmem>>
      %dma_start3A_177 = tpu.memref_squeeze %dma_start3A_176 : memref<1x64x16xf32, #tpu.memory_space<vmem>> -> memref<64x16xf32, #tpu.memory_space<vmem>>
      %dma_start3A_178 = arith.constant 0 : i32
      %dma_start3A_179 = tpu.memref_slice %arg2[%add3A_145, %dma_start3A_178] : memref<6144x16xf32, #tpu.memory_space<hbm>> -> memref<64x16xf32, #tpu.memory_space<hbm>>
      %dma_start3A_180 = arith.constant 0 : i32
      %dma_start3A_181 = arith.constant 0 : i32
      %dma_start3A_182 = tpu.memref_slice %arg7[%run_scoped3A_146, %dma_start3A_180, %dma_start3A_181] : memref<3x64x16xf32, #tpu.memory_space<vmem>> -> memref<1x64x16xf32, #tpu.memory_space<vmem>>
      %dma_start3A_183 = tpu.memref_squeeze %dma_start3A_182 : memref<1x64x16xf32, #tpu.memory_space<vmem>> -> memref<64x16xf32, #tpu.memory_space<vmem>>
      %dma_start3A_184 = arith.constant 0 : i32
      %dma_start3A_185 = tpu.memref_slice %arg2[%add3A_145, %dma_start3A_184] : memref<6144x16xf32, #tpu.memory_space<hbm>> -> memref<64x16xf32, #tpu.memory_space<hbm>>
      tpu.enqueue_dma source(%dma_start3A_185 : memref<64x16xf32, #tpu.memory_space<hbm>>) target(%dma_start3A_183 : memref<64x16xf32, #tpu.memory_space<vmem>>) target_semaphore(%run_scoped3A_174 : memref<!tpu.dma_semaphore, #tpu.memory_space<semaphore_mem>>)
      %dma_wait3A_186 = arith.constant 0 : i32
      %dma_wait3A_187 = arith.constant 0 : i32
      %dma_wait3A_188 = tpu.memref_slice %arg7[%run_scoped3A_146, %dma_wait3A_186, %dma_wait3A_187] : memref<3x64x16xf32, #tpu.memory_space<vmem>> -> memref<1x64x16xf32, #tpu.memory_space<vmem>>
      %dma_wait3A_189 = tpu.memref_squeeze %dma_wait3A_188 : memref<1x64x16xf32, #tpu.memory_space<vmem>> -> memref<64x16xf32, #tpu.memory_space<vmem>>
      %dma_wait3A_190 = arith.constant 0 : i32
      %dma_wait3A_191 = tpu.memref_slice %arg2[%add3A_145, %dma_wait3A_190] : memref<6144x16xf32, #tpu.memory_space<hbm>> -> memref<64x16xf32, #tpu.memory_space<hbm>>
      %dma_wait3A_192 = arith.constant 0 : i32
      %dma_wait3A_193 = arith.constant 0 : i32
      %dma_wait3A_194 = tpu.memref_slice %arg7[%run_scoped3A_146, %dma_wait3A_192, %dma_wait3A_193] : memref<3x64x16xf32, #tpu.memory_space<vmem>> -> memref<1x64x16xf32, #tpu.memory_space<vmem>>
      %dma_wait3A_195 = tpu.memref_squeeze %dma_wait3A_194 : memref<1x64x16xf32, #tpu.memory_space<vmem>> -> memref<64x16xf32, #tpu.memory_space<vmem>>
      %dma_wait3A_196 = arith.constant 0 : i32
      %dma_wait3A_197 = tpu.memref_slice %arg2[%add3A_145, %dma_wait3A_196] : memref<6144x16xf32, #tpu.memory_space<hbm>> -> memref<64x16xf32, #tpu.memory_space<hbm>>
      tpu.wait_dma2 semaphore(%run_scoped3A_174 : memref<!tpu.dma_semaphore, #tpu.memory_space<semaphore_mem>>) src(%dma_wait3A_197 : memref<64x16xf32, #tpu.memory_space<hbm>>) dst(%dma_wait3A_195 : memref<64x16xf32, #tpu.memory_space<vmem>>)
      tpu.yield
    }) : () -> ()
    %mul3A_147 = arith.constant 3 : i32
    %mul3A_148 = arith.muli %select_n3A, %mul3A_147 : i32
    %add3A_149 = arith.constant 2 : i32
    %add3A_150 = arith.addi %mul3A_148, %add3A_149 : i32
    %mul3A_151 = arith.constant 512 : i32
    %mul3A_152 = arith.muli %add3A_150, %mul3A_151 : i32
    %add3A_153 = arith.addi %mul3A_152, %select_n3A_32 : i32
    %run_scoped3A_154 = arith.constant 2 : i32
    "tpu.region"() ({
      %run_scoped3A_174 = tpu.sem_alloc : memref<!tpu.dma_semaphore, #tpu.memory_space<semaphore_mem>>
      %dma_start3A = arith.constant 0 : i32
      %dma_start3A_175 = arith.constant 0 : i32
      %dma_start3A_176 = tpu.memref_slice %arg7[%run_scoped3A_154, %dma_start3A, %dma_start3A_175] : memref<3x64x16xf32, #tpu.memory_space<vmem>> -> memref<1x64x16xf32, #tpu.memory_space<vmem>>
      %dma_start3A_177 = tpu.memref_squeeze %dma_start3A_176 : memref<1x64x16xf32, #tpu.memory_space<vmem>> -> memref<64x16xf32, #tpu.memory_space<vmem>>
      %dma_start3A_178 = arith.constant 0 : i32
      %dma_start3A_179 = tpu.memref_slice %arg2[%add3A_153, %dma_start3A_178] : memref<6144x16xf32, #tpu.memory_space<hbm>> -> memref<64x16xf32, #tpu.memory_space<hbm>>
      %dma_start3A_180 = arith.constant 0 : i32
      %dma_start3A_181 = arith.constant 0 : i32
      %dma_start3A_182 = tpu.memref_slice %arg7[%run_scoped3A_154, %dma_start3A_180, %dma_start3A_181] : memref<3x64x16xf32, #tpu.memory_space<vmem>> -> memref<1x64x16xf32, #tpu.memory_space<vmem>>
      %dma_start3A_183 = tpu.memref_squeeze %dma_start3A_182 : memref<1x64x16xf32, #tpu.memory_space<vmem>> -> memref<64x16xf32, #tpu.memory_space<vmem>>
      %dma_start3A_184 = arith.constant 0 : i32
      %dma_start3A_185 = tpu.memref_slice %arg2[%add3A_153, %dma_start3A_184] : memref<6144x16xf32, #tpu.memory_space<hbm>> -> memref<64x16xf32, #tpu.memory_space<hbm>>
      tpu.enqueue_dma source(%dma_start3A_185 : memref<64x16xf32, #tpu.memory_space<hbm>>) target(%dma_start3A_183 : memref<64x16xf32, #tpu.memory_space<vmem>>) target_semaphore(%run_scoped3A_174 : memref<!tpu.dma_semaphore, #tpu.memory_space<semaphore_mem>>)
      %dma_wait3A_186 = arith.constant 0 : i32
      %dma_wait3A_187 = arith.constant 0 : i32
      %dma_wait3A_188 = tpu.memref_slice %arg7[%run_scoped3A_154, %dma_wait3A_186, %dma_wait3A_187] : memref<3x64x16xf32, #tpu.memory_space<vmem>> -> memref<1x64x16xf32, #tpu.memory_space<vmem>>
      %dma_wait3A_189 = tpu.memref_squeeze %dma_wait3A_188 : memref<1x64x16xf32, #tpu.memory_space<vmem>> -> memref<64x16xf32, #tpu.memory_space<vmem>>
      %dma_wait3A_190 = arith.constant 0 : i32
      %dma_wait3A_191 = tpu.memref_slice %arg2[%add3A_153, %dma_wait3A_190] : memref<6144x16xf32, #tpu.memory_space<hbm>> -> memref<64x16xf32, #tpu.memory_space<hbm>>
      %dma_wait3A_192 = arith.constant 0 : i32
      %dma_wait3A_193 = arith.constant 0 : i32
      %dma_wait3A_194 = tpu.memref_slice %arg7[%run_scoped3A_154, %dma_wait3A_192, %dma_wait3A_193] : memref<3x64x16xf32, #tpu.memory_space<vmem>> -> memref<1x64x16xf32, #tpu.memory_space<vmem>>
      %dma_wait3A_195 = tpu.memref_squeeze %dma_wait3A_194 : memref<1x64x16xf32, #tpu.memory_space<vmem>> -> memref<64x16xf32, #tpu.memory_space<vmem>>
      %dma_wait3A_196 = arith.constant 0 : i32
      %dma_wait3A_197 = tpu.memref_slice %arg2[%add3A_153, %dma_wait3A_196] : memref<6144x16xf32, #tpu.memory_space<hbm>> -> memref<64x16xf32, #tpu.memory_space<hbm>>
      tpu.wait_dma2 semaphore(%run_scoped3A_174 : memref<!tpu.dma_semaphore, #tpu.memory_space<semaphore_mem>>) src(%dma_wait3A_197 : memref<64x16xf32, #tpu.memory_space<hbm>>) dst(%dma_wait3A_195 : memref<64x16xf32, #tpu.memory_space<vmem>>)
      tpu.yield
    }) : () -> ()
    "tpu.region"() ({
      %run_scoped3A_174 = tpu.sem_alloc : memref<!tpu.dma_semaphore, #tpu.memory_space<semaphore_mem>>
      tpu.enqueue_dma source(%arg3 : memref<12x512xf32, #tpu.memory_space<hbm>>) target(%arg8 : memref<12x512xf32, #tpu.memory_space<vmem>>) target_semaphore(%run_scoped3A_174 : memref<!tpu.dma_semaphore, #tpu.memory_space<semaphore_mem>>)
      tpu.wait_dma2 semaphore(%run_scoped3A_174 : memref<!tpu.dma_semaphore, #tpu.memory_space<semaphore_mem>>) src(%arg3 : memref<12x512xf32, #tpu.memory_space<hbm>>) dst(%arg8 : memref<12x512xf32, #tpu.memory_space<vmem>>)
      tpu.yield
    }) : () -> ()
    %scan3A = arith.constant 0 : i32
    %scan3A_155 = arith.constant 32 : i32
    %scan3A_156 = arith.addi %scan3A, %scan3A_155 : i32
    %scan3A_157 = arith.constant 1 : i32
    scf.for %scan3A_174 = %scan3A to %scan3A_156 step %scan3A_157  : i32 {
      %mul3A_175 = arith.constant 1 : i32
      %mul3A_176 = arith.muli %scan3A_174, %mul3A_175 : i32
      %add3A_177 = arith.constant 0 : i32
      %add3A_178 = arith.addi %add3A_177, %mul3A_176 : i32
      %gt3A = arith.constant 0 : i32
      %gt3A_179 = arith.cmpi sgt, %add3A_178, %gt3A : i32
      %convert_element_type3A = arith.extui %gt3A_179 : i1 to i32
      %cond3A = arith.constant 0 : i32
      %cond3A_180 = arith.cmpi ne, %convert_element_type3A, %cond3A : i32
      scf.if %cond3A_180 {
        %mul3A_265 = arith.constant 24576 : i32
        %mul3A_266 = arith.muli %mul3A_2, %mul3A_265 : i32
        %dma_wait3A_267 = arith.constant 0 : i32
        %dma_wait3A_268 = tpu.memref_slice %arg9[%dma_wait3A_267] : memref<24576xf32, #tpu.memory_space<vmem>> -> memref<12288xf32, #tpu.memory_space<vmem>>
        %dma_wait3A_269 = tpu.memref_slice %arg5[%mul3A_266] : memref<50331648xf32, #tpu.memory_space<hbm>> -> memref<12288xf32, #tpu.memory_space<hbm>>
        %dma_wait3A_270 = tpu.memref_slice %arg5[%mul3A_266] : memref<50331648xf32, #tpu.memory_space<hbm>> -> memref<12288xf32, #tpu.memory_space<hbm>>
        %dma_wait3A_271 = arith.constant 0 : i32
        %dma_wait3A_272 = tpu.memref_slice %arg9[%dma_wait3A_271] : memref<24576xf32, #tpu.memory_space<vmem>> -> memref<12288xf32, #tpu.memory_space<vmem>>
        tpu.wait_dma2 semaphore(%arg11 : memref<!tpu.dma_semaphore, #tpu.memory_space<semaphore_mem>>) src(%dma_wait3A_272 : memref<12288xf32, #tpu.memory_space<vmem>>) dst(%dma_wait3A_270 : memref<12288xf32, #tpu.memory_space<hbm>>)
      } else {
      }
      %mul3A_181 = arith.constant 2 : i32
      %mul3A_182 = arith.muli %mul3A_181, %add3A_178 : i32
      %add3A_183 = arith.constant 0 : i32
      %add3A_184 = arith.addi %mul3A_182, %add3A_183 : i32
      %get3A = arith.constant 0 : i32
      %get3A_185 = arith.index_cast %get3A : i32 to index
      %get3A_186 = arith.index_cast %add3A_184 : i32 to index
      %get3A_187 = arith.constant 0 : index
      %get3A_188 = tpu.vector_load %arg7[%get3A_185, %get3A_186, %get3A_187] {strides = array<i32>} : memref<3x64x16xf32, #tpu.memory_space<vmem>>, vector<16xf32>,
      %parallel_loop3A = arith.constant 0 : i32
      %parallel_loop3A_189 = arith.constant 32 : i32
      %parallel_loop3A_190 = arith.constant 1 : i32
      scf.for %parallel_loop3A_265 = %parallel_loop3A to %parallel_loop3A_189 step %parallel_loop3A_190  : i32 {
        %parallel_loop3A_266 = arith.constant 3 : i32
        %parallel_loop3A_267 = arith.muli %select_n3A, %parallel_loop3A_266 : i32
        %parallel_loop3A_268 = arith.constant 0 : i32
        %parallel_loop3A_269 = arith.addi %parallel_loop3A_267, %parallel_loop3A_268 : i32
        %parallel_loop3A_270 = arith.constant 16 : i32
        %parallel_loop3A_271 = arith.muli %parallel_loop3A_265, %parallel_loop3A_270 : i32
        %parallel_loop3A_272 = arith.index_cast %parallel_loop3A_269 : i32 to index
        %parallel_loop3A_273 = arith.index_cast %parallel_loop3A_271 : i32 to index
        %parallel_loop3A_274 = tpu.vector_load %arg8[%parallel_loop3A_272, %parallel_loop3A_273] {strides = array<i32>} : memref<12x512xf32, #tpu.memory_space<vmem>>, vector<16xf32>,
        %parallel_loop3A_275 = arith.subf %get3A_188, %parallel_loop3A_274 : vector<16xf32>
        %parallel_loop3A_276 = arith.constant -4.000000e+00 : f32
        %parallel_loop3A_277 = vector.broadcast %parallel_loop3A_276 : f32 to vector<16xf32>
        %parallel_loop3A_278 = arith.maximumf %parallel_loop3A_275, %parallel_loop3A_277 : vector<16xf32>
        %parallel_loop3A_279 = arith.constant 4.000000e+00 : f32
        %parallel_loop3A_280 = vector.broadcast %parallel_loop3A_279 : f32 to vector<16xf32>
        %parallel_loop3A_281 = arith.minimumf %parallel_loop3A_278, %parallel_loop3A_280 : vector<16xf32>
        %parallel_loop3A_282 = arith.constant 4.000000e+00 : f32
        %parallel_loop3A_283 = vector.broadcast %parallel_loop3A_282 : f32 to vector<16xf32>
        %parallel_loop3A_284 = arith.addf %parallel_loop3A_281, %parallel_loop3A_283 : vector<16xf32>
        %parallel_loop3A_285 = arith.constant 1.000000e+01 : f32
        %parallel_loop3A_286 = vector.broadcast %parallel_loop3A_285 : f32 to vector<16xf32>
        %parallel_loop3A_287 = arith.mulf %parallel_loop3A_284, %parallel_loop3A_286 : vector<16xf32>
        %parallel_loop3A_288 = arith.constant 5.000000e-01 : f32
        %parallel_loop3A_289 = vector.broadcast %parallel_loop3A_288 : f32 to vector<16xf32>
        %parallel_loop3A_290 = arith.addf %parallel_loop3A_287, %parallel_loop3A_289 : vector<16xf32>
        %parallel_loop3A_291 = arith.fptosi %parallel_loop3A_290 : vector<16xf32> to vector<16xi32>
        %parallel_loop3A_292 = arith.sitofp %parallel_loop3A_291 : vector<16xi32> to vector<16xf32>
        %parallel_loop3A_293 = arith.subf %parallel_loop3A_292, %parallel_loop3A_287 : vector<16xf32>
        %parallel_loop3A_294 = arith.constant 5.000000e-01 : f32
        %parallel_loop3A_295 = vector.broadcast %parallel_loop3A_294 : f32 to vector<16xf32>
        %parallel_loop3A_296 = arith.cmpf oeq, %parallel_loop3A_293, %parallel_loop3A_295 : vector<16xf32>
        %parallel_loop3A_297 = arith.constant 1 : i32
        %parallel_loop3A_298 = vector.broadcast %parallel_loop3A_297 : i32 to vector<16xi32>
        %parallel_loop3A_299 = arith.andi %parallel_loop3A_291, %parallel_loop3A_298 : vector<16xi32>
        %parallel_loop3A_300 = arith.constant 1 : i32
        %parallel_loop3A_301 = vector.broadcast %parallel_loop3A_300 : i32 to vector<16xi32>
        %parallel_loop3A_302 = arith.cmpi eq, %parallel_loop3A_299, %parallel_loop3A_301 : vector<16xi32>
        %parallel_loop3A_303 = arith.andi %parallel_loop3A_296, %parallel_loop3A_302 : vector<16xi1>
        %parallel_loop3A_304 = arith.constant 1 : i32
        %parallel_loop3A_305 = vector.broadcast %parallel_loop3A_304 : i32 to vector<16xi32>
        %parallel_loop3A_306 = arith.subi %parallel_loop3A_291, %parallel_loop3A_305 : vector<16xi32>
        %parallel_loop3A_307 = arith.select %parallel_loop3A_303, %parallel_loop3A_306, %parallel_loop3A_291 : vector<16xi1>, vector<16xi32>
        %parallel_loop3A_308 = arith.constant 16 : i32
        %parallel_loop3A_309 = vector.broadcast %parallel_loop3A_308 : i32 to vector<16xi32>
        %parallel_loop3A_310 = arith.muli %parallel_loop3A_307, %parallel_loop3A_309 : vector<16xi32>
        %parallel_loop3A_311 = arith.constant 768 : i32
        %parallel_loop3A_312 = arith.muli %parallel_loop3A_265, %parallel_loop3A_311 : i32
        %parallel_loop3A_313 = arith.constant 0 : i32
        %parallel_loop3A_314 = arith.addi %parallel_loop3A_312, %parallel_loop3A_313 : i32
        %parallel_loop3A_315 = vector.broadcast %parallel_loop3A_314 : i32 to vector<16xi32>
        %parallel_loop3A_316 = arith.addi %mul3A_35, %parallel_loop3A_315 : vector<16xi32>
        %parallel_loop3A_317 = arith.addi %parallel_loop3A_310, %and3A_41 : vector<16xi32>
        %parallel_loop3A_318 = tpu.vector_load_idx %arg6[%parallel_loop3A_317] : memref<1360xf32, #tpu.memory_space<vmem>>[vector<16xi32>], vector<16xf32>,
        %parallel_loop3A_319 = arith.addi %parallel_loop3A_316, %and3A_41 : vector<16xi32>
        tpu.vector_store_idx %arg9[%parallel_loop3A_319], %parallel_loop3A_318 : memref<24576xf32, #tpu.memory_space<vmem>>[vector<16xi32>], vector<16xf32>,
        %parallel_loop3A_320 = arith.addi %parallel_loop3A_310, %and3A_47 : vector<16xi32>
        %parallel_loop3A_321 = tpu.vector_load_idx %arg6[%parallel_loop3A_320] : memref<1360xf32, #tpu.memory_space<vmem>>[vector<16xi32>], vector<16xf32>,
        %parallel_loop3A_322 = arith.addi %parallel_loop3A_316, %and3A_47 : vector<16xi32>
        tpu.vector_store_idx %arg9[%parallel_loop3A_322], %parallel_loop3A_321 : memref<24576xf32, #tpu.memory_space<vmem>>[vector<16xi32>], vector<16xf32>,
        %parallel_loop3A_323 = arith.addi %parallel_loop3A_310, %and3A_53 : vector<16xi32>
        %parallel_loop3A_324 = tpu.vector_load_idx %arg6[%parallel_loop3A_323] : memref<1360xf32, #tpu.memory_space<vmem>>[vector<16xi32>], vector<16xf32>,
        %parallel_loop3A_325 = arith.addi %parallel_loop3A_316, %and3A_53 : vector<16xi32>
        tpu.vector_store_idx %arg9[%parallel_loop3A_325], %parallel_loop3A_324 : memref<24576xf32, #tpu.memory_space<vmem>>[vector<16xi32>], vector<16xf32>,
        %parallel_loop3A_326 = arith.addi %parallel_loop3A_310, %and3A_59 : vector<16xi32>
        %parallel_loop3A_327 = tpu.vector_load_idx %arg6[%parallel_loop3A_326] : memref<1360xf32, #tpu.memory_space<vmem>>[vector<16xi32>], vector<16xf32>,
        %parallel_loop3A_328 = arith.addi %parallel_loop3A_316, %and3A_59 : vector<16xi32>
        tpu.vector_store_idx %arg9[%parallel_loop3A_328], %parallel_loop3A_327 : memref<24576xf32, #tpu.memory_space<vmem>>[vector<16xi32>], vector<16xf32>,
        %parallel_loop3A_329 = arith.addi %parallel_loop3A_310, %and3A_65 : vector<16xi32>
        %parallel_loop3A_330 = tpu.vector_load_idx %arg6[%parallel_loop3A_329] : memref<1360xf32, #tpu.memory_space<vmem>>[vector<16xi32>], vector<16xf32>,
        %parallel_loop3A_331 = arith.addi %parallel_loop3A_316, %and3A_65 : vector<16xi32>
        tpu.vector_store_idx %arg9[%parallel_loop3A_331], %parallel_loop3A_330 : memref<24576xf32, #tpu.memory_space<vmem>>[vector<16xi32>], vector<16xf32>,
        %parallel_loop3A_332 = arith.addi %parallel_loop3A_310, %and3A_71 : vector<16xi32>
        %parallel_loop3A_333 = tpu.vector_load_idx %arg6[%parallel_loop3A_332] : memref<1360xf32, #tpu.memory_space<vmem>>[vector<16xi32>], vector<16xf32>,
        %parallel_loop3A_334 = arith.addi %parallel_loop3A_316, %and3A_71 : vector<16xi32>
        tpu.vector_store_idx %arg9[%parallel_loop3A_334], %parallel_loop3A_333 : memref<24576xf32, #tpu.memory_space<vmem>>[vector<16xi32>], vector<16xf32>,
        %parallel_loop3A_335 = arith.addi %parallel_loop3A_310, %and3A_77 : vector<16xi32>
        %parallel_loop3A_336 = tpu.vector_load_idx %arg6[%parallel_loop3A_335] : memref<1360xf32, #tpu.memory_space<vmem>>[vector<16xi32>], vector<16xf32>,
        %parallel_loop3A_337 = arith.addi %parallel_loop3A_316, %and3A_77 : vector<16xi32>
        tpu.vector_store_idx %arg9[%parallel_loop3A_337], %parallel_loop3A_336 : memref<24576xf32, #tpu.memory_space<vmem>>[vector<16xi32>], vector<16xf32>,
        %parallel_loop3A_338 = arith.addi %parallel_loop3A_310, %and3A_83 : vector<16xi32>
        %parallel_loop3A_339 = tpu.vector_load_idx %arg6[%parallel_loop3A_338] : memref<1360xf32, #tpu.memory_space<vmem>>[vector<16xi32>], vector<16xf32>,
        %parallel_loop3A_340 = arith.addi %parallel_loop3A_316, %and3A_83 : vector<16xi32>
        tpu.vector_store_idx %arg9[%parallel_loop3A_340], %parallel_loop3A_339 : memref<24576xf32, #tpu.memory_space<vmem>>[vector<16xi32>], vector<16xf32>,
        %parallel_loop3A_341 = arith.addi %parallel_loop3A_310, %and3A_89 : vector<16xi32>
        %parallel_loop3A_342 = tpu.vector_load_idx %arg6[%parallel_loop3A_341] : memref<1360xf32, #tpu.memory_space<vmem>>[vector<16xi32>], vector<16xf32>,
        %parallel_loop3A_343 = arith.addi %parallel_loop3A_316, %and3A_89 : vector<16xi32>
        tpu.vector_store_idx %arg9[%parallel_loop3A_343], %parallel_loop3A_342 : memref<24576xf32, #tpu.memory_space<vmem>>[vector<16xi32>], vector<16xf32>,
        %parallel_loop3A_344 = arith.addi %parallel_loop3A_310, %and3A_95 : vector<16xi32>
        %parallel_loop3A_345 = tpu.vector_load_idx %arg6[%parallel_loop3A_344] : memref<1360xf32, #tpu.memory_space<vmem>>[vector<16xi32>], vector<16xf32>,
        %parallel_loop3A_346 = arith.addi %parallel_loop3A_316, %and3A_95 : vector<16xi32>
        tpu.vector_store_idx %arg9[%parallel_loop3A_346], %parallel_loop3A_345 : memref<24576xf32, #tpu.memory_space<vmem>>[vector<16xi32>], vector<16xf32>,
        %parallel_loop3A_347 = arith.addi %parallel_loop3A_310, %and3A_101 : vector<16xi32>
        %parallel_loop3A_348 = tpu.vector_load_idx %arg6[%parallel_loop3A_347] : memref<1360xf32, #tpu.memory_space<vmem>>[vector<16xi32>], vector<16xf32>,
        %parallel_loop3A_349 = arith.addi %parallel_loop3A_316, %and3A_101 : vector<16xi32>
        tpu.vector_store_idx %arg9[%parallel_loop3A_349], %parallel_loop3A_348 : memref<24576xf32, #tpu.memory_space<vmem>>[vector<16xi32>], vector<16xf32>,
        %parallel_loop3A_350 = arith.addi %parallel_loop3A_310, %and3A_107 : vector<16xi32>
        %parallel_loop3A_351 = tpu.vector_load_idx %arg6[%parallel_loop3A_350] : memref<1360xf32, #tpu.memory_space<vmem>>[vector<16xi32>], vector<16xf32>,
        %parallel_loop3A_352 = arith.addi %parallel_loop3A_316, %and3A_107 : vector<16xi32>
        tpu.vector_store_idx %arg9[%parallel_loop3A_352], %parallel_loop3A_351 : memref<24576xf32, #tpu.memory_space<vmem>>[vector<16xi32>], vector<16xf32>,
        %parallel_loop3A_353 = arith.addi %parallel_loop3A_310, %and3A_113 : vector<16xi32>
        %parallel_loop3A_354 = tpu.vector_load_idx %arg6[%parallel_loop3A_353] : memref<1360xf32, #tpu.memory_space<vmem>>[vector<16xi32>], vector<16xf32>,
        %parallel_loop3A_355 = arith.addi %parallel_loop3A_316, %and3A_113 : vector<16xi32>
        tpu.vector_store_idx %arg9[%parallel_loop3A_355], %parallel_loop3A_354 : memref<24576xf32, #tpu.memory_space<vmem>>[vector<16xi32>], vector<16xf32>,
        %parallel_loop3A_356 = arith.addi %parallel_loop3A_310, %and3A_119 : vector<16xi32>
        %parallel_loop3A_357 = tpu.vector_load_idx %arg6[%parallel_loop3A_356] : memref<1360xf32, #tpu.memory_space<vmem>>[vector<16xi32>], vector<16xf32>,
        %parallel_loop3A_358 = arith.addi %parallel_loop3A_316, %and3A_119 : vector<16xi32>
        tpu.vector_store_idx %arg9[%parallel_loop3A_358], %parallel_loop3A_357 : memref<24576xf32, #tpu.memory_space<vmem>>[vector<16xi32>], vector<16xf32>,
        %parallel_loop3A_359 = arith.addi %parallel_loop3A_310, %and3A_125 : vector<16xi32>
        %parallel_loop3A_360 = tpu.vector_load_idx %arg6[%parallel_loop3A_359] : memref<1360xf32, #tpu.memory_space<vmem>>[vector<16xi32>], vector<16xf32>,
        %parallel_loop3A_361 = arith.addi %parallel_loop3A_316, %and3A_125 : vector<16xi32>
        tpu.vector_store_idx %arg9[%parallel_loop3A_361], %parallel_loop3A_360 : memref<24576xf32, #tpu.memory_space<vmem>>[vector<16xi32>], vector<16xf32>,
        %parallel_loop3A_362 = arith.addi %parallel_loop3A_310, %and3A_131 : vector<16xi32>
        %parallel_loop3A_363 = tpu.vector_load_idx %arg6[%parallel_loop3A_362] : memref<1360xf32, #tpu.memory_space<vmem>>[vector<16xi32>], vector<16xf32>,
        %parallel_loop3A_364 = arith.addi %parallel_loop3A_316, %and3A_131 : vector<16xi32>
        tpu.vector_store_idx %arg9[%parallel_loop3A_364], %parallel_loop3A_363 : memref<24576xf32, #tpu.memory_space<vmem>>[vector<16xi32>], vector<16xf32>,
      } {sc.loop_unroll_factor = 4 : i64, sc.parallel_access}
      %get3A_191 = arith.constant 1 : i32
      %get3A_192 = arith.index_cast %get3A_191 : i32 to index
      %get3A_193 = arith.index_cast %add3A_184 : i32 to index
      %get3A_194 = arith.constant 0 : index
      %get3A_195 = tpu.vector_load %arg7[%get3A_192, %get3A_193, %get3A_194] {strides = array<i32>} : memref<3x64x16xf32, #tpu.memory_space<vmem>>, vector<16xf32>,
      %parallel_loop3A_196 = arith.constant 0 : i32
      %parallel_loop3A_197 = arith.constant 32 : i32
      %parallel_loop3A_198 = arith.constant 1 : i32
      scf.for %parallel_loop3A_265 = %parallel_loop3A_196 to %parallel_loop3A_197 step %parallel_loop3A_198  : i32 {
        %parallel_loop3A_266 = arith.constant 3 : i32
        %parallel_loop3A_267 = arith.muli %select_n3A, %parallel_loop3A_266 : i32
        %parallel_loop3A_268 = arith.constant 1 : i32
        %parallel_loop3A_269 = arith.addi %parallel_loop3A_267, %parallel_loop3A_268 : i32
        %parallel_loop3A_270 = arith.constant 16 : i32
        %parallel_loop3A_271 = arith.muli %parallel_loop3A_265, %parallel_loop3A_270 : i32
        %parallel_loop3A_272 = arith.index_cast %parallel_loop3A_269 : i32 to index
        %parallel_loop3A_273 = arith.index_cast %parallel_loop3A_271 : i32 to index
        %parallel_loop3A_274 = tpu.vector_load %arg8[%parallel_loop3A_272, %parallel_loop3A_273] {strides = array<i32>} : memref<12x512xf32, #tpu.memory_space<vmem>>, vector<16xf32>,
        %parallel_loop3A_275 = arith.subf %get3A_195, %parallel_loop3A_274 : vector<16xf32>
        %parallel_loop3A_276 = arith.constant -4.000000e+00 : f32
        %parallel_loop3A_277 = vector.broadcast %parallel_loop3A_276 : f32 to vector<16xf32>
        %parallel_loop3A_278 = arith.maximumf %parallel_loop3A_275, %parallel_loop3A_277 : vector<16xf32>
        %parallel_loop3A_279 = arith.constant 4.000000e+00 : f32
        %parallel_loop3A_280 = vector.broadcast %parallel_loop3A_279 : f32 to vector<16xf32>
        %parallel_loop3A_281 = arith.minimumf %parallel_loop3A_278, %parallel_loop3A_280 : vector<16xf32>
        %parallel_loop3A_282 = arith.constant 4.000000e+00 : f32
        %parallel_loop3A_283 = vector.broadcast %parallel_loop3A_282 : f32 to vector<16xf32>
        %parallel_loop3A_284 = arith.addf %parallel_loop3A_281, %parallel_loop3A_283 : vector<16xf32>
        %parallel_loop3A_285 = arith.constant 1.000000e+01 : f32
        %parallel_loop3A_286 = vector.broadcast %parallel_loop3A_285 : f32 to vector<16xf32>
        %parallel_loop3A_287 = arith.mulf %parallel_loop3A_284, %parallel_loop3A_286 : vector<16xf32>
        %parallel_loop3A_288 = arith.constant 5.000000e-01 : f32
        %parallel_loop3A_289 = vector.broadcast %parallel_loop3A_288 : f32 to vector<16xf32>
        %parallel_loop3A_290 = arith.addf %parallel_loop3A_287, %parallel_loop3A_289 : vector<16xf32>
        %parallel_loop3A_291 = arith.fptosi %parallel_loop3A_290 : vector<16xf32> to vector<16xi32>
        %parallel_loop3A_292 = arith.sitofp %parallel_loop3A_291 : vector<16xi32> to vector<16xf32>
        %parallel_loop3A_293 = arith.subf %parallel_loop3A_292, %parallel_loop3A_287 : vector<16xf32>
        %parallel_loop3A_294 = arith.constant 5.000000e-01 : f32
        %parallel_loop3A_295 = vector.broadcast %parallel_loop3A_294 : f32 to vector<16xf32>
        %parallel_loop3A_296 = arith.cmpf oeq, %parallel_loop3A_293, %parallel_loop3A_295 : vector<16xf32>
        %parallel_loop3A_297 = arith.constant 1 : i32
        %parallel_loop3A_298 = vector.broadcast %parallel_loop3A_297 : i32 to vector<16xi32>
        %parallel_loop3A_299 = arith.andi %parallel_loop3A_291, %parallel_loop3A_298 : vector<16xi32>
        %parallel_loop3A_300 = arith.constant 1 : i32
        %parallel_loop3A_301 = vector.broadcast %parallel_loop3A_300 : i32 to vector<16xi32>
        %parallel_loop3A_302 = arith.cmpi eq, %parallel_loop3A_299, %parallel_loop3A_301 : vector<16xi32>
        %parallel_loop3A_303 = arith.andi %parallel_loop3A_296, %parallel_loop3A_302 : vector<16xi1>
        %parallel_loop3A_304 = arith.constant 1 : i32
        %parallel_loop3A_305 = vector.broadcast %parallel_loop3A_304 : i32 to vector<16xi32>
        %parallel_loop3A_306 = arith.subi %parallel_loop3A_291, %parallel_loop3A_305 : vector<16xi32>
        %parallel_loop3A_307 = arith.select %parallel_loop3A_303, %parallel_loop3A_306, %parallel_loop3A_291 : vector<16xi1>, vector<16xi32>
        %parallel_loop3A_308 = arith.constant 16 : i32
        %parallel_loop3A_309 = vector.broadcast %parallel_loop3A_308 : i32 to vector<16xi32>
        %parallel_loop3A_310 = arith.muli %parallel_loop3A_307, %parallel_loop3A_309 : vector<16xi32>
        %parallel_loop3A_311 = arith.constant 768 : i32
        %parallel_loop3A_312 = arith.muli %parallel_loop3A_265, %parallel_loop3A_311 : i32
        %parallel_loop3A_313 = arith.constant 16 : i32
        %parallel_loop3A_314 = arith.addi %parallel_loop3A_312, %parallel_loop3A_313 : i32
        %parallel_loop3A_315 = vector.broadcast %parallel_loop3A_314 : i32 to vector<16xi32>
        %parallel_loop3A_316 = arith.addi %mul3A_35, %parallel_loop3A_315 : vector<16xi32>
        %parallel_loop3A_317 = arith.addi %parallel_loop3A_310, %and3A_41 : vector<16xi32>
        %parallel_loop3A_318 = tpu.vector_load_idx %arg6[%parallel_loop3A_317] : memref<1360xf32, #tpu.memory_space<vmem>>[vector<16xi32>], vector<16xf32>,
        %parallel_loop3A_319 = arith.addi %parallel_loop3A_316, %and3A_41 : vector<16xi32>
        tpu.vector_store_idx %arg9[%parallel_loop3A_319], %parallel_loop3A_318 : memref<24576xf32, #tpu.memory_space<vmem>>[vector<16xi32>], vector<16xf32>,
        %parallel_loop3A_320 = arith.addi %parallel_loop3A_310, %and3A_47 : vector<16xi32>
        %parallel_loop3A_321 = tpu.vector_load_idx %arg6[%parallel_loop3A_320] : memref<1360xf32, #tpu.memory_space<vmem>>[vector<16xi32>], vector<16xf32>,
        %parallel_loop3A_322 = arith.addi %parallel_loop3A_316, %and3A_47 : vector<16xi32>
        tpu.vector_store_idx %arg9[%parallel_loop3A_322], %parallel_loop3A_321 : memref<24576xf32, #tpu.memory_space<vmem>>[vector<16xi32>], vector<16xf32>,
        %parallel_loop3A_323 = arith.addi %parallel_loop3A_310, %and3A_53 : vector<16xi32>
        %parallel_loop3A_324 = tpu.vector_load_idx %arg6[%parallel_loop3A_323] : memref<1360xf32, #tpu.memory_space<vmem>>[vector<16xi32>], vector<16xf32>,
        %parallel_loop3A_325 = arith.addi %parallel_loop3A_316, %and3A_53 : vector<16xi32>
        tpu.vector_store_idx %arg9[%parallel_loop3A_325], %parallel_loop3A_324 : memref<24576xf32, #tpu.memory_space<vmem>>[vector<16xi32>], vector<16xf32>,
        %parallel_loop3A_326 = arith.addi %parallel_loop3A_310, %and3A_59 : vector<16xi32>
        %parallel_loop3A_327 = tpu.vector_load_idx %arg6[%parallel_loop3A_326] : memref<1360xf32, #tpu.memory_space<vmem>>[vector<16xi32>], vector<16xf32>,
        %parallel_loop3A_328 = arith.addi %parallel_loop3A_316, %and3A_59 : vector<16xi32>
        tpu.vector_store_idx %arg9[%parallel_loop3A_328], %parallel_loop3A_327 : memref<24576xf32, #tpu.memory_space<vmem>>[vector<16xi32>], vector<16xf32>,
        %parallel_loop3A_329 = arith.addi %parallel_loop3A_310, %and3A_65 : vector<16xi32>
        %parallel_loop3A_330 = tpu.vector_load_idx %arg6[%parallel_loop3A_329] : memref<1360xf32, #tpu.memory_space<vmem>>[vector<16xi32>], vector<16xf32>,
        %parallel_loop3A_331 = arith.addi %parallel_loop3A_316, %and3A_65 : vector<16xi32>
        tpu.vector_store_idx %arg9[%parallel_loop3A_331], %parallel_loop3A_330 : memref<24576xf32, #tpu.memory_space<vmem>>[vector<16xi32>], vector<16xf32>,
        %parallel_loop3A_332 = arith.addi %parallel_loop3A_310, %and3A_71 : vector<16xi32>
        %parallel_loop3A_333 = tpu.vector_load_idx %arg6[%parallel_loop3A_332] : memref<1360xf32, #tpu.memory_space<vmem>>[vector<16xi32>], vector<16xf32>,
        %parallel_loop3A_334 = arith.addi %parallel_loop3A_316, %and3A_71 : vector<16xi32>
        tpu.vector_store_idx %arg9[%parallel_loop3A_334], %parallel_loop3A_333 : memref<24576xf32, #tpu.memory_space<vmem>>[vector<16xi32>], vector<16xf32>,
        %parallel_loop3A_335 = arith.addi %parallel_loop3A_310, %and3A_77 : vector<16xi32>
        %parallel_loop3A_336 = tpu.vector_load_idx %arg6[%parallel_loop3A_335] : memref<1360xf32, #tpu.memory_space<vmem>>[vector<16xi32>], vector<16xf32>,
        %parallel_loop3A_337 = arith.addi %parallel_loop3A_316, %and3A_77 : vector<16xi32>
        tpu.vector_store_idx %arg9[%parallel_loop3A_337], %parallel_loop3A_336 : memref<24576xf32, #tpu.memory_space<vmem>>[vector<16xi32>], vector<16xf32>,
        %parallel_loop3A_338 = arith.addi %parallel_loop3A_310, %and3A_83 : vector<16xi32>
        %parallel_loop3A_339 = tpu.vector_load_idx %arg6[%parallel_loop3A_338] : memref<1360xf32, #tpu.memory_space<vmem>>[vector<16xi32>], vector<16xf32>,
        %parallel_loop3A_340 = arith.addi %parallel_loop3A_316, %and3A_83 : vector<16xi32>
        tpu.vector_store_idx %arg9[%parallel_loop3A_340], %parallel_loop3A_339 : memref<24576xf32, #tpu.memory_space<vmem>>[vector<16xi32>], vector<16xf32>,
        %parallel_loop3A_341 = arith.addi %parallel_loop3A_310, %and3A_89 : vector<16xi32>
        %parallel_loop3A_342 = tpu.vector_load_idx %arg6[%parallel_loop3A_341] : memref<1360xf32, #tpu.memory_space<vmem>>[vector<16xi32>], vector<16xf32>,
        %parallel_loop3A_343 = arith.addi %parallel_loop3A_316, %and3A_89 : vector<16xi32>
        tpu.vector_store_idx %arg9[%parallel_loop3A_343], %parallel_loop3A_342 : memref<24576xf32, #tpu.memory_space<vmem>>[vector<16xi32>], vector<16xf32>,
        %parallel_loop3A_344 = arith.addi %parallel_loop3A_310, %and3A_95 : vector<16xi32>
        %parallel_loop3A_345 = tpu.vector_load_idx %arg6[%parallel_loop3A_344] : memref<1360xf32, #tpu.memory_space<vmem>>[vector<16xi32>], vector<16xf32>,
        %parallel_loop3A_346 = arith.addi %parallel_loop3A_316, %and3A_95 : vector<16xi32>
        tpu.vector_store_idx %arg9[%parallel_loop3A_346], %parallel_loop3A_345 : memref<24576xf32, #tpu.memory_space<vmem>>[vector<16xi32>], vector<16xf32>,
        %parallel_loop3A_347 = arith.addi %parallel_loop3A_310, %and3A_101 : vector<16xi32>
        %parallel_loop3A_348 = tpu.vector_load_idx %arg6[%parallel_loop3A_347] : memref<1360xf32, #tpu.memory_space<vmem>>[vector<16xi32>], vector<16xf32>,
        %parallel_loop3A_349 = arith.addi %parallel_loop3A_316, %and3A_101 : vector<16xi32>
        tpu.vector_store_idx %arg9[%parallel_loop3A_349], %parallel_loop3A_348 : memref<24576xf32, #tpu.memory_space<vmem>>[vector<16xi32>], vector<16xf32>,
        %parallel_loop3A_350 = arith.addi %parallel_loop3A_310, %and3A_107 : vector<16xi32>
        %parallel_loop3A_351 = tpu.vector_load_idx %arg6[%parallel_loop3A_350] : memref<1360xf32, #tpu.memory_space<vmem>>[vector<16xi32>], vector<16xf32>,
        %parallel_loop3A_352 = arith.addi %parallel_loop3A_316, %and3A_107 : vector<16xi32>
        tpu.vector_store_idx %arg9[%parallel_loop3A_352], %parallel_loop3A_351 : memref<24576xf32, #tpu.memory_space<vmem>>[vector<16xi32>], vector<16xf32>,
        %parallel_loop3A_353 = arith.addi %parallel_loop3A_310, %and3A_113 : vector<16xi32>
        %parallel_loop3A_354 = tpu.vector_load_idx %arg6[%parallel_loop3A_353] : memref<1360xf32, #tpu.memory_space<vmem>>[vector<16xi32>], vector<16xf32>,
        %parallel_loop3A_355 = arith.addi %parallel_loop3A_316, %and3A_113 : vector<16xi32>
        tpu.vector_store_idx %arg9[%parallel_loop3A_355], %parallel_loop3A_354 : memref<24576xf32, #tpu.memory_space<vmem>>[vector<16xi32>], vector<16xf32>,
        %parallel_loop3A_356 = arith.addi %parallel_loop3A_310, %and3A_119 : vector<16xi32>
        %parallel_loop3A_357 = tpu.vector_load_idx %arg6[%parallel_loop3A_356] : memref<1360xf32, #tpu.memory_space<vmem>>[vector<16xi32>], vector<16xf32>,
        %parallel_loop3A_358 = arith.addi %parallel_loop3A_316, %and3A_119 : vector<16xi32>
        tpu.vector_store_idx %arg9[%parallel_loop3A_358], %parallel_loop3A_357 : memref<24576xf32, #tpu.memory_space<vmem>>[vector<16xi32>], vector<16xf32>,
        %parallel_loop3A_359 = arith.addi %parallel_loop3A_310, %and3A_125 : vector<16xi32>
        %parallel_loop3A_360 = tpu.vector_load_idx %arg6[%parallel_loop3A_359] : memref<1360xf32, #tpu.memory_space<vmem>>[vector<16xi32>], vector<16xf32>,
        %parallel_loop3A_361 = arith.addi %parallel_loop3A_316, %and3A_125 : vector<16xi32>
        tpu.vector_store_idx %arg9[%parallel_loop3A_361], %parallel_loop3A_360 : memref<24576xf32, #tpu.memory_space<vmem>>[vector<16xi32>], vector<16xf32>,
        %parallel_loop3A_362 = arith.addi %parallel_loop3A_310, %and3A_131 : vector<16xi32>
        %parallel_loop3A_363 = tpu.vector_load_idx %arg6[%parallel_loop3A_362] : memref<1360xf32, #tpu.memory_space<vmem>>[vector<16xi32>], vector<16xf32>,
        %parallel_loop3A_364 = arith.addi %parallel_loop3A_316, %and3A_131 : vector<16xi32>
        tpu.vector_store_idx %arg9[%parallel_loop3A_364], %parallel_loop3A_363 : memref<24576xf32, #tpu.memory_space<vmem>>[vector<16xi32>], vector<16xf32>,
      } {sc.loop_unroll_factor = 4 : i64, sc.parallel_access}
      %get3A_199 = arith.constant 2 : i32
      %get3A_200 = arith.index_cast %get3A_199 : i32 to index
      %get3A_201 = arith.index_cast %add3A_184 : i32 to index
      %get3A_202 = arith.constant 0 : index
      %get3A_203 = tpu.vector_load %arg7[%get3A_200, %get3A_201, %get3A_202] {strides = array<i32>} : memref<3x64x16xf32, #tpu.memory_space<vmem>>, vector<16xf32>,
      %parallel_loop3A_204 = arith.constant 0 : i32
      %parallel_loop3A_205 = arith.constant 32 : i32
      %parallel_loop3A_206 = arith.constant 1 : i32
      scf.for %parallel_loop3A_265 = %parallel_loop3A_204 to %parallel_loop3A_205 step %parallel_loop3A_206  : i32 {
        %parallel_loop3A_266 = arith.constant 3 : i32
        %parallel_loop3A_267 = arith.muli %select_n3A, %parallel_loop3A_266 : i32
        %parallel_loop3A_268 = arith.constant 2 : i32
        %parallel_loop3A_269 = arith.addi %parallel_loop3A_267, %parallel_loop3A_268 : i32
        %parallel_loop3A_270 = arith.constant 16 : i32
        %parallel_loop3A_271 = arith.muli %parallel_loop3A_265, %parallel_loop3A_270 : i32
        %parallel_loop3A_272 = arith.index_cast %parallel_loop3A_269 : i32 to index
        %parallel_loop3A_273 = arith.index_cast %parallel_loop3A_271 : i32 to index
        %parallel_loop3A_274 = tpu.vector_load %arg8[%parallel_loop3A_272, %parallel_loop3A_273] {strides = array<i32>} : memref<12x512xf32, #tpu.memory_space<vmem>>, vector<16xf32>,
        %parallel_loop3A_275 = arith.subf %get3A_203, %parallel_loop3A_274 : vector<16xf32>
        %parallel_loop3A_276 = arith.constant -4.000000e+00 : f32
        %parallel_loop3A_277 = vector.broadcast %parallel_loop3A_276 : f32 to vector<16xf32>
        %parallel_loop3A_278 = arith.maximumf %parallel_loop3A_275, %parallel_loop3A_277 : vector<16xf32>
        %parallel_loop3A_279 = arith.constant 4.000000e+00 : f32
        %parallel_loop3A_280 = vector.broadcast %parallel_loop3A_279 : f32 to vector<16xf32>
        %parallel_loop3A_281 = arith.minimumf %parallel_loop3A_278, %parallel_loop3A_280 : vector<16xf32>
        %parallel_loop3A_282 = arith.constant 4.000000e+00 : f32
        %parallel_loop3A_283 = vector.broadcast %parallel_loop3A_282 : f32 to vector<16xf32>
        %parallel_loop3A_284 = arith.addf %parallel_loop3A_281, %parallel_loop3A_283 : vector<16xf32>
        %parallel_loop3A_285 = arith.constant 1.000000e+01 : f32
        %parallel_loop3A_286 = vector.broadcast %parallel_loop3A_285 : f32 to vector<16xf32>
        %parallel_loop3A_287 = arith.mulf %parallel_loop3A_284, %parallel_loop3A_286 : vector<16xf32>
        %parallel_loop3A_288 = arith.constant 5.000000e-01 : f32
        %parallel_loop3A_289 = vector.broadcast %parallel_loop3A_288 : f32 to vector<16xf32>
        %parallel_loop3A_290 = arith.addf %parallel_loop3A_287, %parallel_loop3A_289 : vector<16xf32>
        %parallel_loop3A_291 = arith.fptosi %parallel_loop3A_290 : vector<16xf32> to vector<16xi32>
        %parallel_loop3A_292 = arith.sitofp %parallel_loop3A_291 : vector<16xi32> to vector<16xf32>
        %parallel_loop3A_293 = arith.subf %parallel_loop3A_292, %parallel_loop3A_287 : vector<16xf32>
        %parallel_loop3A_294 = arith.constant 5.000000e-01 : f32
        %parallel_loop3A_295 = vector.broadcast %parallel_loop3A_294 : f32 to vector<16xf32>
        %parallel_loop3A_296 = arith.cmpf oeq, %parallel_loop3A_293, %parallel_loop3A_295 : vector<16xf32>
        %parallel_loop3A_297 = arith.constant 1 : i32
        %parallel_loop3A_298 = vector.broadcast %parallel_loop3A_297 : i32 to vector<16xi32>
        %parallel_loop3A_299 = arith.andi %parallel_loop3A_291, %parallel_loop3A_298 : vector<16xi32>
        %parallel_loop3A_300 = arith.constant 1 : i32
        %parallel_loop3A_301 = vector.broadcast %parallel_loop3A_300 : i32 to vector<16xi32>
        %parallel_loop3A_302 = arith.cmpi eq, %parallel_loop3A_299, %parallel_loop3A_301 : vector<16xi32>
        %parallel_loop3A_303 = arith.andi %parallel_loop3A_296, %parallel_loop3A_302 : vector<16xi1>
        %parallel_loop3A_304 = arith.constant 1 : i32
        %parallel_loop3A_305 = vector.broadcast %parallel_loop3A_304 : i32 to vector<16xi32>
        %parallel_loop3A_306 = arith.subi %parallel_loop3A_291, %parallel_loop3A_305 : vector<16xi32>
        %parallel_loop3A_307 = arith.select %parallel_loop3A_303, %parallel_loop3A_306, %parallel_loop3A_291 : vector<16xi1>, vector<16xi32>
        %parallel_loop3A_308 = arith.constant 16 : i32
        %parallel_loop3A_309 = vector.broadcast %parallel_loop3A_308 : i32 to vector<16xi32>
        %parallel_loop3A_310 = arith.muli %parallel_loop3A_307, %parallel_loop3A_309 : vector<16xi32>
        %parallel_loop3A_311 = arith.constant 768 : i32
        %parallel_loop3A_312 = arith.muli %parallel_loop3A_265, %parallel_loop3A_311 : i32
        %parallel_loop3A_313 = arith.constant 32 : i32
        %parallel_loop3A_314 = arith.addi %parallel_loop3A_312, %parallel_loop3A_313 : i32
        %parallel_loop3A_315 = vector.broadcast %parallel_loop3A_314 : i32 to vector<16xi32>
        %parallel_loop3A_316 = arith.addi %mul3A_35, %parallel_loop3A_315 : vector<16xi32>
        %parallel_loop3A_317 = arith.addi %parallel_loop3A_310, %and3A_41 : vector<16xi32>
        %parallel_loop3A_318 = tpu.vector_load_idx %arg6[%parallel_loop3A_317] : memref<1360xf32, #tpu.memory_space<vmem>>[vector<16xi32>], vector<16xf32>,
        %parallel_loop3A_319 = arith.addi %parallel_loop3A_316, %and3A_41 : vector<16xi32>
        tpu.vector_store_idx %arg9[%parallel_loop3A_319], %parallel_loop3A_318 : memref<24576xf32, #tpu.memory_space<vmem>>[vector<16xi32>], vector<16xf32>,
        %parallel_loop3A_320 = arith.addi %parallel_loop3A_310, %and3A_47 : vector<16xi32>
        %parallel_loop3A_321 = tpu.vector_load_idx %arg6[%parallel_loop3A_320] : memref<1360xf32, #tpu.memory_space<vmem>>[vector<16xi32>], vector<16xf32>,
        %parallel_loop3A_322 = arith.addi %parallel_loop3A_316, %and3A_47 : vector<16xi32>
        tpu.vector_store_idx %arg9[%parallel_loop3A_322], %parallel_loop3A_321 : memref<24576xf32, #tpu.memory_space<vmem>>[vector<16xi32>], vector<16xf32>,
        %parallel_loop3A_323 = arith.addi %parallel_loop3A_310, %and3A_53 : vector<16xi32>
        %parallel_loop3A_324 = tpu.vector_load_idx %arg6[%parallel_loop3A_323] : memref<1360xf32, #tpu.memory_space<vmem>>[vector<16xi32>], vector<16xf32>,
        %parallel_loop3A_325 = arith.addi %parallel_loop3A_316, %and3A_53 : vector<16xi32>
        tpu.vector_store_idx %arg9[%parallel_loop3A_325], %parallel_loop3A_324 : memref<24576xf32, #tpu.memory_space<vmem>>[vector<16xi32>], vector<16xf32>,
        %parallel_loop3A_326 = arith.addi %parallel_loop3A_310, %and3A_59 : vector<16xi32>
        %parallel_loop3A_327 = tpu.vector_load_idx %arg6[%parallel_loop3A_326] : memref<1360xf32, #tpu.memory_space<vmem>>[vector<16xi32>], vector<16xf32>,
        %parallel_loop3A_328 = arith.addi %parallel_loop3A_316, %and3A_59 : vector<16xi32>
        tpu.vector_store_idx %arg9[%parallel_loop3A_328], %parallel_loop3A_327 : memref<24576xf32, #tpu.memory_space<vmem>>[vector<16xi32>], vector<16xf32>,
        %parallel_loop3A_329 = arith.addi %parallel_loop3A_310, %and3A_65 : vector<16xi32>
        %parallel_loop3A_330 = tpu.vector_load_idx %arg6[%parallel_loop3A_329] : memref<1360xf32, #tpu.memory_space<vmem>>[vector<16xi32>], vector<16xf32>,
        %parallel_loop3A_331 = arith.addi %parallel_loop3A_316, %and3A_65 : vector<16xi32>
        tpu.vector_store_idx %arg9[%parallel_loop3A_331], %parallel_loop3A_330 : memref<24576xf32, #tpu.memory_space<vmem>>[vector<16xi32>], vector<16xf32>,
        %parallel_loop3A_332 = arith.addi %parallel_loop3A_310, %and3A_71 : vector<16xi32>
        %parallel_loop3A_333 = tpu.vector_load_idx %arg6[%parallel_loop3A_332] : memref<1360xf32, #tpu.memory_space<vmem>>[vector<16xi32>], vector<16xf32>,
        %parallel_loop3A_334 = arith.addi %parallel_loop3A_316, %and3A_71 : vector<16xi32>
        tpu.vector_store_idx %arg9[%parallel_loop3A_334], %parallel_loop3A_333 : memref<24576xf32, #tpu.memory_space<vmem>>[vector<16xi32>], vector<16xf32>,
        %parallel_loop3A_335 = arith.addi %parallel_loop3A_310, %and3A_77 : vector<16xi32>
        %parallel_loop3A_336 = tpu.vector_load_idx %arg6[%parallel_loop3A_335] : memref<1360xf32, #tpu.memory_space<vmem>>[vector<16xi32>], vector<16xf32>,
        %parallel_loop3A_337 = arith.addi %parallel_loop3A_316, %and3A_77 : vector<16xi32>
        tpu.vector_store_idx %arg9[%parallel_loop3A_337], %parallel_loop3A_336 : memref<24576xf32, #tpu.memory_space<vmem>>[vector<16xi32>], vector<16xf32>,
        %parallel_loop3A_338 = arith.addi %parallel_loop3A_310, %and3A_83 : vector<16xi32>
        %parallel_loop3A_339 = tpu.vector_load_idx %arg6[%parallel_loop3A_338] : memref<1360xf32, #tpu.memory_space<vmem>>[vector<16xi32>], vector<16xf32>,
        %parallel_loop3A_340 = arith.addi %parallel_loop3A_316, %and3A_83 : vector<16xi32>
        tpu.vector_store_idx %arg9[%parallel_loop3A_340], %parallel_loop3A_339 : memref<24576xf32, #tpu.memory_space<vmem>>[vector<16xi32>], vector<16xf32>,
        %parallel_loop3A_341 = arith.addi %parallel_loop3A_310, %and3A_89 : vector<16xi32>
        %parallel_loop3A_342 = tpu.vector_load_idx %arg6[%parallel_loop3A_341] : memref<1360xf32, #tpu.memory_space<vmem>>[vector<16xi32>], vector<16xf32>,
        %parallel_loop3A_343 = arith.addi %parallel_loop3A_316, %and3A_89 : vector<16xi32>
        tpu.vector_store_idx %arg9[%parallel_loop3A_343], %parallel_loop3A_342 : memref<24576xf32, #tpu.memory_space<vmem>>[vector<16xi32>], vector<16xf32>,
        %parallel_loop3A_344 = arith.addi %parallel_loop3A_310, %and3A_95 : vector<16xi32>
        %parallel_loop3A_345 = tpu.vector_load_idx %arg6[%parallel_loop3A_344] : memref<1360xf32, #tpu.memory_space<vmem>>[vector<16xi32>], vector<16xf32>,
        %parallel_loop3A_346 = arith.addi %parallel_loop3A_316, %and3A_95 : vector<16xi32>
        tpu.vector_store_idx %arg9[%parallel_loop3A_346], %parallel_loop3A_345 : memref<24576xf32, #tpu.memory_space<vmem>>[vector<16xi32>], vector<16xf32>,
        %parallel_loop3A_347 = arith.addi %parallel_loop3A_310, %and3A_101 : vector<16xi32>
        %parallel_loop3A_348 = tpu.vector_load_idx %arg6[%parallel_loop3A_347] : memref<1360xf32, #tpu.memory_space<vmem>>[vector<16xi32>], vector<16xf32>,
        %parallel_loop3A_349 = arith.addi %parallel_loop3A_316, %and3A_101 : vector<16xi32>
        tpu.vector_store_idx %arg9[%parallel_loop3A_349], %parallel_loop3A_348 : memref<24576xf32, #tpu.memory_space<vmem>>[vector<16xi32>], vector<16xf32>,
        %parallel_loop3A_350 = arith.addi %parallel_loop3A_310, %and3A_107 : vector<16xi32>
        %parallel_loop3A_351 = tpu.vector_load_idx %arg6[%parallel_loop3A_350] : memref<1360xf32, #tpu.memory_space<vmem>>[vector<16xi32>], vector<16xf32>,
        %parallel_loop3A_352 = arith.addi %parallel_loop3A_316, %and3A_107 : vector<16xi32>
        tpu.vector_store_idx %arg9[%parallel_loop3A_352], %parallel_loop3A_351 : memref<24576xf32, #tpu.memory_space<vmem>>[vector<16xi32>], vector<16xf32>,
        %parallel_loop3A_353 = arith.addi %parallel_loop3A_310, %and3A_113 : vector<16xi32>
        %parallel_loop3A_354 = tpu.vector_load_idx %arg6[%parallel_loop3A_353] : memref<1360xf32, #tpu.memory_space<vmem>>[vector<16xi32>], vector<16xf32>,
        %parallel_loop3A_355 = arith.addi %parallel_loop3A_316, %and3A_113 : vector<16xi32>
        tpu.vector_store_idx %arg9[%parallel_loop3A_355], %parallel_loop3A_354 : memref<24576xf32, #tpu.memory_space<vmem>>[vector<16xi32>], vector<16xf32>,
        %parallel_loop3A_356 = arith.addi %parallel_loop3A_310, %and3A_119 : vector<16xi32>
        %parallel_loop3A_357 = tpu.vector_load_idx %arg6[%parallel_loop3A_356] : memref<1360xf32, #tpu.memory_space<vmem>>[vector<16xi32>], vector<16xf32>,
        %parallel_loop3A_358 = arith.addi %parallel_loop3A_316, %and3A_119 : vector<16xi32>
        tpu.vector_store_idx %arg9[%parallel_loop3A_358], %parallel_loop3A_357 : memref<24576xf32, #tpu.memory_space<vmem>>[vector<16xi32>], vector<16xf32>,
        %parallel_loop3A_359 = arith.addi %parallel_loop3A_310, %and3A_125 : vector<16xi32>
        %parallel_loop3A_360 = tpu.vector_load_idx %arg6[%parallel_loop3A_359] : memref<1360xf32, #tpu.memory_space<vmem>>[vector<16xi32>], vector<16xf32>,
        %parallel_loop3A_361 = arith.addi %parallel_loop3A_316, %and3A_125 : vector<16xi32>
        tpu.vector_store_idx %arg9[%parallel_loop3A_361], %parallel_loop3A_360 : memref<24576xf32, #tpu.memory_space<vmem>>[vector<16xi32>], vector<16xf32>,
        %parallel_loop3A_362 = arith.addi %parallel_loop3A_310, %and3A_131 : vector<16xi32>
        %parallel_loop3A_363 = tpu.vector_load_idx %arg6[%parallel_loop3A_362] : memref<1360xf32, #tpu.memory_space<vmem>>[vector<16xi32>], vector<16xf32>,
        %parallel_loop3A_364 = arith.addi %parallel_loop3A_316, %and3A_131 : vector<16xi32>
        tpu.vector_store_idx %arg9[%parallel_loop3A_364], %parallel_loop3A_363 : memref<24576xf32, #tpu.memory_space<vmem>>[vector<16xi32>], vector<16xf32>,
      } {sc.loop_unroll_factor = 4 : i64, sc.parallel_access}
      %mul3A_207 = arith.constant 2 : i32
      %mul3A_208 = arith.muli %mul3A_207, %add3A_178 : i32
      %add3A_209 = arith.addi %mul3A_2, %mul3A_208 : i32
      %add3A_210 = arith.constant 0 : i32
      %add3A_211 = arith.addi %add3A_209, %add3A_210 : i32
      %mul3A_212 = arith.constant 24576 : i32
      %mul3A_213 = arith.muli %add3A_211, %mul3A_212 : i32
      %dma_start3A = arith.constant 0 : i32
      %dma_start3A_214 = tpu.memref_slice %arg9[%dma_start3A] : memref<24576xf32, #tpu.memory_space<vmem>> -> memref<12288xf32, #tpu.memory_space<vmem>>
      %dma_start3A_215 = tpu.memref_slice %arg5[%mul3A_213] : memref<50331648xf32, #tpu.memory_space<hbm>> -> memref<12288xf32, #tpu.memory_space<hbm>>
      %dma_start3A_216 = tpu.memref_slice %arg5[%mul3A_213] : memref<50331648xf32, #tpu.memory_space<hbm>> -> memref<12288xf32, #tpu.memory_space<hbm>>
      %dma_start3A_217 = arith.constant 0 : i32
      %dma_start3A_218 = tpu.memref_slice %arg9[%dma_start3A_217] : memref<24576xf32, #tpu.memory_space<vmem>> -> memref<12288xf32, #tpu.memory_space<vmem>>
      tpu.enqueue_dma source(%dma_start3A_218 : memref<12288xf32, #tpu.memory_space<vmem>>) target(%dma_start3A_216 : memref<12288xf32, #tpu.memory_space<hbm>>) target_semaphore(%arg11 : memref<!tpu.dma_semaphore, #tpu.memory_space<semaphore_mem>>)
      %gt3A_219 = arith.constant 0 : i32
      %gt3A_220 = arith.cmpi sgt, %add3A_178, %gt3A_219 : i32
      %convert_element_type3A_221 = arith.extui %gt3A_220 : i1 to i32
      %cond3A_222 = arith.constant 0 : i32
      %cond3A_223 = arith.cmpi ne, %convert_element_type3A_221, %cond3A_222 : i32
      scf.if %cond3A_223 {
        %mul3A_265 = arith.constant 24576 : i32
        %mul3A_266 = arith.muli %mul3A_2, %mul3A_265 : i32
        %dma_wait3A_267 = arith.constant 0 : i32
        %dma_wait3A_268 = tpu.memref_slice %arg10[%dma_wait3A_267] : memref<24576xf32, #tpu.memory_space<vmem>> -> memref<12288xf32, #tpu.memory_space<vmem>>
        %dma_wait3A_269 = tpu.memref_slice %arg5[%mul3A_266] : memref<50331648xf32, #tpu.memory_space<hbm>> -> memref<12288xf32, #tpu.memory_space<hbm>>
        %dma_wait3A_270 = tpu.memref_slice %arg5[%mul3A_266] : memref<50331648xf32, #tpu.memory_space<hbm>> -> memref<12288xf32, #tpu.memory_space<hbm>>
        %dma_wait3A_271 = arith.constant 0 : i32
        %dma_wait3A_272 = tpu.memref_slice %arg10[%dma_wait3A_271] : memref<24576xf32, #tpu.memory_space<vmem>> -> memref<12288xf32, #tpu.memory_space<vmem>>
        tpu.wait_dma2 semaphore(%arg12 : memref<!tpu.dma_semaphore, #tpu.memory_space<semaphore_mem>>) src(%dma_wait3A_272 : memref<12288xf32, #tpu.memory_space<vmem>>) dst(%dma_wait3A_270 : memref<12288xf32, #tpu.memory_space<hbm>>)
      } else {
      }
      %mul3A_224 = arith.constant 2 : i32
      %mul3A_225 = arith.muli %mul3A_224, %add3A_178 : i32
      %add3A_226 = arith.constant 1 : i32
      %add3A_227 = arith.addi %mul3A_225, %add3A_226 : i32
      %get3A_228 = arith.constant 0 : i32
      %get3A_229 = arith.index_cast %get3A_228 : i32 to index
      %get3A_230 = arith.index_cast %add3A_227 : i32 to index
      %get3A_231 = arith.constant 0 : index
      %get3A_232 = tpu.vector_load %arg7[%get3A_229, %get3A_230, %get3A_231] {strides = array<i32>} : memref<3x64x16xf32, #tpu.memory_space<vmem>>, vector<16xf32>,
      %parallel_loop3A_233 = arith.constant 0 : i32
      %parallel_loop3A_234 = arith.constant 32 : i32
      %parallel_loop3A_235 = arith.constant 1 : i32
      scf.for %parallel_loop3A_265 = %parallel_loop3A_233 to %parallel_loop3A_234 step %parallel_loop3A_235  : i32 {
        %parallel_loop3A_266 = arith.constant 3 : i32
        %parallel_loop3A_267 = arith.muli %select_n3A, %parallel_loop3A_266 : i32
        %parallel_loop3A_268 = arith.constant 0 : i32
        %parallel_loop3A_269 = arith.addi %parallel_loop3A_267, %parallel_loop3A_268 : i32
        %parallel_loop3A_270 = arith.constant 16 : i32
        %parallel_loop3A_271 = arith.muli %parallel_loop3A_265, %parallel_loop3A_270 : i32
        %parallel_loop3A_272 = arith.index_cast %parallel_loop3A_269 : i32 to index
        %parallel_loop3A_273 = arith.index_cast %parallel_loop3A_271 : i32 to index
        %parallel_loop3A_274 = tpu.vector_load %arg8[%parallel_loop3A_272, %parallel_loop3A_273] {strides = array<i32>} : memref<12x512xf32, #tpu.memory_space<vmem>>, vector<16xf32>,
        %parallel_loop3A_275 = arith.subf %get3A_232, %parallel_loop3A_274 : vector<16xf32>
        %parallel_loop3A_276 = arith.constant -4.000000e+00 : f32
        %parallel_loop3A_277 = vector.broadcast %parallel_loop3A_276 : f32 to vector<16xf32>
        %parallel_loop3A_278 = arith.maximumf %parallel_loop3A_275, %parallel_loop3A_277 : vector<16xf32>
        %parallel_loop3A_279 = arith.constant 4.000000e+00 : f32
        %parallel_loop3A_280 = vector.broadcast %parallel_loop3A_279 : f32 to vector<16xf32>
        %parallel_loop3A_281 = arith.minimumf %parallel_loop3A_278, %parallel_loop3A_280 : vector<16xf32>
        %parallel_loop3A_282 = arith.constant 4.000000e+00 : f32
        %parallel_loop3A_283 = vector.broadcast %parallel_loop3A_282 : f32 to vector<16xf32>
        %parallel_loop3A_284 = arith.addf %parallel_loop3A_281, %parallel_loop3A_283 : vector<16xf32>
        %parallel_loop3A_285 = arith.constant 1.000000e+01 : f32
        %parallel_loop3A_286 = vector.broadcast %parallel_loop3A_285 : f32 to vector<16xf32>
        %parallel_loop3A_287 = arith.mulf %parallel_loop3A_284, %parallel_loop3A_286 : vector<16xf32>
        %parallel_loop3A_288 = arith.constant 5.000000e-01 : f32
        %parallel_loop3A_289 = vector.broadcast %parallel_loop3A_288 : f32 to vector<16xf32>
        %parallel_loop3A_290 = arith.addf %parallel_loop3A_287, %parallel_loop3A_289 : vector<16xf32>
        %parallel_loop3A_291 = arith.fptosi %parallel_loop3A_290 : vector<16xf32> to vector<16xi32>
        %parallel_loop3A_292 = arith.sitofp %parallel_loop3A_291 : vector<16xi32> to vector<16xf32>
        %parallel_loop3A_293 = arith.subf %parallel_loop3A_292, %parallel_loop3A_287 : vector<16xf32>
        %parallel_loop3A_294 = arith.constant 5.000000e-01 : f32
        %parallel_loop3A_295 = vector.broadcast %parallel_loop3A_294 : f32 to vector<16xf32>
        %parallel_loop3A_296 = arith.cmpf oeq, %parallel_loop3A_293, %parallel_loop3A_295 : vector<16xf32>
        %parallel_loop3A_297 = arith.constant 1 : i32
        %parallel_loop3A_298 = vector.broadcast %parallel_loop3A_297 : i32 to vector<16xi32>
        %parallel_loop3A_299 = arith.andi %parallel_loop3A_291, %parallel_loop3A_298 : vector<16xi32>
        %parallel_loop3A_300 = arith.constant 1 : i32
        %parallel_loop3A_301 = vector.broadcast %parallel_loop3A_300 : i32 to vector<16xi32>
        %parallel_loop3A_302 = arith.cmpi eq, %parallel_loop3A_299, %parallel_loop3A_301 : vector<16xi32>
        %parallel_loop3A_303 = arith.andi %parallel_loop3A_296, %parallel_loop3A_302 : vector<16xi1>
        %parallel_loop3A_304 = arith.constant 1 : i32
        %parallel_loop3A_305 = vector.broadcast %parallel_loop3A_304 : i32 to vector<16xi32>
        %parallel_loop3A_306 = arith.subi %parallel_loop3A_291, %parallel_loop3A_305 : vector<16xi32>
        %parallel_loop3A_307 = arith.select %parallel_loop3A_303, %parallel_loop3A_306, %parallel_loop3A_291 : vector<16xi1>, vector<16xi32>
        %parallel_loop3A_308 = arith.constant 16 : i32
        %parallel_loop3A_309 = vector.broadcast %parallel_loop3A_308 : i32 to vector<16xi32>
        %parallel_loop3A_310 = arith.muli %parallel_loop3A_307, %parallel_loop3A_309 : vector<16xi32>
        %parallel_loop3A_311 = arith.constant 768 : i32
        %parallel_loop3A_312 = arith.muli %parallel_loop3A_265, %parallel_loop3A_311 : i32
        %parallel_loop3A_313 = arith.constant 0 : i32
        %parallel_loop3A_314 = arith.addi %parallel_loop3A_312, %parallel_loop3A_313 : i32
        %parallel_loop3A_315 = vector.broadcast %parallel_loop3A_314 : i32 to vector<16xi32>
        %parallel_loop3A_316 = arith.addi %mul3A_35, %parallel_loop3A_315 : vector<16xi32>
        %parallel_loop3A_317 = arith.addi %parallel_loop3A_310, %and3A_41 : vector<16xi32>
        %parallel_loop3A_318 = tpu.vector_load_idx %arg6[%parallel_loop3A_317] : memref<1360xf32, #tpu.memory_space<vmem>>[vector<16xi32>], vector<16xf32>,
        %parallel_loop3A_319 = arith.addi %parallel_loop3A_316, %and3A_41 : vector<16xi32>
        tpu.vector_store_idx %arg10[%parallel_loop3A_319], %parallel_loop3A_318 : memref<24576xf32, #tpu.memory_space<vmem>>[vector<16xi32>], vector<16xf32>,
        %parallel_loop3A_320 = arith.addi %parallel_loop3A_310, %and3A_47 : vector<16xi32>
        %parallel_loop3A_321 = tpu.vector_load_idx %arg6[%parallel_loop3A_320] : memref<1360xf32, #tpu.memory_space<vmem>>[vector<16xi32>], vector<16xf32>,
        %parallel_loop3A_322 = arith.addi %parallel_loop3A_316, %and3A_47 : vector<16xi32>
        tpu.vector_store_idx %arg10[%parallel_loop3A_322], %parallel_loop3A_321 : memref<24576xf32, #tpu.memory_space<vmem>>[vector<16xi32>], vector<16xf32>,
        %parallel_loop3A_323 = arith.addi %parallel_loop3A_310, %and3A_53 : vector<16xi32>
        %parallel_loop3A_324 = tpu.vector_load_idx %arg6[%parallel_loop3A_323] : memref<1360xf32, #tpu.memory_space<vmem>>[vector<16xi32>], vector<16xf32>,
        %parallel_loop3A_325 = arith.addi %parallel_loop3A_316, %and3A_53 : vector<16xi32>
        tpu.vector_store_idx %arg10[%parallel_loop3A_325], %parallel_loop3A_324 : memref<24576xf32, #tpu.memory_space<vmem>>[vector<16xi32>], vector<16xf32>,
        %parallel_loop3A_326 = arith.addi %parallel_loop3A_310, %and3A_59 : vector<16xi32>
        %parallel_loop3A_327 = tpu.vector_load_idx %arg6[%parallel_loop3A_326] : memref<1360xf32, #tpu.memory_space<vmem>>[vector<16xi32>], vector<16xf32>,
        %parallel_loop3A_328 = arith.addi %parallel_loop3A_316, %and3A_59 : vector<16xi32>
        tpu.vector_store_idx %arg10[%parallel_loop3A_328], %parallel_loop3A_327 : memref<24576xf32, #tpu.memory_space<vmem>>[vector<16xi32>], vector<16xf32>,
        %parallel_loop3A_329 = arith.addi %parallel_loop3A_310, %and3A_65 : vector<16xi32>
        %parallel_loop3A_330 = tpu.vector_load_idx %arg6[%parallel_loop3A_329] : memref<1360xf32, #tpu.memory_space<vmem>>[vector<16xi32>], vector<16xf32>,
        %parallel_loop3A_331 = arith.addi %parallel_loop3A_316, %and3A_65 : vector<16xi32>
        tpu.vector_store_idx %arg10[%parallel_loop3A_331], %parallel_loop3A_330 : memref<24576xf32, #tpu.memory_space<vmem>>[vector<16xi32>], vector<16xf32>,
        %parallel_loop3A_332 = arith.addi %parallel_loop3A_310, %and3A_71 : vector<16xi32>
        %parallel_loop3A_333 = tpu.vector_load_idx %arg6[%parallel_loop3A_332] : memref<1360xf32, #tpu.memory_space<vmem>>[vector<16xi32>], vector<16xf32>,
        %parallel_loop3A_334 = arith.addi %parallel_loop3A_316, %and3A_71 : vector<16xi32>
        tpu.vector_store_idx %arg10[%parallel_loop3A_334], %parallel_loop3A_333 : memref<24576xf32, #tpu.memory_space<vmem>>[vector<16xi32>], vector<16xf32>,
        %parallel_loop3A_335 = arith.addi %parallel_loop3A_310, %and3A_77 : vector<16xi32>
        %parallel_loop3A_336 = tpu.vector_load_idx %arg6[%parallel_loop3A_335] : memref<1360xf32, #tpu.memory_space<vmem>>[vector<16xi32>], vector<16xf32>,
        %parallel_loop3A_337 = arith.addi %parallel_loop3A_316, %and3A_77 : vector<16xi32>
        tpu.vector_store_idx %arg10[%parallel_loop3A_337], %parallel_loop3A_336 : memref<24576xf32, #tpu.memory_space<vmem>>[vector<16xi32>], vector<16xf32>,
        %parallel_loop3A_338 = arith.addi %parallel_loop3A_310, %and3A_83 : vector<16xi32>
        %parallel_loop3A_339 = tpu.vector_load_idx %arg6[%parallel_loop3A_338] : memref<1360xf32, #tpu.memory_space<vmem>>[vector<16xi32>], vector<16xf32>,
        %parallel_loop3A_340 = arith.addi %parallel_loop3A_316, %and3A_83 : vector<16xi32>
        tpu.vector_store_idx %arg10[%parallel_loop3A_340], %parallel_loop3A_339 : memref<24576xf32, #tpu.memory_space<vmem>>[vector<16xi32>], vector<16xf32>,
        %parallel_loop3A_341 = arith.addi %parallel_loop3A_310, %and3A_89 : vector<16xi32>
        %parallel_loop3A_342 = tpu.vector_load_idx %arg6[%parallel_loop3A_341] : memref<1360xf32, #tpu.memory_space<vmem>>[vector<16xi32>], vector<16xf32>,
        %parallel_loop3A_343 = arith.addi %parallel_loop3A_316, %and3A_89 : vector<16xi32>
        tpu.vector_store_idx %arg10[%parallel_loop3A_343], %parallel_loop3A_342 : memref<24576xf32, #tpu.memory_space<vmem>>[vector<16xi32>], vector<16xf32>,
        %parallel_loop3A_344 = arith.addi %parallel_loop3A_310, %and3A_95 : vector<16xi32>
        %parallel_loop3A_345 = tpu.vector_load_idx %arg6[%parallel_loop3A_344] : memref<1360xf32, #tpu.memory_space<vmem>>[vector<16xi32>], vector<16xf32>,
        %parallel_loop3A_346 = arith.addi %parallel_loop3A_316, %and3A_95 : vector<16xi32>
        tpu.vector_store_idx %arg10[%parallel_loop3A_346], %parallel_loop3A_345 : memref<24576xf32, #tpu.memory_space<vmem>>[vector<16xi32>], vector<16xf32>,
        %parallel_loop3A_347 = arith.addi %parallel_loop3A_310, %and3A_101 : vector<16xi32>
        %parallel_loop3A_348 = tpu.vector_load_idx %arg6[%parallel_loop3A_347] : memref<1360xf32, #tpu.memory_space<vmem>>[vector<16xi32>], vector<16xf32>,
        %parallel_loop3A_349 = arith.addi %parallel_loop3A_316, %and3A_101 : vector<16xi32>
        tpu.vector_store_idx %arg10[%parallel_loop3A_349], %parallel_loop3A_348 : memref<24576xf32, #tpu.memory_space<vmem>>[vector<16xi32>], vector<16xf32>,
        %parallel_loop3A_350 = arith.addi %parallel_loop3A_310, %and3A_107 : vector<16xi32>
        %parallel_loop3A_351 = tpu.vector_load_idx %arg6[%parallel_loop3A_350] : memref<1360xf32, #tpu.memory_space<vmem>>[vector<16xi32>], vector<16xf32>,
        %parallel_loop3A_352 = arith.addi %parallel_loop3A_316, %and3A_107 : vector<16xi32>
        tpu.vector_store_idx %arg10[%parallel_loop3A_352], %parallel_loop3A_351 : memref<24576xf32, #tpu.memory_space<vmem>>[vector<16xi32>], vector<16xf32>,
        %parallel_loop3A_353 = arith.addi %parallel_loop3A_310, %and3A_113 : vector<16xi32>
        %parallel_loop3A_354 = tpu.vector_load_idx %arg6[%parallel_loop3A_353] : memref<1360xf32, #tpu.memory_space<vmem>>[vector<16xi32>], vector<16xf32>,
        %parallel_loop3A_355 = arith.addi %parallel_loop3A_316, %and3A_113 : vector<16xi32>
        tpu.vector_store_idx %arg10[%parallel_loop3A_355], %parallel_loop3A_354 : memref<24576xf32, #tpu.memory_space<vmem>>[vector<16xi32>], vector<16xf32>,
        %parallel_loop3A_356 = arith.addi %parallel_loop3A_310, %and3A_119 : vector<16xi32>
        %parallel_loop3A_357 = tpu.vector_load_idx %arg6[%parallel_loop3A_356] : memref<1360xf32, #tpu.memory_space<vmem>>[vector<16xi32>], vector<16xf32>,
        %parallel_loop3A_358 = arith.addi %parallel_loop3A_316, %and3A_119 : vector<16xi32>
        tpu.vector_store_idx %arg10[%parallel_loop3A_358], %parallel_loop3A_357 : memref<24576xf32, #tpu.memory_space<vmem>>[vector<16xi32>], vector<16xf32>,
        %parallel_loop3A_359 = arith.addi %parallel_loop3A_310, %and3A_125 : vector<16xi32>
        %parallel_loop3A_360 = tpu.vector_load_idx %arg6[%parallel_loop3A_359] : memref<1360xf32, #tpu.memory_space<vmem>>[vector<16xi32>], vector<16xf32>,
        %parallel_loop3A_361 = arith.addi %parallel_loop3A_316, %and3A_125 : vector<16xi32>
        tpu.vector_store_idx %arg10[%parallel_loop3A_361], %parallel_loop3A_360 : memref<24576xf32, #tpu.memory_space<vmem>>[vector<16xi32>], vector<16xf32>,
        %parallel_loop3A_362 = arith.addi %parallel_loop3A_310, %and3A_131 : vector<16xi32>
        %parallel_loop3A_363 = tpu.vector_load_idx %arg6[%parallel_loop3A_362] : memref<1360xf32, #tpu.memory_space<vmem>>[vector<16xi32>], vector<16xf32>,
        %parallel_loop3A_364 = arith.addi %parallel_loop3A_316, %and3A_131 : vector<16xi32>
        tpu.vector_store_idx %arg10[%parallel_loop3A_364], %parallel_loop3A_363 : memref<24576xf32, #tpu.memory_space<vmem>>[vector<16xi32>], vector<16xf32>,
      } {sc.loop_unroll_factor = 4 : i64, sc.parallel_access}
      %get3A_236 = arith.constant 1 : i32
      %get3A_237 = arith.index_cast %get3A_236 : i32 to index
      %get3A_238 = arith.index_cast %add3A_227 : i32 to index
      %get3A_239 = arith.constant 0 : index
      %get3A_240 = tpu.vector_load %arg7[%get3A_237, %get3A_238, %get3A_239] {strides = array<i32>} : memref<3x64x16xf32, #tpu.memory_space<vmem>>, vector<16xf32>,
      %parallel_loop3A_241 = arith.constant 0 : i32
      %parallel_loop3A_242 = arith.constant 32 : i32
      %parallel_loop3A_243 = arith.constant 1 : i32
      scf.for %parallel_loop3A_265 = %parallel_loop3A_241 to %parallel_loop3A_242 step %parallel_loop3A_243  : i32 {
        %parallel_loop3A_266 = arith.constant 3 : i32
        %parallel_loop3A_267 = arith.muli %select_n3A, %parallel_loop3A_266 : i32
        %parallel_loop3A_268 = arith.constant 1 : i32
        %parallel_loop3A_269 = arith.addi %parallel_loop3A_267, %parallel_loop3A_268 : i32
        %parallel_loop3A_270 = arith.constant 16 : i32
        %parallel_loop3A_271 = arith.muli %parallel_loop3A_265, %parallel_loop3A_270 : i32
        %parallel_loop3A_272 = arith.index_cast %parallel_loop3A_269 : i32 to index
        %parallel_loop3A_273 = arith.index_cast %parallel_loop3A_271 : i32 to index
        %parallel_loop3A_274 = tpu.vector_load %arg8[%parallel_loop3A_272, %parallel_loop3A_273] {strides = array<i32>} : memref<12x512xf32, #tpu.memory_space<vmem>>, vector<16xf32>,
        %parallel_loop3A_275 = arith.subf %get3A_240, %parallel_loop3A_274 : vector<16xf32>
        %parallel_loop3A_276 = arith.constant -4.000000e+00 : f32
        %parallel_loop3A_277 = vector.broadcast %parallel_loop3A_276 : f32 to vector<16xf32>
        %parallel_loop3A_278 = arith.maximumf %parallel_loop3A_275, %parallel_loop3A_277 : vector<16xf32>
        %parallel_loop3A_279 = arith.constant 4.000000e+00 : f32
        %parallel_loop3A_280 = vector.broadcast %parallel_loop3A_279 : f32 to vector<16xf32>
        %parallel_loop3A_281 = arith.minimumf %parallel_loop3A_278, %parallel_loop3A_280 : vector<16xf32>
        %parallel_loop3A_282 = arith.constant 4.000000e+00 : f32
        %parallel_loop3A_283 = vector.broadcast %parallel_loop3A_282 : f32 to vector<16xf32>
        %parallel_loop3A_284 = arith.addf %parallel_loop3A_281, %parallel_loop3A_283 : vector<16xf32>
        %parallel_loop3A_285 = arith.constant 1.000000e+01 : f32
        %parallel_loop3A_286 = vector.broadcast %parallel_loop3A_285 : f32 to vector<16xf32>
        %parallel_loop3A_287 = arith.mulf %parallel_loop3A_284, %parallel_loop3A_286 : vector<16xf32>
        %parallel_loop3A_288 = arith.constant 5.000000e-01 : f32
        %parallel_loop3A_289 = vector.broadcast %parallel_loop3A_288 : f32 to vector<16xf32>
        %parallel_loop3A_290 = arith.addf %parallel_loop3A_287, %parallel_loop3A_289 : vector<16xf32>
        %parallel_loop3A_291 = arith.fptosi %parallel_loop3A_290 : vector<16xf32> to vector<16xi32>
        %parallel_loop3A_292 = arith.sitofp %parallel_loop3A_291 : vector<16xi32> to vector<16xf32>
        %parallel_loop3A_293 = arith.subf %parallel_loop3A_292, %parallel_loop3A_287 : vector<16xf32>
        %parallel_loop3A_294 = arith.constant 5.000000e-01 : f32
        %parallel_loop3A_295 = vector.broadcast %parallel_loop3A_294 : f32 to vector<16xf32>
        %parallel_loop3A_296 = arith.cmpf oeq, %parallel_loop3A_293, %parallel_loop3A_295 : vector<16xf32>
        %parallel_loop3A_297 = arith.constant 1 : i32
        %parallel_loop3A_298 = vector.broadcast %parallel_loop3A_297 : i32 to vector<16xi32>
        %parallel_loop3A_299 = arith.andi %parallel_loop3A_291, %parallel_loop3A_298 : vector<16xi32>
        %parallel_loop3A_300 = arith.constant 1 : i32
        %parallel_loop3A_301 = vector.broadcast %parallel_loop3A_300 : i32 to vector<16xi32>
        %parallel_loop3A_302 = arith.cmpi eq, %parallel_loop3A_299, %parallel_loop3A_301 : vector<16xi32>
        %parallel_loop3A_303 = arith.andi %parallel_loop3A_296, %parallel_loop3A_302 : vector<16xi1>
        %parallel_loop3A_304 = arith.constant 1 : i32
        %parallel_loop3A_305 = vector.broadcast %parallel_loop3A_304 : i32 to vector<16xi32>
        %parallel_loop3A_306 = arith.subi %parallel_loop3A_291, %parallel_loop3A_305 : vector<16xi32>
        %parallel_loop3A_307 = arith.select %parallel_loop3A_303, %parallel_loop3A_306, %parallel_loop3A_291 : vector<16xi1>, vector<16xi32>
        %parallel_loop3A_308 = arith.constant 16 : i32
        %parallel_loop3A_309 = vector.broadcast %parallel_loop3A_308 : i32 to vector<16xi32>
        %parallel_loop3A_310 = arith.muli %parallel_loop3A_307, %parallel_loop3A_309 : vector<16xi32>
        %parallel_loop3A_311 = arith.constant 768 : i32
        %parallel_loop3A_312 = arith.muli %parallel_loop3A_265, %parallel_loop3A_311 : i32
        %parallel_loop3A_313 = arith.constant 16 : i32
        %parallel_loop3A_314 = arith.addi %parallel_loop3A_312, %parallel_loop3A_313 : i32
        %parallel_loop3A_315 = vector.broadcast %parallel_loop3A_314 : i32 to vector<16xi32>
        %parallel_loop3A_316 = arith.addi %mul3A_35, %parallel_loop3A_315 : vector<16xi32>
        %parallel_loop3A_317 = arith.addi %parallel_loop3A_310, %and3A_41 : vector<16xi32>
        %parallel_loop3A_318 = tpu.vector_load_idx %arg6[%parallel_loop3A_317] : memref<1360xf32, #tpu.memory_space<vmem>>[vector<16xi32>], vector<16xf32>,
        %parallel_loop3A_319 = arith.addi %parallel_loop3A_316, %and3A_41 : vector<16xi32>
        tpu.vector_store_idx %arg10[%parallel_loop3A_319], %parallel_loop3A_318 : memref<24576xf32, #tpu.memory_space<vmem>>[vector<16xi32>], vector<16xf32>,
        %parallel_loop3A_320 = arith.addi %parallel_loop3A_310, %and3A_47 : vector<16xi32>
        %parallel_loop3A_321 = tpu.vector_load_idx %arg6[%parallel_loop3A_320] : memref<1360xf32, #tpu.memory_space<vmem>>[vector<16xi32>], vector<16xf32>,
        %parallel_loop3A_322 = arith.addi %parallel_loop3A_316, %and3A_47 : vector<16xi32>
        tpu.vector_store_idx %arg10[%parallel_loop3A_322], %parallel_loop3A_321 : memref<24576xf32, #tpu.memory_space<vmem>>[vector<16xi32>], vector<16xf32>,
        %parallel_loop3A_323 = arith.addi %parallel_loop3A_310, %and3A_53 : vector<16xi32>
        %parallel_loop3A_324 = tpu.vector_load_idx %arg6[%parallel_loop3A_323] : memref<1360xf32, #tpu.memory_space<vmem>>[vector<16xi32>], vector<16xf32>,
        %parallel_loop3A_325 = arith.addi %parallel_loop3A_316, %and3A_53 : vector<16xi32>
        tpu.vector_store_idx %arg10[%parallel_loop3A_325], %parallel_loop3A_324 : memref<24576xf32, #tpu.memory_space<vmem>>[vector<16xi32>], vector<16xf32>,
        %parallel_loop3A_326 = arith.addi %parallel_loop3A_310, %and3A_59 : vector<16xi32>
        %parallel_loop3A_327 = tpu.vector_load_idx %arg6[%parallel_loop3A_326] : memref<1360xf32, #tpu.memory_space<vmem>>[vector<16xi32>], vector<16xf32>,
        %parallel_loop3A_328 = arith.addi %parallel_loop3A_316, %and3A_59 : vector<16xi32>
        tpu.vector_store_idx %arg10[%parallel_loop3A_328], %parallel_loop3A_327 : memref<24576xf32, #tpu.memory_space<vmem>>[vector<16xi32>], vector<16xf32>,
        %parallel_loop3A_329 = arith.addi %parallel_loop3A_310, %and3A_65 : vector<16xi32>
        %parallel_loop3A_330 = tpu.vector_load_idx %arg6[%parallel_loop3A_329] : memref<1360xf32, #tpu.memory_space<vmem>>[vector<16xi32>], vector<16xf32>,
        %parallel_loop3A_331 = arith.addi %parallel_loop3A_316, %and3A_65 : vector<16xi32>
        tpu.vector_store_idx %arg10[%parallel_loop3A_331], %parallel_loop3A_330 : memref<24576xf32, #tpu.memory_space<vmem>>[vector<16xi32>], vector<16xf32>,
        %parallel_loop3A_332 = arith.addi %parallel_loop3A_310, %and3A_71 : vector<16xi32>
        %parallel_loop3A_333 = tpu.vector_load_idx %arg6[%parallel_loop3A_332] : memref<1360xf32, #tpu.memory_space<vmem>>[vector<16xi32>], vector<16xf32>,
        %parallel_loop3A_334 = arith.addi %parallel_loop3A_316, %and3A_71 : vector<16xi32>
        tpu.vector_store_idx %arg10[%parallel_loop3A_334], %parallel_loop3A_333 : memref<24576xf32, #tpu.memory_space<vmem>>[vector<16xi32>], vector<16xf32>,
        %parallel_loop3A_335 = arith.addi %parallel_loop3A_310, %and3A_77 : vector<16xi32>
        %parallel_loop3A_336 = tpu.vector_load_idx %arg6[%parallel_loop3A_335] : memref<1360xf32, #tpu.memory_space<vmem>>[vector<16xi32>], vector<16xf32>,
        %parallel_loop3A_337 = arith.addi %parallel_loop3A_316, %and3A_77 : vector<16xi32>
        tpu.vector_store_idx %arg10[%parallel_loop3A_337], %parallel_loop3A_336 : memref<24576xf32, #tpu.memory_space<vmem>>[vector<16xi32>], vector<16xf32>,
        %parallel_loop3A_338 = arith.addi %parallel_loop3A_310, %and3A_83 : vector<16xi32>
        %parallel_loop3A_339 = tpu.vector_load_idx %arg6[%parallel_loop3A_338] : memref<1360xf32, #tpu.memory_space<vmem>>[vector<16xi32>], vector<16xf32>,
        %parallel_loop3A_340 = arith.addi %parallel_loop3A_316, %and3A_83 : vector<16xi32>
        tpu.vector_store_idx %arg10[%parallel_loop3A_340], %parallel_loop3A_339 : memref<24576xf32, #tpu.memory_space<vmem>>[vector<16xi32>], vector<16xf32>,
        %parallel_loop3A_341 = arith.addi %parallel_loop3A_310, %and3A_89 : vector<16xi32>
        %parallel_loop3A_342 = tpu.vector_load_idx %arg6[%parallel_loop3A_341] : memref<1360xf32, #tpu.memory_space<vmem>>[vector<16xi32>], vector<16xf32>,
        %parallel_loop3A_343 = arith.addi %parallel_loop3A_316, %and3A_89 : vector<16xi32>
        tpu.vector_store_idx %arg10[%parallel_loop3A_343], %parallel_loop3A_342 : memref<24576xf32, #tpu.memory_space<vmem>>[vector<16xi32>], vector<16xf32>,
        %parallel_loop3A_344 = arith.addi %parallel_loop3A_310, %and3A_95 : vector<16xi32>
        %parallel_loop3A_345 = tpu.vector_load_idx %arg6[%parallel_loop3A_344] : memref<1360xf32, #tpu.memory_space<vmem>>[vector<16xi32>], vector<16xf32>,
        %parallel_loop3A_346 = arith.addi %parallel_loop3A_316, %and3A_95 : vector<16xi32>
        tpu.vector_store_idx %arg10[%parallel_loop3A_346], %parallel_loop3A_345 : memref<24576xf32, #tpu.memory_space<vmem>>[vector<16xi32>], vector<16xf32>,
        %parallel_loop3A_347 = arith.addi %parallel_loop3A_310, %and3A_101 : vector<16xi32>
        %parallel_loop3A_348 = tpu.vector_load_idx %arg6[%parallel_loop3A_347] : memref<1360xf32, #tpu.memory_space<vmem>>[vector<16xi32>], vector<16xf32>,
        %parallel_loop3A_349 = arith.addi %parallel_loop3A_316, %and3A_101 : vector<16xi32>
        tpu.vector_store_idx %arg10[%parallel_loop3A_349], %parallel_loop3A_348 : memref<24576xf32, #tpu.memory_space<vmem>>[vector<16xi32>], vector<16xf32>,
        %parallel_loop3A_350 = arith.addi %parallel_loop3A_310, %and3A_107 : vector<16xi32>
        %parallel_loop3A_351 = tpu.vector_load_idx %arg6[%parallel_loop3A_350] : memref<1360xf32, #tpu.memory_space<vmem>>[vector<16xi32>], vector<16xf32>,
        %parallel_loop3A_352 = arith.addi %parallel_loop3A_316, %and3A_107 : vector<16xi32>
        tpu.vector_store_idx %arg10[%parallel_loop3A_352], %parallel_loop3A_351 : memref<24576xf32, #tpu.memory_space<vmem>>[vector<16xi32>], vector<16xf32>,
        %parallel_loop3A_353 = arith.addi %parallel_loop3A_310, %and3A_113 : vector<16xi32>
        %parallel_loop3A_354 = tpu.vector_load_idx %arg6[%parallel_loop3A_353] : memref<1360xf32, #tpu.memory_space<vmem>>[vector<16xi32>], vector<16xf32>,
        %parallel_loop3A_355 = arith.addi %parallel_loop3A_316, %and3A_113 : vector<16xi32>
        tpu.vector_store_idx %arg10[%parallel_loop3A_355], %parallel_loop3A_354 : memref<24576xf32, #tpu.memory_space<vmem>>[vector<16xi32>], vector<16xf32>,
        %parallel_loop3A_356 = arith.addi %parallel_loop3A_310, %and3A_119 : vector<16xi32>
        %parallel_loop3A_357 = tpu.vector_load_idx %arg6[%parallel_loop3A_356] : memref<1360xf32, #tpu.memory_space<vmem>>[vector<16xi32>], vector<16xf32>,
        %parallel_loop3A_358 = arith.addi %parallel_loop3A_316, %and3A_119 : vector<16xi32>
        tpu.vector_store_idx %arg10[%parallel_loop3A_358], %parallel_loop3A_357 : memref<24576xf32, #tpu.memory_space<vmem>>[vector<16xi32>], vector<16xf32>,
        %parallel_loop3A_359 = arith.addi %parallel_loop3A_310, %and3A_125 : vector<16xi32>
        %parallel_loop3A_360 = tpu.vector_load_idx %arg6[%parallel_loop3A_359] : memref<1360xf32, #tpu.memory_space<vmem>>[vector<16xi32>], vector<16xf32>,
        %parallel_loop3A_361 = arith.addi %parallel_loop3A_316, %and3A_125 : vector<16xi32>
        tpu.vector_store_idx %arg10[%parallel_loop3A_361], %parallel_loop3A_360 : memref<24576xf32, #tpu.memory_space<vmem>>[vector<16xi32>], vector<16xf32>,
        %parallel_loop3A_362 = arith.addi %parallel_loop3A_310, %and3A_131 : vector<16xi32>
        %parallel_loop3A_363 = tpu.vector_load_idx %arg6[%parallel_loop3A_362] : memref<1360xf32, #tpu.memory_space<vmem>>[vector<16xi32>], vector<16xf32>,
        %parallel_loop3A_364 = arith.addi %parallel_loop3A_316, %and3A_131 : vector<16xi32>
        tpu.vector_store_idx %arg10[%parallel_loop3A_364], %parallel_loop3A_363 : memref<24576xf32, #tpu.memory_space<vmem>>[vector<16xi32>], vector<16xf32>,
      } {sc.loop_unroll_factor = 4 : i64, sc.parallel_access}
      %get3A_244 = arith.constant 2 : i32
      %get3A_245 = arith.index_cast %get3A_244 : i32 to index
      %get3A_246 = arith.index_cast %add3A_227 : i32 to index
      %get3A_247 = arith.constant 0 : index
      %get3A_248 = tpu.vector_load %arg7[%get3A_245, %get3A_246, %get3A_247] {strides = array<i32>} : memref<3x64x16xf32, #tpu.memory_space<vmem>>, vector<16xf32>,
      %parallel_loop3A_249 = arith.constant 0 : i32
      %parallel_loop3A_250 = arith.constant 32 : i32
      %parallel_loop3A_251 = arith.constant 1 : i32
      scf.for %parallel_loop3A_265 = %parallel_loop3A_249 to %parallel_loop3A_250 step %parallel_loop3A_251  : i32 {
        %parallel_loop3A_266 = arith.constant 3 : i32
        %parallel_loop3A_267 = arith.muli %select_n3A, %parallel_loop3A_266 : i32
        %parallel_loop3A_268 = arith.constant 2 : i32
        %parallel_loop3A_269 = arith.addi %parallel_loop3A_267, %parallel_loop3A_268 : i32
        %parallel_loop3A_270 = arith.constant 16 : i32
        %parallel_loop3A_271 = arith.muli %parallel_loop3A_265, %parallel_loop3A_270 : i32
        %parallel_loop3A_272 = arith.index_cast %parallel_loop3A_269 : i32 to index
        %parallel_loop3A_273 = arith.index_cast %parallel_loop3A_271 : i32 to index
        %parallel_loop3A_274 = tpu.vector_load %arg8[%parallel_loop3A_272, %parallel_loop3A_273] {strides = array<i32>} : memref<12x512xf32, #tpu.memory_space<vmem>>, vector<16xf32>,
        %parallel_loop3A_275 = arith.subf %get3A_248, %parallel_loop3A_274 : vector<16xf32>
        %parallel_loop3A_276 = arith.constant -4.000000e+00 : f32
        %parallel_loop3A_277 = vector.broadcast %parallel_loop3A_276 : f32 to vector<16xf32>
        %parallel_loop3A_278 = arith.maximumf %parallel_loop3A_275, %parallel_loop3A_277 : vector<16xf32>
        %parallel_loop3A_279 = arith.constant 4.000000e+00 : f32
        %parallel_loop3A_280 = vector.broadcast %parallel_loop3A_279 : f32 to vector<16xf32>
        %parallel_loop3A_281 = arith.minimumf %parallel_loop3A_278, %parallel_loop3A_280 : vector<16xf32>
        %parallel_loop3A_282 = arith.constant 4.000000e+00 : f32
        %parallel_loop3A_283 = vector.broadcast %parallel_loop3A_282 : f32 to vector<16xf32>
        %parallel_loop3A_284 = arith.addf %parallel_loop3A_281, %parallel_loop3A_283 : vector<16xf32>
        %parallel_loop3A_285 = arith.constant 1.000000e+01 : f32
        %parallel_loop3A_286 = vector.broadcast %parallel_loop3A_285 : f32 to vector<16xf32>
        %parallel_loop3A_287 = arith.mulf %parallel_loop3A_284, %parallel_loop3A_286 : vector<16xf32>
        %parallel_loop3A_288 = arith.constant 5.000000e-01 : f32
        %parallel_loop3A_289 = vector.broadcast %parallel_loop3A_288 : f32 to vector<16xf32>
        %parallel_loop3A_290 = arith.addf %parallel_loop3A_287, %parallel_loop3A_289 : vector<16xf32>
        %parallel_loop3A_291 = arith.fptosi %parallel_loop3A_290 : vector<16xf32> to vector<16xi32>
        %parallel_loop3A_292 = arith.sitofp %parallel_loop3A_291 : vector<16xi32> to vector<16xf32>
        %parallel_loop3A_293 = arith.subf %parallel_loop3A_292, %parallel_loop3A_287 : vector<16xf32>
        %parallel_loop3A_294 = arith.constant 5.000000e-01 : f32
        %parallel_loop3A_295 = vector.broadcast %parallel_loop3A_294 : f32 to vector<16xf32>
        %parallel_loop3A_296 = arith.cmpf oeq, %parallel_loop3A_293, %parallel_loop3A_295 : vector<16xf32>
        %parallel_loop3A_297 = arith.constant 1 : i32
        %parallel_loop3A_298 = vector.broadcast %parallel_loop3A_297 : i32 to vector<16xi32>
        %parallel_loop3A_299 = arith.andi %parallel_loop3A_291, %parallel_loop3A_298 : vector<16xi32>
        %parallel_loop3A_300 = arith.constant 1 : i32
        %parallel_loop3A_301 = vector.broadcast %parallel_loop3A_300 : i32 to vector<16xi32>
        %parallel_loop3A_302 = arith.cmpi eq, %parallel_loop3A_299, %parallel_loop3A_301 : vector<16xi32>
        %parallel_loop3A_303 = arith.andi %parallel_loop3A_296, %parallel_loop3A_302 : vector<16xi1>
        %parallel_loop3A_304 = arith.constant 1 : i32
        %parallel_loop3A_305 = vector.broadcast %parallel_loop3A_304 : i32 to vector<16xi32>
        %parallel_loop3A_306 = arith.subi %parallel_loop3A_291, %parallel_loop3A_305 : vector<16xi32>
        %parallel_loop3A_307 = arith.select %parallel_loop3A_303, %parallel_loop3A_306, %parallel_loop3A_291 : vector<16xi1>, vector<16xi32>
        %parallel_loop3A_308 = arith.constant 16 : i32
        %parallel_loop3A_309 = vector.broadcast %parallel_loop3A_308 : i32 to vector<16xi32>
        %parallel_loop3A_310 = arith.muli %parallel_loop3A_307, %parallel_loop3A_309 : vector<16xi32>
        %parallel_loop3A_311 = arith.constant 768 : i32
        %parallel_loop3A_312 = arith.muli %parallel_loop3A_265, %parallel_loop3A_311 : i32
        %parallel_loop3A_313 = arith.constant 32 : i32
        %parallel_loop3A_314 = arith.addi %parallel_loop3A_312, %parallel_loop3A_313 : i32
        %parallel_loop3A_315 = vector.broadcast %parallel_loop3A_314 : i32 to vector<16xi32>
        %parallel_loop3A_316 = arith.addi %mul3A_35, %parallel_loop3A_315 : vector<16xi32>
        %parallel_loop3A_317 = arith.addi %parallel_loop3A_310, %and3A_41 : vector<16xi32>
        %parallel_loop3A_318 = tpu.vector_load_idx %arg6[%parallel_loop3A_317] : memref<1360xf32, #tpu.memory_space<vmem>>[vector<16xi32>], vector<16xf32>,
        %parallel_loop3A_319 = arith.addi %parallel_loop3A_316, %and3A_41 : vector<16xi32>
        tpu.vector_store_idx %arg10[%parallel_loop3A_319], %parallel_loop3A_318 : memref<24576xf32, #tpu.memory_space<vmem>>[vector<16xi32>], vector<16xf32>,
        %parallel_loop3A_320 = arith.addi %parallel_loop3A_310, %and3A_47 : vector<16xi32>
        %parallel_loop3A_321 = tpu.vector_load_idx %arg6[%parallel_loop3A_320] : memref<1360xf32, #tpu.memory_space<vmem>>[vector<16xi32>], vector<16xf32>,
        %parallel_loop3A_322 = arith.addi %parallel_loop3A_316, %and3A_47 : vector<16xi32>
        tpu.vector_store_idx %arg10[%parallel_loop3A_322], %parallel_loop3A_321 : memref<24576xf32, #tpu.memory_space<vmem>>[vector<16xi32>], vector<16xf32>,
        %parallel_loop3A_323 = arith.addi %parallel_loop3A_310, %and3A_53 : vector<16xi32>
        %parallel_loop3A_324 = tpu.vector_load_idx %arg6[%parallel_loop3A_323] : memref<1360xf32, #tpu.memory_space<vmem>>[vector<16xi32>], vector<16xf32>,
        %parallel_loop3A_325 = arith.addi %parallel_loop3A_316, %and3A_53 : vector<16xi32>
        tpu.vector_store_idx %arg10[%parallel_loop3A_325], %parallel_loop3A_324 : memref<24576xf32, #tpu.memory_space<vmem>>[vector<16xi32>], vector<16xf32>,
        %parallel_loop3A_326 = arith.addi %parallel_loop3A_310, %and3A_59 : vector<16xi32>
        %parallel_loop3A_327 = tpu.vector_load_idx %arg6[%parallel_loop3A_326] : memref<1360xf32, #tpu.memory_space<vmem>>[vector<16xi32>], vector<16xf32>,
        %parallel_loop3A_328 = arith.addi %parallel_loop3A_316, %and3A_59 : vector<16xi32>
        tpu.vector_store_idx %arg10[%parallel_loop3A_328], %parallel_loop3A_327 : memref<24576xf32, #tpu.memory_space<vmem>>[vector<16xi32>], vector<16xf32>,
        %parallel_loop3A_329 = arith.addi %parallel_loop3A_310, %and3A_65 : vector<16xi32>
        %parallel_loop3A_330 = tpu.vector_load_idx %arg6[%parallel_loop3A_329] : memref<1360xf32, #tpu.memory_space<vmem>>[vector<16xi32>], vector<16xf32>,
        %parallel_loop3A_331 = arith.addi %parallel_loop3A_316, %and3A_65 : vector<16xi32>
        tpu.vector_store_idx %arg10[%parallel_loop3A_331], %parallel_loop3A_330 : memref<24576xf32, #tpu.memory_space<vmem>>[vector<16xi32>], vector<16xf32>,
        %parallel_loop3A_332 = arith.addi %parallel_loop3A_310, %and3A_71 : vector<16xi32>
        %parallel_loop3A_333 = tpu.vector_load_idx %arg6[%parallel_loop3A_332] : memref<1360xf32, #tpu.memory_space<vmem>>[vector<16xi32>], vector<16xf32>,
        %parallel_loop3A_334 = arith.addi %parallel_loop3A_316, %and3A_71 : vector<16xi32>
        tpu.vector_store_idx %arg10[%parallel_loop3A_334], %parallel_loop3A_333 : memref<24576xf32, #tpu.memory_space<vmem>>[vector<16xi32>], vector<16xf32>,
        %parallel_loop3A_335 = arith.addi %parallel_loop3A_310, %and3A_77 : vector<16xi32>
        %parallel_loop3A_336 = tpu.vector_load_idx %arg6[%parallel_loop3A_335] : memref<1360xf32, #tpu.memory_space<vmem>>[vector<16xi32>], vector<16xf32>,
        %parallel_loop3A_337 = arith.addi %parallel_loop3A_316, %and3A_77 : vector<16xi32>
        tpu.vector_store_idx %arg10[%parallel_loop3A_337], %parallel_loop3A_336 : memref<24576xf32, #tpu.memory_space<vmem>>[vector<16xi32>], vector<16xf32>,
        %parallel_loop3A_338 = arith.addi %parallel_loop3A_310, %and3A_83 : vector<16xi32>
        %parallel_loop3A_339 = tpu.vector_load_idx %arg6[%parallel_loop3A_338] : memref<1360xf32, #tpu.memory_space<vmem>>[vector<16xi32>], vector<16xf32>,
        %parallel_loop3A_340 = arith.addi %parallel_loop3A_316, %and3A_83 : vector<16xi32>
        tpu.vector_store_idx %arg10[%parallel_loop3A_340], %parallel_loop3A_339 : memref<24576xf32, #tpu.memory_space<vmem>>[vector<16xi32>], vector<16xf32>,
        %parallel_loop3A_341 = arith.addi %parallel_loop3A_310, %and3A_89 : vector<16xi32>
        %parallel_loop3A_342 = tpu.vector_load_idx %arg6[%parallel_loop3A_341] : memref<1360xf32, #tpu.memory_space<vmem>>[vector<16xi32>], vector<16xf32>,
        %parallel_loop3A_343 = arith.addi %parallel_loop3A_316, %and3A_89 : vector<16xi32>
        tpu.vector_store_idx %arg10[%parallel_loop3A_343], %parallel_loop3A_342 : memref<24576xf32, #tpu.memory_space<vmem>>[vector<16xi32>], vector<16xf32>,
        %parallel_loop3A_344 = arith.addi %parallel_loop3A_310, %and3A_95 : vector<16xi32>
        %parallel_loop3A_345 = tpu.vector_load_idx %arg6[%parallel_loop3A_344] : memref<1360xf32, #tpu.memory_space<vmem>>[vector<16xi32>], vector<16xf32>,
        %parallel_loop3A_346 = arith.addi %parallel_loop3A_316, %and3A_95 : vector<16xi32>
        tpu.vector_store_idx %arg10[%parallel_loop3A_346], %parallel_loop3A_345 : memref<24576xf32, #tpu.memory_space<vmem>>[vector<16xi32>], vector<16xf32>,
        %parallel_loop3A_347 = arith.addi %parallel_loop3A_310, %and3A_101 : vector<16xi32>
        %parallel_loop3A_348 = tpu.vector_load_idx %arg6[%parallel_loop3A_347] : memref<1360xf32, #tpu.memory_space<vmem>>[vector<16xi32>], vector<16xf32>,
        %parallel_loop3A_349 = arith.addi %parallel_loop3A_316, %and3A_101 : vector<16xi32>
        tpu.vector_store_idx %arg10[%parallel_loop3A_349], %parallel_loop3A_348 : memref<24576xf32, #tpu.memory_space<vmem>>[vector<16xi32>], vector<16xf32>,
        %parallel_loop3A_350 = arith.addi %parallel_loop3A_310, %and3A_107 : vector<16xi32>
        %parallel_loop3A_351 = tpu.vector_load_idx %arg6[%parallel_loop3A_350] : memref<1360xf32, #tpu.memory_space<vmem>>[vector<16xi32>], vector<16xf32>,
        %parallel_loop3A_352 = arith.addi %parallel_loop3A_316, %and3A_107 : vector<16xi32>
        tpu.vector_store_idx %arg10[%parallel_loop3A_352], %parallel_loop3A_351 : memref<24576xf32, #tpu.memory_space<vmem>>[vector<16xi32>], vector<16xf32>,
        %parallel_loop3A_353 = arith.addi %parallel_loop3A_310, %and3A_113 : vector<16xi32>
        %parallel_loop3A_354 = tpu.vector_load_idx %arg6[%parallel_loop3A_353] : memref<1360xf32, #tpu.memory_space<vmem>>[vector<16xi32>], vector<16xf32>,
        %parallel_loop3A_355 = arith.addi %parallel_loop3A_316, %and3A_113 : vector<16xi32>
        tpu.vector_store_idx %arg10[%parallel_loop3A_355], %parallel_loop3A_354 : memref<24576xf32, #tpu.memory_space<vmem>>[vector<16xi32>], vector<16xf32>,
        %parallel_loop3A_356 = arith.addi %parallel_loop3A_310, %and3A_119 : vector<16xi32>
        %parallel_loop3A_357 = tpu.vector_load_idx %arg6[%parallel_loop3A_356] : memref<1360xf32, #tpu.memory_space<vmem>>[vector<16xi32>], vector<16xf32>,
        %parallel_loop3A_358 = arith.addi %parallel_loop3A_316, %and3A_119 : vector<16xi32>
        tpu.vector_store_idx %arg10[%parallel_loop3A_358], %parallel_loop3A_357 : memref<24576xf32, #tpu.memory_space<vmem>>[vector<16xi32>], vector<16xf32>,
        %parallel_loop3A_359 = arith.addi %parallel_loop3A_310, %and3A_125 : vector<16xi32>
        %parallel_loop3A_360 = tpu.vector_load_idx %arg6[%parallel_loop3A_359] : memref<1360xf32, #tpu.memory_space<vmem>>[vector<16xi32>], vector<16xf32>,
        %parallel_loop3A_361 = arith.addi %parallel_loop3A_316, %and3A_125 : vector<16xi32>
        tpu.vector_store_idx %arg10[%parallel_loop3A_361], %parallel_loop3A_360 : memref<24576xf32, #tpu.memory_space<vmem>>[vector<16xi32>], vector<16xf32>,
        %parallel_loop3A_362 = arith.addi %parallel_loop3A_310, %and3A_131 : vector<16xi32>
        %parallel_loop3A_363 = tpu.vector_load_idx %arg6[%parallel_loop3A_362] : memref<1360xf32, #tpu.memory_space<vmem>>[vector<16xi32>], vector<16xf32>,
        %parallel_loop3A_364 = arith.addi %parallel_loop3A_316, %and3A_131 : vector<16xi32>
        tpu.vector_store_idx %arg10[%parallel_loop3A_364], %parallel_loop3A_363 : memref<24576xf32, #tpu.memory_space<vmem>>[vector<16xi32>], vector<16xf32>,
      } {sc.loop_unroll_factor = 4 : i64, sc.parallel_access}
      %mul3A_252 = arith.constant 2 : i32
      %mul3A_253 = arith.muli %mul3A_252, %add3A_178 : i32
      %add3A_254 = arith.addi %mul3A_2, %mul3A_253 : i32
      %add3A_255 = arith.constant 1 : i32
      %add3A_256 = arith.addi %add3A_254, %add3A_255 : i32
      %mul3A_257 = arith.constant 24576 : i32
      %mul3A_258 = arith.muli %add3A_256, %mul3A_257 : i32
      %dma_start3A_259 = arith.constant 0 : i32
      %dma_start3A_260 = tpu.memref_slice %arg10[%dma_start3A_259] : memref<24576xf32, #tpu.memory_space<vmem>> -> memref<12288xf32, #tpu.memory_space<vmem>>
      %dma_start3A_261 = tpu.memref_slice %arg5[%mul3A_258] : memref<50331648xf32, #tpu.memory_space<hbm>> -> memref<12288xf32, #tpu.memory_space<hbm>>
      %dma_start3A_262 = tpu.memref_slice %arg5[%mul3A_258] : memref<50331648xf32, #tpu.memory_space<hbm>> -> memref<12288xf32, #tpu.memory_space<hbm>>
      %dma_start3A_263 = arith.constant 0 : i32
      %dma_start3A_264 = tpu.memref_slice %arg10[%dma_start3A_263] : memref<24576xf32, #tpu.memory_space<vmem>> -> memref<12288xf32, #tpu.memory_space<vmem>>
      tpu.enqueue_dma source(%dma_start3A_264 : memref<12288xf32, #tpu.memory_space<vmem>>) target(%dma_start3A_262 : memref<12288xf32, #tpu.memory_space<hbm>>) target_semaphore(%arg12 : memref<!tpu.dma_semaphore, #tpu.memory_space<semaphore_mem>>)
    }
    %scan3A_158 = arith.constant 32 : i32
    %mul3A_159 = arith.constant 24576 : i32
    %mul3A_160 = arith.muli %mul3A_2, %mul3A_159 : i32
    %dma_wait3A = arith.constant 0 : i32
    %dma_wait3A_161 = tpu.memref_slice %arg9[%dma_wait3A] : memref<24576xf32, #tpu.memory_space<vmem>> -> memref<12288xf32, #tpu.memory_space<vmem>>
    %dma_wait3A_162 = tpu.memref_slice %arg5[%mul3A_160] : memref<50331648xf32, #tpu.memory_space<hbm>> -> memref<12288xf32, #tpu.memory_space<hbm>>
    %dma_wait3A_163 = tpu.memref_slice %arg5[%mul3A_160] : memref<50331648xf32, #tpu.memory_space<hbm>> -> memref<12288xf32, #tpu.memory_space<hbm>>
    %dma_wait3A_164 = arith.constant 0 : i32
    %dma_wait3A_165 = tpu.memref_slice %arg9[%dma_wait3A_164] : memref<24576xf32, #tpu.memory_space<vmem>> -> memref<12288xf32, #tpu.memory_space<vmem>>
    tpu.wait_dma2 semaphore(%arg11 : memref<!tpu.dma_semaphore, #tpu.memory_space<semaphore_mem>>) src(%dma_wait3A_165 : memref<12288xf32, #tpu.memory_space<vmem>>) dst(%dma_wait3A_163 : memref<12288xf32, #tpu.memory_space<hbm>>)
    %mul3A_166 = arith.constant 24576 : i32
    %mul3A_167 = arith.muli %mul3A_2, %mul3A_166 : i32
    %dma_wait3A_168 = arith.constant 0 : i32
    %dma_wait3A_169 = tpu.memref_slice %arg10[%dma_wait3A_168] : memref<24576xf32, #tpu.memory_space<vmem>> -> memref<12288xf32, #tpu.memory_space<vmem>>
    %dma_wait3A_170 = tpu.memref_slice %arg5[%mul3A_167] : memref<50331648xf32, #tpu.memory_space<hbm>> -> memref<12288xf32, #tpu.memory_space<hbm>>
    %dma_wait3A_171 = tpu.memref_slice %arg5[%mul3A_167] : memref<50331648xf32, #tpu.memory_space<hbm>> -> memref<12288xf32, #tpu.memory_space<hbm>>
    %dma_wait3A_172 = arith.constant 0 : i32
    %dma_wait3A_173 = tpu.memref_slice %arg10[%dma_wait3A_172] : memref<24576xf32, #tpu.memory_space<vmem>> -> memref<12288xf32, #tpu.memory_space<vmem>>
    tpu.wait_dma2 semaphore(%arg12 : memref<!tpu.dma_semaphore, #tpu.memory_space<semaphore_mem>>) src(%dma_wait3A_173 : memref<12288xf32, #tpu.memory_space<vmem>>) dst(%dma_wait3A_171 : memref<12288xf32, #tpu.memory_space<hbm>>)
    return
  }
}

</mosaic_0001>

<sc_bundles>
// kernel: kernel.3.cloned.1.call-start
scs
__scs_entry_jumppad:
0x0: {  	(pc) =	sbr.rel $0x88, $3  }
0x1: {  	(tag) =	ssettag $0x0;
	lr =	simm.s32 $0x1  }
0x2: {  	[smem:$0x3F9E] =	sst lr;
	_ =	strace $0xD0000000  }
0x3: {  	_ = 	snop  }
0x4: {  	_ = 	snop  }
0x5: {  	_ = 	snop  }
0x6: {  	_ = 	snop  }
0x7: {  	_ = 	snop  }
__scs_overlays_trampoline_lowered:
0x8: {  	[smem:$0x3FAD] =	sst s0  }
0x9: {  	[smem:$0x3FAE] =	sst s1  }
0xa: {  	[smem:$0x3FAF] =	sst s2  }
0xb: {  	[smem:$0x3FB0] =	sst s3  }
0xc: {  	[smem:$0x3FB1] =	sst s4  }
0xd: {  	[smem:$0x3FB2] =	sst s5  }
0xe: {  	[smem:$0x3FB3] =	sst s6  }
0xf: {  	[smem:$0x3FB4] =	sst s7  }
0x10: {  	[smem:$0x3FB5] =	sst s8  }
0x11: {  	[smem:$0x3FB6] =	sst s9;
	s0 =	simm.s32 @!p0 $0x0  }
0x12: {  	s1 =	sld [smem:$0x3F9C];
	s0 =	simm.s32 @p0 $0x1  }
0x13: {  	[smem:$0x3FB7] =	sst s0;
	s0 =	simm.s32 @!p1 $0x0  }
0x14: {  	s2 =	sld [smem:$0x3F9B];
	s0 =	simm.s32 @p1 $0x1  }
0x15: {  	[smem:$0x3FB8] =	sst s0;
	s0 =	simm.s32 @!p2 $0x0  }
0x16: {  	s3 =	sld [smem:$0x3FDB];
	s0 =	simm.s32 @p2 $0x1  }
0x17: {  	s4 =	simm.s32 $0x1BF5;
	[smem:$0x3FBA] =	sst s0  }
0x18: {  	s0 =	sld [smem:$0x3F9D];
	_ =	swait.ge [sflag:s4], $0x0  }
0x19: {  	s7 =	sld [smem:$0x3F9E]  }
0x1a: {  	s8 =	sadd.s32 $0xFFFFE003, lr  }
0x1b: {  	s9 =	sadd.s32 $0xFFFFFEF7, lr;
	s5 =	simm.s32 $0xFFFFFFFF;
	p2 =	slt.u32 s8, $0xFFFFF086  }
0x1c: {  	p1 =	slt.u32 s9, $0xF7A;
	s5 =	simm.s32 @!p2 $0x0  }
0x1d: {  	s5 =	simm.s32 @p1 $0x1;
	p0 =	seq.s32 s7, s2  }
0x1e: {  	s7 =	smul.u32 @!p0 $0xF7A, s2;
	p2 =	seq.s32 @!p0 s5, $0x0  }
0x1f: {  	s9 =	smul.u32 $0xF7A, s1;
	s8 =	simm.s32 @!p0 $0x1BF5;
	p2 =	por !p2, p0  }
0x20: {  	[sflag:s8] =	ssyncset.s32 @!p0 $0xFFFFF086;
	s6 =	sadd.s32 @!p0 s3, s7;
	s7 =	simm.s32 @!p0 $0x108  }
0x21: {  	s3 =	sadd.s32 s3, s9;
	s6 =	sadd.s32 @!p0 $0x88, s6;
	s7 =	simm.s32 @p2 $0x1082  }
0x22: {  	[simem:s7], [sflag:s8] =	dma.local @!p0 [hbm:s6], $0xF7A  }
0x23: {  	s9 =	sor.u32 $0xD0000000, s2;
	s6 =	simm.s32 $0x108;
	_ =	swait.ge @!p0 [sflag:s8], $0x0  }
0x24: {  	s3 =	sadd.s32 $0x88, s3;
	s6 =	simm.s32 @!p1 $0x1082;
	[sflag:s4] =	ssyncset.s32 $0xFFFFF086  }
0x25: {  	[simem:s6], [sflag:s4] =	dma.local [hbm:s3], $0xF7A  }
0x26: {  	[smem:$0x3F9E] =	sst s1;
	(tag) =	ssettag s2;
	_ =	strace s9  }
0x27: {  	s1 =	sld [smem:$0x3FAE]  }
0x28: {  	s2 =	sld [smem:$0x3FAF]  }
0x29: {  	s4 =	sld [smem:$0x3FB1]  }
0x2a: {  	p0 =	seq.s32 s5, $0x0;
	s5 =	sld [smem:$0x3FB2]  }
0x2b: {  	s6 =	sld [smem:$0x3FB3]  }
0x2c: {  	s7 =	sld [smem:$0x3FB4]  }
0x2d: {  	s3 =	simm.s32 $0x108;
	s8 =	sld [smem:$0x3FB5]  }
0x2e: {  	s3 =	simm.s32 @!p0 $0x1082;
	s9 =	sld [smem:$0x3FB6]  }
0x2f: {  	lr =	sadd.s32 s0, s3;
	s0 =	sld [smem:$0x3FAD]  }
0x30: {  	s3 =	sld [smem:$0x3FB0]  }
0x31: {  	[smem:$0x3FB9] =	sst s10  }
0x32: {  	s10 =	sld [smem:$0x3FB7];
	_ =	sdelay $0x3  }
0x33: {  	p0 =	seq.s32 s10, $0x1;
	s10 =	sld [smem:$0x3FB9];
	_ =	sdelay $0x3  }
0x34: {  	[smem:$0x3FB9] =	sst s10  }
0x35: {  	s10 =	sld [smem:$0x3FB8];
	_ =	sdelay $0x3  }
0x36: {  	p1 =	seq.s32 s10, $0x1;
	s10 =	sld [smem:$0x3FB9];
	_ =	sdelay $0x3  }
0x37: {  	[smem:$0x3FB9] =	sst s10  }
0x38: {  	s10 =	sld [smem:$0x3FBA]  }
0x39: {  	_ = 	snop;
	(pc) =	sbr.ind lr, $3  }
0x3a: {  	_ = 	snop  }
0x3b: {  	_ = 	snop  }
0x3c: {  	p2 =	seq.s32 s10, $0x1;
	s10 =	sld [smem:$0x3FB9]  }
0x3d: {  	_ =	shalt  }
0x3e: {  	_ =	shalt  }
0x3f: {  	_ =	shalt  }
0x40: {  	_ =	shalt  }
0x41: {  	_ =	shalt  }
0x42: {  	_ =	shalt  }
0x43: {  	_ =	shalt  }
0x44: {  	_ =	shalt  }
0x45: {  	_ =	shalt  }
0x46: {  	_ =	shalt  }
0x47: {  	_ =	shalt  }
0x48: {  	_ =	shalt  }
0x49: {  	_ =	shalt  }
0x4a: {  	_ =	shalt  }
0x4b: {  	_ =	shalt  }
0x4c: {  	_ =	shalt  }
0x4d: {  	_ =	shalt  }
0x4e: {  	_ =	shalt  }
0x4f: {  	_ =	shalt  }
0x50: {  	_ =	shalt  }
0x51: {  	_ =	shalt  }
0x52: {  	_ =	shalt  }
0x53: {  	_ =	shalt  }
0x54: {  	_ =	shalt  }
0x55: {  	_ =	shalt  }
0x56: {  	_ =	shalt  }
0x57: {  	_ =	shalt  }
0x58: {  	_ =	shalt  }
0x59: {  	_ =	shalt  }
0x5a: {  	_ =	shalt  }
0x5b: {  	_ =	shalt  }
0x5c: {  	_ =	shalt  }
0x5d: {  	_ =	shalt  }
0x5e: {  	_ =	shalt  }
0x5f: {  	_ =	shalt  }
0x60: {  	_ =	shalt  }
0x61: {  	_ =	shalt  }
0x62: {  	_ =	shalt  }
0x63: {  	_ =	shalt  }
0x64: {  	_ =	shalt  }
0x65: {  	_ =	shalt  }
0x66: {  	_ =	shalt  }
0x67: {  	_ =	shalt  }
0x68: {  	_ =	shalt  }
0x69: {  	_ =	shalt  }
0x6a: {  	_ =	shalt  }
0x6b: {  	_ =	shalt  }
0x6c: {  	_ =	shalt  }
0x6d: {  	_ =	shalt  }
0x6e: {  	_ =	shalt  }
0x6f: {  	_ =	shalt  }
0x70: {  	_ =	shalt  }
0x71: {  	_ =	shalt  }
0x72: {  	_ =	shalt  }
0x73: {  	_ =	shalt  }
0x74: {  	_ =	shalt  }
0x75: {  	_ =	shalt  }
0x76: {  	_ =	shalt  }
0x77: {  	_ =	shalt  }
0x78: {  	_ =	shalt  }
0x79: {  	_ =	shalt  }
0x7a: {  	_ =	shalt  }
0x7b: {  	_ =	shalt  }
0x7c: {  	_ =	shalt  }
0x7d: {  	_ =	shalt  }
0x7e: {  	_ =	shalt  }
0x7f: {  	_ =	shalt  }
0x80: {  	_ =	shalt  }
0x81: {  	_ =	shalt  }
0x82: {  	_ =	shalt  }
0x83: {  	_ =	shalt  }
0x84: {  	_ =	shalt  }
0x85: {  	_ =	shalt  }
0x86: {  	_ =	shalt  }
0x87: {  	_ =	shalt  }
.Lfunc_end0:
.L_simem_size_0:
called_computation.1_lowered:
.L_overlay_start_0:
0x88: {  	s2 =	sld [smem:$0x3FD9]  }
0x89: {  	s3 =	sld [smem:$0x3FFE];
	_ =	sdelay $0x1  }
0x8a: {  	s1 =	srdreg.scid  }
0x8b: {  	s0 =	sand.u32 $0x1, s1  }
0x8c: {  	s17 =	sshll.u32 s0, $0xA;
	s2 =	sadd.s32 s3, s2  }
0x8d: {  	s2 =	sadd.s32 s2, s17  }
0x8e: {  	[smem:$0x3FC5] =	sst s2  }
0x8f: {  	_ = 	snop  }
0x90: {  	s2 =	sld [smem:$0x3FD0];
	(tm) =	ssettm $0x1  }
0x91: {  	s18 =	sld [smem:$0x3FFB];
	_ =	sdelay $0x3  }
0x92: {  	_ =	strace s18  }
0x93: {  	s3 =	sld [smem:$0x3FFC];
	_ =	sdelay $0x3  }
0x94: {  	_ =	strace s3  }
0x95: {  	s3 =	sld [smem:$0x3FFD];
	_ =	sdelay $0x3  }
0x96: {  	_ =	strace s3  }
0x97: {  	_ =	strace $0x8FFFFFFF  }
0x98: {  	s19 =	sld [smem:$0x3FDB];
	_ =	sdelay $0x1  }
0x99: {  	s4 =	simm.s32 $_scs_section_size  }
0x9a: {  	s5 =	simm.s32 $_size__tile_overlayer_lowered;
	s6 =	simm.s32 $_tile_overlayer_lowered  }
0x9b: {  	s22 =	simm.s32 $0x1BFF;
	s21 =	sshll.u32 s6, $0x1;
	s3 =	sadd.s32 s4, s19  }
0x9c: {  	s7 =	simm.s32 $0x0;
	s20 =	sshll.u32 s5, $0x1;
	s5 =	sadd.s32 s21, s3  }
0x9d: {  	[timem:s7], [sflag:s22] =	dma.local [hbm:s5], s20  }
0x9e: {  	_ =	swait.ge [sflag:s22], s20  }
0x9f: {  	s4 =	ssub.s32 $0x0, s20;
	[sflag:s22] =	ssyncset.done $0x0  }
0xa0: {  	[sflag:s22] =	ssyncadd.s32 s4;
	_ =	sdelay $0x1  }
0xa1: {  	s23 =	simm.s32 $0x1B8B  }
0xa2: {  	_ =	swait.ge [sflag:s23], $0x1  }
0xa3: {  	[sflag:s23] =	ssyncset.done $0x0  }
0xa4: {  	s25 =	simm.s32 $0x1B8E;
	s24 =	sld [smem:$0x3FFE];
	[sflag:s23] =	ssyncadd.s32 $0xFFFFFFFF  }
0xa5: {  	s26 =	simm.s32 $execute0_lowered;
	[smem:$0x3FD2] =	sst s25  }
0xa6: {  	s5 =	sshll.u32 s26, $0x1;
	_ =	strace $0x80000046;
	[dreg:$0x1] =	wrdreg $0xFFFFFFFF  }
0xa7: {  	s28 =	simm.s32 $_size_execute0_lowered;
	s3 =	sadd.s32 s3, s5;
	[dreg:$0x0] =	wrdreg $0x0  }
0xa8: {  	s5 =	sshll.u32 s28, $0x1;
	[dreg:$0x2] =	wrdreg s3  }
0xa9: {  	[dreg:$0x3] =	wrdreg s5  }
0xaa: {  	[dreg:$0x4] =	wrdreg $0xC0  }
0xab: {  	_ =	task [dreg:s7], $0x5FFFF  }
0xac: {  	[dreg:$0x1] =	wrdreg $0xFFFFFFFF  }
0xad: {  	[dreg:$0x0] =	wrdreg $0x60  }
0xae: {  	[dreg:$0x2] =	wrdreg s24  }
0xaf: {  	[dreg:$0x3] =	wrdreg s2  }
0xb0: {  	[dreg:$0x4] =	wrdreg $0x9  }
0xb1: {  	_ =	task.clear_ibuf [dreg:s7], $0x5FFFF;
	_ =	strace $0x90000046  }
0xb2: {  	s29 =	simm.s32 $0x9;
	_ =	strace $0x80000048  }
0xb3: {  	_ =	swait.ge [sflag:s29], $0x1  }
0xb4: {  	[sflag:s29] =	ssyncadd.s32 $0xFFFFFFFF  }
0xb5: {  	_ =	strace $0x90000048  }
0xb6: {  	_ =	sfence  }
0xb7: {  	s30 =	sld [smem:$0x0];
	_ =	sdelay $0x2  }
0xb8: {  	s31 =	sshll.u32 s1, $0xD;
	s1 =	sshrl.u32 s1, $0x2  }
0xb9: {  	s3 =	sand.u32 $0x4000, s31;
	s1 =	sadd.s32 s1, s30  }
0xba: {  	s0 =	sor.u32 s3, s0;
	s1 =	sshll.u32 s1, $0x11  }
0xbb: {  	s0 =	sor.u32 s1, s0  }
0xbc: {  	s0 =	sadd.s32 $0x8F2B, s0  }
0xbd: {  	[sflag:s0] =	ssyncadd.remote.s32 $0x1  }
0xbe: {  	_ =	sfence.sel $0xFFFF  }
0xbf: {  	[dreg:$0x0] =	wrdreg $0xFFFFFFFF;
	(pc) =	sbr.abs _section_cstart, $3  }
0xc0: {  	[dreg:$0x1] =	wrdreg $0xFFFFFFFF  }
0xc1: {  	_ =	task.clear_ibuf [dreg:s7], $0x2FFFF;
	_ =	strace $0x9FFFFFFF  }
0xc2: {  	(tm) =	ssettm $0x7FFFFFFF  }
0xc3: {  	_ =	shalt  }
tec
execute0_lowered:
.L_overlay_start_1:
0x0: {  	(tag) =	ssettag $0x1  }
0x1: {  	v0 =	vimm.s32 $0x94633201;
	v24 =	vlaneseq.u32  }
0x2: {  	v1 =	vimm.s32 $0xFEDCBA9;
	v2 =	vimm.s32 $0x87654321;
	vm11 =	vcmask $0xF00  }
0x3: {  	vm10 =	vcmask $0x1310;
	vm9 =	vcmask $0x1714;
	vm8 =	vcmask $0x1B18  }
0x4: {  	vm7 =	vcmask $0x1F1C;
	v41 =	vimm.s32 $0x95643302;
	vm6 =	vcmask $0x2320  }
0x5: {  	vm5 =	vcmask $0x2724;
	vm4 =	vcmask $0x2B28;
	vm3 =	vcmask $0x2F2C  }
0x6: {  	vm2 =	vcmask $0x3330;
	vm0 =	vcmask $0x3734;
	vm1 =	vcmask $0x3B38  }
0x7: {  	v42 =	vimm.s32 $0x10FEDCBA;
	v5 =	vimm.s32 $0x98765432;
	v6 =	vimm.s32 $0x96653403  }
0x8: {  	v45 =	vimm.s32 $0x210FEDCB;
	v7 =	vimm.s32 $0xA9876543;
	v9 =	vimm.s32 $0x97663504  }
0x9: {  	v48 =	vimm.s32 $0x3210FEDC;
	v49 =	vimm.s32 $0xBA987654;
	v50 =	vimm.s32 $0x98673605  }
0xa: {  	v54 =	vimm.s32 $0x43210FED;
	v55 =	vimm.s32 $0x99683706;
	v12 =	vimm.s32 $0xCBA98765  }
0xb: {  	v61 =	vimm.s32 $0x543210FE;
	v13 =	vimm.s32 $0xDCBA9876;
	v17 =	vimm.s32 $0x9B6A3908  }
0xc: {  	v18 =	vimm.s32 $0xEDCBA987;
	v0 =	vunpack.c.0.s8.s32 v0;
	v62 =	vmul.u32 $0x31, v24  }
0xd: {  	v1 =	vunpack.c.l.s4.s8 v1;
	v3 =	vunpack.c.l.s4.s8 v2;
	v5 =	vunpack.c.l.s4.s8 v5  }
0xe: {  	v44 =	vunpack.c.0.s8.s32 v6;
	v6 =	vunpack.c.l.s4.s8 v45;
	v7 =	vunpack.c.l.s4.s8 v7  }
0xf: {  	v9 =	vunpack.c.0.s8.s32 v9;
	v57 =	vunpack.c.l.s4.s8 v12;
	v13 =	vunpack.c.l.s4.s8 v13  }
0x10: {  	v17 =	vunpack.c.0.s8.s32 v17;
	v18 =	vunpack.c.l.s4.s8 v18;
	v0 =	vand.u32 $0xFF, v0  }
0x11: {  	v2 =	vunpack.c.0.s8.s32 v1;
	v3 =	vunpack.c.0.s8.s32 v3;
	v1 =	vunpack.c.0.s8.s32 v41  }
0x12: {  	v5 =	vunpack.c.0.s8.s32 v5;
	v6 =	vunpack.c.0.s8.s32 v6;
	v7 =	vunpack.c.0.s8.s32 v7  }
0x13: {  	v47 =	vand.u32 $0xFF, v9;
	v9 =	vunpack.c.l.s4.s8 v49;
	v12 =	vunpack.c.0.s8.s32 v57  }
0x14: {  	v33 =	vunpack.c.0.s8.s32 v13;
	v18 =	vunpack.c.0.s8.s32 v18;
	v0 =	vnsel vm11, $0x2D0, v0  }
0x15: {  	v0 =	vsel vm10, $0xC5, v0;
	v4 =	vcombine.low v3, v2;
	v1 =	vand.u32 $0xFF, v1  }
0x16: {  	v10 =	vcombine.low v7, v6;
	v9 =	vunpack.c.0.s8.s32 v9;
	v2 =	vcombine.low v2, v3  }
0x17: {  	v6 =	vcombine.low v6, v7;
	v0 =	vsel vm9, $0xF6, v0;
	v1 =	vnsel vm11, $0x2D1, v1  }
0x18: {  	v0 =	vsel vm8, $0x127, v0;
	v1 =	vsel vm10, $0xC6, v1;
	v51 =	vand.u32 $0xF, v4  }
0x19: {  	v4 =	vunpack.c.l.s4.s8 v42;
	v21 =	vand.u32 $0xF, v10;
	v10 =	vunpack.c.0.s8.s32 v50  }
0x1a: {  	v42 =	vimm.s32 $0x9F6E3D0C;
	v0 =	vsel vm7, $0x158, v0;
	v1 =	vsel vm9, $0xF7, v1  }
0x1b: {  	v2 =	vand.u32 $0xF, v2;
	v0 =	vsel vm6, $0x189, v0;
	v1 =	vsel vm8, $0x128, v1  }
0x1c: {  	v4 =	vunpack.c.0.s8.s32 v4;
	v10 =	vand.u32 $0xFF, v10;
	v0 =	vsel vm5, $0x1BA, v0  }
0x1d: {  	v1 =	vsel vm7, $0x159, v1;
	v10 =	vnsel vm11, $0x2D4, v10;
	v0 =	vsel vm4, $0x1EB, v0  }
0x1e: {  	v1 =	vsel vm6, $0x18A, v1;
	v8 =	vcombine.low v5, v4;
	v10 =	vsel vm10, $0xC9, v10  }
0x1f: {  	v4 =	vcombine.low v4, v5;
	v0 =	vsel vm3, $0x21C, v0;
	v1 =	vsel vm5, $0x1BB, v1  }
0x20: {  	v53 =	vsel vm9, $0xFA, v10;
	v10 =	vunpack.c.l.s4.s8 v54;
	v54 =	vand.u32 $0xF, v6  }
0x21: {  	v0 =	vsel vm2, $0x24D, v0;
	v43 =	vsel vm4, $0x1EC, v1;
	v1 =	vand.u32 $0xFF, v44  }
0x22: {  	v8 =	vand.u32 $0xF, v8;
	v4 =	vand.u32 $0xF, v4;
	v0 =	vsel vm0, $0x27E, v0  }
0x23: {  	v1 =	vnsel vm11, $0x2D2, v1;
	[tilespmem:$0x1FD90] =	vst v8;
	v8 =	vunpack.c.l.s4.s8 v48;
	v10 =	vunpack.c.0.s8.s32 v10  }
0x24: {  	v58 =	vsel vm1, $0x2AF, v0;
	v0 =	vsel vm3, $0x21D, v43;
	v1 =	vsel vm10, $0xC7, v1  }
0x25: {  	[tilespmem:$0x1FDD0] =	vst v54;
	v54 =	vimm.s32 $0x32107654;
	v0 =	vsel vm2, $0x24E, v0;
	v1 =	vsel vm9, $0xF8, v1  }
0x26: {  	v8 =	vunpack.c.0.s8.s32 v8;
	v14 =	vcombine.low v12, v10;
	v1 =	vsel vm8, $0x129, v1  }
0x27: {  	v10 =	vcombine.low v10, v12;
	v12 =	vimm.s32 $0x906F3E0D;
	v1 =	vsel vm7, $0x15A, v1  }
0x28: {  	v0 =	vsel vm0, $0x27F, v0;
	v46 =	vsel vm6, $0x18B, v1;
	v1 =	vnsel vm11, $0x2D3, v47  }
0x29: {  	v12 =	vunpack.c.0.s8.s32 v12;
	v36 =	vsel vm1, $0x2A0, v0;
	v1 =	vsel vm10, $0xC8, v1  }
0x2a: {  	v11 =	vcombine.low v9, v8;
	v25 =	vand.u32 $0xF, v14;
	v1 =	vsel vm9, $0xF9, v1  }
0x2b: {  	v14 =	vimm.s32 $0xFEDCBA98;
	v8 =	vcombine.low v8, v9;
	v1 =	vsel vm8, $0x12A, v1  }
0x2c: {  	v9 =	vunpack.c.0.s8.s32 v42;
	v20 =	vand.u32 $0xF, v10;
	v1 =	vsel vm7, $0x15B, v1  }
0x2d: {  	v14 =	vunpack.c.l.s4.s8 v14;
	v12 =	vand.u32 $0xFF, v12;
	v1 =	vsel vm6, $0x18C, v1  }
0x2e: {  	v0 =	vsel vm5, $0x1BC, v46;
	v63 =	vand.u32 $0xF, v11;
	v1 =	vsel vm5, $0x1BD, v1  }
0x2f: {  	v11 =	vunpack.c.0.s8.s32 v55;
	v9 =	vand.u32 $0xFF, v9;
	v1 =	vsel vm4, $0x1EE, v1  }
0x30: {  	v12 =	vnsel vm11, $0x2DC, v12;
	v52 =	vsel vm3, $0x21F, v1;
	v1 =	vsel vm8, $0x12B, v53  }
0x31: {  	v0 =	vsel vm4, $0x1ED, v0;
	v14 =	vunpack.c.0.s8.s32 v14;
	v1 =	vsel vm7, $0x15C, v1  }
0x32: {  	v0 =	vsel vm3, $0x21E, v0;
	v11 =	vand.u32 $0xFF, v11;
	v1 =	vsel vm6, $0x18D, v1  }
0x33: {  	v60 =	vnsel vm11, $0x2D5, v11;
	v11 =	vunpack.c.l.s4.s8 v61;
	v1 =	vsel vm5, $0x1BE, v1  }
0x34: {  	v0 =	vsel vm2, $0x24F, v0;
	v14 =	vand.u32 $0xF, v14;
	v1 =	vsel vm4, $0x1EF, v1  }
0x35: {  	v0 =	vsel vm0, $0x270, v0;
	v32 =	vunpack.c.0.s8.s32 v11;
	v1 =	vsel vm3, $0x210, v1  }
0x36: {  	v61 =	vand.u32 $0xF, v8;
	v56 =	vsel vm1, $0x2A1, v0;
	v59 =	vsel vm2, $0x241, v1  }
0x37: {  	v13 =	vcombine.low v33, v32;
	v0 =	vsel vm2, $0x240, v52;
	v15 =	vsel vm0, $0x272, v59  }
0x38: {  	v1 =	vsel vm10, $0xCA, v60;
	v38 =	vsel vm1, $0x2A3, v15;
	v15 =	vimm.s32 $0x76543210  }
0x39: {  	v26 =	vand.u32 $0xF, v13;
	v1 =	vsel vm9, $0xFB, v1;
	v13 =	vunpack.c.l.s4.s8 v15  }
0x3a: {  	[tilespmem:$0x1FDF0] =	vst v61;
	v61 =	vand.u32 $0x7, v24;
	v0 =	vsel vm0, $0x271, v0;
	v16 =	vsel vm8, $0x12C, v1  }
0x3b: {  	v35 =	vsel vm7, $0x15D, v16;
	v16 =	vimm.s32 $0x9A693807;
	v13 =	vunpack.c.0.s8.s32 v13  }
0x3c: {  	v15 =	vimm.s32 $0x6543210F;
	v11 =	vsel vm6, $0x18E, v35;
	v16 =	vunpack.c.0.s8.s32 v16  }
0x3d: {  	v15 =	vunpack.c.l.s4.s8 v15;
	v57 =	vcombine.low v14, v13;
	v13 =	vimm.s32 $0x9C6B3A09  }
0x3e: {  	v39 =	vsel vm1, $0x2A2, v0;
	v11 =	vsel vm5, $0x1BF, v11;
	v13 =	vunpack.c.0.s8.s32 v13  }
0x3f: {  	v11 =	vsel vm4, $0x1E0, v11;
	v16 =	vand.u32 $0xFF, v16;
	v15 =	vunpack.c.0.s8.s32 v15  }
0x40: {  	v11 =	vsel vm3, $0x211, v11;
	v14 =	vand.u32 $0xFF, v17;
	v37 =	vand.u32 $0xFF, v13  }
0x41: {  	v17 =	vimm.s32 $0x9D6C3B0A;
	v16 =	vnsel vm11, $0x2D6, v16;
	v3 =	vnsel vm11, $0x2D8, v37  }
0x42: {  	v14 =	vnsel vm11, $0x2D7, v14;
	v17 =	vunpack.c.0.s8.s32 v17;
	v3 =	vsel vm10, $0xCD, v3  }
0x43: {  	v11 =	vsel vm2, $0x242, v11;
	v16 =	vsel vm10, $0xCB, v16;
	v3 =	vsel vm9, $0xFE, v3  }
0x44: {  	v11 =	vsel vm0, $0x273, v11;
	v16 =	vsel vm9, $0xFC, v16;
	v3 =	vsel vm8, $0x12F, v3  }
0x45: {  	v13 =	vimm.s32 $0x9E6D3C0B;
	v17 =	vand.u32 $0xFF, v17;
	v3 =	vsel vm7, $0x150, v3  }
0x46: {  	v13 =	vunpack.c.0.s8.s32 v13;
	v40 =	vnsel vm11, $0x2D9, v17;
	v3 =	vsel vm6, $0x181, v3  }
0x47: {  	v14 =	vsel vm10, $0xCC, v14;
	v5 =	vsel vm10, $0xCE, v40;
	v3 =	vsel vm5, $0x1B2, v3  }
0x48: {  	v41 =	vand.u32 $0xFF, v13;
	v5 =	vsel vm9, $0xFF, v5;
	v3 =	vsel vm4, $0x1E3, v3  }
0x49: {  	v7 =	vnsel vm11, $0x2DA, v41;
	v5 =	vsel vm8, $0x120, v5;
	v3 =	vsel vm3, $0x214, v3  }
0x4a: {  	v7 =	vsel vm10, $0xCF, v7;
	v5 =	vsel vm7, $0x151, v5;
	v3 =	vsel vm2, $0x245, v3  }
0x4b: {  	v46 =	vsel vm6, $0x182, v5;
	v48 =	vsel vm9, $0xF0, v7;
	v45 =	vsel vm0, $0x276, v3  }
0x4c: {  	[tilespmem:$0x1FDA0] =	vst v2;
	v47 =	vsel vm5, $0x1B3, v46;
	v3 =	vsel vm8, $0x121, v48;
	v2 =	vsel vm1, $0x2A7, v45  }
0x4d: {  	v16 =	vsel vm8, $0x12D, v16;
	v3 =	vsel vm7, $0x152, v3;
	[tilespmem:$0x1FDB0] =	vst v2;
	v2 =	vsel vm4, $0x1E4, v47  }
0x4e: {  	v27 =	vsel vm1, $0x2A4, v11;
	v3 =	vsel vm6, $0x183, v3;
	v2 =	vsel vm3, $0x215, v2  }
0x4f: {  	v14 =	vsel vm9, $0xFD, v14;
	v3 =	vsel vm5, $0x1B4, v3;
	v2 =	vsel vm2, $0x246, v2  }
0x50: {  	v16 =	vsel vm7, $0x15E, v16;
	v50 =	vsel vm4, $0x1E5, v3;
	v2 =	vsel vm0, $0x277, v2  }
0x51: {  	s0 =	srdreg.scid;
	v14 =	vsel vm8, $0x12E, v14;
	v52 =	vsel vm1, $0x2A8, v2;
	v2 =	vsel vm3, $0x216, v50  }
0x52: {  	s2 =	stileid.u32;
	s0 =	sand.u32 $0x1, s0;
	v43 =	vsel vm6, $0x18F, v16;
	v14 =	vsel vm7, $0x15F, v14;
	v2 =	vsel vm2, $0x247, v2  }
0x53: {  	s3 =	sshll.u32 s2, $0x7;
	s4 =	sshll.u32 s0, $0x6;
	v11 =	vsel vm5, $0x1B0, v43;
	v14 =	vsel vm6, $0x180, v14;
	v2 =	vsel vm0, $0x278, v2  }
0x54: {  	s1 =	rddreg [dreg:$0x0];
	s3 =	sor.u32 s4, s3;
	s4 =	simm.s32 $0x0;
	[tilespmem:$0x1FDC0] =	vst v4;
	v43 =	vcombine.low v15, v18;
	v11 =	vsel vm4, $0x1E1, v11;
	v2 =	vsel vm1, $0x2A9, v2  }
0x55: {  	[smem:$0x7FF] =	sst s4;
	v0 =	vcombine.low v32, v33;
	v14 =	vsel vm5, $0x1B1, v14;
	v11 =	vsel vm3, $0x212, v11;
	[tilespmem:$0x1FDE0] =	vst v2  }
0x56: {  	s7 =	sshrl.u32 s2, $0x2;
	s2 =	rddreg [dreg:$0x1];
	v14 =	vsel vm4, $0x1E2, v14;
	v11 =	vsel vm2, $0x243, v11;
	v46 =	vand.u32 $0xF, v43;
	_ =	strace $0x80000047;
	[tilespmem:$0x1FE30] =	vst v61  }
0x57: {  	v9 =	vnsel vm11, $0x2DB, v9;
	v44 =	vsel vm3, $0x213, v14;
	v11 =	vsel vm0, $0x274, v11;
	[tilespmem:$0x1FE50] =	vst v46  }
0x58: {  	v37 =	vand.u32 $0xF, v0;
	v16 =	vsel vm1, $0x2A5, v11;
	v11 =	vsel vm2, $0x244, v44;
	[tilespmem:$0x1FE70] =	vst v20  }
0x59: {  	v12 =	vsel vm10, $0xC1, v12;
	v9 =	vsel vm10, $0xC0, v9;
	v11 =	vsel vm0, $0x275, v11;
	[tilespmem:$0x1FE90] =	vst v37  }
0x5a: {  	v49 =	vsel vm9, $0xF1, v9;
	v17 =	vimm.s32 $0x9261300F;
	v28 =	vsel vm1, $0x2A6, v11;
	[tilespmem:$0x1FEE0] =	vst v27  }
0x5b: {  	v4 =	vsel vm8, $0x122, v49;
	v19 =	vcombine.low v18, v15;
	v17 =	vunpack.c.0.s8.s32 v17;
	[tilespmem:$0x1FEF0] =	vst v28  }
0x5c: {  	v55 =	vsel vm9, $0xF2, v12;
	v4 =	vsel vm7, $0x153, v4;
	v13 =	vimm.s32 $0x91603F0E;
	[tilespmem:$0x1FF00] =	vst v26  }
0x5d: {  	v19 =	vand.u32 $0xF, v19;
	v13 =	vunpack.c.0.s8.s32 v13;
	v17 =	vand.u32 $0xFF, v17;
	[tilespmem:$0x1FF10] =	vst v52  }
0x5e: {  	v53 =	vsel vm6, $0x184, v4;
	v4 =	vsel vm8, $0x123, v55;
	v17 =	vnsel vm11, $0x2DE, v17;
	[tilespmem:$0x1FF20] =	vst v19  }
0x5f: {  	v55 =	vimm.s32 $0x43210765;
	v13 =	vand.u32 $0xFF, v13;
	v17 =	vsel vm10, $0xC3, v17;
	[tilespmem:$0x1FF30] =	vst v16  }
0x60: {  	v60 =	vsel vm7, $0x154, v4;
	v13 =	vnsel vm11, $0x2DD, v13;
	v11 =	vsel vm9, $0xF4, v17;
	[tilespmem:$0x1FF40] =	vst v57  }
0x61: {  	v13 =	vsel vm10, $0xC2, v13;
	v4 =	vsel vm8, $0x125, v11;
	v3 =	vsel vm5, $0x1B5, v53;
	[tilespmem:$0x1FF50] =	vst v21  }
0x62: {  	v44 =	vimm.s32 $0x7654321;
	v4 =	vsel vm7, $0x156, v4;
	v3 =	vsel vm4, $0x1E6, v3;
	[tilespmem:$0x1FF60] =	vst v39  }
0x63: {  	v9 =	vsel vm9, $0xF3, v13;
	v33 =	vsel vm6, $0x187, v4;
	v3 =	vsel vm3, $0x217, v3;
	[tilespmem:$0x1FF70] =	vst v36  }
0x64: {  	v35 =	vsel vm5, $0x1B8, v33;
	v59 =	vsel vm2, $0x248, v3;
	v3 =	vsel vm6, $0x185, v60;
	[tilespmem:$0x1FF80] =	vst v25  }
0x65: {  	v60 =	vimm.s32 $0x65432107;
	v8 =	vsel vm5, $0x1B6, v3;
	v3 =	vsel vm8, $0x124, v9;
	[tilespmem:$0x1FFA0] =	vst v62  }
0x66: {  	v42 =	vsel vm4, $0x1E9, v35;
	v5 =	vunpack.c.l.s4.s8 v60;
	v3 =	vsel vm7, $0x155, v3;
	[tilespmem:$0x1FFB0] =	vst v51  }
0x67: {  	v53 =	vimm.s32 $0x21076543;
	v2 =	vsel vm0, $0x279, v59;
	v3 =	vsel vm6, $0x186, v3;
	[tilespmem:$0x1FFC0] =	vst v58  }
0x68: {  	v59 =	vimm.s32 $0x54321076;
	v40 =	vunpack.c.0.s8.s32 v5;
	v22 =	vsel vm1, $0x2AA, v2;
	[tilespmem:$0x1FFD0] =	vst v56  }
0x69: {  	v2 =	vsel vm4, $0x1E7, v8;
	v3 =	vsel vm5, $0x1B7, v3;
	v4 =	vunpack.c.l.s4.s8 v59;
	[tilespmem:$0x1FFE0] =	vst v63  }
0x6a: {  	[tilespmem:$0x1FFF0] =	vst v38;
	v2 =	vsel vm3, $0x218, v2;
	v32 =	vsel vm4, $0x1E8, v3;
	v3 =	vunpack.c.l.s4.s8 v44  }
0x6b: {  	v50 =	vimm.s32 $0x10765432;
	[tilespmem:$0x1FEB0] =	vst v22;
	v2 =	vsel vm2, $0x249, v2;
	v35 =	vunpack.c.0.s8.s32 v4  }
0x6c: {  	s14 =	simm.s32 $0x3;
	[tilespmem:$0x1FF90] =	vst v40;
	v1 =	vsel vm3, $0x219, v32;
	v2 =	vsel vm0, $0x27A, v2;
	v49 =	vunpack.c.0.s8.s32 v3  }
0x6d: {  	s16 =	simm.s32 $0x950;
	s17 =	simm.s32 $0xD50;
	s18 =	simm.s32 $0x1150;
	v41 =	vsel vm2, $0x24A, v1;
	v1 =	vsel vm3, $0x21A, v42;
	v3 =	vunpack.c.l.s4.s8 v55;
	[tilespmem:$0x1FE60] =	vst v35  }
0x6e: {  	s19 =	simm.s32 $0x2950;
	s20 =	simm.s32 $0x8950;
	s21 =	simm.s32 $0x1;
	v14 =	vsel vm1, $0x2AB, v2;
	v0 =	vsel vm0, $0x27B, v41;
	v1 =	vsel vm2, $0x24B, v1;
	[tilespmem:$0x1FE00] =	vst v49  }
0x6f: {  	s22 =	simm.s32 $0x2;
	s0 =	ssub.s32 $0x2, s0;
	s10 =	smul.u32 $0x1800, s7;
	v2 =	vunpack.c.l.s4.s8 v54;
	v45 =	vsel vm1, $0x2AC, v0;
	v47 =	vsel vm0, $0x27C, v1;
	[tilespmem:$0x1FE10] =	vst v14  }
0x70: {  	s23 =	simm.s32 $0x0;
	s5 =	smul.u32 $0x600, s7;
	s30 =	sshrl.u32 s0, $0x1;
	v0 =	vunpack.c.l.s4.s8 v50;
	v30 =	vunpack.c.0.s8.s32 v3;
	v48 =	vsel vm1, $0x2AD, v47;
	[tilespmem:$0x1FE40] =	vst v45  }
0x71: {  	s6 =	sand.u32 $0x1C0, s3;
	s0 =	ssub.s32 s0, s30;
	s31 =	sshrl.u32 s10, $0x2;
	v1 =	vunpack.c.l.s4.s8 v53;
	v29 =	vunpack.c.0.s8.s32 v2;
	[tilespmem:$0x1FE20] =	vst v48  }
0x72: {  	s5 =	sor.u32 s5, s6;
	s6 =	sadd.s32 $0xC00, s1;
	s10 =	sadd.s32 $0x1170, s31;
	v15 =	vunpack.c.0.s8.s32 v0;
	[tilespmem:$0x1FED0] =	vst v30  }
0x73: {  	s11 =	sadd.s32 $0x1380, s31;
	s12 =	sadd.s32 $0x1580, s31;
	s5 =	sshll.u32 s5, $0x1;
	v23 =	vunpack.c.0.s8.s32 v1;
	[tilespmem:$0x1FEC0] =	vst v29  }
0x74: {  	s13 =	smax.u32 s0, $0x1;
	s9 =	sadd.s32 s5, s1;
	s5 =	sadd.s32 $0x800, s1;
	[tilespmem:$0x1FE80] =	vst v15  }
0x75: {  	v34 =	vimm.s32 $0x0;
	s7 =	sadd.s32 $0xE00, s9;
	s8 =	sadd.s32 $0x1200, s9;
	s9 =	sadd.s32 $0x1600, s9;
	[tilespmem:$0x1FEA0] =	vst v23  }
.LBB2_1:
0x76: {  	[tilespmem:s4], [sflag:$0x3] =	stream.linear.gather [hbm4b:s6+s4], $0x550, $0x38;
	[tilespmem:$0xE950] =	vst v63  }
0x77: {  	_ =	swait.ge [sflag:s14], $0x550  }
0x78: {  	[sflag:s14] =	ssyncset.done $0x0  }
0x79: {  	s0 =	simm.s32 $0x550;
	[sflag:s14] =	ssyncadd.s32 $0xFFFFFAB0  }
0x7a: {  	[tilespmem:s0], [sflag:$0x3] =	stream.linear.gather [hbm4b:s7+s4], $0x400, $0x38;
	[tilespmem:$0xE950] =	vst v63  }
0x7b: {  	_ =	swait.ge [sflag:s14], $0x400  }
0x7c: {  	[sflag:s14] =	ssyncset.done $0x0  }
0x7d: {  	[sflag:s14] =	ssyncadd.s32 $0xFFFFFC00  }
0x7e: {  	[tilespmem:s16], [sflag:$0x3] =	stream.linear.gather [hbm4b:s8+s4], $0x400, $0x38;
	[tilespmem:$0xE950] =	vst v63  }
0x7f: {  	_ =	swait.ge [sflag:s14], $0x400  }
0x80: {  	[sflag:s14] =	ssyncset.done $0x0  }
0x81: {  	[sflag:s14] =	ssyncadd.s32 $0xFFFFFC00  }
0x82: {  	[tilespmem:s17], [sflag:$0x3] =	stream.linear.gather [hbm4b:s9+s4], $0x400, $0x38;
	[tilespmem:$0xE950] =	vst v63  }
0x83: {  	_ =	swait.ge [sflag:s14], $0x400  }
0x84: {  	[sflag:s14] =	ssyncset.done $0x0  }
0x85: {  	[sflag:s14] =	ssyncadd.s32 $0xFFFFFC00  }
0x86: {  	[tilespmem:s18], [sflag:$0x3] =	stream.linear.gather [hbm4b:s5+s4], $0x1800, $0x38;
	[tilespmem:$0xE950] =	vst v63  }
0x87: {  	_ =	swait.ge [sflag:s14], $0x1800  }
0x88: {  	[sflag:s14] =	ssyncset.done $0x0  }
0x89: {  	s24 =	simm.s32 $0x0;
	[sflag:s14] =	ssyncadd.s32 $0xFFFFE800  }
.LBB2_2:
0x8a: {  	p0 =	seq.s32 s24, $0x0  }
0x8b: {  	s0 =	simm.s32 @!p0 $0x1  }
0x8c: {  	_ =	swait.ge @!p0 [sflag:s0], $0x3000  }
0x8d: {  	s1 =	sshll.u32 s24, $0x5;
	[sflag:s0] =	ssyncset.done @!p0 $0x0  }
0x8e: {  	s25 =	sand.u32 $0x3FFFFFE0, s1;
	[sflag:s0] =	ssyncadd.s32 @!p0 $0xFFFFD000  }
0x8f: {  	v4 =	vld [tilespmem:s25+$0x550]  }
0x90: {  	v0 =	vld [tilespmem:s10+$0x10];
	_ =	sdelay $0x4  }
0x91: {  	v1 =	vld [tilespmem:s10+$0xFFFFFFE0];
	v0 =	vsub.f32 v4, v0  }
0x92: {  	v2 =	vld [tilespmem:s10+$0xFFFFFFF0]  }
0x93: {  	v3 =	vld [tilespmem:s10+$0x0];
	v0 =	vmax.f32 v0, $-4.000000000e+00  }
0x94: {  	v0 =	vmin.f32 v0, $4.000000000e+00  }
0x95: {  	v0 =	vadd.f32 $4.000000000e+00, v0;
	_ =	sdelay $0x1  }
0x96: {  	v2 =	vsub.f32 v4, v2;
	v0 =	vmul.f32 $1.000000000e+01, v0  }
0x97: {  	v1 =	vsub.f32 v4, v1;
	v3 =	vsub.f32 v4, v3  }
0x98: {  	[tilespmem:$0x1FD80] =	vst v4;
	v2 =	vmax.f32 v2, $-4.000000000e+00;
	v4 =	vadd.f32 $5.000000000e-01, v0  }
0x99: {  	v1 =	vmax.f32 v1, $-4.000000000e+00;
	v3 =	vmax.f32 v3, $-4.000000000e+00;
	v2 =	vmin.f32 v2, $4.000000000e+00  }
0x9a: {  	v1 =	vmin.f32 v1, $4.000000000e+00;
	v2 =	vadd.f32 $4.000000000e+00, v2;
	v4 =	vtrunc.f32 v4  }
0x9b: {  	v3 =	vmin.f32 v3, $4.000000000e+00;
	v1 =	vadd.f32 $4.000000000e+00, v1;
	v4 =	vcvt.f32.s32 v4  }
0x9c: {  	v3 =	vadd.f32 $4.000000000e+00, v3;
	v2 =	vmul.f32 $1.000000000e+01, v2  }
0x9d: {  	v1 =	vmul.f32 $1.000000000e+01, v1;
	v6 =	vcvt.s32.f32 v4  }
0x9e: {  	v3 =	vmul.f32 $1.000000000e+01, v3;
	v7 =	vadd.f32 $5.000000000e-01, v2  }
0x9f: {  	v5 =	vadd.f32 $5.000000000e-01, v1;
	v0 =	vsub.f32 v6, v0  }
0xa0: {  	v8 =	vadd.f32 $5.000000000e-01, v3;
	v6 =	vtrunc.f32 v7;
	v7 =	vand.u32 $0x1, v4  }
0xa1: {  	v5 =	vtrunc.f32 v5;
	vm1 =	veq.s32 v7, $0x1;
	vm0 =	veq.f32 v0, $5.000000000e-01  }
0xa2: {  	v8 =	vtrunc.f32 v8;
	v5 =	vcvt.f32.s32 v5;
	vm0 =	vmand vm0, vm1  }
0xa3: {  	v0 =	vcvt.f32.s32 v6;
	v6 =	vcvt.f32.s32 v8;
	v8 =	vsel vm0, $0xFFFFFFFF, v34  }
0xa4: {  	v4 =	vadd.s32 v4, v8  }
0xa5: {  	v7 =	vcvt.s32.f32 v5;
	v41 =	vshll.u32 v4, $0x4  }
0xa6: {  	v4 =	vor.u32 v24, v41  }
0xa7: {  	v1 =	vsub.f32 v7, v1;
	v10 =	vcvt.s32.f32 v6  }
0xa8: {  	s26 =	simm.s32 $0x900  }
0xa9: {  	s29 =	simm.s32 $0x300;
	vm13 =	veq.f32 v1, $5.000000000e-01;
	v1 =	vadd.s32 s26, v62;
	v3 =	vsub.f32 v10, v3  }
0xaa: {  	s30 =	simm.s32 $0x600;
	v11 =	vadd.s32 s29, v58;
	v9 =	vcvt.s32.f32 v0;
	v1 =	vand.u32 $0xFFF8, v1  }
0xab: {  	v13 =	vadd.s32 s30, v58;
	v1 =	vor.u32 v61, v1;
	vm2 =	veq.f32 v3, $5.000000000e-01;
	v3 =	vld.idx.msk [tilespmem:v4+s4+$0x0], $0xffff  }
0xac: {  	v7 =	vand.u32 $0x1, v5;
	v8 =	vand.u32 $0x1, v0;
	v2 =	vsub.f32 v9, v2  }
0xad: {  	vm3 =	veq.s32 v7, $0x1;
	v9 =	vand.u32 $0x1, v6;
	vm4 =	veq.s32 v8, $0x1  }
0xae: {  	vm0 =	vmand vm13, vm3;
	vm5 =	veq.s32 v9, $0x1;
	vm14 =	veq.f32 v2, $5.000000000e-01  }
0xaf: {  	v2 =	vsel vm0, $0xFFFFFFFF, v34;
	vm1 =	vmand vm14, vm4;
	vm15 =	vmand vm2, vm5  }
0xb0: {  	v2 =	vadd.s32 v5, v2;
	v7 =	vsel vm1, $0xFFFFFFFF, v34;
	v5 =	vsel vm15, $0xFFFFFFFF, v34;
	[tilespmem:v1+s19+$0x0] =	vst.idx.msk $0xffff, v3  }
0xb1: {  	v33 =	vmovc v61;
	v44 =	vshll.u32 v2, $0x4;
	v0 =	vadd.s32 v0, v7;
	v4 =	vor.u32 v51, v41;
	v34 =	vld [tilespmem:$0x1FE00]  }
0xb2: {  	v31 =	vmovc v14;
	v14 =	vadd.s32 s26, v36;
	v61 =	vmovc v16;
	v45 =	vshll.u32 v0, $0x4;
	v0 =	vor.u32 v24, v44;
	v16 =	vld [tilespmem:$0x1FD90]  }
0xb3: {  	v42 =	vmovc v20;
	v18 =	vadd.s32 s29, v36;
	v20 =	vadd.s32 s30, v56;
	v2 =	vadd.s32 v6, v5  }
0xb4: {  	v43 =	vshll.u32 v2, $0x4;
	v2 =	vadd.s32 s26, v58;
	v5 =	vor.u32 v24, v45  }
0xb5: {  	v60 =	vmovc v15;
	v11 =	vand.u32 $0xFFF8, v11;
	v18 =	vand.u32 $0xFFF8, v18;
	v2 =	vand.u32 $0xFFF8, v2  }
0xb6: {  	s28 =	simm.s32 $0x0;
	v18 =	vor.u32 v60, v18;
	v1 =	vor.u32 v24, v43;
	v4 =	vld.idx.msk [tilespmem:v4+s4+$0x0], $0xffff;
	v2 =	vor.u32 v34, v2  }
0xb7: {  	v8 =	vor.u32 s28, v62;
	v6 =	vadd.s32 s29, v62;
	v0 =	vld.idx.msk [tilespmem:v0+s4+$0x0], $0xffff;
	v7 =	vor.u32 v16, v41  }
0xb8: {  	v17 =	vor.u32 v21, v41;
	v9 =	vor.u32 v51, v44;
	v3 =	vand.u32 $0xFFF8, v6  }
0xb9: {  	v49 =	vor.u32 v21, v44;
	v6 =	vadd.s32 s30, v62;
	v3 =	vor.u32 v33, v3;
	v5 =	vld.idx.msk [tilespmem:v5+s4+$0x0], $0xffff  }
0xba: {  	v37 =	vmovc v22;
	v10 =	vor.u32 v51, v45;
	v12 =	vor.u32 v51, v43;
	v6 =	vand.u32 $0xFFF8, v6  }
0xbb: {  	v13 =	vand.u32 $0xFFF8, v13;
	v6 =	vor.u32 v33, v6;
	v1 =	vld.idx.msk [tilespmem:v1+s4+$0x0], $0xffff;
	[tilespmem:v2+s19+$0x0] =	vst.idx.msk $0xffff, v4;
	v4 =	vand.u32 $0xFFF8, v14  }
0xbc: {  	v22 =	vor.u32 v63, v43;
	[tilespmem:v8+s19+$0x0] =	vst.idx.msk $0xffff, v0;
	v4 =	vor.u32 v15, v4;
	v7 =	vld.idx.msk [tilespmem:v7+s4+$0x0], $0xffff  }
0xbd: {  	v8 =	vadd.s32 s30, v36;
	v9 =	vld.idx.msk [tilespmem:v9+s4+$0x0], $0xffff;
	v2 =	vor.u32 v34, v13;
	v13 =	vor.u32 s28, v58  }
0xbe: {  	v0 =	vor.u32 s28, v36;
	v8 =	vand.u32 $0xFFF8, v8;
	[tilespmem:v3+s19+$0x0] =	vst.idx.msk $0xffff, v5;
	v14 =	vor.u32 v16, v44  }
0xbf: {  	v11 =	vor.u32 v34, v11;
	v5 =	vor.u32 v21, v45;
	v3 =	vor.u32 v60, v8;
	v10 =	vld.idx.msk [tilespmem:v10+s4+$0x0], $0xffff  }
0xc0: {  	v8 =	vadd.s32 s29, v56;
	[tilespmem:v6+s19+$0x0] =	vst.idx.msk $0xffff, v1;
	v1 =	vadd.s32 s26, v56;
	v15 =	vor.u32 v16, v45  }
0xc1: {  	v6 =	vor.u32 v21, v43;
	v1 =	vand.u32 $0xFFF8, v1;
	[tilespmem:v4+s19+$0x0] =	vst.idx.msk $0xffff, v7;
	v4 =	vand.u32 $0xFFF8, v8;
	v8 =	vld.idx.msk [tilespmem:v12+s4+$0x0], $0xffff  }
0xc2: {  	v16 =	vor.u32 v16, v43;
	v1 =	vor.u32 v23, v1;
	[tilespmem:v13+s19+$0x0] =	vst.idx.msk $0xffff, v9;
	v12 =	vld.idx.msk [tilespmem:v17+s4+$0x0], $0xffff  }
0xc3: {  	v21 =	vor.u32 v63, v44;
	v13 =	vadd.s32 s29, v39;
	v14 =	vld.idx.msk [tilespmem:v14+s4+$0x0], $0xffff;
	v17 =	vor.u32 v63, v41  }
0xc4: {  	[tilespmem:v11+s19+$0x0] =	vst.idx.msk $0xffff, v10;
	v9 =	vor.u32 v63, v45;
	v7 =	vand.u32 $0xFFF8, v20;
	v13 =	vand.u32 $0xFFF8, v13  }
0xc5: {  	v36 =	vmovc v23;
	v15 =	vld.idx.msk [tilespmem:v15+s4+$0x0], $0xffff;
	v4 =	vor.u32 v23, v4;
	v7 =	vor.u32 v23, v7;
	v23 =	vadd.s32 s30, v39  }
0xc6: {  	v11 =	vor.u32 v29, v13;
	v10 =	vand.u32 $0xFFF8, v23;
	v23 =	vadd.s32 s26, v39;
	[tilespmem:v2+s19+$0x0] =	vst.idx.msk $0xffff, v8  }
0xc7: {  	v13 =	vadd.s32 s29, v38;
	v63 =	vmovc v25;
	v2 =	vand.u32 $0xFFF8, v23;
	v16 =	vld.idx.msk [tilespmem:v16+s4+$0x0], $0xffff;
	[tilespmem:v1+s19+$0x0] =	vst.idx.msk $0xffff, v12;
	v12 =	vadd.s32 s30, v38  }
0xc8: {  	[tilespmem:v0+s19+$0x0] =	vst.idx.msk $0xffff, v14;
	v1 =	vor.u32 v29, v2;
	v2 =	vand.u32 $0xFFF8, v13;
	v13 =	vld.idx.msk [tilespmem:v17+s4+$0x0], $0xffff;
	v12 =	vand.u32 $0xFFF8, v12  }
0xc9: {  	v20 =	vor.u32 s28, v56;
	v17 =	vor.u32 v63, v41;
	v48 =	vor.u32 v30, v12;
	v12 =	vld.idx.msk [tilespmem:v49+s4+$0x0], $0xffff  }
0xca: {  	[tilespmem:v18+s19+$0x0] =	vst.idx.msk $0xffff, v15  }
0xcb: {  	v32 =	vor.u32 v57, v41;
	v5 =	vld.idx.msk [tilespmem:v5+s4+$0x0], $0xffff  }
0xcc: {  	v47 =	vor.u32 v26, v44;
	v50 =	vor.u32 v26, v43;
	v15 =	vadd.s32 s26, v38;
	[tilespmem:v3+s19+$0x0] =	vst.idx.msk $0xffff, v16  }
0xcd: {  	v51 =	vor.u32 v19, v44;
	v15 =	vand.u32 $0xFFF8, v15;
	v3 =	vadd.s32 s30, v27;
	v6 =	vld.idx.msk [tilespmem:v6+s4+$0x0], $0xffff;
	[tilespmem:v1+s19+$0x0] =	vst.idx.msk $0xffff, v13  }
0xce: {  	v1 =	vand.u32 $0xFFF8, v3;
	v3 =	vor.u32 v30, v15;
	v13 =	vld.idx.msk [tilespmem:v17+s4+$0x0], $0xffff;
	[tilespmem:v20+s19+$0x0] =	vst.idx.msk $0xffff, v12  }
0xcf: {  	v24 =	vor.u32 s28, v39;
	v17 =	vor.u32 v35, v1;
	v1 =	vor.u32 v26, v41;
	v15 =	vld.idx.msk [tilespmem:v21+s4+$0x0], $0xffff  }
0xd0: {  	v53 =	vor.u32 s28, v27;
	v54 =	vor.u32 v19, v45;
	v59 =	vor.u32 v19, v43;
	[tilespmem:v4+s19+$0x0] =	vst.idx.msk $0xffff, v5  }
0xd1: {  	v25 =	vor.u32 v25, v44;
	v46 =	vor.u32 v63, v43;
	v10 =	vor.u32 v29, v10;
	v5 =	vld.idx.msk [tilespmem:v9+s4+$0x0], $0xffff  }
0xd2: {  	v58 =	vmovc v29;
	v8 =	vor.u32 v63, v45;
	v14 =	vadd.s32 s29, v27;
	[tilespmem:v7+s19+$0x0] =	vst.idx.msk $0xffff, v6;
	v7 =	vadd.s32 s26, v27  }
0xd3: {  	v14 =	vand.u32 $0xFFF8, v14;
	v29 =	vor.u32 v57, v44;
	[tilespmem:v3+s19+$0x0] =	vst.idx.msk $0xffff, v13;
	v3 =	vand.u32 $0xFFF8, v7;
	v7 =	vld.idx.msk [tilespmem:v22+s4+$0x0], $0xffff  }
0xd4: {  	v0 =	vor.u32 s28, v38;
	v62 =	vor.u32 v35, v14;
	v14 =	vadd.s32 s30, v61;
	[tilespmem:v24+s19+$0x0] =	vst.idx.msk $0xffff, v15;
	v1 =	vld.idx.msk [tilespmem:v1+s4+$0x0], $0xffff  }
0xd5: {  	v16 =	vand.u32 $0xFFF8, v14;
	v4 =	vadd.s32 s29, v28;
	v6 =	vadd.s32 s30, v28;
	v56 =	vld [tilespmem:$0x1FDA0]  }
0xd6: {  	v4 =	vand.u32 $0xFFF8, v4;
	v9 =	vor.u32 v35, v3;
	v3 =	vand.u32 $0xFFF8, v6;
	v6 =	vld.idx.msk [tilespmem:v25+s4+$0x0], $0xffff;
	[tilespmem:v11+s19+$0x0] =	vst.idx.msk $0xffff, v5  }
0xd7: {  	v39 =	vmovc v30;
	v2 =	vor.u32 v30, v2;
	v18 =	vor.u32 v33, v4;
	v4 =	vor.u32 v19, v41;
	v30 =	vld [tilespmem:$0x1FDB0]  }
0xd8: {  	v38 =	vor.u32 v57, v43;
	v49 =	vor.u32 v26, v45;
	v12 =	vadd.s32 s29, v61;
	v8 =	vld.idx.msk [tilespmem:v8+s4+$0x0], $0xffff  }
0xd9: {  	v55 =	vor.u32 v40, v16;
	v26 =	vor.u32 s28, v28;
	v12 =	vand.u32 $0xFFF8, v12;
	v16 =	vmovc v28  }
0xda: {  	v14 =	vor.u32 v40, v12;
	v27 =	vor.u32 v57, v45;
	v28 =	vld [tilespmem:$0x1FDC0];
	[tilespmem:v10+s19+$0x0] =	vst.idx.msk $0xffff, v7;
	v7 =	vadd.s32 s26, v61  }
0xdb: {  	v57 =	vor.u32 v42, v43;
	v21 =	vor.u32 v33, v3;
	v7 =	vand.u32 $0xFFF8, v7;
	[tilespmem:v9+s19+$0x0] =	vst.idx.msk $0xffff, v1  }
0xdc: {  	v63 =	vor.u32 s28, v61;
	v1 =	vor.u32 v40, v7;
	v7 =	vadd.s32 s29, v52;
	v4 =	vld.idx.msk [tilespmem:v4+s4+$0x0], $0xffff;
	[tilespmem:v0+s19+$0x0] =	vst.idx.msk $0xffff, v6  }
0xdd: {  	v6 =	vadd.s32 s30, v52;
	v5 =	vadd.s32 s29, v30;
	v11 =	vadd.s32 s30, v30;
	v47 =	vld.idx.msk [tilespmem:v47+s4+$0x0], $0xffff;
	[tilespmem:v2+s19+$0x0] =	vst.idx.msk $0xffff, v8  }
0xde: {  	v0 =	vand.u32 $0xFFF8, v7;
	v5 =	vand.u32 $0xFFF8, v5;
	v11 =	vand.u32 $0xFFF8, v11;
	v8 =	vld [tilespmem:$0x1FDE0]  }
0xdf: {  	v10 =	vor.u32 v34, v11;
	v11 =	vor.u32 v60, v0;
	v0 =	vand.u32 $0xFFF8, v6;
	v6 =	vld [tilespmem:$0x1FDD0]  }
0xe0: {  	v61 =	vadd.s32 s30, v31;
	v9 =	vor.u32 s28, v52;
	v15 =	vor.u32 v34, v5;
	v5 =	vld.idx.msk [tilespmem:v46+s4+$0x0], $0xffff  }
0xe1: {  	v24 =	vor.u32 v56, v44;
	v23 =	vor.u32 v56, v45;
	v22 =	vor.u32 v56, v43  }
0xe2: {  	v3 =	vor.u32 v28, v44;
	v25 =	vor.u32 s28, v30;
	v19 =	vor.u32 v28, v45  }
0xe3: {  	v20 =	vor.u32 v28, v43;
	v49 =	vld.idx.msk [tilespmem:v49+s4+$0x0], $0xffff;
	v7 =	vor.u32 v60, v0;
	[tilespmem:v1+s19+$0x0] =	vst.idx.msk $0xffff, v4  }
0xe4: {  	v0 =	vadd.s32 s26, v16;
	[tilespmem:v53+s19+$0x0] =	vst.idx.msk $0xffff, v47;
	v2 =	vadd.s32 s29, v8;
	v12 =	vor.u32 v6, v44  }
0xe5: {  	v53 =	vld.idx.msk [tilespmem:v51+s4+$0x0], $0xffff;
	[tilespmem:v48+s19+$0x0] =	vst.idx.msk $0xffff, v5;
	v13 =	vor.u32 v6, v45;
	v5 =	vadd.s32 s30, v8;
	v2 =	vand.u32 $0xFFF8, v2  }
0xe6: {  	v16 =	vor.u32 v6, v43;
	v6 =	vand.u32 $0xFFF8, v0;
	v48 =	vld.idx.msk [tilespmem:v50+s4+$0x0], $0xffff;
	v0 =	vor.u32 v36, v2  }
0xe7: {  	v1 =	vand.u32 $0xFFF8, v5;
	v50 =	vor.u32 v33, v6;
	v6 =	vor.u32 s28, v8;
	v5 =	vld [tilespmem:$0x1FDF0]  }
0xe8: {  	v33 =	vor.u32 v56, v41;
	v2 =	vadd.s32 s29, v37;
	[tilespmem:v62+s19+$0x0] =	vst.idx.msk $0xffff, v49;
	v62 =	vor.u32 s28, v37  }
0xe9: {  	v46 =	vld.idx.msk [tilespmem:v32+s4+$0x0], $0xffff;
	v1 =	vor.u32 v36, v1;
	v2 =	vand.u32 $0xFFF8, v2;
	v36 =	vadd.s32 s30, v37  }
0xea: {  	v37 =	vadd.s32 s29, v31;
	v56 =	vor.u32 v58, v2;
	v2 =	vand.u32 $0xFFF8, v36  }
0xeb: {  	v47 =	vld.idx.msk [tilespmem:v54+s4+$0x0], $0xffff;
	v54 =	vadd.s32 s26, v30;
	v60 =	vor.u32 v58, v2;
	v2 =	vor.u32 v42, v44  }
0xec: {  	v58 =	vor.u32 v42, v45;
	[tilespmem:v63+s19+$0x0] =	vst.idx.msk $0xffff, v53;
	v53 =	vor.u32 s28, v31;
	v8 =	vor.u32 v5, v44  }
0xed: {  	v4 =	vor.u32 v5, v45;
	v5 =	vor.u32 v5, v43;
	[tilespmem:v17+s19+$0x0] =	vst.idx.msk $0xffff, v48;
	v17 =	vand.u32 $0xFFF8, v54  }
0xee: {  	[tilespmem:v50+s19+$0x0] =	vst.idx.msk $0xffff, v46;
	v46 =	vand.u32 $0xFFF8, v61;
	v48 =	vor.u32 v34, v17;
	v51 =	vld.idx.msk [tilespmem:v59+s4+$0x0], $0xffff;
	v17 =	vand.u32 $0xFFF8, v37  }
0xef: {  	s1 =	sadd.s32 $0x40, s10;
	s0 =	simm.s32 $0x0;
	v50 =	vor.u32 v28, v41;
	v49 =	vld.idx.msk [tilespmem:v33+s4+$0x0], $0xffff;
	v28 =	vor.u32 v39, v46;
	v52 =	vor.u32 v39, v17  }
.LBB2_3:
0xf0: {  	v34 =	vld [tilespmem:$0x1FE40];
	_ =	sdelay $0x1  }
0xf1: {  	v54 =	vld [tilespmem:s1+$0x10]  }
0xf2: {  	v46 =	vld [tilespmem:$0x1FE90]  }
0xf3: {  	[tilespmem:v55+s19+$0x0] =	vst.idx.msk $0xffff, v51;
	v51 =	vmov v28;
	v28 =	vld [tilespmem:$0x1FF10]  }
0xf4: {  	v29 =	vld.idx.msk [tilespmem:v29+s4+$0x0], $0xffff;
	v36 =	vadd.s32 s29, v34  }
0xf5: {  	[tilespmem:v14+s19+$0x0] =	vst.idx.msk $0xffff, v47;
	v47 =	vand.u32 $0xFFF8, v36;
	v36 =	vld [tilespmem:$0x1FE80]  }
0xf6: {  	[tilespmem:v48+s19+$0x0] =	vst.idx.msk $0xffff, v49;
	v48 =	vld [tilespmem:s1+$0xFFFFFFE0]  }
0xf7: {  	v49 =	vld.idx.msk [tilespmem:v50+s4+$0x0], $0xffff  }
0xf8: {  	v27 =	vld.idx.msk [tilespmem:v27+s4+$0x0], $0xffff;
	v33 =	vadd.s32 s30, v34;
	v39 =	vadd.s32 s26, v28  }
0xf9: {  	[tilespmem:v26+s19+$0x0] =	vst.idx.msk $0xffff, v29;
	v37 =	vand.u32 $0xFFF8, v33;
	v33 =	vld [tilespmem:$0x1FE20];
	v42 =	vand.u32 $0xFFF8, v39  }
0xfa: {  	v24 =	vld.idx.msk [tilespmem:v24+s4+$0x0], $0xffff;
	v59 =	vor.u32 v36, v42  }
0xfb: {  	v32 =	vor.u32 v35, v47;
	v47 =	vld [tilespmem:$0x1FDD0];
	v28 =	vor.u32 s28, v34  }
0xfc: {  	[tilespmem:$0x1FD20] =	vst v28;
	v28 =	vor.u32 v35, v37;
	v35 =	vld [tilespmem:$0x1FE50]  }
0xfd: {  	v37 =	vld [tilespmem:$0x1FD80]  }
0xfe: {  	v30 =	vld [tilespmem:s1+$0xFFFFFFF0];
	[tilespmem:$0x1FD30] =	vst v32  }
0xff: {  	[tilespmem:v59+s19+$0x0] =	vst.idx.msk $0xffff, v49;
	v59 =	vld [tilespmem:$0x1FDE0]  }
0x100: {  	v17 =	vor.u32 v46, v44;
	v14 =	vor.u32 v46, v45;
	v31 =	vld [tilespmem:s1+$0x0];
	[tilespmem:v18+s19+$0x0] =	vst.idx.msk $0xffff, v27  }
0x101: {  	v55 =	vor.u32 v46, v43;
	v23 =	vld.idx.msk [tilespmem:v23+s4+$0x0], $0xffff;
	v39 =	vadd.s32 s29, v33;
	v42 =	vadd.s32 s30, v33;
	[tilespmem:v25+s19+$0x0] =	vst.idx.msk $0xffff, v24  }
0x102: {  	[tilespmem:$0x1FD40] =	vst v28;
	v63 =	vor.u32 v47, v41;
	v28 =	vor.u32 v35, v45;
	v61 =	vsub.f32 v37, v54  }
0x103: {  	v32 =	vand.u32 $0xFFF8, v42;
	v3 =	vld.idx.msk [tilespmem:v3+s4+$0x0], $0xffff;
	v50 =	vor.u32 v35, v44;
	[tilespmem:$0x1FD50] =	vst v28;
	v28 =	vor.u32 v35, v43  }
0x104: {  	v48 =	vsub.f32 v37, v48;
	[tilespmem:$0x1FD60] =	vst v28;
	v45 =	vmax.f32 v61, $-4.000000000e+00;
	v28 =	vld.idx.msk [tilespmem:v38+s4+$0x0], $0xffff;
	v61 =	vadd.s32 s26, v59  }
0x105: {  	v30 =	vsub.f32 v37, v30;
	v31 =	vsub.f32 v37, v31;
	v44 =	vand.u32 $0xFFF8, v61;
	v61 =	vld [tilespmem:$0x1FEA0]  }
0x106: {  	v54 =	vand.u32 $0xFFF8, v39;
	[tilespmem:v15+s19+$0x0] =	vst.idx.msk $0xffff, v23;
	v15 =	vld [tilespmem:$0x1FE70];
	v48 =	vmax.f32 v48, $-4.000000000e+00;
	v45 =	vmin.f32 v45, $4.000000000e+00  }
0x107: {  	v37 =	vor.u32 s28, v33;
	v49 =	vld [tilespmem:$0x1FDF0];
	v29 =	vmin.f32 v48, $4.000000000e+00;
	v45 =	vadd.f32 $4.000000000e+00, v45  }
0x108: {  	v19 =	vld.idx.msk [tilespmem:v19+s4+$0x0], $0xffff;
	v30 =	vmax.f32 v30, $-4.000000000e+00;
	v31 =	vmax.f32 v31, $-4.000000000e+00;
	v27 =	vadd.f32 $4.000000000e+00, v29  }
0x109: {  	v43 =	vld.idx.msk [tilespmem:v63+s4+$0x0], $0xffff;
	v30 =	vmin.f32 v30, $4.000000000e+00;
	v48 =	vor.u32 v40, v54;
	v45 =	vmul.f32 $1.000000000e+01, v45  }
0x10a: {  	v54 =	vld [tilespmem:$0x1FEB0];
	v27 =	vmul.f32 $1.000000000e+01, v27;
	[tilespmem:v21+s19+$0x0] =	vst.idx.msk $0xffff, v28;
	v21 =	vadd.f32 $4.000000000e+00, v30;
	v26 =	vor.u32 v61, v44  }
0x10b: {  	v39 =	vld [tilespmem:$0x1FEC0];
	v31 =	vmin.f32 v31, $4.000000000e+00;
	v30 =	vor.u32 v40, v32;
	v29 =	vadd.f32 $5.000000000e-01, v45  }
0x10c: {  	v18 =	vor.u32 v49, v41;
	v22 =	vld.idx.msk [tilespmem:v22+s4+$0x0], $0xffff;
	[tilespmem:$0x1FD70] =	vst v30;
	v30 =	vadd.f32 $5.000000000e-01, v27;
	v21 =	vmul.f32 $1.000000000e+01, v21  }
0x10d: {  	[tilespmem:v9+s19+$0x0] =	vst.idx.msk $0xffff, v3;
	v15 =	vor.u32 v15, v41;
	v28 =	vadd.f32 $4.000000000e+00, v31;
	v29 =	vtrunc.f32 v29  }
0x10e: {  	v42 =	vld [tilespmem:$0x1FE10];
	[tilespmem:v11+s19+$0x0] =	vst.idx.msk $0xffff, v19;
	v25 =	vtrunc.f32 v30;
	v29 =	vcvt.f32.s32 v29;
	v31 =	vadd.f32 $5.000000000e-01, v21  }
0x10f: {  	v12 =	vld.idx.msk [tilespmem:v12+s4+$0x0], $0xffff;
	v28 =	vmul.f32 $1.000000000e+01, v28;
	v23 =	vcvt.f32.s32 v25;
	[tilespmem:v26+s19+$0x0] =	vst.idx.msk $0xffff, v43;
	v26 =	vadd.s32 s26, v54  }
0x110: {  	v13 =	vld.idx.msk [tilespmem:v13+s4+$0x0], $0xffff;
	v63 =	vcvt.s32.f32 v29;
	v25 =	vtrunc.f32 v31;
	v26 =	vand.u32 $0xFFF8, v26  }
0x111: {  	[tilespmem:v10+s19+$0x0] =	vst.idx.msk $0xffff, v22;
	v10 =	vcvt.f32.s32 v25;
	v25 =	vand.u32 $0x1, v29;
	v18 =	vld.idx.msk [tilespmem:v18+s4+$0x0], $0xffff;
	v24 =	vor.u32 v39, v26  }
0x112: {  	v20 =	vld.idx.msk [tilespmem:v20+s4+$0x0], $0xffff;
	v30 =	vsub.f32 v63, v45;
	vm1 =	veq.s32 v25, $0x1;
	v25 =	vcvt.s32.f32 v23  }
0x113: {  	v11 =	vor.u32 v46, v41;
	v31 =	vimm.s32 $0x0;
	v26 =	vadd.f32 $5.000000000e-01, v28  }
0x114: {  	v59 =	vld [tilespmem:$0x1FED0];
	[tilespmem:v6+s19+$0x0] =	vst.idx.msk $0xffff, v12;
	vm0 =	veq.f32 v30, $5.000000000e-01;
	v9 =	vsub.f32 v25, v27;
	v25 =	vand.u32 $0x1, v23  }
0x115: {  	v8 =	vld.idx.msk [tilespmem:v8+s4+$0x0], $0xffff;
	[tilespmem:v0+s19+$0x0] =	vst.idx.msk $0xffff, v13;
	vm0 =	vmand vm0, vm1;
	vm3 =	veq.s32 v25, $0x1;
	v22 =	vtrunc.f32 v26  }
0x116: {  	v4 =	vld.idx.msk [tilespmem:v4+s4+$0x0], $0xffff;
	vm13 =	veq.f32 v9, $5.000000000e-01;
	v22 =	vcvt.f32.s32 v22;
	[tilespmem:v24+s19+$0x0] =	vst.idx.msk $0xffff, v18;
	v24 =	vcvt.s32.f32 v10  }
0x117: {  	v63 =	vld [tilespmem:$0x1FE00];
	[tilespmem:v7+s19+$0x0] =	vst.idx.msk $0xffff, v20;
	v26 =	vsel vm0, $0xFFFFFFFF, v31;
	vm0 =	vmand vm13, vm3;
	v18 =	vadd.s32 s26, v42  }
0x118: {  	v7 =	vld.idx.msk [tilespmem:v16+s4+$0x0], $0xffff;
	v30 =	vcvt.s32.f32 v22;
	v18 =	vand.u32 $0xFFF8, v18;
	v19 =	vsub.f32 v24, v21  }
0x119: {  	v26 =	vadd.s32 v29, v26;
	v29 =	vlaneseq.u32;
	v15 =	vld.idx.msk [tilespmem:v15+s4+$0x0], $0xffff;
	v3 =	vor.u32 v59, v18  }
0x11a: {  	v12 =	vsel vm0, $0xFFFFFFFF, v31;
	v21 =	vsub.f32 v30, v28;
	vm14 =	veq.f32 v19, $5.000000000e-01;
	v19 =	vld [tilespmem:$0x1FFA0]  }
0x11b: {  	v16 =	vld [tilespmem:$0x1FE60];
	v0 =	vadd.s32 v23, v12;
	v27 =	vand.u32 $0x1, v22;
	v18 =	vshll.u32 v26, $0x4  }
0x11c: {  	vm5 =	veq.s32 v27, $0x1;
	v28 =	vld [tilespmem:$0x1FE30];
	v24 =	vor.u32 v29, v18;
	vm2 =	veq.f32 v21, $5.000000000e-01  }
0x11d: {  	s28 =	sadd.s32 $0xC00, s28;
	v20 =	vld [tilespmem:$0x1FFB0];
	v44 =	vshll.u32 v0, $0x4;
	[tilespmem:v1+s19+$0x0] =	vst.idx.msk $0xffff, v7;
	v26 =	vand.u32 $0x1, v10;
	vm15 =	vmand vm2, vm5  }
0x11e: {  	s31 =	sadd.s32 $0x900, s28;
	v5 =	vld.idx.msk [tilespmem:v5+s4+$0x0], $0xffff;
	vm4 =	veq.s32 v26, $0x1;
	v13 =	vsel vm15, $0xFFFFFFFF, v31;
	[tilespmem:v3+s19+$0x0] =	vst.idx.msk $0xffff, v15;
	v3 =	vadd.s32 s26, v34  }
0x11f: {  	v1 =	vadd.s32 v22, v13;
	v22 =	vld [tilespmem:$0x1FFC0];
	v3 =	vand.u32 $0xFFF8, v3;
	v9 =	vadd.s32 s31, v19  }
0x120: {  	[tilespmem:v62+s19+$0x0] =	vst.idx.msk $0xffff, v8;
	vm1 =	vmand vm14, vm4;
	v11 =	vld.idx.msk [tilespmem:v11+s4+$0x0], $0xffff;
	v3 =	vor.u32 v16, v3;
	v9 =	vand.u32 $0xFFF8, v9  }
0x121: {  	v15 =	vld.idx.msk [tilespmem:v24+s4+$0x0], $0xffff;
	v43 =	vshll.u32 v1, $0x4;
	v1 =	vor.u32 v29, v44;
	v9 =	vor.u32 v28, v9  }
0x122: {  	v6 =	vor.u32 v35, v41;
	v2 =	vld.idx.msk [tilespmem:v2+s4+$0x0], $0xffff;
	v12 =	vsel vm1, $0xFFFFFFFF, v31  }
0x123: {  	[tilespmem:v56+s19+$0x0] =	vst.idx.msk $0xffff, v4;
	v25 =	vld [tilespmem:$0x1FF50];
	v0 =	vadd.s32 v10, v12;
	v16 =	vor.u32 v20, v18  }
0x124: {  	v21 =	vld [tilespmem:$0x1FD90];
	[tilespmem:v60+s19+$0x0] =	vst.idx.msk $0xffff, v5;
	v45 =	vshll.u32 v0, $0x4;
	v0 =	vadd.s32 s26, v33  }
0x125: {  	v23 =	vld [tilespmem:$0x1FF70];
	s26 =	smov.u32 s31;
	v0 =	vand.u32 $0xFFF8, v0;
	[tilespmem:v3+s19+$0x0] =	vst.idx.msk $0xffff, v11  }
0x126: {  	v7 =	vor.u32 v29, v45;
	v4 =	vor.u32 s28, v19;
	v1 =	vld.idx.msk [tilespmem:v1+s4+$0x0], $0xffff;
	v3 =	vadd.s32 s26, v22;
	[tilespmem:v9+s19+$0x0] =	vst.idx.msk $0xffff, v15  }
0x127: {  	s29 =	sadd.s32 $0x300, s28;
	v5 =	vor.u32 v20, v44;
	v0 =	vor.u32 v40, v0;
	v3 =	vand.u32 $0xFFF8, v3;
	v6 =	vld.idx.msk [tilespmem:v6+s4+$0x0], $0xffff  }
0x128: {  	s30 =	sadd.s32 $0x600, s28;
	v41 =	vmovc v18;
	v10 =	vadd.s32 s29, v19;
	v11 =	vor.u32 v29, v43;
	v3 =	vor.u32 v63, v3;
	v9 =	vld.idx.msk [tilespmem:v16+s4+$0x0], $0xffff  }
0x129: {  	v26 =	vld [tilespmem:$0x1FF60];
	v12 =	vor.u32 v21, v41;
	v8 =	vand.u32 $0xFFF8, v10;
	v10 =	vadd.s32 s30, v19  }
0x12a: {  	v13 =	vld.idx.msk [tilespmem:v58+s4+$0x0], $0xffff;
	v18 =	vor.u32 v20, v43;
	v8 =	vor.u32 v28, v8;
	v10 =	vand.u32 $0xFFF8, v10  }
0x12b: {  	v10 =	vor.u32 v28, v10;
	v19 =	vadd.s32 s30, v22;
	v7 =	vld.idx.msk [tilespmem:v7+s4+$0x0], $0xffff;
	[tilespmem:v4+s19+$0x0] =	vst.idx.msk $0xffff, v1  }
0x12c: {  	v15 =	vor.u32 v20, v45;
	v16 =	vadd.s32 s29, v22;
	v1 =	vor.u32 s28, v23;
	v5 =	vld.idx.msk [tilespmem:v5+s4+$0x0], $0xffff;
	[tilespmem:v0+s19+$0x0] =	vst.idx.msk $0xffff, v6  }
0x12d: {  	v4 =	vadd.s32 s29, v23;
	v0 =	vand.u32 $0xFFF8, v16;
	v6 =	vld.idx.msk [tilespmem:v11+s4+$0x0], $0xffff;
	v11 =	vand.u32 $0xFFF8, v19;
	[tilespmem:v3+s19+$0x0] =	vst.idx.msk $0xffff, v9  }
0x12e: {  	[tilespmem:v53+s19+$0x0] =	vst.idx.msk $0xffff, v2;
	v3 =	vadd.s32 s26, v23;
	v9 =	vor.u32 v63, v11;
	v11 =	vld.idx.msk [tilespmem:v12+s4+$0x0], $0xffff;
	v12 =	vor.u32 s28, v22  }
0x12f: {  	v17 =	vld.idx.msk [tilespmem:v17+s4+$0x0], $0xffff;
	v16 =	vor.u32 v21, v44;
	v23 =	vadd.s32 s30, v23;
	v3 =	vand.u32 $0xFFF8, v3  }
0x130: {  	[tilespmem:v8+s19+$0x0] =	vst.idx.msk $0xffff, v7;
	v7 =	vand.u32 $0xFFF8, v23;
	v23 =	vld [tilespmem:$0x1FFD0];
	v3 =	vor.u32 v36, v3  }
0x131: {  	v8 =	vld.idx.msk [tilespmem:v15+s4+$0x0], $0xffff  }
0x132: {  	v19 =	vld.idx.msk [tilespmem:v57+s4+$0x0], $0xffff;
	v0 =	vor.u32 v63, v0;
	v22 =	vor.u32 v25, v41;
	[tilespmem:v10+s19+$0x0] =	vst.idx.msk $0xffff, v6  }
0x133: {  	v20 =	vor.u32 v21, v45;
	v15 =	vld.idx.msk [tilespmem:v18+s4+$0x0], $0xffff;
	[tilespmem:v12+s19+$0x0] =	vst.idx.msk $0xffff, v5  }
0x134: {  	v24 =	vor.u32 v25, v44;
	[tilespmem:v52+s19+$0x0] =	vst.idx.msk $0xffff, v13;
	v21 =	vor.u32 v21, v43;
	v16 =	vld.idx.msk [tilespmem:v16+s4+$0x0], $0xffff  }
0x135: {  	v14 =	vld.idx.msk [tilespmem:v14+s4+$0x0], $0xffff;
	v6 =	vor.u32 v36, v7;
	[tilespmem:v3+s19+$0x0] =	vst.idx.msk $0xffff, v11;
	v3 =	vadd.s32 s26, v23  }
0x136: {  	v7 =	vor.u32 v25, v45;
	v11 =	vor.u32 v25, v43;
	v25 =	vld [tilespmem:$0x1FFE0];
	v3 =	vand.u32 $0xFFF8, v3  }
0x137: {  	v4 =	vand.u32 $0xFFF8, v4;
	[tilespmem:v0+s19+$0x0] =	vst.idx.msk $0xffff, v8;
	v22 =	vld.idx.msk [tilespmem:v22+s4+$0x0], $0xffff;
	v3 =	vor.u32 v61, v3  }
0x138: {  	v4 =	vor.u32 v36, v4;
	v0 =	vadd.s32 s29, v26;
	v10 =	vadd.s32 s29, v23;
	v20 =	vld.idx.msk [tilespmem:v20+s4+$0x0], $0xffff;
	[tilespmem:v9+s19+$0x0] =	vst.idx.msk $0xffff, v15  }
0x139: {  	v18 =	vadd.s32 s30, v23;
	v5 =	vor.u32 s28, v23;
	v2 =	vand.u32 $0xFFF8, v10;
	v21 =	vld.idx.msk [tilespmem:v21+s4+$0x0], $0xffff;
	[tilespmem:v1+s19+$0x0] =	vst.idx.msk $0xffff, v16  }
0x13a: {  	v10 =	vand.u32 $0xFFF8, v18;
	v23 =	vadd.s32 s30, v26;
	v13 =	vor.u32 v61, v2;
	[tilespmem:v51+s19+$0x0] =	vst.idx.msk $0xffff, v19;
	v19 =	vld.idx.msk [tilespmem:v24+s4+$0x0], $0xffff  }
0x13b: {  	v2 =	vor.u32 v25, v41;
	v12 =	vor.u32 v25, v44;
	v18 =	vor.u32 v25, v45;
	v24 =	vld [tilespmem:$0x1FEE0]  }
0x13c: {  	v8 =	vor.u32 v25, v43;
	v25 =	vor.u32 s28, v26;
	[tilespmem:v3+s19+$0x0] =	vst.idx.msk $0xffff, v22;
	v3 =	vadd.s32 s26, v26;
	v26 =	vld [tilespmem:$0x1FF80];
	_ =	sdelay $0x2  }
0x13d: {  	v35 =	vld [tilespmem:$0x1FE60]  }
0x13e: {  	v9 =	vand.u32 $0xFFF8, v23;
	v23 =	vld.idx.msk [tilespmem:v2+s4+$0x0], $0xffff;
	v2 =	vand.u32 $0xFFF8, v3  }
0x13f: {  	[tilespmem:v4+s19+$0x0] =	vst.idx.msk $0xffff, v20;
	v3 =	vor.u32 v39, v2;
	v20 =	vadd.s32 s29, v24;
	v22 =	vor.u32 v26, v44  }
0x140: {  	v30 =	vor.u32 v26, v45;
	v31 =	vor.u32 v26, v43;
	v26 =	vor.u32 v26, v41  }
0x141: {  	v20 =	vand.u32 $0xFFF8, v20  }
0x142: {  	v53 =	vor.u32 v35, v20;
	v20 =	vld [tilespmem:$0x1FD30];
	_ =	sdelay $0x1  }
0x143: {  	v29 =	vld [tilespmem:$0x1FFF0];
	[tilespmem:v3+s19+$0x0] =	vst.idx.msk $0xffff, v23  }
0x144: {  	v23 =	vld.idx.msk [tilespmem:v26+s4+$0x0], $0xffff  }
0x145: {  	v26 =	vld [tilespmem:$0x1FD20];
	_ =	sdelay $0x2  }
0x146: {  	v7 =	vld.idx.msk [tilespmem:v7+s4+$0x0], $0xffff  }
0x147: {  	[tilespmem:v20+s19+$0x0] =	vst.idx.msk $0xffff, v14;
	v14 =	vld [tilespmem:$0x1FD40]  }
0x148: {  	v15 =	vadd.s32 s29, v29  }
0x149: {  	v27 =	vld [tilespmem:$0x1FF00];
	v2 =	vand.u32 $0xFFF8, v15;
	v15 =	vadd.s32 s30, v29;
	v3 =	vadd.s32 s26, v29  }
0x14a: {  	v16 =	vor.u32 v59, v2;
	v2 =	vand.u32 $0xFFF8, v15;
	v15 =	vld.idx.msk [tilespmem:v55+s4+$0x0], $0xffff;
	[tilespmem:v6+s19+$0x0] =	vst.idx.msk $0xffff, v21;
	v3 =	vand.u32 $0xFFF8, v3  }
0x14b: {  	v3 =	vor.u32 v59, v3;
	[tilespmem:v26+s19+$0x0] =	vst.idx.msk $0xffff, v17  }
0x14c: {  	v10 =	vor.u32 v61, v10;
	v11 =	vld.idx.msk [tilespmem:v11+s4+$0x0], $0xffff;
	[tilespmem:v5+s19+$0x0] =	vst.idx.msk $0xffff, v19  }
0x14d: {  	v12 =	vld.idx.msk [tilespmem:v12+s4+$0x0], $0xffff;
	_ =	sdelay $0x1  }
0x14e: {  	v20 =	vor.u32 v27, v41;
	[tilespmem:v14+s19+$0x0] =	vst.idx.msk $0xffff, v15;
	v15 =	vld [tilespmem:$0x1FF30]  }
0x14f: {  	v33 =	vld [tilespmem:$0x1FEF0];
	[tilespmem:v3+s19+$0x0] =	vst.idx.msk $0xffff, v23  }
0x150: {  	v51 =	vld.idx.msk [tilespmem:v50+s4+$0x0], $0xffff;
	[tilespmem:v10+s19+$0x0] =	vst.idx.msk $0xffff, v11  }
0x151: {  	v3 =	vadd.s32 s26, v24;
	[tilespmem:v25+s19+$0x0] =	vst.idx.msk $0xffff, v12;
	v12 =	vld [tilespmem:$0x1FDB0]  }
0x152: {  	v9 =	vor.u32 v39, v9;
	v3 =	vand.u32 $0xFFF8, v3;
	v8 =	vld.idx.msk [tilespmem:v8+s4+$0x0], $0xffff  }
0x153: {  	[tilespmem:v13+s19+$0x0] =	vst.idx.msk $0xffff, v7;
	v10 =	vld.idx.msk [tilespmem:v20+s4+$0x0], $0xffff;
	v11 =	vor.u32 v35, v3;
	v7 =	vadd.s32 s30, v15  }
0x154: {  	v7 =	vand.u32 $0xFFF8, v7  }
0x155: {  	v21 =	vadd.s32 s30, v24;
	v55 =	vor.u32 v40, v7;
	v7 =	vadd.s32 s30, v33  }
0x156: {  	v17 =	vand.u32 $0xFFF8, v21;
	v3 =	vand.u32 $0xFFF8, v7;
	v7 =	vld [tilespmem:$0x1FD50];
	v12 =	vadd.s32 s29, v12  }
0x157: {  	v62 =	vld [tilespmem:$0x1FF40];
	v46 =	vor.u32 v35, v17;
	v5 =	vadd.s32 s29, v15;
	[tilespmem:v9+s19+$0x0] =	vst.idx.msk $0xffff, v8;
	v9 =	vand.u32 $0xFFF8, v12  }
0x158: {  	v17 =	vor.u32 s28, v15;
	[tilespmem:v11+s19+$0x0] =	vst.idx.msk $0xffff, v10;
	v11 =	vadd.s32 s26, v15;
	v15 =	vor.u32 v63, v9;
	v9 =	vld [tilespmem:$0x1FDB0]  }
0x159: {  	v60 =	vld [tilespmem:$0x1FF20]  }
0x15a: {  	v0 =	vand.u32 $0xFFF8, v0;
	v13 =	vld.idx.msk [tilespmem:v18+s4+$0x0], $0xffff  }
0x15b: {  	v0 =	vor.u32 v39, v0;
	v5 =	vand.u32 $0xFFF8, v5;
	v8 =	vld [tilespmem:$0x1FDB0]  }
0x15c: {  	v14 =	vor.u32 v40, v5;
	v5 =	vadd.s32 s29, v33;
	v12 =	vld [tilespmem:$0x1FF10]  }
0x15d: {  	v32 =	vor.u32 v27, v44;
	v5 =	vand.u32 $0xFFF8, v5;
	v25 =	vor.u32 s28, v9;
	v9 =	vld [tilespmem:$0x1FD60]  }
0x15e: {  	v38 =	vor.u32 v62, v43;
	v18 =	vor.u32 v28, v5;
	v5 =	vor.u32 v60, v41;
	v50 =	vld.idx.msk [tilespmem:v7+s4+$0x0], $0xffff  }
0x15f: {  	v56 =	vor.u32 v60, v45;
	v58 =	vor.u32 v60, v43;
	v1 =	vor.u32 s28, v29;
	v7 =	vld.idx.msk [tilespmem:v22+s4+$0x0], $0xffff  }
0x160: {  	v52 =	vor.u32 v27, v45;
	v4 =	vor.u32 v59, v2;
	[tilespmem:v0+s19+$0x0] =	vst.idx.msk $0xffff, v13;
	v13 =	vld.idx.msk [tilespmem:v31+s4+$0x0], $0xffff  }
0x161: {  	v34 =	vld [tilespmem:$0x1FDC0];
	v6 =	vor.u32 v27, v43;
	v2 =	vor.u32 v60, v44;
	v8 =	vadd.s32 s30, v8  }
0x162: {  	v29 =	vor.u32 v62, v44;
	v27 =	vor.u32 v62, v45;
	v60 =	vld [tilespmem:$0x1FDA0];
	v8 =	vand.u32 $0xFFF8, v8  }
0x163: {  	v10 =	vor.u32 v63, v8;
	v5 =	vld.idx.msk [tilespmem:v5+s4+$0x0], $0xffff;
	v8 =	vand.u32 $0xFFF8, v11;
	v11 =	vadd.s32 s29, v12;
	[tilespmem:v37+s19+$0x0] =	vst.idx.msk $0xffff, v51  }
0x164: {  	v8 =	vor.u32 v40, v8;
	v31 =	vor.u32 v62, v41;
	v0 =	vld.idx.msk [tilespmem:v30+s4+$0x0], $0xffff;
	[tilespmem:v1+s19+$0x0] =	vst.idx.msk $0xffff, v7  }
0x165: {  	v1 =	vand.u32 $0xFFF8, v11;
	v7 =	vadd.s32 s30, v12;
	v30 =	vld.idx.msk [tilespmem:v9+s4+$0x0], $0xffff;
	[tilespmem:v4+s19+$0x0] =	vst.idx.msk $0xffff, v13;
	v4 =	vadd.s32 s26, v33  }
0x166: {  	v62 =	vld [tilespmem:$0x1FDE0];
	v11 =	vor.u32 v36, v1;
	v1 =	vand.u32 $0xFFF8, v7;
	v4 =	vand.u32 $0xFFF8, v4  }
0x167: {  	v57 =	vor.u32 s28, v24;
	v7 =	vor.u32 v36, v1;
	v36 =	vor.u32 v28, v4;
	v4 =	vld [tilespmem:$0x1FD70]  }
0x168: {  	v19 =	vor.u32 v34, v45;
	v20 =	vor.u32 v34, v43;
	v21 =	vor.u32 v28, v3  }
0x169: {  	v3 =	vor.u32 v34, v44;
	v24 =	vor.u32 v60, v44;
	[tilespmem:v8+s19+$0x0] =	vst.idx.msk $0xffff, v5;
	v32 =	vld.idx.msk [tilespmem:v32+s4+$0x0], $0xffff  }
0x16a: {  	v26 =	vor.u32 s28, v33;
	v23 =	vor.u32 v60, v45;
	v22 =	vor.u32 v60, v43;
	v37 =	vld [tilespmem:$0x1FDB0];
	[tilespmem:v16+s19+$0x0] =	vst.idx.msk $0xffff, v0  }
0x16b: {  	v8 =	vor.u32 v49, v44;
	v16 =	vmovc v47;
	v9 =	vor.u32 s28, v12;
	v12 =	vor.u32 v47, v44;
	v47 =	vld.idx.msk [tilespmem:v52+s4+$0x0], $0xffff  }
0x16c: {  	v5 =	vadd.s32 s29, v54;
	v31 =	vld.idx.msk [tilespmem:v31+s4+$0x0], $0xffff;
	v0 =	vadd.s32 s29, v62;
	v13 =	vor.u32 v16, v45  }
0x16d: {  	v1 =	vadd.s32 s30, v62;
	v0 =	vand.u32 $0xFFF8, v0;
	v16 =	vor.u32 v16, v43;
	[tilespmem:v48+s19+$0x0] =	vst.idx.msk $0xffff, v50;
	v51 =	vld.idx.msk [tilespmem:v6+s4+$0x0], $0xffff  }
0x16e: {  	v50 =	vor.u32 v34, v41;
	v0 =	vor.u32 v61, v0;
	v1 =	vand.u32 $0xFFF8, v1;
	v28 =	vld [tilespmem:$0x1FE70];
	[tilespmem:v57+s19+$0x0] =	vst.idx.msk $0xffff, v32  }
0x16f: {  	v6 =	vor.u32 s28, v62;
	v62 =	vor.u32 s28, v54;
	v32 =	vld.idx.msk [tilespmem:v2+s4+$0x0], $0xffff;
	[tilespmem:v4+s19+$0x0] =	vst.idx.msk $0xffff, v30;
	v30 =	vor.u32 v60, v41  }
0x170: {  	s0 =	sadd.s32 $0x4, s0;
	v1 =	vor.u32 v61, v1;
	[tilespmem:v53+s19+$0x0] =	vst.idx.msk $0xffff, v47;
	v2 =	vand.u32 $0xFFF8, v5;
	v5 =	vor.u32 v49, v43  }
0x171: {  	p1 =	slt.u32 s0, $0x1C;
	v53 =	vadd.s32 s30, v54;
	v54 =	vadd.s32 s29, v42;
	v47 =	vld.idx.msk [tilespmem:v56+s4+$0x0], $0xffff;
	v56 =	vor.u32 v39, v2  }
.Ltmp0:
0x172: {  	v2 =	vand.u32 $0xFFF8, v53;
	v53 =	vor.u32 s28, v42;
	[tilespmem:v36+s19+$0x0] =	vst.idx.msk $0xffff, v31;
	v31 =	vadd.s32 s26, v37;
	(pc) =	sbr.rel @p1 .LBB2_3-.Ltmp0, $4  }
0x173: {  	v57 =	vor.u32 v28, v43;
	v4 =	vor.u32 v49, v45;
	v60 =	vor.u32 v39, v2  }
0x174: {  	v2 =	vor.u32 v28, v44;
	[tilespmem:v17+s19+$0x0] =	vst.idx.msk $0xffff, v32;
	v49 =	vld.idx.msk [tilespmem:v30+s4+$0x0], $0xffff;
	v30 =	vand.u32 $0xFFF8, v31;
	v31 =	vadd.s32 s30, v42  }
0x175: {  	[tilespmem:v46+s19+$0x0] =	vst.idx.msk $0xffff, v51;
	v48 =	vor.u32 v63, v30;
	v30 =	vand.u32 $0xFFF8, v54;
	v31 =	vand.u32 $0xFFF8, v31  }
0x176: {  	s1 =	sadd.s32 $0x40, s1;
	v51 =	vld.idx.msk [tilespmem:v58+s4+$0x0], $0xffff;
	v58 =	vor.u32 v28, v45;
	v52 =	vor.u32 v59, v30;
	v28 =	vor.u32 v59, v31  }
0x177: {  	_ =	sdelay $0x3  }
0x178: {  	[tilespmem:v14+s19+$0x0] =	vst.idx.msk $0xffff, v47;
	v14 =	vld.idx.msk [tilespmem:v29+s4+$0x0], $0xffff  }
0x179: {  	v17 =	vld.idx.msk [tilespmem:v27+s4+$0x0], $0xffff;
	[tilespmem:v55+s19+$0x0] =	vst.idx.msk $0xffff, v51  }
0x17a: {  	v27 =	vld.idx.msk [tilespmem:v38+s4+$0x0], $0xffff;
	_ =	sdelay $0x2  }
0x17b: {  	[tilespmem:v26+s19+$0x0] =	vst.idx.msk $0xffff, v14  }
0x17c: {  	[tilespmem:v18+s19+$0x0] =	vst.idx.msk $0xffff, v17  }
0x17d: {  	[tilespmem:v21+s19+$0x0] =	vst.idx.msk $0xffff, v27  }
0x17e: {  	v47 =	vld [tilespmem:$0x1FF10]  }
0x17f: {  	v14 =	vld.idx.msk [tilespmem:v24+s4+$0x0], $0xffff;
	[tilespmem:v48+s19+$0x0] =	vst.idx.msk $0xffff, v49  }
0x180: {  	v36 =	vld [tilespmem:$0x1FE80];
	_ =	sdelay $0x1  }
0x181: {  	v17 =	vld.idx.msk [tilespmem:v23+s4+$0x0], $0xffff  }
0x182: {  	v18 =	vld.idx.msk [tilespmem:v22+s4+$0x0], $0xffff;
	v21 =	vadd.s32 s26, v47  }
0x183: {  	v21 =	vand.u32 $0xFFF8, v21  }
0x184: {  	v22 =	vld.idx.msk [tilespmem:v50+s4+$0x0], $0xffff;
	[tilespmem:v25+s19+$0x0] =	vst.idx.msk $0xffff, v14;
	v21 =	vor.u32 v36, v21  }
0x185: {  	v49 =	vld [tilespmem:$0x1FDD0]  }
0x186: {  	[tilespmem:v15+s19+$0x0] =	vst.idx.msk $0xffff, v17  }
0x187: {  	[tilespmem:v10+s19+$0x0] =	vst.idx.msk $0xffff, v18  }
0x188: {  	v50 =	vld [tilespmem:$0x1FDE0]  }
0x189: {  	v3 =	vld.idx.msk [tilespmem:v3+s4+$0x0], $0xffff;
	[tilespmem:v21+s19+$0x0] =	vst.idx.msk $0xffff, v22  }
0x18a: {  	v14 =	vor.u32 v49, v41;
	v55 =	vld [tilespmem:$0x1FEA0];
	_ =	sdelay $0x1  }
0x18b: {  	v15 =	vld.idx.msk [tilespmem:v19+s4+$0x0], $0xffff  }
0x18c: {  	v10 =	vld.idx.msk [tilespmem:v20+s4+$0x0], $0xffff;
	v17 =	vadd.s32 s26, v50  }
0x18d: {  	v17 =	vand.u32 $0xFFF8, v17  }
0x18e: {  	v14 =	vld.idx.msk [tilespmem:v14+s4+$0x0], $0xffff;
	[tilespmem:v9+s19+$0x0] =	vst.idx.msk $0xffff, v3;
	v17 =	vor.u32 v55, v17  }
0x18f: {  	v3 =	vld [tilespmem:$0x1FDF0]  }
0x190: {  	[tilespmem:v11+s19+$0x0] =	vst.idx.msk $0xffff, v15  }
0x191: {  	v9 =	vld.idx.msk [tilespmem:v12+s4+$0x0], $0xffff;
	[tilespmem:v7+s19+$0x0] =	vst.idx.msk $0xffff, v10  }
0x192: {  	v48 =	vld [tilespmem:$0x1FEB0]  }
0x193: {  	[tilespmem:v17+s19+$0x0] =	vst.idx.msk $0xffff, v14  }
0x194: {  	v3 =	vor.u32 v3, v41;
	v38 =	vld [tilespmem:$0x1FEC0]  }
0x195: {  	v11 =	vld.idx.msk [tilespmem:v13+s4+$0x0], $0xffff  }
0x196: {  	v7 =	vld.idx.msk [tilespmem:v16+s4+$0x0], $0xffff  }
0x197: {  	v10 =	vadd.s32 s26, v48;
	[tilespmem:v6+s19+$0x0] =	vst.idx.msk $0xffff, v9  }
0x198: {  	v10 =	vand.u32 $0xFFF8, v10;
	v6 =	vld [tilespmem:$0x1FE70]  }
0x199: {  	v3 =	vld.idx.msk [tilespmem:v3+s4+$0x0], $0xffff;
	v10 =	vor.u32 v38, v10  }
0x19a: {  	[tilespmem:v0+s19+$0x0] =	vst.idx.msk $0xffff, v11  }
0x19b: {  	[tilespmem:v1+s19+$0x0] =	vst.idx.msk $0xffff, v7;
	v0 =	vld.idx.msk [tilespmem:v4+s4+$0x0], $0xffff  }
0x19c: {  	v4 =	vld [tilespmem:$0x1FE10]  }
0x19d: {  	v8 =	vld.idx.msk [tilespmem:v8+s4+$0x0], $0xffff;
	v6 =	vor.u32 v6, v41  }
0x19e: {  	[tilespmem:v10+s19+$0x0] =	vst.idx.msk $0xffff, v3  }
0x19f: {  	v39 =	vld [tilespmem:$0x1FED0]  }
0x1a0: {  	v1 =	vld.idx.msk [tilespmem:v5+s4+$0x0], $0xffff  }
0x1a1: {  	v4 =	vadd.s32 s26, v4  }
0x1a2: {  	v3 =	vand.u32 $0xFFF8, v4;
	v4 =	vld.idx.msk [tilespmem:v6+s4+$0x0], $0xffff;
	[tilespmem:v62+s19+$0x0] =	vst.idx.msk $0xffff, v8  }
0x1a3: {  	v2 =	vld.idx.msk [tilespmem:v2+s4+$0x0], $0xffff  }
0x1a4: {  	v51 =	vld [tilespmem:$0x1FE90];
	[tilespmem:v56+s19+$0x0] =	vst.idx.msk $0xffff, v0;
	v3 =	vor.u32 v39, v3  }
0x1a5: {  	[tilespmem:v60+s19+$0x0] =	vst.idx.msk $0xffff, v1;
	v6 =	vld.idx.msk [tilespmem:v58+s4+$0x0], $0xffff  }
0x1a6: {  	v7 =	vld.idx.msk [tilespmem:v57+s4+$0x0], $0xffff  }
0x1a7: {  	v61 =	vld [tilespmem:$0x1FE40]  }
0x1a8: {  	[tilespmem:v53+s19+$0x0] =	vst.idx.msk $0xffff, v2  }
0x1a9: {  	v5 =	vor.u32 v51, v41;
	[tilespmem:v3+s19+$0x0] =	vst.idx.msk $0xffff, v4  }
0x1aa: {  	v0 =	vor.u32 v51, v44;
	v11 =	vld [tilespmem:$0x1FE50]  }
0x1ab: {  	v1 =	vor.u32 v51, v45;
	[tilespmem:v52+s19+$0x0] =	vst.idx.msk $0xffff, v6  }
0x1ac: {  	v9 =	vor.u32 v51, v43;
	v10 =	vadd.s32 s26, v61;
	[tilespmem:v28+s19+$0x0] =	vst.idx.msk $0xffff, v7  }
0x1ad: {  	v8 =	vadd.s32 s29, v61;
	v3 =	vand.u32 $0xFFF8, v10;
	v13 =	vld [tilespmem:$0x1FE20]  }
0x1ae: {  	v2 =	vadd.s32 s30, v61;
	v8 =	vand.u32 $0xFFF8, v8;
	v5 =	vld.idx.msk [tilespmem:v5+s4+$0x0], $0xffff;
	v3 =	vor.u32 v35, v3  }
0x1af: {  	v4 =	vor.u32 v35, v8;
	v8 =	vor.u32 s28, v61;
	v0 =	vld.idx.msk [tilespmem:v0+s4+$0x0], $0xffff;
	v10 =	vor.u32 v11, v41  }
0x1b0: {  	v2 =	vand.u32 $0xFFF8, v2;
	v1 =	vld.idx.msk [tilespmem:v1+s4+$0x0], $0xffff;
	v6 =	vor.u32 v11, v44  }
0x1b1: {  	v2 =	vor.u32 v35, v2;
	v9 =	vld.idx.msk [tilespmem:v9+s4+$0x0], $0xffff;
	v7 =	vor.u32 v11, v45  }
0x1b2: {  	v11 =	vor.u32 v11, v43;
	v12 =	vadd.s32 s26, v13  }
0x1b3: {  	[tilespmem:v3+s19+$0x0] =	vst.idx.msk $0xffff, v5;
	v3 =	vand.u32 $0xFFF8, v12  }
0x1b4: {  	[tilespmem:v8+s19+$0x0] =	vst.idx.msk $0xffff, v0;
	v5 =	vadd.s32 s29, v13;
	v3 =	vor.u32 v40, v3;
	v10 =	vld.idx.msk [tilespmem:v10+s4+$0x0], $0xffff  }
0x1b5: {  	v0 =	vadd.s32 s30, v13;
	v8 =	vor.u32 s28, v13;
	[tilespmem:v4+s19+$0x0] =	vst.idx.msk $0xffff, v1;
	v5 =	vand.u32 $0xFFF8, v5;
	v1 =	vld.idx.msk [tilespmem:v6+s4+$0x0], $0xffff  }
0x1b6: {  	[tilespmem:v2+s19+$0x0] =	vst.idx.msk $0xffff, v9;
	v0 =	vand.u32 $0xFFF8, v0;
	v4 =	vor.u32 v40, v5;
	v2 =	vld.idx.msk [tilespmem:v7+s4+$0x0], $0xffff  }
0x1b7: {  	v0 =	vor.u32 v40, v0;
	v5 =	vld.idx.msk [tilespmem:v11+s4+$0x0], $0xffff;
	_ =	sdelay $0x1  }
0x1b8: {  	[tilespmem:v3+s19+$0x0] =	vst.idx.msk $0xffff, v10  }
0x1b9: {  	[tilespmem:v8+s19+$0x0] =	vst.idx.msk $0xffff, v1  }
0x1ba: {  	[tilespmem:v4+s19+$0x0] =	vst.idx.msk $0xffff, v2  }
0x1bb: {  	[tilespmem:v0+s19+$0x0] =	vst.idx.msk $0xffff, v5  }
0x1bc: {  	v41 =	vld [tilespmem:s25+$0x950]  }
0x1bd: {  	v0 =	vld [tilespmem:s11+$0x0];
	_ =	sdelay $0x2  }
0x1be: {  	v1 =	vld [tilespmem:s11+$0xFFFFFFD0]  }
0x1bf: {  	v2 =	vld [tilespmem:s11+$0xFFFFFFE0]  }
0x1c0: {  	v3 =	vld [tilespmem:s11+$0xFFFFFFF0];
	v0 =	vsub.f32 v41, v0;
	_ =	sdelay $0x1  }
0x1c1: {  	v0 =	vmax.f32 v0, $-4.000000000e+00  }
0x1c2: {  	v0 =	vmin.f32 v0, $4.000000000e+00  }
0x1c3: {  	v1 =	vsub.f32 v41, v1;
	v0 =	vadd.f32 $4.000000000e+00, v0  }
0x1c4: {  	v2 =	vsub.f32 v41, v2;
	v3 =	vsub.f32 v41, v3  }
0x1c5: {  	v1 =	vmax.f32 v1, $-4.000000000e+00;
	v0 =	vmul.f32 $1.000000000e+01, v0  }
0x1c6: {  	v2 =	vmax.f32 v2, $-4.000000000e+00;
	v3 =	vmax.f32 v3, $-4.000000000e+00;
	v1 =	vmin.f32 v1, $4.000000000e+00  }
0x1c7: {  	v2 =	vmin.f32 v2, $4.000000000e+00;
	v1 =	vadd.f32 $4.000000000e+00, v1;
	v4 =	vadd.f32 $5.000000000e-01, v0  }
0x1c8: {  	v3 =	vmin.f32 v3, $4.000000000e+00;
	v2 =	vadd.f32 $4.000000000e+00, v2  }
0x1c9: {  	v3 =	vadd.f32 $4.000000000e+00, v3;
	v1 =	vmul.f32 $1.000000000e+01, v1;
	v4 =	vtrunc.f32 v4  }
0x1ca: {  	v2 =	vmul.f32 $1.000000000e+01, v2;
	v4 =	vcvt.f32.s32 v4  }
0x1cb: {  	v3 =	vmul.f32 $1.000000000e+01, v3;
	v5 =	vadd.f32 $5.000000000e-01, v1  }
0x1cc: {  	v6 =	vadd.f32 $5.000000000e-01, v2;
	v7 =	vcvt.s32.f32 v4  }
0x1cd: {  	v11 =	vimm.s32 $0x0;
	v8 =	vadd.f32 $5.000000000e-01, v3;
	v5 =	vtrunc.f32 v5  }
0x1ce: {  	v6 =	vtrunc.f32 v6;
	v5 =	vcvt.f32.s32 v5;
	v0 =	vsub.f32 v7, v0  }
0x1cf: {  	v8 =	vtrunc.f32 v8;
	v6 =	vcvt.f32.s32 v6;
	v7 =	vand.u32 $0x1, v4  }
0x1d0: {  	vm1 =	veq.s32 v7, $0x1;
	v7 =	vcvt.s32.f32 v5;
	vm0 =	veq.f32 v0, $5.000000000e-01  }
0x1d1: {  	v0 =	vcvt.f32.s32 v8;
	v8 =	vcvt.s32.f32 v6;
	vm0 =	vmand vm0, vm1  }
0x1d2: {  	v1 =	vsub.f32 v7, v1;
	v9 =	vsel vm0, $0xFFFFFFFF, v11  }
0x1d3: {  	v53 =	vld [tilespmem:$0x1FFA0];
	v10 =	vcvt.s32.f32 v0;
	v2 =	vsub.f32 v8, v2;
	v4 =	vadd.s32 v4, v9  }
0x1d4: {  	v8 =	vand.u32 $0x1, v0;
	v9 =	vlaneseq.u32;
	v42 =	vshll.u32 v4, $0x4  }
0x1d5: {  	v57 =	vld [tilespmem:$0x1FE30];
	vm12 =	veq.f32 v1, $5.000000000e-01;
	v1 =	vand.u32 $0x1, v6;
	v7 =	vor.u32 v9, v42  }
0x1d6: {  	vm4 =	veq.s32 v8, $0x1;
	v4 =	vand.u32 $0x1, v5;
	v3 =	vsub.f32 v10, v3  }
0x1d7: {  	s26 =	simm.s32 $0x910;
	vm2 =	veq.f32 v2, $5.000000000e-01;
	vm14 =	veq.s32 v1, $0x1;
	vm13 =	veq.s32 v4, $0x1  }
0x1d8: {  	v1 =	vadd.s32 s26, v53;
	vm1 =	vmand vm2, vm14;
	vm0 =	vmand vm12, vm13  }
0x1d9: {  	v54 =	vld [tilespmem:$0x1FFB0];
	v1 =	vand.u32 $0x7FFFFFF8, v1;
	vm3 =	veq.f32 v3, $5.000000000e-01;
	v2 =	vsel vm0, $0xFFFFFFFF, v11  }
0x1da: {  	v3 =	vsel vm1, $0xFFFFFFFF, v11;
	v1 =	vor.u32 v57, v1;
	v2 =	vadd.s32 v5, v2;
	v5 =	vld.idx.msk [tilespmem:v7+s4+$0x0], $0xffff  }
0x1db: {  	vm15 =	vmand vm3, vm4;
	v3 =	vadd.s32 v6, v3  }
0x1dc: {  	v4 =	vsel vm15, $0xFFFFFFFF, v11;
	v44 =	vshll.u32 v3, $0x4  }
0x1dd: {  	v0 =	vadd.s32 v0, v4;
	v45 =	vshll.u32 v2, $0x4;
	v2 =	vor.u32 v9, v44  }
0x1de: {  	v58 =	vld [tilespmem:$0x1FFC0];
	v43 =	vshll.u32 v0, $0x4;
	v0 =	vor.u32 v9, v45  }
0x1df: {  	v4 =	vor.u32 v54, v42;
	[tilespmem:v1+s19+$0x0] =	vst.idx.msk $0xffff, v5  }
0x1e0: {  	s30 =	simm.s32 $0x10;
	s29 =	simm.s32 $0x310;
	v34 =	vld [tilespmem:$0x1FE00]  }
0x1e1: {  	s28 =	simm.s32 $0x610;
	v6 =	vadd.s32 s30, v53;
	v7 =	vadd.s32 s29, v53;
	v56 =	vld [tilespmem:$0x1FD90]  }
0x1e2: {  	v8 =	vadd.s32 s28, v53;
	v6 =	vand.u32 $0xFFF8, v6;
	v7 =	vand.u32 $0x7FFFFFF8, v7;
	v2 =	vld.idx.msk [tilespmem:v2+s4+$0x0], $0xffff  }
0x1e3: {  	v3 =	vor.u32 v9, v43;
	v9 =	vadd.s32 s26, v58;
	v7 =	vor.u32 v57, v7;
	v0 =	vld.idx.msk [tilespmem:v0+s4+$0x0], $0xffff  }
0x1e4: {  	v1 =	vor.u32 v57, v6;
	v6 =	vand.u32 $0x7FFFFFF8, v9;
	v9 =	vor.u32 v54, v44;
	v4 =	vld.idx.msk [tilespmem:v4+s4+$0x0], $0xffff  }
0x1e5: {  	v5 =	vand.u32 $0x7FFFFFF8, v8;
	v8 =	vor.u32 v54, v45;
	v32 =	vld [tilespmem:$0x1FF70];
	v6 =	vor.u32 v34, v6  }
0x1e6: {  	v10 =	vor.u32 v56, v42;
	_ =	sdelay $0x1  }
0x1e7: {  	v11 =	vadd.s32 s30, v58;
	v3 =	vld.idx.msk [tilespmem:v3+s4+$0x0], $0xffff;
	[tilespmem:v7+s19+$0x0] =	vst.idx.msk $0xffff, v2  }
0x1e8: {  	v12 =	vadd.s32 s29, v58;
	v11 =	vand.u32 $0xFFF8, v11;
	v5 =	vor.u32 v57, v5;
	[tilespmem:v1+s19+$0x0] =	vst.idx.msk $0xffff, v0;
	v9 =	vld.idx.msk [tilespmem:v9+s4+$0x0], $0xffff  }
0x1e9: {  	v12 =	vand.u32 $0x7FFFFFF8, v12;
	v11 =	vor.u32 v34, v11;
	v16 =	vadd.s32 s26, v32;
	v8 =	vld.idx.msk [tilespmem:v8+s4+$0x0], $0xffff;
	[tilespmem:v6+s19+$0x0] =	vst.idx.msk $0xffff, v4  }
0x1ea: {  	v12 =	vor.u32 v34, v12;
	v16 =	vand.u32 $0x7FFFFFF8, v16;
	v10 =	vld.idx.msk [tilespmem:v10+s4+$0x0], $0xffff  }
0x1eb: {  	v16 =	vor.u32 v36, v16;
	v52 =	vld [tilespmem:$0x1FF50];
	_ =	sdelay $0x1  }
0x1ec: {  	[tilespmem:v5+s19+$0x0] =	vst.idx.msk $0xffff, v3  }
0x1ed: {  	v13 =	vor.u32 v54, v43;
	v59 =	vld [tilespmem:$0x1FFD0];
	[tilespmem:v11+s19+$0x0] =	vst.idx.msk $0xffff, v8  }
0x1ee: {  	v15 =	vor.u32 v56, v45;
	[tilespmem:v12+s19+$0x0] =	vst.idx.msk $0xffff, v9  }
0x1ef: {  	v14 =	vadd.s32 s28, v58;
	v7 =	vor.u32 v52, v42;
	[tilespmem:v16+s19+$0x0] =	vst.idx.msk $0xffff, v10  }
0x1f0: {  	v14 =	vand.u32 $0x7FFFFFF8, v14;
	v60 =	vld [tilespmem:$0x1FFE0]  }
0x1f1: {  	v14 =	vor.u32 v34, v14;
	v0 =	vadd.s32 s30, v32  }
0x1f2: {  	v1 =	vadd.s32 s29, v32;
	v0 =	vand.u32 $0xFFF8, v0;
	v5 =	vld.idx.msk [tilespmem:v13+s4+$0x0], $0xffff;
	v10 =	vadd.s32 s26, v59  }
0x1f3: {  	v4 =	vor.u32 v56, v44;
	v9 =	vld.idx.msk [tilespmem:v15+s4+$0x0], $0xffff;
	v13 =	vadd.s32 s30, v59;
	v10 =	vand.u32 $0x7FFFFFF8, v10  }
0x1f4: {  	v6 =	vor.u32 v56, v43;
	v13 =	vand.u32 $0xFFF8, v13;
	v10 =	vor.u32 v55, v10;
	v7 =	vld.idx.msk [tilespmem:v7+s4+$0x0], $0xffff  }
0x1f5: {  	v0 =	vor.u32 v36, v0;
	v62 =	vld [tilespmem:$0x1FF60];
	v8 =	vor.u32 v55, v13;
	v13 =	vor.u32 v60, v42  }
0x1f6: {  	v2 =	vadd.s32 s28, v32;
	v1 =	vand.u32 $0x7FFFFFF8, v1  }
0x1f7: {  	v2 =	vand.u32 $0x7FFFFFF8, v2;
	v1 =	vor.u32 v36, v1  }
0x1f8: {  	v2 =	vor.u32 v36, v2;
	v4 =	vld.idx.msk [tilespmem:v4+s4+$0x0], $0xffff;
	v3 =	vor.u32 v52, v45;
	[tilespmem:v14+s19+$0x0] =	vst.idx.msk $0xffff, v5  }
0x1f9: {  	v17 =	vor.u32 v52, v44;
	v19 =	vadd.s32 s29, v59;
	v20 =	vadd.s32 s28, v59;
	v6 =	vld.idx.msk [tilespmem:v6+s4+$0x0], $0xffff;
	[tilespmem:v10+s19+$0x0] =	vst.idx.msk $0xffff, v7  }
0x1fa: {  	v16 =	vand.u32 $0x7FFFFFF8, v19;
	v11 =	vand.u32 $0x7FFFFFF8, v20;
	[tilespmem:v0+s19+$0x0] =	vst.idx.msk $0xffff, v9;
	v7 =	vadd.s32 s26, v62;
	v13 =	vld.idx.msk [tilespmem:v13+s4+$0x0], $0xffff  }
0x1fb: {  	v12 =	vor.u32 v55, v16;
	v16 =	vadd.s32 s30, v62;
	v7 =	vand.u32 $0x7FFFFFF8, v7;
	v63 =	vld [tilespmem:$0x1FFF0]  }
0x1fc: {  	v14 =	vadd.s32 s29, v62;
	v20 =	vadd.s32 s28, v62;
	v62 =	vld [tilespmem:$0x1FF80];
	v7 =	vor.u32 v38, v7  }
0x1fd: {  	[tilespmem:v1+s19+$0x0] =	vst.idx.msk $0xffff, v4;
	v1 =	vld.idx.msk [tilespmem:v3+s4+$0x0], $0xffff;
	_ =	sdelay $0x1  }
0x1fe: {  	v18 =	vor.u32 v52, v43  }
0x1ff: {  	[tilespmem:v2+s19+$0x0] =	vst.idx.msk $0xffff, v6  }
0x200: {  	v17 =	vld.idx.msk [tilespmem:v17+s4+$0x0], $0xffff;
	[tilespmem:v7+s19+$0x0] =	vst.idx.msk $0xffff, v13  }
0x201: {  	v15 =	vor.u32 v60, v45;
	v22 =	vld [tilespmem:$0x1FF00];
	[tilespmem:v8+s19+$0x0] =	vst.idx.msk $0xffff, v1  }
0x202: {  	v3 =	vor.u32 v62, v42;
	v26 =	vld [tilespmem:$0x1FEE0]  }
0x203: {  	v11 =	vor.u32 v55, v11;
	v19 =	vor.u32 v60, v44;
	v18 =	vld.idx.msk [tilespmem:v18+s4+$0x0], $0xffff  }
0x204: {  	v5 =	vor.u32 v60, v43  }
0x205: {  	v16 =	vand.u32 $0xFFF8, v16;
	v21 =	vadd.s32 s26, v63  }
0x206: {  	v10 =	vor.u32 v38, v16;
	v21 =	vand.u32 $0x7FFFFFF8, v21;
	v15 =	vld.idx.msk [tilespmem:v15+s4+$0x0], $0xffff  }
0x207: {  	v14 =	vand.u32 $0x7FFFFFF8, v14;
	v21 =	vor.u32 v39, v21;
	[tilespmem:v12+s19+$0x0] =	vst.idx.msk $0xffff, v17;
	v3 =	vld.idx.msk [tilespmem:v3+s4+$0x0], $0xffff;
	v17 =	vadd.s32 s28, v26  }
0x208: {  	v20 =	vand.u32 $0x7FFFFFF8, v20;
	v14 =	vor.u32 v38, v14;
	[tilespmem:v11+s19+$0x0] =	vst.idx.msk $0xffff, v18;
	v11 =	vand.u32 $0x7FFFFFF8, v17;
	v17 =	vld.idx.msk [tilespmem:v19+s4+$0x0], $0xffff  }
0x209: {  	v0 =	vor.u32 v38, v20;
	v5 =	vld.idx.msk [tilespmem:v5+s4+$0x0], $0xffff  }
0x20a: {  	v28 =	vld [tilespmem:$0x1FF30]  }
0x20b: {  	v27 =	vld [tilespmem:$0x1FF20];
	v7 =	vor.u32 v22, v45;
	v13 =	vor.u32 v22, v44;
	[tilespmem:v10+s19+$0x0] =	vst.idx.msk $0xffff, v15  }
0x20c: {  	v8 =	vor.u32 v22, v43;
	v22 =	vor.u32 v22, v42;
	[tilespmem:v21+s19+$0x0] =	vst.idx.msk $0xffff, v3  }
0x20d: {  	v9 =	vadd.s32 s30, v63;
	v16 =	vor.u32 v62, v45;
	v4 =	vor.u32 v62, v44;
	[tilespmem:v14+s19+$0x0] =	vst.idx.msk $0xffff, v17  }
0x20e: {  	v20 =	vor.u32 v62, v43;
	v6 =	vadd.s32 s29, v63;
	v1 =	vadd.s32 s30, v26;
	v29 =	vld [tilespmem:$0x1FF40];
	[tilespmem:v0+s19+$0x0] =	vst.idx.msk $0xffff, v5  }
0x20f: {  	v12 =	vadd.s32 s29, v26;
	v26 =	vadd.s32 s26, v26;
	v24 =	vadd.s32 s30, v28;
	v31 =	vld [tilespmem:$0x1FEF0]  }
0x210: {  	v3 =	vand.u32 $0xFFF8, v24;
	v21 =	vadd.s32 s28, v28;
	v24 =	vand.u32 $0x7FFFFFF8, v26  }
0x211: {  	v2 =	vand.u32 $0xFFF8, v9;
	v15 =	vand.u32 $0x7FFFFFF8, v21;
	v21 =	vor.u32 v35, v24;
	v22 =	vld.idx.msk [tilespmem:v22+s4+$0x0], $0xffff  }
0x212: {  	v2 =	vor.u32 v39, v2;
	v16 =	vld.idx.msk [tilespmem:v16+s4+$0x0], $0xffff;
	v24 =	vor.u32 v40, v3;
	v3 =	vor.u32 v27, v42  }
0x213: {  	v9 =	vadd.s32 s28, v63;
	v6 =	vand.u32 $0x7FFFFFF8, v6  }
0x214: {  	v9 =	vand.u32 $0x7FFFFFF8, v9;
	v6 =	vor.u32 v39, v6;
	v4 =	vld.idx.msk [tilespmem:v4+s4+$0x0], $0xffff;
	v17 =	vadd.s32 s30, v31  }
0x215: {  	v9 =	vor.u32 v39, v9;
	v26 =	vadd.s32 s26, v28;
	v17 =	vand.u32 $0xFFF8, v17  }
0x216: {  	v25 =	vadd.s32 s29, v28;
	v20 =	vld.idx.msk [tilespmem:v20+s4+$0x0], $0xffff;
	[tilespmem:v21+s19+$0x0] =	vst.idx.msk $0xffff, v22;
	v28 =	vor.u32 v57, v17;
	v17 =	vand.u32 $0x7FFFFFF8, v26  }
0x217: {  	v1 =	vand.u32 $0xFFF8, v1;
	[tilespmem:v2+s19+$0x0] =	vst.idx.msk $0xffff, v16;
	v3 =	vld.idx.msk [tilespmem:v3+s4+$0x0], $0xffff;
	v2 =	vor.u32 v40, v17  }
0x218: {  	v12 =	vand.u32 $0x7FFFFFF8, v12;
	v18 =	vor.u32 v27, v45;
	v1 =	vor.u32 v35, v1  }
0x219: {  	v10 =	vand.u32 $0x7FFFFFF8, v25;
	[tilespmem:v6+s19+$0x0] =	vst.idx.msk $0xffff, v4;
	v4 =	vor.u32 v29, v42;
	v6 =	vld.idx.msk [tilespmem:v7+s4+$0x0], $0xffff;
	v25 =	vadd.s32 s29, v31  }
0x21a: {  	v19 =	vor.u32 v27, v44;
	v13 =	vld.idx.msk [tilespmem:v13+s4+$0x0], $0xffff;
	v21 =	vand.u32 $0x7FFFFFF8, v25;
	v17 =	vadd.s32 s28, v37  }
0x21b: {  	v12 =	vor.u32 v35, v12;
	v25 =	vor.u32 v57, v21;
	v21 =	vld [tilespmem:$0x1FDA0];
	[tilespmem:v9+s19+$0x0] =	vst.idx.msk $0xffff, v20;
	v17 =	vand.u32 $0x7FFFFFF8, v17  }
0x21c: {  	v8 =	vld.idx.msk [tilespmem:v8+s4+$0x0], $0xffff;
	[tilespmem:v2+s19+$0x0] =	vst.idx.msk $0xffff, v3;
	v2 =	vadd.s32 s26, v31;
	v3 =	vor.u32 v34, v17  }
0x21d: {  	v11 =	vor.u32 v35, v11;
	v20 =	vld [tilespmem:$0x1FDC0];
	[tilespmem:$0x1FD10] =	vst v3;
	v2 =	vand.u32 $0x7FFFFFF8, v2  }
0x21e: {  	v9 =	vadd.s32 s29, v37;
	v4 =	vld.idx.msk [tilespmem:v4+s4+$0x0], $0xffff;
	[tilespmem:v1+s19+$0x0] =	vst.idx.msk $0xffff, v6;
	v6 =	vor.u32 v57, v2  }
0x21f: {  	v33 =	vmovc v37;
	v23 =	vor.u32 v27, v43;
	v16 =	vadd.s32 s30, v37;
	v9 =	vand.u32 $0x7FFFFFF8, v9  }
0x220: {  	v37 =	vor.u32 v34, v9;
	[tilespmem:v12+s19+$0x0] =	vst.idx.msk $0xffff, v13;
	v9 =	vld.idx.msk [tilespmem:v18+s4+$0x0], $0xffff;
	v18 =	vor.u32 v21, v42  }
0x221: {  	v10 =	vor.u32 v40, v10;
	v14 =	vor.u32 v29, v45;
	v13 =	vld.idx.msk [tilespmem:v19+s4+$0x0], $0xffff  }
0x222: {  	v15 =	vor.u32 v40, v15;
	v16 =	vand.u32 $0xFFF8, v16;
	[tilespmem:v11+s19+$0x0] =	vst.idx.msk $0xffff, v8  }
0x223: {  	v16 =	vor.u32 v34, v16;
	v0 =	vor.u32 v29, v44;
	[tilespmem:v6+s19+$0x0] =	vst.idx.msk $0xffff, v4;
	v4 =	vadd.s32 s26, v33  }
0x224: {  	v5 =	vor.u32 v29, v43;
	v27 =	vadd.s32 s28, v31;
	v8 =	vld.idx.msk [tilespmem:v23+s4+$0x0], $0xffff;
	v4 =	vand.u32 $0x7FFFFFF8, v4  }
0x225: {  	v22 =	vand.u32 $0x7FFFFFF8, v27;
	v18 =	vld.idx.msk [tilespmem:v18+s4+$0x0], $0xffff;
	[tilespmem:v24+s19+$0x0] =	vst.idx.msk $0xffff, v9;
	v23 =	vor.u32 v34, v4  }
0x226: {  	v7 =	vor.u32 v57, v22;
	[tilespmem:v10+s19+$0x0] =	vst.idx.msk $0xffff, v13;
	v10 =	vor.u32 v20, v42;
	v24 =	vld.idx.msk [tilespmem:v14+s4+$0x0], $0xffff  }
0x227: {  	v26 =	vor.u32 v21, v45;
	v27 =	vor.u32 v21, v44;
	v29 =	vor.u32 v21, v43  }
0x228: {  	v1 =	vadd.s32 s30, v47;
	v2 =	vadd.s32 s29, v47;
	v12 =	vadd.s32 s28, v47;
	v0 =	vld.idx.msk [tilespmem:v0+s4+$0x0], $0xffff  }
0x229: {  	v11 =	vor.u32 v49, v45;
	v1 =	vand.u32 $0xFFF8, v1;
	v19 =	vadd.s32 s29, v50;
	v34 =	vld [tilespmem:$0x1FDF0];
	[tilespmem:v15+s19+$0x0] =	vst.idx.msk $0xffff, v8  }
0x22a: {  	v17 =	vor.u32 v36, v1;
	v1 =	vand.u32 $0x7FFFFFF8, v2;
	v15 =	vadd.s32 s26, v47;
	v5 =	vld.idx.msk [tilespmem:v5+s4+$0x0], $0xffff;
	[tilespmem:v23+s19+$0x0] =	vst.idx.msk $0xffff, v18  }
0x22b: {  	v2 =	vand.u32 $0x7FFFFFF8, v12;
	v12 =	vor.u32 v49, v44;
	v15 =	vand.u32 $0x7FFFFFF8, v15;
	[tilespmem:v28+s19+$0x0] =	vst.idx.msk $0xffff, v24;
	v52 =	vld.idx.msk [tilespmem:v10+s4+$0x0], $0xffff  }
0x22c: {  	v22 =	vor.u32 v36, v1;
	v2 =	vor.u32 v36, v2;
	v15 =	vor.u32 v36, v15;
	v10 =	vld [tilespmem:$0x1FE10]  }
0x22d: {  	v1 =	vor.u32 v49, v43;
	v31 =	vor.u32 v20, v45;
	v57 =	vld.idx.msk [tilespmem:v26+s4+$0x0], $0xffff;
	[tilespmem:v25+s19+$0x0] =	vst.idx.msk $0xffff, v0  }
0x22e: {  	v46 =	vor.u32 v20, v44;
	v3 =	vor.u32 v20, v43;
	v6 =	vadd.s32 s30, v50;
	v27 =	vld.idx.msk [tilespmem:v27+s4+$0x0], $0xffff  }
0x22f: {  	v6 =	vand.u32 $0xFFF8, v6;
	v9 =	vadd.s32 s28, v50;
	v4 =	vand.u32 $0x7FFFFFF8, v19  }
0x230: {  	v9 =	vand.u32 $0x7FFFFFF8, v9;
	v8 =	vadd.s32 s30, v48;
	v19 =	vadd.s32 s28, v48;
	v0 =	vld [tilespmem:$0x1FE70];
	[tilespmem:v7+s19+$0x0] =	vst.idx.msk $0xffff, v5  }
0x231: {  	v13 =	vor.u32 v55, v4;
	v4 =	vor.u32 v55, v9;
	v9 =	vadd.s32 s29, v48;
	[tilespmem:v15+s19+$0x0] =	vst.idx.msk $0xffff, v52  }
0x232: {  	v8 =	vand.u32 $0xFFF8, v8;
	v28 =	vadd.s32 s30, v10;
	v15 =	vadd.s32 s26, v50;
	[tilespmem:v16+s19+$0x0] =	vst.idx.msk $0xffff, v57  }
0x233: {  	v9 =	vand.u32 $0x7FFFFFF8, v9;
	v7 =	vand.u32 $0xFFF8, v28;
	v28 =	vand.u32 $0x7FFFFFF8, v15;
	[tilespmem:v37+s19+$0x0] =	vst.idx.msk $0xffff, v27  }
0x234: {  	v18 =	vor.u32 v38, v8;
	v8 =	vand.u32 $0x7FFFFFF8, v19;
	v47 =	vor.u32 v55, v28;
	v28 =	vld [tilespmem:$0x1FD10]  }
0x235: {  	v20 =	vor.u32 v55, v6;
	v21 =	vor.u32 v34, v45;
	v19 =	vor.u32 v38, v9  }
0x236: {  	v25 =	vor.u32 v49, v42;
	v9 =	vor.u32 v38, v8;
	v23 =	vor.u32 v0, v45;
	v5 =	vmovc v0  }
0x237: {  	v8 =	vmovc v10;
	v24 =	vor.u32 v0, v44;
	v0 =	vadd.s32 s29, v10;
	v10 =	vor.u32 v5, v43;
	v5 =	vld.idx.msk [tilespmem:v29+s4+$0x0], $0xffff  }
0x238: {  	v14 =	vor.u32 v34, v44;
	v6 =	vor.u32 v34, v43;
	v49 =	vor.u32 v34, v42  }
0x239: {  	v16 =	vor.u32 v51, v44;
	v26 =	vadd.s32 s28, v8;
	v15 =	vor.u32 v51, v45  }
0x23a: {  	v48 =	vld.idx.msk [tilespmem:v31+s4+$0x0], $0xffff;
	v0 =	vand.u32 $0x7FFFFFF8, v0;
	v8 =	vor.u32 v39, v7;
	v26 =	vand.u32 $0x7FFFFFF8, v26  }
0x23b: {  	v27 =	vadd.s32 s29, v61;
	v50 =	vld.idx.msk [tilespmem:v46+s4+$0x0], $0xffff;
	v55 =	vmovc v58;
	v7 =	vor.u32 v39, v0;
	v0 =	vor.u32 v39, v26  }
0x23c: {  	s31 =	simm.s32 $0x0;
	s1 =	sadd.s32 $0x40, s11;
	v26 =	vld.idx.msk [tilespmem:v25+s4+$0x0], $0xffff;
	v25 =	vadd.s32 s30, v61;
	[tilespmem:v28+s19+$0x0] =	vst.idx.msk $0xffff, v5;
	v5 =	vor.u32 v51, v43;
	v28 =	vadd.s32 s28, v61  }
.LBB2_5:
0x23d: {  	v30 =	vld [tilespmem:s1+$0x0]  }
0x23e: {  	v25 =	vand.u32 $0xFFF8, v25;
	v27 =	vand.u32 $0x7FFFFFF8, v27;
	v31 =	vand.u32 $0x7FFFFFF8, v28;
	v33 =	vld [tilespmem:$0x1FEB0]  }
0x23f: {  	v29 =	vor.u32 v35, v25;
	v28 =	vor.u32 v35, v27;
	v25 =	vor.u32 v35, v31;
	v35 =	vld [tilespmem:$0x1FE50]  }
0x240: {  	v38 =	vld [tilespmem:$0x1FEC0]  }
0x241: {  	v32 =	vld [tilespmem:s1+$0xFFFFFFE0]  }
0x242: {  	v61 =	vld [tilespmem:$0x1FE20]  }
0x243: {  	v52 =	vld [tilespmem:$0x1FE70];
	[tilespmem:v47+s19+$0x0] =	vst.idx.msk $0xffff, v26;
	v58 =	vadd.s32 s26, v33  }
0x244: {  	[tilespmem:v22+s19+$0x0] =	vst.idx.msk $0xffff, v50;
	v50 =	vld [tilespmem:$0x1FE10];
	v27 =	vor.u32 v35, v44;
	v44 =	vand.u32 $0x7FFFFFF8, v58  }
0x245: {  	v26 =	vor.u32 v35, v43;
	v43 =	vld.idx.msk [tilespmem:v49+s4+$0x0], $0xffff;
	v44 =	vor.u32 v38, v44;
	_ =	sdelay $0x1  }
0x246: {  	v31 =	vld [tilespmem:s1+$0xFFFFFFF0]  }
0x247: {  	v47 =	vld [tilespmem:s1+$0xFFFFFFD0]  }
0x248: {  	[tilespmem:v17+s19+$0x0] =	vst.idx.msk $0xffff, v48;
	v22 =	vld.idx.msk [tilespmem:v3+s4+$0x0], $0xffff;
	v34 =	vadd.s32 s30, v61;
	v39 =	vadd.s32 s26, v50  }
0x249: {  	v17 =	vadd.s32 s29, v61;
	v57 =	vor.u32 v52, v42;
	[tilespmem:v44+s19+$0x0] =	vst.idx.msk $0xffff, v43;
	v43 =	vand.u32 $0x7FFFFFF8, v39;
	v39 =	vld [tilespmem:$0x1FED0]  }
0x24a: {  	v48 =	vadd.s32 s28, v61;
	v30 =	vsub.f32 v41, v30;
	v3 =	vsub.f32 v41, v32;
	v12 =	vld.idx.msk [tilespmem:v12+s4+$0x0], $0xffff  }
0x24b: {  	v11 =	vld.idx.msk [tilespmem:v11+s4+$0x0], $0xffff;
	v46 =	vor.u32 v35, v45;
	v58 =	vand.u32 $0xFFF8, v34;
	v31 =	vsub.f32 v41, v31  }
0x24c: {  	v30 =	vmax.f32 v30, $-4.000000000e+00;
	v36 =	vmax.f32 v3, $-4.000000000e+00;
	v37 =	vsub.f32 v41, v47  }
0x24d: {  	v45 =	vand.u32 $0x7FFFFFF8, v48;
	v30 =	vmin.f32 v30, $4.000000000e+00;
	v48 =	vmin.f32 v36, $4.000000000e+00  }
0x24e: {  	v30 =	vadd.f32 $4.000000000e+00, v30;
	[tilespmem:v2+s19+$0x0] =	vst.idx.msk $0xffff, v22;
	v32 =	vmax.f32 v37, $-4.000000000e+00;
	v51 =	vld.idx.msk [tilespmem:v57+s4+$0x0], $0xffff;
	v22 =	vor.u32 v39, v43  }
0x24f: {  	v3 =	vor.u32 v40, v58;
	v58 =	vld [tilespmem:$0x1FE90];
	[tilespmem:v13+s19+$0x0] =	vst.idx.msk $0xffff, v12;
	v12 =	vadd.f32 $4.000000000e+00, v48;
	v2 =	vmin.f32 v32, $4.000000000e+00  }
0x250: {  	v31 =	vmax.f32 v31, $-4.000000000e+00;
	[tilespmem:v20+s19+$0x0] =	vst.idx.msk $0xffff, v11;
	v11 =	vld.idx.msk [tilespmem:v1+s4+$0x0], $0xffff;
	v30 =	vmul.f32 $1.000000000e+01, v30;
	v32 =	vadd.f32 $4.000000000e+00, v2  }
0x251: {  	v17 =	vand.u32 $0x7FFFFFF8, v17;
	v31 =	vmin.f32 v31, $4.000000000e+00;
	v21 =	vld.idx.msk [tilespmem:v21+s4+$0x0], $0xffff;
	v12 =	vmul.f32 $1.000000000e+01, v12  }
0x252: {  	v14 =	vld.idx.msk [tilespmem:v14+s4+$0x0], $0xffff;
	v36 =	vadd.f32 $5.000000000e-01, v30;
	v2 =	vor.u32 v40, v17;
	v17 =	vmul.f32 $1.000000000e+01, v32  }
0x253: {  	v13 =	vadd.f32 $4.000000000e+00, v31;
	[tilespmem:v22+s19+$0x0] =	vst.idx.msk $0xffff, v51;
	v51 =	vld [tilespmem:$0x1FE40]  }
0x254: {  	v37 =	vadd.f32 $5.000000000e-01, v12;
	v31 =	vtrunc.f32 v36;
	v32 =	vadd.f32 $5.000000000e-01, v17  }
0x255: {  	v20 =	vor.u32 v58, v42;
	v13 =	vmul.f32 $1.000000000e+01, v13;
	[tilespmem:v4+s19+$0x0] =	vst.idx.msk $0xffff, v11;
	v4 =	vld [tilespmem:$0x1FE60];
	v31 =	vcvt.f32.s32 v31  }
0x256: {  	[tilespmem:v18+s19+$0x0] =	vst.idx.msk $0xffff, v21;
	v6 =	vld.idx.msk [tilespmem:v6+s4+$0x0], $0xffff;
	v21 =	vtrunc.f32 v37;
	v11 =	vtrunc.f32 v32  }
0x257: {  	[tilespmem:v19+s19+$0x0] =	vst.idx.msk $0xffff, v14;
	v14 =	vcvt.f32.s32 v21;
	v11 =	vcvt.f32.s32 v11  }
0x258: {  	v48 =	vcvt.s32.f32 v31;
	v21 =	vand.u32 $0x1, v31;
	v22 =	vadd.s32 s26, v51  }
0x259: {  	vm1 =	veq.s32 v21, $0x1;
	v21 =	vcvt.s32.f32 v11;
	v22 =	vand.u32 $0x7FFFFFF8, v22  }
0x25a: {  	v30 =	vsub.f32 v48, v30;
	v20 =	vld.idx.msk [tilespmem:v20+s4+$0x0], $0xffff;
	v4 =	vor.u32 v4, v22  }
0x25b: {  	v49 =	vimm.s32 $0x0;
	v23 =	vld.idx.msk [tilespmem:v23+s4+$0x0], $0xffff;
	[tilespmem:v9+s19+$0x0] =	vst.idx.msk $0xffff, v6;
	v6 =	vsub.f32 v21, v17;
	v22 =	vadd.f32 $5.000000000e-01, v13  }
0x25c: {  	v1 =	vor.u32 v40, v45;
	v18 =	vor.u32 v35, v42;
	vm0 =	veq.f32 v30, $5.000000000e-01  }
0x25d: {  	vm0 =	vmand vm0, vm1;
	vm12 =	veq.f32 v6, $5.000000000e-01;
	v19 =	vtrunc.f32 v22  }
0x25e: {  	v6 =	vand.u32 $0x1, v14;
	v22 =	vld.idx.msk [tilespmem:v24+s4+$0x0], $0xffff;
	v24 =	vsel vm0, $0xFFFFFFFF, v49;
	v19 =	vcvt.f32.s32 v19  }
0x25f: {  	v10 =	vld.idx.msk [tilespmem:v10+s4+$0x0], $0xffff;
	vm14 =	veq.s32 v6, $0x1;
	v24 =	vadd.s32 v31, v24;
	[tilespmem:v4+s19+$0x0] =	vst.idx.msk $0xffff, v20;
	v20 =	vcvt.s32.f32 v14  }
0x260: {  	[tilespmem:v8+s19+$0x0] =	vst.idx.msk $0xffff, v23;
	v42 =	vshll.u32 v24, $0x4;
	v4 =	vadd.s32 s26, v61;
	v30 =	vcvt.s32.f32 v19  }
0x261: {  	v15 =	vld.idx.msk [tilespmem:v15+s4+$0x0], $0xffff;
	v4 =	vand.u32 $0x7FFFFFF8, v4;
	v9 =	vsub.f32 v20, v12;
	v12 =	vand.u32 $0x1, v11  }
0x262: {  	v8 =	vand.u32 $0x1, v19;
	v18 =	vld.idx.msk [tilespmem:v18+s4+$0x0], $0xffff;
	v4 =	vor.u32 v40, v4;
	vm13 =	veq.s32 v12, $0x1  }
0x263: {  	v13 =	vsub.f32 v30, v13;
	v20 =	vlaneseq.u32;
	vm0 =	vmand vm12, vm13  }
0x264: {  	v57 =	vld [tilespmem:$0x1FE30];
	[tilespmem:v0+s19+$0x0] =	vst.idx.msk $0xffff, v10;
	vm4 =	veq.s32 v8, $0x1;
	v17 =	vor.u32 v20, v42;
	v6 =	vsel vm0, $0xFFFFFFFF, v49  }
0x265: {  	v34 =	vld [tilespmem:$0x1FE00];
	[tilespmem:v7+s19+$0x0] =	vst.idx.msk $0xffff, v22;
	vm2 =	veq.f32 v9, $5.000000000e-01;
	vm3 =	veq.f32 v13, $5.000000000e-01;
	v0 =	vadd.s32 v11, v6  }
0x266: {  	[tilespmem:v29+s19+$0x0] =	vst.idx.msk $0xffff, v15;
	s26 =	sadd.s32 $0xC00, s26;
	v7 =	vld.idx.msk [tilespmem:v16+s4+$0x0], $0xffff;
	vm1 =	vmand vm2, vm14;
	vm15 =	vmand vm3, vm4;
	v45 =	vshll.u32 v0, $0x4  }
0x267: {  	v5 =	vld.idx.msk [tilespmem:v5+s4+$0x0], $0xffff;
	v6 =	vsel vm15, $0xFFFFFFFF, v49;
	[tilespmem:v4+s19+$0x0] =	vst.idx.msk $0xffff, v18;
	v4 =	vadd.s32 s26, v53;
	v0 =	vor.u32 v20, v45  }
0x268: {  	v8 =	vsel vm1, $0xFFFFFFFF, v49;
	v11 =	vld.idx.msk [tilespmem:v46+s4+$0x0], $0xffff;
	v6 =	vadd.s32 v19, v6;
	v4 =	vand.u32 $0x7FFFFFF8, v4  }
0x269: {  	v8 =	vadd.s32 v14, v8;
	v9 =	vld.idx.msk [tilespmem:v17+s4+$0x0], $0xffff;
	v43 =	vshll.u32 v6, $0x4;
	v4 =	vor.u32 v57, v4  }
0x26a: {  	v36 =	vld [tilespmem:$0x1FE80];
	s30 =	sadd.s32 $0xFFFFF700, s26;
	v44 =	vshll.u32 v8, $0x4;
	v8 =	vor.u32 v20, v43  }
0x26b: {  	v10 =	vor.u32 v54, v42;
	s29 =	sadd.s32 $0xFFFFFA00, s26;
	v12 =	vadd.s32 s30, v53;
	[tilespmem:v28+s19+$0x0] =	vst.idx.msk $0xffff, v7;
	v28 =	vld [tilespmem:$0x1FF30];
	v6 =	vor.u32 v20, v44  }
0x26c: {  	[tilespmem:v25+s19+$0x0] =	vst.idx.msk $0xffff, v5;
	s28 =	sadd.s32 $0xFFFFFD00, s26;
	v13 =	vadd.s32 s29, v53;
	v18 =	vadd.s32 s29, v55;
	v7 =	vand.u32 $0xFFF8, v12;
	v0 =	vld.idx.msk [tilespmem:v0+s4+$0x0], $0xffff  }
0x26d: {  	v14 =	vadd.s32 s28, v53;
	v7 =	vor.u32 v57, v7;
	[tilespmem:v3+s19+$0x0] =	vst.idx.msk $0xffff, v11;
	v11 =	vand.u32 $0x7FFFFFF8, v18;
	v18 =	vld [tilespmem:$0x1FF70]  }
0x26e: {  	v12 =	vand.u32 $0x7FFFFFF8, v13;
	v13 =	vand.u32 $0x7FFFFFF8, v14;
	[tilespmem:v4+s19+$0x0] =	vst.idx.msk $0xffff, v9;
	v9 =	vld.idx.msk [tilespmem:v27+s4+$0x0], $0xffff  }
0x26f: {  	v5 =	vor.u32 v57, v12;
	v12 =	vor.u32 v57, v13;
	v4 =	vadd.s32 s26, v55;
	v8 =	vld.idx.msk [tilespmem:v8+s4+$0x0], $0xffff  }
0x270: {  	v14 =	vor.u32 v54, v45;
	v6 =	vld.idx.msk [tilespmem:v6+s4+$0x0], $0xffff;
	v4 =	vand.u32 $0x7FFFFFF8, v4  }
0x271: {  	v19 =	vor.u32 v54, v43;
	v10 =	vld.idx.msk [tilespmem:v10+s4+$0x0], $0xffff;
	v4 =	vor.u32 v34, v4  }
0x272: {  	v17 =	vadd.s32 s30, v55;
	v13 =	vld.idx.msk [tilespmem:v26+s4+$0x0], $0xffff;
	v15 =	vor.u32 v54, v44;
	[tilespmem:v7+s19+$0x0] =	vst.idx.msk $0xffff, v0  }
0x273: {  	v16 =	vor.u32 v56, v42;
	v20 =	vld [tilespmem:$0x1FF50];
	v3 =	vand.u32 $0xFFF8, v17;
	[tilespmem:v2+s19+$0x0] =	vst.idx.msk $0xffff, v9  }
0x274: {  	v17 =	vadd.s32 s28, v55;
	v3 =	vor.u32 v34, v3;
	v27 =	vld [tilespmem:$0x1FF20];
	[tilespmem:v12+s19+$0x0] =	vst.idx.msk $0xffff, v8  }
0x275: {  	v11 =	vor.u32 v34, v11;
	v17 =	vand.u32 $0x7FFFFFF8, v17;
	v14 =	vld.idx.msk [tilespmem:v14+s4+$0x0], $0xffff;
	[tilespmem:v5+s19+$0x0] =	vst.idx.msk $0xffff, v6  }
0x276: {  	v0 =	vadd.s32 s30, v18;
	v9 =	vor.u32 v34, v17;
	v12 =	vld.idx.msk [tilespmem:v19+s4+$0x0], $0xffff;
	[tilespmem:v4+s19+$0x0] =	vst.idx.msk $0xffff, v10;
	v4 =	vadd.s32 s26, v18  }
0x277: {  	v7 =	vadd.s32 s29, v18;
	v2 =	vor.u32 v56, v45;
	v15 =	vld.idx.msk [tilespmem:v15+s4+$0x0], $0xffff;
	v4 =	vand.u32 $0x7FFFFFF8, v4  }
0x278: {  	v17 =	vor.u32 v56, v43;
	v8 =	vor.u32 v20, v45;
	v16 =	vld.idx.msk [tilespmem:v16+s4+$0x0], $0xffff;
	v4 =	vor.u32 v36, v4  }
0x279: {  	v0 =	vand.u32 $0xFFF8, v0;
	v23 =	vor.u32 v27, v43;
	[tilespmem:v1+s19+$0x0] =	vst.idx.msk $0xffff, v13;
	v10 =	vor.u32 v56, v44  }
0x27a: {  	v37 =	vld [tilespmem:$0x1FEA0];
	v7 =	vand.u32 $0x7FFFFFF8, v7;
	v6 =	vor.u32 v20, v42;
	v0 =	vor.u32 v36, v0;
	[tilespmem:v3+s19+$0x0] =	vst.idx.msk $0xffff, v14  }
0x27b: {  	v21 =	vld [tilespmem:$0x1FF60];
	v5 =	vadd.s32 s28, v18;
	v7 =	vor.u32 v36, v7;
	v19 =	vor.u32 v20, v44;
	[tilespmem:v9+s19+$0x0] =	vst.idx.msk $0xffff, v12  }
0x27c: {  	v25 =	vadd.s32 s29, v28;
	v20 =	vor.u32 v20, v43;
	v5 =	vand.u32 $0x7FFFFFF8, v5;
	v2 =	vld.idx.msk [tilespmem:v2+s4+$0x0], $0xffff;
	[tilespmem:v11+s19+$0x0] =	vst.idx.msk $0xffff, v15  }
0x27d: {  	v1 =	vadd.s32 s29, v59;
	v5 =	vor.u32 v36, v5;
	v15 =	vld.idx.msk [tilespmem:v17+s4+$0x0], $0xffff;
	[tilespmem:v4+s19+$0x0] =	vst.idx.msk $0xffff, v16;
	v4 =	vadd.s32 s26, v59  }
0x27e: {  	v13 =	vadd.s32 s28, v59;
	v18 =	vadd.s32 s30, v59;
	v10 =	vld.idx.msk [tilespmem:v10+s4+$0x0], $0xffff;
	v4 =	vand.u32 $0x7FFFFFF8, v4  }
0x27f: {  	v1 =	vand.u32 $0x7FFFFFF8, v1;
	v13 =	vand.u32 $0x7FFFFFF8, v13;
	v6 =	vld.idx.msk [tilespmem:v6+s4+$0x0], $0xffff;
	v4 =	vor.u32 v37, v4  }
0x280: {  	v1 =	vor.u32 v37, v1;
	v14 =	vor.u32 v60, v45;
	v9 =	vor.u32 v37, v13  }
0x281: {  	v22 =	vld [tilespmem:$0x1FF00];
	v13 =	vor.u32 v60, v44;
	v11 =	vor.u32 v60, v42;
	v16 =	vand.u32 $0xFFF8, v18;
	[tilespmem:v0+s19+$0x0] =	vst.idx.msk $0xffff, v2  }
0x282: {  	v12 =	vadd.s32 s30, v21;
	v17 =	vadd.s32 s29, v21;
	v3 =	vor.u32 v37, v16;
	v8 =	vld.idx.msk [tilespmem:v8+s4+$0x0], $0xffff;
	[tilespmem:v5+s19+$0x0] =	vst.idx.msk $0xffff, v15  }
0x283: {  	v26 =	vld [tilespmem:$0x1FEE0];
	v12 =	vand.u32 $0xFFF8, v12;
	v17 =	vand.u32 $0x7FFFFFF8, v17;
	v18 =	vadd.s32 s28, v21;
	[tilespmem:v7+s19+$0x0] =	vst.idx.msk $0xffff, v10  }
0x284: {  	v16 =	vor.u32 v60, v43;
	v18 =	vand.u32 $0x7FFFFFF8, v18;
	v10 =	vld.idx.msk [tilespmem:v19+s4+$0x0], $0xffff;
	[tilespmem:v4+s19+$0x0] =	vst.idx.msk $0xffff, v6;
	v4 =	vadd.s32 s26, v21  }
0x285: {  	v0 =	vadd.s32 s30, v63;
	v2 =	vor.u32 v38, v18;
	v19 =	vld.idx.msk [tilespmem:v20+s4+$0x0], $0xffff;
	v4 =	vand.u32 $0x7FFFFFF8, v4  }
0x286: {  	v18 =	vor.u32 v62, v44;
	v5 =	vor.u32 v62, v43;
	v11 =	vld.idx.msk [tilespmem:v11+s4+$0x0], $0xffff;
	v4 =	vor.u32 v38, v4  }
0x287: {  	v35 =	vld [tilespmem:$0x1FE60];
	v0 =	vand.u32 $0xFFF8, v0;
	v15 =	vadd.s32 s29, v63;
	v7 =	vor.u32 v62, v42;
	[tilespmem:v3+s19+$0x0] =	vst.idx.msk $0xffff, v8  }
0x288: {  	v0 =	vor.u32 v39, v0;
	v15 =	vand.u32 $0x7FFFFFF8, v15;
	v6 =	vor.u32 v38, v12;
	v14 =	vld.idx.msk [tilespmem:v14+s4+$0x0], $0xffff  }
0x289: {  	v31 =	vld [tilespmem:$0x1FEF0];
	v20 =	vadd.s32 s28, v63;
	v12 =	vor.u32 v38, v17;
	v17 =	vor.u32 v62, v45;
	[tilespmem:v1+s19+$0x0] =	vst.idx.msk $0xffff, v10  }
0x28a: {  	v15 =	vor.u32 v39, v15;
	v21 =	vor.u32 v22, v44;
	[tilespmem:v9+s19+$0x0] =	vst.idx.msk $0xffff, v19;
	v13 =	vld.idx.msk [tilespmem:v13+s4+$0x0], $0xffff  }
0x28b: {  	v61 =	vld [tilespmem:$0x1FDB0];
	v3 =	vadd.s32 s30, v26;
	v10 =	vadd.s32 s28, v26;
	[tilespmem:v4+s19+$0x0] =	vst.idx.msk $0xffff, v11;
	v4 =	vadd.s32 s26, v63  }
0x28c: {  	v8 =	vor.u32 v22, v43;
	v9 =	vand.u32 $0x7FFFFFF8, v10;
	v10 =	vld.idx.msk [tilespmem:v16+s4+$0x0], $0xffff;
	v4 =	vand.u32 $0x7FFFFFF8, v4  }
0x28d: {  	v20 =	vand.u32 $0x7FFFFFF8, v20;
	v3 =	vand.u32 $0xFFF8, v3;
	[tilespmem:v6+s19+$0x0] =	vst.idx.msk $0xffff, v14;
	v7 =	vld.idx.msk [tilespmem:v7+s4+$0x0], $0xffff;
	v4 =	vor.u32 v39, v4  }
0x28e: {  	v19 =	vor.u32 v27, v44;
	v16 =	vor.u32 v27, v45;
	v11 =	vor.u32 v22, v45;
	v17 =	vld.idx.msk [tilespmem:v17+s4+$0x0], $0xffff  }
0x28f: {  	v1 =	vadd.s32 s29, v26;
	v22 =	vor.u32 v22, v42;
	[tilespmem:v12+s19+$0x0] =	vst.idx.msk $0xffff, v13;
	v12 =	vor.u32 v27, v42;
	v27 =	vld [tilespmem:$0x1FF40]  }
0x290: {  	v20 =	vor.u32 v39, v20;
	v3 =	vor.u32 v35, v3;
	v1 =	vand.u32 $0x7FFFFFF8, v1;
	v13 =	vld.idx.msk [tilespmem:v18+s4+$0x0], $0xffff  }
0x291: {  	v1 =	vor.u32 v35, v1;
	v6 =	vand.u32 $0x7FFFFFF8, v25;
	v25 =	vadd.s32 s29, v31;
	[tilespmem:v2+s19+$0x0] =	vst.idx.msk $0xffff, v10  }
0x292: {  	v9 =	vor.u32 v35, v9;
	v25 =	vand.u32 $0x7FFFFFF8, v25;
	[tilespmem:v4+s19+$0x0] =	vst.idx.msk $0xffff, v7;
	v4 =	vadd.s32 s26, v26  }
0x293: {  	v6 =	vor.u32 v40, v6;
	v25 =	vor.u32 v57, v25;
	v2 =	vld.idx.msk [tilespmem:v5+s4+$0x0], $0xffff;
	v4 =	vand.u32 $0x7FFFFFF8, v4  }
0x294: {  	v24 =	vadd.s32 s30, v28;
	[tilespmem:v0+s19+$0x0] =	vst.idx.msk $0xffff, v17;
	v0 =	vadd.s32 s30, v61;
	v22 =	vld.idx.msk [tilespmem:v22+s4+$0x0], $0xffff;
	v4 =	vor.u32 v35, v4  }
0x295: {  	v47 =	vld [tilespmem:$0x1FF10];
	v7 =	vand.u32 $0xFFF8, v24;
	v24 =	vadd.s32 s28, v28;
	v18 =	vor.u32 v27, v44;
	[tilespmem:v15+s19+$0x0] =	vst.idx.msk $0xffff, v13  }
0x296: {  	v5 =	vor.u32 v27, v43;
	v26 =	vadd.s32 s28, v31;
	v0 =	vand.u32 $0xFFF8, v0;
	v17 =	vld.idx.msk [tilespmem:v21+s4+$0x0], $0xffff  }
0x297: {  	v49 =	vld [tilespmem:$0x1FDD0];
	v14 =	vand.u32 $0x7FFFFFF8, v24;
	v7 =	vor.u32 v40, v7;
	v24 =	vadd.s32 s30, v31  }
0x298: {  	v11 =	vld.idx.msk [tilespmem:v11+s4+$0x0], $0xffff;
	v13 =	vor.u32 v27, v42;
	[tilespmem:v20+s19+$0x0] =	vst.idx.msk $0xffff, v2;
	v2 =	vadd.s32 s29, v61;
	v20 =	vadd.s32 s28, v61  }
0x299: {  	v29 =	vor.u32 v34, v0;
	v0 =	vadd.s32 s26, v31;
	v8 =	vld.idx.msk [tilespmem:v8+s4+$0x0], $0xffff;
	[tilespmem:v4+s19+$0x0] =	vst.idx.msk $0xffff, v22;
	v4 =	vadd.s32 s26, v28  }
0x29a: {  	v10 =	vor.u32 v40, v14;
	v14 =	vor.u32 v27, v45;
	v21 =	vld [tilespmem:$0x1FDC0];
	v4 =	vand.u32 $0x7FFFFFF8, v4  }
0x29b: {  	v24 =	vand.u32 $0xFFF8, v24;
	v2 =	vand.u32 $0x7FFFFFF8, v2;
	[tilespmem:v1+s19+$0x0] =	vst.idx.msk $0xffff, v17;
	v12 =	vld.idx.msk [tilespmem:v12+s4+$0x0], $0xffff;
	v4 =	vor.u32 v40, v4  }
0x29c: {  	v20 =	vand.u32 $0x7FFFFFF8, v20;
	v0 =	vand.u32 $0x7FFFFFF8, v0;
	v24 =	vor.u32 v57, v24;
	v19 =	vld.idx.msk [tilespmem:v19+s4+$0x0], $0xffff  }
0x29d: {  	v48 =	vld [tilespmem:$0x1FDE0];
	v30 =	vor.u32 v34, v2;
	v32 =	vor.u32 v34, v20;
	v22 =	vand.u32 $0x7FFFFFF8, v26  }
0x29e: {  	v0 =	vor.u32 v57, v0;
	[tilespmem:v3+s19+$0x0] =	vst.idx.msk $0xffff, v11;
	v15 =	vor.u32 v57, v22;
	v22 =	vld [tilespmem:$0x1FDA0]  }
0x29f: {  	v2 =	vadd.s32 s30, v47;
	v11 =	vor.u32 v49, v45;
	v31 =	vor.u32 v21, v45;
	[tilespmem:v9+s19+$0x0] =	vst.idx.msk $0xffff, v8  }
0x2a0: {  	v46 =	vor.u32 v21, v44;
	v3 =	vor.u32 v21, v43;
	v9 =	vld.idx.msk [tilespmem:v23+s4+$0x0], $0xffff;
	[tilespmem:v4+s19+$0x0] =	vst.idx.msk $0xffff, v12  }
0x2a1: {  	v1 =	vand.u32 $0xFFF8, v2;
	v2 =	vadd.s32 s29, v47;
	v8 =	vadd.s32 s28, v47;
	[tilespmem:v6+s19+$0x0] =	vst.idx.msk $0xffff, v19;
	v4 =	vld.idx.msk [tilespmem:v13+s4+$0x0], $0xffff  }
0x2a2: {  	v17 =	vor.u32 v36, v1;
	v1 =	vand.u32 $0x7FFFFFF8, v2;
	v2 =	vand.u32 $0x7FFFFFF8, v8;
	v19 =	vld.idx.msk [tilespmem:v18+s4+$0x0], $0xffff  }
0x2a3: {  	v8 =	vadd.s32 s29, v48;
	v2 =	vor.u32 v36, v2;
	v13 =	vld.idx.msk [tilespmem:v16+s4+$0x0], $0xffff;
	v16 =	vor.u32 v22, v42  }
0x2a4: {  	v26 =	vor.u32 v22, v45;
	v27 =	vor.u32 v22, v44;
	v28 =	vor.u32 v22, v43  }
0x2a5: {  	v6 =	vand.u32 $0x7FFFFFF8, v8;
	v8 =	vor.u32 v21, v42;
	[tilespmem:v10+s19+$0x0] =	vst.idx.msk $0xffff, v9;
	v9 =	vadd.s32 s29, v33  }
0x2a6: {  	v10 =	vadd.s32 s28, v33;
	v12 =	vor.u32 v49, v44;
	v5 =	vld.idx.msk [tilespmem:v5+s4+$0x0], $0xffff;
	[tilespmem:v0+s19+$0x0] =	vst.idx.msk $0xffff, v4;
	v0 =	vadd.s32 s26, v61  }
0x2a7: {  	v9 =	vand.u32 $0x7FFFFFF8, v9;
	v22 =	vor.u32 v36, v1;
	v0 =	vand.u32 $0x7FFFFFF8, v0  }
0x2a8: {  	v1 =	vor.u32 v49, v43;
	[tilespmem:v25+s19+$0x0] =	vst.idx.msk $0xffff, v19;
	v16 =	vld.idx.msk [tilespmem:v16+s4+$0x0], $0xffff;
	v0 =	vor.u32 v34, v0  }
0x2a9: {  	v10 =	vand.u32 $0x7FFFFFF8, v10;
	v19 =	vor.u32 v38, v9;
	v25 =	vor.u32 v49, v42;
	[tilespmem:v7+s19+$0x0] =	vst.idx.msk $0xffff, v13  }
0x2aa: {  	v9 =	vor.u32 v38, v10;
	v4 =	vadd.s32 s30, v48;
	v7 =	vadd.s32 s28, v48;
	v23 =	vld.idx.msk [tilespmem:v14+s4+$0x0], $0xffff  }
0x2ab: {  	[tilespmem:v15+s19+$0x0] =	vst.idx.msk $0xffff, v5;
	v5 =	vadd.s32 s29, v50;
	v27 =	vld.idx.msk [tilespmem:v27+s4+$0x0], $0xffff;
	v4 =	vand.u32 $0xFFF8, v4;
	v7 =	vand.u32 $0x7FFFFFF8, v7  }
0x2ac: {  	v28 =	vld.idx.msk [tilespmem:v28+s4+$0x0], $0xffff;
	v20 =	vor.u32 v37, v4;
	v4 =	vor.u32 v37, v7;
	v7 =	vadd.s32 s30, v33  }
0x2ad: {  	v10 =	vor.u32 v52, v43;
	v34 =	vld [tilespmem:$0x1FDF0];
	v7 =	vand.u32 $0xFFF8, v7;
	[tilespmem:v0+s19+$0x0] =	vst.idx.msk $0xffff, v16;
	v0 =	vadd.s32 s26, v47  }
0x2ae: {  	v13 =	vor.u32 v37, v6;
	v18 =	vor.u32 v38, v7;
	v0 =	vand.u32 $0x7FFFFFF8, v0  }
0x2af: {  	v15 =	vadd.s32 s28, v50;
	v7 =	vadd.s32 s30, v50;
	[tilespmem:v24+s19+$0x0] =	vst.idx.msk $0xffff, v23;
	v16 =	vld.idx.msk [tilespmem:v8+s4+$0x0], $0xffff;
	v0 =	vor.u32 v36, v0  }
0x2b0: {  	s31 =	sadd.s32 $0x4, s31;
	v5 =	vand.u32 $0x7FFFFFF8, v5;
	v15 =	vand.u32 $0x7FFFFFF8, v15;
	v7 =	vand.u32 $0xFFF8, v7;
	[tilespmem:v30+s19+$0x0] =	vst.idx.msk $0xffff, v27;
	v36 =	vld.idx.msk [tilespmem:v26+s4+$0x0], $0xffff  }
0x2b1: {  	p1 =	slt.u32 s31, $0x1C;
	v27 =	vadd.s32 s29, v51;
	[tilespmem:v32+s19+$0x0] =	vst.idx.msk $0xffff, v28;
	v28 =	vadd.s32 s28, v51;
	v23 =	vor.u32 v52, v45  }
.Ltmp1:
0x2b2: {  	v24 =	vor.u32 v52, v44;
	v21 =	vor.u32 v34, v45;
	v14 =	vor.u32 v34, v44;
	(pc) =	sbr.rel @p1 .LBB2_5-.Ltmp1, $4  }
0x2b3: {  	v50 =	vld.idx.msk [tilespmem:v46+s4+$0x0], $0xffff;
	v6 =	vor.u32 v34, v43;
	v49 =	vor.u32 v34, v42;
	v8 =	vor.u32 v39, v7  }
0x2b4: {  	v7 =	vor.u32 v39, v5;
	[tilespmem:v0+s19+$0x0] =	vst.idx.msk $0xffff, v16;
	v16 =	vadd.s32 s26, v48;
	v0 =	vor.u32 v39, v15  }
0x2b5: {  	[tilespmem:v29+s19+$0x0] =	vst.idx.msk $0xffff, v36;
	v15 =	vor.u32 v58, v45;
	v26 =	vld.idx.msk [tilespmem:v25+s4+$0x0], $0xffff;
	v5 =	vand.u32 $0x7FFFFFF8, v16;
	v25 =	vadd.s32 s30, v51  }
0x2b6: {  	s1 =	sadd.s32 $0x40, s1;
	v48 =	vld.idx.msk [tilespmem:v31+s4+$0x0], $0xffff;
	v16 =	vor.u32 v58, v44;
	v47 =	vor.u32 v37, v5;
	v5 =	vor.u32 v58, v43  }
0x2b7: {  	_ =	sdelay $0x3  }
0x2b8: {  	v3 =	vld.idx.msk [tilespmem:v3+s4+$0x0], $0xffff;
	_ =	sdelay $0x2  }
0x2b9: {  	[tilespmem:v22+s19+$0x0] =	vst.idx.msk $0xffff, v50  }
0x2ba: {  	[tilespmem:v17+s19+$0x0] =	vst.idx.msk $0xffff, v48  }
0x2bb: {  	[tilespmem:v2+s19+$0x0] =	vst.idx.msk $0xffff, v3  }
0x2bc: {  	v48 =	vld [tilespmem:$0x1FEB0]  }
0x2bd: {  	v11 =	vld.idx.msk [tilespmem:v11+s4+$0x0], $0xffff;
	[tilespmem:v47+s19+$0x0] =	vst.idx.msk $0xffff, v26  }
0x2be: {  	v38 =	vld [tilespmem:$0x1FEC0];
	_ =	sdelay $0x1  }
0x2bf: {  	v12 =	vld.idx.msk [tilespmem:v12+s4+$0x0], $0xffff  }
0x2c0: {  	v1 =	vld.idx.msk [tilespmem:v1+s4+$0x0], $0xffff;
	v2 =	vadd.s32 s26, v48  }
0x2c1: {  	v2 =	vand.u32 $0x7FFFFFF8, v2  }
0x2c2: {  	v3 =	vld.idx.msk [tilespmem:v49+s4+$0x0], $0xffff;
	[tilespmem:v20+s19+$0x0] =	vst.idx.msk $0xffff, v11;
	v2 =	vor.u32 v38, v2  }
0x2c3: {  	v50 =	vld [tilespmem:$0x1FE70]  }
0x2c4: {  	[tilespmem:v13+s19+$0x0] =	vst.idx.msk $0xffff, v12  }
0x2c5: {  	v17 =	vld.idx.msk [tilespmem:v21+s4+$0x0], $0xffff;
	[tilespmem:v4+s19+$0x0] =	vst.idx.msk $0xffff, v1  }
0x2c6: {  	v49 =	vld [tilespmem:$0x1FE10]  }
0x2c7: {  	v12 =	vld.idx.msk [tilespmem:v14+s4+$0x0], $0xffff;
	[tilespmem:v2+s19+$0x0] =	vst.idx.msk $0xffff, v3  }
0x2c8: {  	v11 =	vor.u32 v50, v42;
	v39 =	vld [tilespmem:$0x1FED0]  }
0x2c9: {  	v1 =	vld.idx.msk [tilespmem:v6+s4+$0x0], $0xffff  }
0x2ca: {  	[tilespmem:v18+s19+$0x0] =	vst.idx.msk $0xffff, v17  }
0x2cb: {  	v4 =	vadd.s32 s26, v49;
	v52 =	vld [tilespmem:$0x1FE90]  }
0x2cc: {  	v2 =	vand.u32 $0x7FFFFFF8, v4;
	v6 =	vld.idx.msk [tilespmem:v23+s4+$0x0], $0xffff  }
0x2cd: {  	[tilespmem:v19+s19+$0x0] =	vst.idx.msk $0xffff, v12;
	v3 =	vld.idx.msk [tilespmem:v11+s4+$0x0], $0xffff;
	v2 =	vor.u32 v39, v2  }
0x2ce: {  	[tilespmem:v9+s19+$0x0] =	vst.idx.msk $0xffff, v1;
	v11 =	vld.idx.msk [tilespmem:v24+s4+$0x0], $0xffff  }
0x2cf: {  	v1 =	vld.idx.msk [tilespmem:v10+s4+$0x0], $0xffff  }
0x2d0: {  	v51 =	vld [tilespmem:$0x1FE40]  }
0x2d1: {  	[tilespmem:v8+s19+$0x0] =	vst.idx.msk $0xffff, v6  }
0x2d2: {  	v4 =	vor.u32 v52, v42;
	[tilespmem:v2+s19+$0x0] =	vst.idx.msk $0xffff, v3  }
0x2d3: {  	v12 =	vld [tilespmem:$0x1FE50]  }
0x2d4: {  	[tilespmem:v7+s19+$0x0] =	vst.idx.msk $0xffff, v11  }
0x2d5: {  	v9 =	vadd.s32 s26, v51;
	[tilespmem:v0+s19+$0x0] =	vst.idx.msk $0xffff, v1  }
0x2d6: {  	v2 =	vand.u32 $0x7FFFFFF8, v9;
	v14 =	vld [tilespmem:$0x1FE20]  }
0x2d7: {  	v10 =	vand.u32 $0xFFF8, v25;
	v4 =	vld.idx.msk [tilespmem:v4+s4+$0x0], $0xffff;
	v2 =	vor.u32 v35, v2  }
0x2d8: {  	v6 =	vor.u32 v35, v10;
	v10 =	vld.idx.msk [tilespmem:v15+s4+$0x0], $0xffff;
	v3 =	vand.u32 $0x7FFFFFF8, v27;
	v8 =	vor.u32 v12, v42  }
0x2d9: {  	v9 =	vand.u32 $0x7FFFFFF8, v28;
	v3 =	vor.u32 v35, v3;
	v11 =	vld.idx.msk [tilespmem:v16+s4+$0x0], $0xffff;
	v7 =	vor.u32 v12, v45  }
0x2da: {  	v0 =	vor.u32 v35, v9;
	v5 =	vld.idx.msk [tilespmem:v5+s4+$0x0], $0xffff;
	v1 =	vor.u32 v12, v44  }
0x2db: {  	v9 =	vor.u32 v12, v43;
	v12 =	vadd.s32 s26, v14  }
0x2dc: {  	[tilespmem:v2+s19+$0x0] =	vst.idx.msk $0xffff, v4;
	v13 =	vadd.s32 s30, v14;
	v2 =	vand.u32 $0x7FFFFFF8, v12  }
0x2dd: {  	[tilespmem:v6+s19+$0x0] =	vst.idx.msk $0xffff, v10;
	v4 =	vadd.s32 s29, v14;
	v12 =	vand.u32 $0xFFF8, v13;
	v2 =	vor.u32 v40, v2;
	v8 =	vld.idx.msk [tilespmem:v8+s4+$0x0], $0xffff  }
0x2de: {  	v6 =	vadd.s32 s28, v14;
	[tilespmem:v3+s19+$0x0] =	vst.idx.msk $0xffff, v11;
	v4 =	vand.u32 $0x7FFFFFF8, v4;
	v10 =	vor.u32 v40, v12;
	v7 =	vld.idx.msk [tilespmem:v7+s4+$0x0], $0xffff  }
0x2df: {  	[tilespmem:v0+s19+$0x0] =	vst.idx.msk $0xffff, v5;
	v3 =	vand.u32 $0x7FFFFFF8, v6;
	v4 =	vor.u32 v40, v4;
	v1 =	vld.idx.msk [tilespmem:v1+s4+$0x0], $0xffff  }
0x2e0: {  	v0 =	vor.u32 v40, v3;
	v3 =	vld.idx.msk [tilespmem:v9+s4+$0x0], $0xffff;
	_ =	sdelay $0x1  }
0x2e1: {  	[tilespmem:v2+s19+$0x0] =	vst.idx.msk $0xffff, v8  }
0x2e2: {  	[tilespmem:v10+s19+$0x0] =	vst.idx.msk $0xffff, v7  }
0x2e3: {  	[tilespmem:v4+s19+$0x0] =	vst.idx.msk $0xffff, v1  }
0x2e4: {  	[tilespmem:v0+s19+$0x0] =	vst.idx.msk $0xffff, v3  }
0x2e5: {  	v41 =	vld [tilespmem:s25+$0xD50]  }
0x2e6: {  	v0 =	vld [tilespmem:s12+$0x0];
	_ =	sdelay $0x3  }
0x2e7: {  	v1 =	vld [tilespmem:s12+$0xFFFFFFD0]  }
0x2e8: {  	v2 =	vld [tilespmem:s12+$0xFFFFFFE0];
	v0 =	vsub.f32 v41, v0  }
0x2e9: {  	v3 =	vld [tilespmem:s12+$0xFFFFFFF0]  }
0x2ea: {  	v0 =	vmax.f32 v0, $-4.000000000e+00  }
0x2eb: {  	v0 =	vmin.f32 v0, $4.000000000e+00  }
0x2ec: {  	v0 =	vadd.f32 $4.000000000e+00, v0  }
0x2ed: {  	v1 =	vsub.f32 v41, v1  }
0x2ee: {  	v2 =	vsub.f32 v41, v2;
	v3 =	vsub.f32 v41, v3;
	v0 =	vmul.f32 $1.000000000e+01, v0  }
0x2ef: {  	v1 =	vmax.f32 v1, $-4.000000000e+00  }
0x2f0: {  	v2 =	vmax.f32 v2, $-4.000000000e+00;
	v3 =	vmax.f32 v3, $-4.000000000e+00;
	v4 =	vadd.f32 $5.000000000e-01, v0  }
0x2f1: {  	v1 =	vmin.f32 v1, $4.000000000e+00;
	v2 =	vmin.f32 v2, $4.000000000e+00;
	v3 =	vmin.f32 v3, $4.000000000e+00  }
0x2f2: {  	v1 =	vadd.f32 $4.000000000e+00, v1;
	v2 =	vadd.f32 $4.000000000e+00, v2;
	v4 =	vtrunc.f32 v4  }
0x2f3: {  	v3 =	vadd.f32 $4.000000000e+00, v3;
	v4 =	vcvt.f32.s32 v4  }
0x2f4: {  	v1 =	vmul.f32 $1.000000000e+01, v1;
	v2 =	vmul.f32 $1.000000000e+01, v2  }
0x2f5: {  	v3 =	vmul.f32 $1.000000000e+01, v3;
	v7 =	vcvt.s32.f32 v4  }
0x2f6: {  	v5 =	vadd.f32 $5.000000000e-01, v1;
	v6 =	vadd.f32 $5.000000000e-01, v2  }
0x2f7: {  	v8 =	vadd.f32 $5.000000000e-01, v3;
	v0 =	vsub.f32 v7, v0  }
0x2f8: {  	v5 =	vtrunc.f32 v5;
	v6 =	vtrunc.f32 v6;
	v7 =	vand.u32 $0x1, v4  }
0x2f9: {  	v5 =	vcvt.f32.s32 v5;
	vm1 =	veq.s32 v7, $0x1;
	vm0 =	veq.f32 v0, $5.000000000e-01  }
0x2fa: {  	v11 =	vimm.s32 $0x0;
	v6 =	vcvt.f32.s32 v6;
	vm0 =	vmand vm0, vm1  }
0x2fb: {  	v8 =	vtrunc.f32 v8;
	v7 =	vcvt.s32.f32 v5;
	v9 =	vsel vm0, $0xFFFFFFFF, v11  }
0x2fc: {  	v0 =	vcvt.f32.s32 v8;
	v8 =	vcvt.s32.f32 v6;
	v4 =	vadd.s32 v4, v9  }
0x2fd: {  	v1 =	vsub.f32 v7, v1;
	v9 =	vlaneseq.u32;
	v42 =	vshll.u32 v4, $0x4  }
0x2fe: {  	v10 =	vcvt.s32.f32 v0;
	v7 =	vor.u32 v9, v42  }
0x2ff: {  	v2 =	vsub.f32 v8, v2;
	vm12 =	veq.f32 v1, $5.000000000e-01;
	v4 =	vand.u32 $0x1, v5  }
0x300: {  	s26 =	simm.s32 $0x920;
	v1 =	vand.u32 $0x1, v6;
	v3 =	vsub.f32 v10, v3;
	vm13 =	veq.s32 v4, $0x1  }
0x301: {  	vm14 =	veq.s32 v1, $0x1;
	v1 =	vadd.s32 s26, v53;
	vm0 =	vmand vm12, vm13  }
0x302: {  	vm2 =	veq.f32 v2, $5.000000000e-01;
	v1 =	vand.u32 $0x7FFFFFF8, v1;
	v2 =	vsel vm0, $0xFFFFFFFF, v11  }
0x303: {  	v8 =	vand.u32 $0x1, v0;
	v1 =	vor.u32 v57, v1;
	v2 =	vadd.s32 v5, v2;
	v5 =	vld.idx.msk [tilespmem:v7+s4+$0x0], $0xffff  }
0x304: {  	vm4 =	veq.s32 v8, $0x1;
	vm3 =	veq.f32 v3, $5.000000000e-01  }
0x305: {  	vm15 =	vmand vm3, vm4  }
0x306: {  	v4 =	vsel vm15, $0xFFFFFFFF, v11  }
0x307: {  	v0 =	vadd.s32 v0, v4;
	v45 =	vshll.u32 v2, $0x4  }
0x308: {  	vm1 =	vmand vm2, vm14;
	v43 =	vshll.u32 v0, $0x4;
	v0 =	vor.u32 v9, v45;
	[tilespmem:v1+s19+$0x0] =	vst.idx.msk $0xffff, v5  }
0x309: {  	s30 =	simm.s32 $0x20;
	v3 =	vsel vm1, $0xFFFFFFFF, v11;
	v4 =	vor.u32 v54, v42;
	v34 =	vld [tilespmem:$0x1FE00]  }
0x30a: {  	v3 =	vadd.s32 v6, v3;
	v6 =	vadd.s32 s30, v53  }
0x30b: {  	v44 =	vshll.u32 v3, $0x4;
	v6 =	vand.u32 $0xFFF8, v6  }
0x30c: {  	v2 =	vor.u32 v9, v44;
	v3 =	vor.u32 v9, v43;
	v9 =	vadd.s32 s26, v55  }
0x30d: {  	v1 =	vor.u32 v57, v6;
	v6 =	vand.u32 $0x7FFFFFF8, v9;
	v0 =	vld.idx.msk [tilespmem:v0+s4+$0x0], $0xffff  }
0x30e: {  	v4 =	vld.idx.msk [tilespmem:v4+s4+$0x0], $0xffff;
	v6 =	vor.u32 v34, v6;
	_ =	sdelay $0x1  }
0x30f: {  	s29 =	simm.s32 $0x320;
	s28 =	simm.s32 $0x620  }
0x310: {  	v8 =	vadd.s32 s28, v53;
	v7 =	vadd.s32 s29, v53  }
0x311: {  	v7 =	vand.u32 $0x7FFFFFF8, v7;
	v5 =	vand.u32 $0x7FFFFFF8, v8;
	v8 =	vor.u32 v54, v45;
	v17 =	vld [tilespmem:$0x1FF70];
	[tilespmem:v1+s19+$0x0] =	vst.idx.msk $0xffff, v0  }
0x312: {  	v10 =	vor.u32 v56, v42;
	v7 =	vor.u32 v57, v7;
	v2 =	vld.idx.msk [tilespmem:v2+s4+$0x0], $0xffff;
	[tilespmem:v6+s19+$0x0] =	vst.idx.msk $0xffff, v4  }
0x313: {  	v36 =	vld [tilespmem:$0x1FE80];
	_ =	sdelay $0x1  }
0x314: {  	v11 =	vadd.s32 s30, v55;
	v3 =	vld.idx.msk [tilespmem:v3+s4+$0x0], $0xffff  }
0x315: {  	v11 =	vand.u32 $0xFFF8, v11;
	v5 =	vor.u32 v57, v5;
	v16 =	vadd.s32 s26, v17;
	v8 =	vld.idx.msk [tilespmem:v8+s4+$0x0], $0xffff  }
0x316: {  	v11 =	vor.u32 v34, v11;
	v16 =	vand.u32 $0x7FFFFFF8, v16;
	v10 =	vld.idx.msk [tilespmem:v10+s4+$0x0], $0xffff;
	[tilespmem:v7+s19+$0x0] =	vst.idx.msk $0xffff, v2  }
0x317: {  	v9 =	vor.u32 v54, v44;
	v18 =	vld [tilespmem:$0x1FF50];
	v16 =	vor.u32 v36, v16;
	_ =	sdelay $0x2  }
0x318: {  	v12 =	vadd.s32 s29, v55;
	[tilespmem:v5+s19+$0x0] =	vst.idx.msk $0xffff, v3  }
0x319: {  	v12 =	vand.u32 $0x7FFFFFF8, v12;
	v13 =	vor.u32 v54, v43;
	[tilespmem:v11+s19+$0x0] =	vst.idx.msk $0xffff, v8  }
0x31a: {  	v12 =	vor.u32 v34, v12;
	v9 =	vld.idx.msk [tilespmem:v9+s4+$0x0], $0xffff;
	v7 =	vor.u32 v18, v42;
	[tilespmem:v16+s19+$0x0] =	vst.idx.msk $0xffff, v10  }
0x31b: {  	v37 =	vld [tilespmem:$0x1FEA0]  }
0x31c: {  	v14 =	vadd.s32 s28, v55  }
0x31d: {  	v14 =	vand.u32 $0x7FFFFFF8, v14;
	v15 =	vor.u32 v56, v45  }
0x31e: {  	v14 =	vor.u32 v34, v14;
	v4 =	vor.u32 v56, v44;
	v5 =	vld.idx.msk [tilespmem:v13+s4+$0x0], $0xffff;
	v10 =	vadd.s32 s26, v59  }
0x31f: {  	v0 =	vadd.s32 s30, v17;
	v1 =	vadd.s32 s29, v17;
	v7 =	vld.idx.msk [tilespmem:v7+s4+$0x0], $0xffff;
	v10 =	vand.u32 $0x7FFFFFF8, v10;
	[tilespmem:v12+s19+$0x0] =	vst.idx.msk $0xffff, v9  }
0x320: {  	v0 =	vand.u32 $0xFFF8, v0;
	v13 =	vadd.s32 s30, v59;
	v21 =	vld [tilespmem:$0x1FF60];
	v10 =	vor.u32 v37, v10  }
0x321: {  	v1 =	vand.u32 $0x7FFFFFF8, v1;
	v6 =	vor.u32 v56, v43;
	v13 =	vand.u32 $0xFFF8, v13  }
0x322: {  	v0 =	vor.u32 v36, v0;
	v9 =	vld.idx.msk [tilespmem:v15+s4+$0x0], $0xffff;
	v8 =	vor.u32 v37, v13;
	v13 =	vor.u32 v60, v42  }
0x323: {  	v1 =	vor.u32 v36, v1;
	v3 =	vor.u32 v18, v45;
	v4 =	vld.idx.msk [tilespmem:v4+s4+$0x0], $0xffff  }
0x324: {  	v2 =	vadd.s32 s28, v17;
	[tilespmem:v14+s19+$0x0] =	vst.idx.msk $0xffff, v5  }
0x325: {  	v2 =	vand.u32 $0x7FFFFFF8, v2;
	[tilespmem:v10+s19+$0x0] =	vst.idx.msk $0xffff, v7;
	v7 =	vadd.s32 s26, v21  }
0x326: {  	v2 =	vor.u32 v36, v2;
	v17 =	vor.u32 v18, v44;
	v6 =	vld.idx.msk [tilespmem:v6+s4+$0x0], $0xffff;
	v7 =	vand.u32 $0x7FFFFFF8, v7  }
0x327: {  	v18 =	vor.u32 v18, v43;
	[tilespmem:v0+s19+$0x0] =	vst.idx.msk $0xffff, v9;
	v13 =	vld.idx.msk [tilespmem:v13+s4+$0x0], $0xffff;
	v7 =	vor.u32 v38, v7  }
0x328: {  	[tilespmem:v1+s19+$0x0] =	vst.idx.msk $0xffff, v4;
	v1 =	vld.idx.msk [tilespmem:v3+s4+$0x0], $0xffff;
	_ =	sdelay $0x2  }
0x329: {  	v20 =	vadd.s32 s28, v59;
	v17 =	vld.idx.msk [tilespmem:v17+s4+$0x0], $0xffff;
	[tilespmem:v2+s19+$0x0] =	vst.idx.msk $0xffff, v6  }
0x32a: {  	v19 =	vadd.s32 s29, v59;
	v11 =	vand.u32 $0x7FFFFFF8, v20;
	v3 =	vor.u32 v62, v42;
	v18 =	vld.idx.msk [tilespmem:v18+s4+$0x0], $0xffff;
	[tilespmem:v7+s19+$0x0] =	vst.idx.msk $0xffff, v13  }
0x32b: {  	v16 =	vand.u32 $0x7FFFFFF8, v19;
	v15 =	vor.u32 v60, v45;
	v11 =	vor.u32 v37, v11;
	v22 =	vld [tilespmem:$0x1FF00];
	[tilespmem:v8+s19+$0x0] =	vst.idx.msk $0xffff, v1  }
0x32c: {  	v5 =	vor.u32 v60, v43;
	v12 =	vor.u32 v37, v16;
	v26 =	vld [tilespmem:$0x1FEE0]  }
0x32d: {  	v19 =	vor.u32 v60, v44;
	v16 =	vadd.s32 s30, v21  }
0x32e: {  	v14 =	vadd.s32 s29, v21;
	v20 =	vadd.s32 s28, v21;
	v21 =	vadd.s32 s26, v63  }
0x32f: {  	v21 =	vand.u32 $0x7FFFFFF8, v21;
	v3 =	vld.idx.msk [tilespmem:v3+s4+$0x0], $0xffff  }
0x330: {  	v16 =	vand.u32 $0xFFF8, v16;
	v21 =	vor.u32 v39, v21;
	v15 =	vld.idx.msk [tilespmem:v15+s4+$0x0], $0xffff;
	[tilespmem:v11+s19+$0x0] =	vst.idx.msk $0xffff, v18  }
0x331: {  	v14 =	vand.u32 $0x7FFFFFF8, v14;
	v10 =	vor.u32 v38, v16;
	[tilespmem:v12+s19+$0x0] =	vst.idx.msk $0xffff, v17;
	v5 =	vld.idx.msk [tilespmem:v5+s4+$0x0], $0xffff;
	v17 =	vadd.s32 s28, v26  }
0x332: {  	v20 =	vand.u32 $0x7FFFFFF8, v20;
	v14 =	vor.u32 v38, v14;
	v11 =	vand.u32 $0x7FFFFFF8, v17;
	v17 =	vld.idx.msk [tilespmem:v19+s4+$0x0], $0xffff  }
0x333: {  	v0 =	vor.u32 v38, v20;
	v28 =	vld [tilespmem:$0x1FF30]  }
0x334: {  	v7 =	vor.u32 v22, v45;
	v13 =	vor.u32 v22, v44  }
0x335: {  	v27 =	vld [tilespmem:$0x1FF20];
	v8 =	vor.u32 v22, v43;
	v22 =	vor.u32 v22, v42;
	[tilespmem:v21+s19+$0x0] =	vst.idx.msk $0xffff, v3  }
0x336: {  	v9 =	vadd.s32 s30, v63;
	v4 =	vor.u32 v62, v44;
	v16 =	vor.u32 v62, v45;
	[tilespmem:v10+s19+$0x0] =	vst.idx.msk $0xffff, v15  }
0x337: {  	v2 =	vand.u32 $0xFFF8, v9;
	v6 =	vadd.s32 s29, v63;
	v1 =	vadd.s32 s30, v26;
	[tilespmem:v14+s19+$0x0] =	vst.idx.msk $0xffff, v17  }
0x338: {  	v12 =	vadd.s32 s29, v26;
	v26 =	vadd.s32 s26, v26;
	v24 =	vadd.s32 s30, v28;
	v29 =	vld [tilespmem:$0x1FF40];
	[tilespmem:v0+s19+$0x0] =	vst.idx.msk $0xffff, v5  }
0x339: {  	v21 =	vadd.s32 s28, v28;
	v3 =	vand.u32 $0xFFF8, v24;
	v24 =	vand.u32 $0x7FFFFFF8, v26;
	v31 =	vld [tilespmem:$0x1FEF0]  }
0x33a: {  	v20 =	vor.u32 v62, v43;
	v15 =	vand.u32 $0x7FFFFFF8, v21;
	v21 =	vor.u32 v35, v24;
	v22 =	vld.idx.msk [tilespmem:v22+s4+$0x0], $0xffff  }
0x33b: {  	v2 =	vor.u32 v39, v2;
	v16 =	vld.idx.msk [tilespmem:v16+s4+$0x0], $0xffff;
	v24 =	vor.u32 v40, v3;
	v3 =	vor.u32 v27, v42  }
0x33c: {  	v9 =	vadd.s32 s28, v63;
	v6 =	vand.u32 $0x7FFFFFF8, v6  }
0x33d: {  	v9 =	vand.u32 $0x7FFFFFF8, v9;
	v6 =	vor.u32 v39, v6;
	v4 =	vld.idx.msk [tilespmem:v4+s4+$0x0], $0xffff  }
0x33e: {  	v9 =	vor.u32 v39, v9;
	v1 =	vand.u32 $0xFFF8, v1;
	v17 =	vadd.s32 s30, v31  }
0x33f: {  	v12 =	vand.u32 $0x7FFFFFF8, v12;
	v26 =	vadd.s32 s26, v28;
	v20 =	vld.idx.msk [tilespmem:v20+s4+$0x0], $0xffff;
	[tilespmem:v21+s19+$0x0] =	vst.idx.msk $0xffff, v22;
	v17 =	vand.u32 $0xFFF8, v17  }
0x340: {  	v25 =	vadd.s32 s29, v28;
	[tilespmem:v2+s19+$0x0] =	vst.idx.msk $0xffff, v16;
	v3 =	vld.idx.msk [tilespmem:v3+s4+$0x0], $0xffff;
	v28 =	vor.u32 v57, v17;
	v17 =	vand.u32 $0x7FFFFFF8, v26  }
0x341: {  	v18 =	vor.u32 v27, v45;
	v19 =	vor.u32 v27, v44;
	v33 =	vld [tilespmem:$0x1FDB0];
	v2 =	vor.u32 v40, v17  }
0x342: {  	v23 =	vor.u32 v27, v43;
	v10 =	vand.u32 $0x7FFFFFF8, v25;
	[tilespmem:v6+s19+$0x0] =	vst.idx.msk $0xffff, v4;
	v6 =	vld.idx.msk [tilespmem:v7+s4+$0x0], $0xffff;
	v25 =	vadd.s32 s29, v31  }
0x343: {  	v1 =	vor.u32 v35, v1;
	v4 =	vor.u32 v29, v42;
	v13 =	vld.idx.msk [tilespmem:v13+s4+$0x0], $0xffff;
	v21 =	vand.u32 $0x7FFFFFF8, v25  }
0x344: {  	v12 =	vor.u32 v35, v12;
	v25 =	vor.u32 v57, v21;
	v21 =	vld [tilespmem:$0x1FDA0];
	[tilespmem:v9+s19+$0x0] =	vst.idx.msk $0xffff, v20  }
0x345: {  	v11 =	vor.u32 v35, v11;
	v10 =	vor.u32 v40, v10;
	v15 =	vor.u32 v40, v15;
	v8 =	vld.idx.msk [tilespmem:v8+s4+$0x0], $0xffff  }
0x346: {  	v14 =	vor.u32 v29, v45;
	v0 =	vor.u32 v29, v44;
	[tilespmem:v2+s19+$0x0] =	vst.idx.msk $0xffff, v3  }
0x347: {  	v5 =	vor.u32 v29, v43;
	v27 =	vadd.s32 s28, v31;
	v2 =	vadd.s32 s26, v31;
	v20 =	vld [tilespmem:$0x1FDC0]  }
0x348: {  	v22 =	vand.u32 $0x7FFFFFF8, v27;
	v9 =	vadd.s32 s29, v33;
	v4 =	vld.idx.msk [tilespmem:v4+s4+$0x0], $0xffff;
	v2 =	vand.u32 $0x7FFFFFF8, v2;
	[tilespmem:v1+s19+$0x0] =	vst.idx.msk $0xffff, v6  }
0x349: {  	v7 =	vor.u32 v57, v22;
	v9 =	vand.u32 $0x7FFFFFF8, v9;
	v47 =	vld [tilespmem:$0x1FF10];
	v6 =	vor.u32 v57, v2;
	[tilespmem:v12+s19+$0x0] =	vst.idx.msk $0xffff, v13  }
0x34a: {  	v16 =	vadd.s32 s30, v33;
	v17 =	vadd.s32 s28, v33;
	v30 =	vor.u32 v34, v9;
	v9 =	vld.idx.msk [tilespmem:v18+s4+$0x0], $0xffff;
	[tilespmem:v11+s19+$0x0] =	vst.idx.msk $0xffff, v8  }
0x34b: {  	v16 =	vand.u32 $0xFFF8, v16;
	v17 =	vand.u32 $0x7FFFFFF8, v17;
	v18 =	vor.u32 v21, v42;
	v61 =	vld [tilespmem:$0x1FDD0]  }
0x34c: {  	v16 =	vor.u32 v34, v16;
	v32 =	vor.u32 v34, v17;
	v26 =	vor.u32 v21, v45;
	v13 =	vld.idx.msk [tilespmem:v19+s4+$0x0], $0xffff  }
0x34d: {  	v27 =	vor.u32 v21, v44;
	v29 =	vor.u32 v21, v43;
	v8 =	vld.idx.msk [tilespmem:v23+s4+$0x0], $0xffff;
	v31 =	vor.u32 v20, v45  }
0x34e: {  	v46 =	vor.u32 v20, v44;
	v3 =	vor.u32 v20, v43;
	v1 =	vadd.s32 s30, v47;
	[tilespmem:v6+s19+$0x0] =	vst.idx.msk $0xffff, v4  }
0x34f: {  	v2 =	vadd.s32 s29, v47;
	v12 =	vadd.s32 s28, v47;
	v4 =	vadd.s32 s26, v33;
	v58 =	vld [tilespmem:$0x1FDE0]  }
0x350: {  	v1 =	vand.u32 $0xFFF8, v1;
	v11 =	vor.u32 v61, v45;
	v18 =	vld.idx.msk [tilespmem:v18+s4+$0x0], $0xffff;
	v4 =	vand.u32 $0x7FFFFFF8, v4;
	[tilespmem:v24+s19+$0x0] =	vst.idx.msk $0xffff, v9  }
0x351: {  	[tilespmem:v10+s19+$0x0] =	vst.idx.msk $0xffff, v13;
	v10 =	vor.u32 v20, v42;
	v17 =	vor.u32 v36, v1;
	v1 =	vand.u32 $0x7FFFFFF8, v2  }
0x352: {  	v2 =	vand.u32 $0x7FFFFFF8, v12;
	v12 =	vor.u32 v61, v44;
	v23 =	vor.u32 v34, v4;
	v33 =	vld [tilespmem:$0x1FDF0]  }
0x353: {  	v24 =	vld.idx.msk [tilespmem:v14+s4+$0x0], $0xffff;
	[tilespmem:v15+s19+$0x0] =	vst.idx.msk $0xffff, v8;
	v8 =	vadd.s32 s30, v48;
	v15 =	vadd.s32 s26, v47;
	v22 =	vor.u32 v36, v1  }
0x354: {  	v0 =	vld.idx.msk [tilespmem:v0+s4+$0x0], $0xffff;
	v2 =	vor.u32 v36, v2;
	v1 =	vor.u32 v61, v43;
	v15 =	vand.u32 $0x7FFFFFF8, v15  }
0x355: {  	v8 =	vand.u32 $0xFFF8, v8;
	v15 =	vor.u32 v36, v15;
	v6 =	vadd.s32 s30, v58  }
0x356: {  	v19 =	vadd.s32 s29, v58;
	v9 =	vadd.s32 s28, v58;
	v6 =	vand.u32 $0xFFF8, v6  }
0x357: {  	v5 =	vld.idx.msk [tilespmem:v5+s4+$0x0], $0xffff;
	v4 =	vand.u32 $0x7FFFFFF8, v19;
	v9 =	vand.u32 $0x7FFFFFF8, v9;
	v21 =	vor.u32 v33, v45;
	[tilespmem:v23+s19+$0x0] =	vst.idx.msk $0xffff, v18  }
0x358: {  	v14 =	vor.u32 v33, v44;
	v19 =	vadd.s32 s28, v48;
	[tilespmem:v28+s19+$0x0] =	vst.idx.msk $0xffff, v24;
	v18 =	vor.u32 v38, v8  }
0x359: {  	v28 =	vadd.s32 s30, v49;
	[tilespmem:v25+s19+$0x0] =	vst.idx.msk $0xffff, v0;
	v25 =	vor.u32 v61, v42;
	v23 =	vor.u32 v50, v45  }
0x35a: {  	v24 =	vor.u32 v50, v44;
	v0 =	vadd.s32 s29, v49;
	v20 =	vor.u32 v37, v6;
	v34 =	vld.idx.msk [tilespmem:v10+s4+$0x0], $0xffff  }
0x35b: {  	v13 =	vor.u32 v37, v4;
	v4 =	vor.u32 v37, v9;
	v9 =	vadd.s32 s29, v48;
	v57 =	vld.idx.msk [tilespmem:v26+s4+$0x0], $0xffff  }
0x35c: {  	v6 =	vor.u32 v33, v43;
	v8 =	vand.u32 $0x7FFFFFF8, v19;
	v27 =	vld.idx.msk [tilespmem:v27+s4+$0x0], $0xffff;
	v10 =	vor.u32 v50, v43  }
0x35d: {  	[tilespmem:v7+s19+$0x0] =	vst.idx.msk $0xffff, v5;
	v7 =	vand.u32 $0xFFF8, v28;
	v0 =	vand.u32 $0x7FFFFFF8, v0;
	v9 =	vand.u32 $0x7FFFFFF8, v9  }
0x35e: {  	v26 =	vadd.s32 s28, v49;
	v49 =	vor.u32 v33, v42;
	v5 =	vld.idx.msk [tilespmem:v29+s4+$0x0], $0xffff;
	v19 =	vor.u32 v38, v9  }
0x35f: {  	v26 =	vand.u32 $0x7FFFFFF8, v26;
	v9 =	vor.u32 v38, v8;
	v8 =	vor.u32 v39, v7;
	[tilespmem:v15+s19+$0x0] =	vst.idx.msk $0xffff, v34  }
0x360: {  	v7 =	vor.u32 v39, v0;
	v0 =	vor.u32 v39, v26;
	[tilespmem:v16+s19+$0x0] =	vst.idx.msk $0xffff, v57;
	v26 =	vld.idx.msk [tilespmem:v25+s4+$0x0], $0xffff  }
0x361: {  	v15 =	vadd.s32 s26, v58;
	[tilespmem:v30+s19+$0x0] =	vst.idx.msk $0xffff, v27;
	v16 =	vor.u32 v52, v44;
	v27 =	vadd.s32 s29, v51;
	v48 =	vld.idx.msk [tilespmem:v31+s4+$0x0], $0xffff  }
0x362: {  	v28 =	vand.u32 $0x7FFFFFF8, v15;
	v15 =	vor.u32 v52, v45;
	v25 =	vadd.s32 s30, v51;
	v50 =	vld.idx.msk [tilespmem:v46+s4+$0x0], $0xffff  }
0x363: {  	s31 =	simm.s32 $0x0;
	s1 =	sadd.s32 $0x40, s12;
	[tilespmem:v32+s19+$0x0] =	vst.idx.msk $0xffff, v5;
	v5 =	vor.u32 v52, v43;
	v47 =	vor.u32 v37, v28;
	v28 =	vadd.s32 s28, v51  }
.LBB2_7:
0x364: {  	v30 =	vld [tilespmem:s1+$0x0]  }
0x365: {  	v32 =	vld [tilespmem:s1+$0xFFFFFFE0]  }
0x366: {  	v33 =	vld [tilespmem:$0x1FEB0]  }
0x367: {  	v61 =	vld [tilespmem:$0x1FE20]  }
0x368: {  	v39 =	vld [tilespmem:$0x1FEC0]  }
0x369: {  	v25 =	vand.u32 $0xFFF8, v25;
	v27 =	vand.u32 $0x7FFFFFF8, v27;
	v31 =	vand.u32 $0x7FFFFFF8, v28;
	v52 =	vld [tilespmem:$0x1FE70]  }
0x36a: {  	v29 =	vor.u32 v35, v25;
	v28 =	vor.u32 v35, v27;
	v25 =	vor.u32 v35, v31;
	v35 =	vld [tilespmem:$0x1FE50]  }
0x36b: {  	v31 =	vld [tilespmem:s1+$0xFFFFFFF0]  }
0x36c: {  	[tilespmem:v47+s19+$0x0] =	vst.idx.msk $0xffff, v26;
	v47 =	vld [tilespmem:s1+$0xFFFFFFD0]  }
0x36d: {  	[tilespmem:v22+s19+$0x0] =	vst.idx.msk $0xffff, v50;
	v22 =	vld.idx.msk [tilespmem:v3+s4+$0x0], $0xffff;
	v58 =	vadd.s32 s26, v33;
	v34 =	vadd.s32 s30, v61  }
0x36e: {  	[tilespmem:v17+s19+$0x0] =	vst.idx.msk $0xffff, v48;
	v50 =	vld [tilespmem:$0x1FE10];
	v17 =	vadd.s32 s29, v61;
	v57 =	vadd.s32 s28, v61;
	v30 =	vsub.f32 v41, v30  }
0x36f: {  	v3 =	vsub.f32 v41, v32;
	v11 =	vld.idx.msk [tilespmem:v11+s4+$0x0], $0xffff;
	v46 =	vor.u32 v35, v45;
	v27 =	vor.u32 v35, v44  }
0x370: {  	v12 =	vld.idx.msk [tilespmem:v12+s4+$0x0], $0xffff;
	v26 =	vor.u32 v35, v43;
	v44 =	vand.u32 $0x7FFFFFF8, v58;
	v58 =	vor.u32 v52, v42  }
0x371: {  	v43 =	vld.idx.msk [tilespmem:v49+s4+$0x0], $0xffff;
	v31 =	vsub.f32 v41, v31;
	v44 =	vor.u32 v39, v44;
	v30 =	vmax.f32 v30, $-4.000000000e+00  }
0x372: {  	v48 =	vld [tilespmem:$0x1FED0];
	v45 =	vand.u32 $0x7FFFFFF8, v57;
	v37 =	vmax.f32 v3, $-4.000000000e+00;
	v30 =	vmin.f32 v30, $4.000000000e+00  }
0x373: {  	v57 =	vmin.f32 v37, $4.000000000e+00;
	v37 =	vld [tilespmem:$0x1FE90];
	v38 =	vsub.f32 v41, v47;
	v30 =	vadd.f32 $4.000000000e+00, v30;
	[tilespmem:v2+s19+$0x0] =	vst.idx.msk $0xffff, v22  }
0x374: {  	v36 =	vand.u32 $0xFFF8, v34;
	v31 =	vmax.f32 v31, $-4.000000000e+00;
	v51 =	vadd.s32 s26, v50;
	[tilespmem:v20+s19+$0x0] =	vst.idx.msk $0xffff, v11;
	v11 =	vld.idx.msk [tilespmem:v1+s4+$0x0], $0xffff  }
0x375: {  	[tilespmem:v13+s19+$0x0] =	vst.idx.msk $0xffff, v12;
	v12 =	vadd.f32 $4.000000000e+00, v57;
	v32 =	vmax.f32 v38, $-4.000000000e+00;
	v30 =	vmul.f32 $1.000000000e+01, v30;
	v21 =	vld.idx.msk [tilespmem:v21+s4+$0x0], $0xffff  }
0x376: {  	v31 =	vmin.f32 v31, $4.000000000e+00;
	[tilespmem:v44+s19+$0x0] =	vst.idx.msk $0xffff, v43;
	v43 =	vand.u32 $0x7FFFFFF8, v51;
	v2 =	vmin.f32 v32, $4.000000000e+00;
	v51 =	vld [tilespmem:$0x1FE40]  }
0x377: {  	v12 =	vmul.f32 $1.000000000e+01, v12;
	v58 =	vld.idx.msk [tilespmem:v58+s4+$0x0], $0xffff;
	v22 =	vor.u32 v48, v43;
	v38 =	vadd.f32 $5.000000000e-01, v30  }
0x378: {  	v17 =	vand.u32 $0x7FFFFFF8, v17;
	v13 =	vadd.f32 $4.000000000e+00, v31;
	v14 =	vld.idx.msk [tilespmem:v14+s4+$0x0], $0xffff;
	v32 =	vadd.f32 $4.000000000e+00, v2  }
0x379: {  	v20 =	vor.u32 v37, v42;
	v49 =	vadd.f32 $5.000000000e-01, v12;
	v31 =	vtrunc.f32 v38;
	[tilespmem:v4+s19+$0x0] =	vst.idx.msk $0xffff, v11;
	v4 =	vld [tilespmem:$0x1FE60]  }
0x37a: {  	v2 =	vor.u32 v40, v17;
	v17 =	vmul.f32 $1.000000000e+01, v32;
	v31 =	vcvt.f32.s32 v31  }
0x37b: {  	v3 =	vor.u32 v40, v36;
	v1 =	vor.u32 v40, v45;
	[tilespmem:v18+s19+$0x0] =	vst.idx.msk $0xffff, v21;
	v21 =	vtrunc.f32 v49  }
0x37c: {  	v32 =	vadd.f32 $5.000000000e-01, v17;
	[tilespmem:v22+s19+$0x0] =	vst.idx.msk $0xffff, v58;
	v22 =	vadd.s32 s26, v51;
	v57 =	vcvt.s32.f32 v31  }
0x37d: {  	v13 =	vmul.f32 $1.000000000e+01, v13;
	v6 =	vld.idx.msk [tilespmem:v6+s4+$0x0], $0xffff;
	[tilespmem:v19+s19+$0x0] =	vst.idx.msk $0xffff, v14;
	v14 =	vcvt.f32.s32 v21;
	v22 =	vand.u32 $0x7FFFFFF8, v22  }
0x37e: {  	v20 =	vld.idx.msk [tilespmem:v20+s4+$0x0], $0xffff;
	v11 =	vtrunc.f32 v32;
	v4 =	vor.u32 v4, v22;
	v30 =	vsub.f32 v57, v30  }
0x37f: {  	v23 =	vld.idx.msk [tilespmem:v23+s4+$0x0], $0xffff;
	v21 =	vand.u32 $0x1, v31;
	v22 =	vadd.f32 $5.000000000e-01, v13;
	v11 =	vcvt.f32.s32 v11  }
0x380: {  	v58 =	vimm.s32 $0x0;
	vm1 =	veq.s32 v21, $0x1;
	vm0 =	veq.f32 v30, $5.000000000e-01  }
0x381: {  	v19 =	vtrunc.f32 v22;
	v21 =	vcvt.s32.f32 v11;
	vm0 =	vmand vm0, vm1  }
0x382: {  	v18 =	vor.u32 v35, v42;
	[tilespmem:v9+s19+$0x0] =	vst.idx.msk $0xffff, v6;
	v22 =	vld.idx.msk [tilespmem:v24+s4+$0x0], $0xffff;
	v19 =	vcvt.f32.s32 v19;
	v24 =	vsel vm0, $0xFFFFFFFF, v58  }
0x383: {  	v6 =	vsub.f32 v21, v17;
	[tilespmem:v4+s19+$0x0] =	vst.idx.msk $0xffff, v20;
	v4 =	vadd.s32 s26, v61;
	v20 =	vcvt.s32.f32 v14  }
0x384: {  	[tilespmem:v8+s19+$0x0] =	vst.idx.msk $0xffff, v23;
	v30 =	vcvt.s32.f32 v19;
	v24 =	vadd.s32 v31, v24;
	v8 =	vand.u32 $0x1, v19  }
0x385: {  	v10 =	vld.idx.msk [tilespmem:v10+s4+$0x0], $0xffff;
	v4 =	vand.u32 $0x7FFFFFF8, v4;
	v42 =	vshll.u32 v24, $0x4;
	vm12 =	veq.f32 v6, $5.000000000e-01  }
0x386: {  	v15 =	vld.idx.msk [tilespmem:v15+s4+$0x0], $0xffff;
	v6 =	vand.u32 $0x1, v14;
	v9 =	vsub.f32 v20, v12;
	v12 =	vand.u32 $0x1, v11  }
0x387: {  	v18 =	vld.idx.msk [tilespmem:v18+s4+$0x0], $0xffff;
	vm4 =	veq.s32 v8, $0x1;
	v4 =	vor.u32 v40, v4;
	vm13 =	veq.s32 v12, $0x1  }
0x388: {  	v13 =	vsub.f32 v30, v13;
	v20 =	vlaneseq.u32;
	vm0 =	vmand vm12, vm13  }
0x389: {  	v61 =	vld [tilespmem:$0x1FE30];
	[tilespmem:v7+s19+$0x0] =	vst.idx.msk $0xffff, v22;
	vm14 =	veq.s32 v6, $0x1;
	v17 =	vor.u32 v20, v42;
	v6 =	vsel vm0, $0xFFFFFFFF, v58  }
0x38a: {  	[tilespmem:v0+s19+$0x0] =	vst.idx.msk $0xffff, v10;
	vm2 =	veq.f32 v9, $5.000000000e-01;
	vm3 =	veq.f32 v13, $5.000000000e-01;
	v0 =	vadd.s32 v11, v6  }
0x38b: {  	s26 =	sadd.s32 $0xC00, s26;
	v7 =	vld.idx.msk [tilespmem:v16+s4+$0x0], $0xffff;
	[tilespmem:v29+s19+$0x0] =	vst.idx.msk $0xffff, v15;
	vm1 =	vmand vm2, vm14;
	vm15 =	vmand vm3, vm4;
	v45 =	vshll.u32 v0, $0x4  }
0x38c: {  	v5 =	vld.idx.msk [tilespmem:v5+s4+$0x0], $0xffff;
	v6 =	vsel vm15, $0xFFFFFFFF, v58;
	[tilespmem:v4+s19+$0x0] =	vst.idx.msk $0xffff, v18;
	v4 =	vadd.s32 s26, v53;
	v0 =	vor.u32 v20, v45  }
0x38d: {  	v8 =	vsel vm1, $0xFFFFFFFF, v58;
	v11 =	vld.idx.msk [tilespmem:v46+s4+$0x0], $0xffff;
	v6 =	vadd.s32 v19, v6;
	v4 =	vand.u32 $0x7FFFFFF8, v4  }
0x38e: {  	v8 =	vadd.s32 v14, v8;
	v9 =	vld.idx.msk [tilespmem:v17+s4+$0x0], $0xffff;
	v43 =	vshll.u32 v6, $0x4;
	v4 =	vor.u32 v61, v4  }
0x38f: {  	v34 =	vld [tilespmem:$0x1FE00];
	s30 =	sadd.s32 $0xFFFFF700, s26;
	v44 =	vshll.u32 v8, $0x4;
	v8 =	vor.u32 v20, v43  }
0x390: {  	v36 =	vld [tilespmem:$0x1FE80];
	s29 =	sadd.s32 $0xFFFFFA00, s26;
	v10 =	vor.u32 v54, v42;
	v12 =	vadd.s32 s30, v53;
	[tilespmem:v28+s19+$0x0] =	vst.idx.msk $0xffff, v7;
	v6 =	vor.u32 v20, v44  }
0x391: {  	s28 =	sadd.s32 $0xFFFFFD00, s26;
	v13 =	vadd.s32 s29, v53;
	v18 =	vadd.s32 s29, v55;
	v7 =	vand.u32 $0xFFF8, v12;
	[tilespmem:v25+s19+$0x0] =	vst.idx.msk $0xffff, v5;
	v0 =	vld.idx.msk [tilespmem:v0+s4+$0x0], $0xffff  }
0x392: {  	v14 =	vadd.s32 s28, v53;
	v7 =	vor.u32 v61, v7;
	[tilespmem:v3+s19+$0x0] =	vst.idx.msk $0xffff, v11;
	v11 =	vand.u32 $0x7FFFFFF8, v18;
	v18 =	vld [tilespmem:$0x1FF70]  }
0x393: {  	v12 =	vand.u32 $0x7FFFFFF8, v13;
	v13 =	vand.u32 $0x7FFFFFF8, v14;
	[tilespmem:v4+s19+$0x0] =	vst.idx.msk $0xffff, v9;
	v9 =	vld.idx.msk [tilespmem:v27+s4+$0x0], $0xffff  }
0x394: {  	v5 =	vor.u32 v61, v12;
	v12 =	vor.u32 v61, v13;
	v4 =	vadd.s32 s26, v55;
	v8 =	vld.idx.msk [tilespmem:v8+s4+$0x0], $0xffff  }
0x395: {  	v14 =	vor.u32 v54, v45;
	v6 =	vld.idx.msk [tilespmem:v6+s4+$0x0], $0xffff;
	v4 =	vand.u32 $0x7FFFFFF8, v4  }
0x396: {  	v19 =	vor.u32 v54, v43;
	v10 =	vld.idx.msk [tilespmem:v10+s4+$0x0], $0xffff;
	v4 =	vor.u32 v34, v4  }
0x397: {  	v13 =	vld.idx.msk [tilespmem:v26+s4+$0x0], $0xffff;
	v15 =	vor.u32 v54, v44;
	[tilespmem:v7+s19+$0x0] =	vst.idx.msk $0xffff, v0  }
0x398: {  	v16 =	vor.u32 v56, v42;
	v17 =	vadd.s32 s30, v55;
	v20 =	vld [tilespmem:$0x1FF50];
	[tilespmem:v2+s19+$0x0] =	vst.idx.msk $0xffff, v9  }
0x399: {  	v3 =	vand.u32 $0xFFF8, v17;
	v17 =	vadd.s32 s28, v55;
	v27 =	vld [tilespmem:$0x1FF20];
	[tilespmem:v12+s19+$0x0] =	vst.idx.msk $0xffff, v8  }
0x39a: {  	v3 =	vor.u32 v34, v3;
	v17 =	vand.u32 $0x7FFFFFF8, v17;
	v14 =	vld.idx.msk [tilespmem:v14+s4+$0x0], $0xffff;
	[tilespmem:v5+s19+$0x0] =	vst.idx.msk $0xffff, v6  }
0x39b: {  	v9 =	vor.u32 v34, v17;
	v12 =	vld.idx.msk [tilespmem:v19+s4+$0x0], $0xffff;
	[tilespmem:v4+s19+$0x0] =	vst.idx.msk $0xffff, v10;
	v4 =	vadd.s32 s26, v18  }
0x39c: {  	v11 =	vor.u32 v34, v11;
	v2 =	vor.u32 v56, v45;
	v15 =	vld.idx.msk [tilespmem:v15+s4+$0x0], $0xffff;
	v4 =	vand.u32 $0x7FFFFFF8, v4  }
0x39d: {  	v17 =	vor.u32 v56, v43;
	v16 =	vld.idx.msk [tilespmem:v16+s4+$0x0], $0xffff;
	v4 =	vor.u32 v36, v4  }
0x39e: {  	v0 =	vadd.s32 s30, v18;
	[tilespmem:v1+s19+$0x0] =	vst.idx.msk $0xffff, v13;
	v10 =	vor.u32 v56, v44  }
0x39f: {  	v38 =	vld [tilespmem:$0x1FEA0];
	v0 =	vand.u32 $0xFFF8, v0;
	v6 =	vor.u32 v20, v42;
	[tilespmem:v3+s19+$0x0] =	vst.idx.msk $0xffff, v14  }
0x3a0: {  	v21 =	vld [tilespmem:$0x1FF60];
	v8 =	vor.u32 v20, v45;
	v23 =	vor.u32 v27, v43;
	v5 =	vadd.s32 s28, v18;
	[tilespmem:v9+s19+$0x0] =	vst.idx.msk $0xffff, v12  }
0x3a1: {  	v7 =	vadd.s32 s29, v18;
	v0 =	vor.u32 v36, v0;
	v5 =	vand.u32 $0x7FFFFFF8, v5;
	v2 =	vld.idx.msk [tilespmem:v2+s4+$0x0], $0xffff;
	[tilespmem:v11+s19+$0x0] =	vst.idx.msk $0xffff, v15  }
0x3a2: {  	v7 =	vand.u32 $0x7FFFFFF8, v7;
	v5 =	vor.u32 v36, v5;
	v15 =	vld.idx.msk [tilespmem:v17+s4+$0x0], $0xffff;
	[tilespmem:v4+s19+$0x0] =	vst.idx.msk $0xffff, v16;
	v4 =	vadd.s32 s26, v59  }
0x3a3: {  	v7 =	vor.u32 v36, v7;
	v19 =	vor.u32 v20, v44;
	v10 =	vld.idx.msk [tilespmem:v10+s4+$0x0], $0xffff;
	v4 =	vand.u32 $0x7FFFFFF8, v4  }
0x3a4: {  	v20 =	vor.u32 v20, v43;
	v1 =	vadd.s32 s29, v59;
	v6 =	vld.idx.msk [tilespmem:v6+s4+$0x0], $0xffff;
	v4 =	vor.u32 v38, v4  }
0x3a5: {  	v13 =	vadd.s32 s28, v59;
	v18 =	vadd.s32 s30, v59;
	v1 =	vand.u32 $0x7FFFFFF8, v1  }
0x3a6: {  	v13 =	vand.u32 $0x7FFFFFF8, v13;
	v1 =	vor.u32 v38, v1;
	v11 =	vor.u32 v60, v42;
	[tilespmem:v0+s19+$0x0] =	vst.idx.msk $0xffff, v2  }
0x3a7: {  	v26 =	vld [tilespmem:$0x1FEE0];
	v14 =	vor.u32 v60, v45;
	v9 =	vor.u32 v38, v13;
	v16 =	vand.u32 $0xFFF8, v18;
	[tilespmem:v5+s19+$0x0] =	vst.idx.msk $0xffff, v15  }
0x3a8: {  	v12 =	vadd.s32 s30, v21;
	v3 =	vor.u32 v38, v16;
	v8 =	vld.idx.msk [tilespmem:v8+s4+$0x0], $0xffff;
	[tilespmem:v7+s19+$0x0] =	vst.idx.msk $0xffff, v10  }
0x3a9: {  	v13 =	vor.u32 v60, v44;
	v12 =	vand.u32 $0xFFF8, v12;
	v10 =	vld.idx.msk [tilespmem:v19+s4+$0x0], $0xffff;
	[tilespmem:v4+s19+$0x0] =	vst.idx.msk $0xffff, v6;
	v4 =	vadd.s32 s26, v21  }
0x3aa: {  	v17 =	vadd.s32 s29, v21;
	v18 =	vadd.s32 s28, v21;
	v19 =	vld.idx.msk [tilespmem:v20+s4+$0x0], $0xffff;
	v4 =	vand.u32 $0x7FFFFFF8, v4  }
0x3ab: {  	v17 =	vand.u32 $0x7FFFFFF8, v17;
	v18 =	vand.u32 $0x7FFFFFF8, v18;
	v11 =	vld.idx.msk [tilespmem:v11+s4+$0x0], $0xffff;
	v4 =	vor.u32 v39, v4  }
0x3ac: {  	v35 =	vld [tilespmem:$0x1FE60];
	v16 =	vor.u32 v60, v43;
	v0 =	vadd.s32 s30, v63;
	v2 =	vor.u32 v39, v18  }
0x3ad: {  	v22 =	vld [tilespmem:$0x1FF00];
	v18 =	vor.u32 v62, v44;
	v0 =	vand.u32 $0xFFF8, v0;
	v7 =	vor.u32 v62, v42;
	[tilespmem:v3+s19+$0x0] =	vst.idx.msk $0xffff, v8  }
0x3ae: {  	v28 =	vld [tilespmem:$0x1FF30];
	v5 =	vor.u32 v62, v43;
	v15 =	vadd.s32 s29, v63;
	v0 =	vor.u32 v48, v0;
	[tilespmem:v1+s19+$0x0] =	vst.idx.msk $0xffff, v10  }
0x3af: {  	v6 =	vor.u32 v39, v12;
	v12 =	vor.u32 v39, v17;
	v14 =	vld.idx.msk [tilespmem:v14+s4+$0x0], $0xffff;
	[tilespmem:v9+s19+$0x0] =	vst.idx.msk $0xffff, v19  }
0x3b0: {  	v17 =	vor.u32 v62, v45;
	v10 =	vadd.s32 s28, v26;
	v13 =	vld.idx.msk [tilespmem:v13+s4+$0x0], $0xffff;
	[tilespmem:v4+s19+$0x0] =	vst.idx.msk $0xffff, v11;
	v4 =	vadd.s32 s26, v63  }
0x3b1: {  	v15 =	vand.u32 $0x7FFFFFF8, v15;
	v9 =	vand.u32 $0x7FFFFFF8, v10;
	v10 =	vld.idx.msk [tilespmem:v16+s4+$0x0], $0xffff;
	v4 =	vand.u32 $0x7FFFFFF8, v4  }
0x3b2: {  	v20 =	vadd.s32 s28, v63;
	v15 =	vor.u32 v48, v15;
	v7 =	vld.idx.msk [tilespmem:v7+s4+$0x0], $0xffff;
	v4 =	vor.u32 v48, v4  }
0x3b3: {  	v49 =	vld [tilespmem:$0x1FDB0];
	v20 =	vand.u32 $0x7FFFFFF8, v20;
	v21 =	vor.u32 v22, v44;
	v8 =	vor.u32 v22, v43  }
0x3b4: {  	v31 =	vld [tilespmem:$0x1FEF0];
	v3 =	vadd.s32 s30, v26;
	v11 =	vor.u32 v22, v45;
	v22 =	vor.u32 v22, v42;
	[tilespmem:v6+s19+$0x0] =	vst.idx.msk $0xffff, v14  }
0x3b5: {  	v20 =	vor.u32 v48, v20;
	v3 =	vand.u32 $0xFFF8, v3;
	v17 =	vld.idx.msk [tilespmem:v17+s4+$0x0], $0xffff;
	[tilespmem:v12+s19+$0x0] =	vst.idx.msk $0xffff, v13  }
0x3b6: {  	v25 =	vadd.s32 s29, v28;
	v1 =	vadd.s32 s29, v26;
	v3 =	vor.u32 v35, v3;
	[tilespmem:v2+s19+$0x0] =	vst.idx.msk $0xffff, v10;
	v13 =	vld.idx.msk [tilespmem:v18+s4+$0x0], $0xffff  }
0x3b7: {  	v19 =	vor.u32 v27, v44;
	v1 =	vand.u32 $0x7FFFFFF8, v1;
	v2 =	vld.idx.msk [tilespmem:v5+s4+$0x0], $0xffff;
	[tilespmem:v4+s19+$0x0] =	vst.idx.msk $0xffff, v7;
	v4 =	vadd.s32 s26, v26  }
0x3b8: {  	v16 =	vor.u32 v27, v45;
	v12 =	vor.u32 v27, v42;
	v27 =	vld [tilespmem:$0x1FF40];
	v4 =	vand.u32 $0x7FFFFFF8, v4  }
0x3b9: {  	v6 =	vand.u32 $0x7FFFFFF8, v25;
	v25 =	vadd.s32 s29, v31;
	v22 =	vld.idx.msk [tilespmem:v22+s4+$0x0], $0xffff;
	v4 =	vor.u32 v35, v4  }
0x3ba: {  	v1 =	vor.u32 v35, v1;
	v9 =	vor.u32 v35, v9;
	v25 =	vand.u32 $0x7FFFFFF8, v25;
	[tilespmem:v0+s19+$0x0] =	vst.idx.msk $0xffff, v17  }
0x3bb: {  	v47 =	vld [tilespmem:$0x1FF10];
	v24 =	vadd.s32 s30, v28;
	v6 =	vor.u32 v40, v6;
	v25 =	vor.u32 v61, v25;
	[tilespmem:v15+s19+$0x0] =	vst.idx.msk $0xffff, v13  }
0x3bc: {  	v0 =	vadd.s32 s30, v49;
	v7 =	vand.u32 $0xFFF8, v24;
	v24 =	vadd.s32 s28, v28;
	[tilespmem:v20+s19+$0x0] =	vst.idx.msk $0xffff, v2;
	v17 =	vld.idx.msk [tilespmem:v21+s4+$0x0], $0xffff  }
0x3bd: {  	v18 =	vor.u32 v27, v44;
	v5 =	vor.u32 v27, v43;
	v26 =	vadd.s32 s28, v31;
	v8 =	vld.idx.msk [tilespmem:v8+s4+$0x0], $0xffff  }
0x3be: {  	v58 =	vld [tilespmem:$0x1FDD0];
	v0 =	vand.u32 $0xFFF8, v0;
	v14 =	vand.u32 $0x7FFFFFF8, v24;
	[tilespmem:v4+s19+$0x0] =	vst.idx.msk $0xffff, v22;
	v4 =	vadd.s32 s26, v28  }
0x3bf: {  	v11 =	vld.idx.msk [tilespmem:v11+s4+$0x0], $0xffff;
	v7 =	vor.u32 v40, v7;
	v24 =	vadd.s32 s30, v31;
	v4 =	vand.u32 $0x7FFFFFF8, v4  }
0x3c0: {  	v13 =	vor.u32 v27, v42;
	v2 =	vadd.s32 s29, v49;
	v12 =	vld.idx.msk [tilespmem:v12+s4+$0x0], $0xffff;
	v4 =	vor.u32 v40, v4  }
0x3c1: {  	v20 =	vadd.s32 s28, v49;
	v29 =	vor.u32 v34, v0;
	v10 =	vor.u32 v40, v14;
	v21 =	vld [tilespmem:$0x1FDC0];
	[tilespmem:v1+s19+$0x0] =	vst.idx.msk $0xffff, v17  }
0x3c2: {  	v0 =	vadd.s32 s26, v31;
	v14 =	vor.u32 v27, v45;
	v24 =	vand.u32 $0xFFF8, v24;
	[tilespmem:v9+s19+$0x0] =	vst.idx.msk $0xffff, v8;
	v19 =	vld.idx.msk [tilespmem:v19+s4+$0x0], $0xffff  }
0x3c3: {  	v2 =	vand.u32 $0x7FFFFFF8, v2;
	v20 =	vand.u32 $0x7FFFFFF8, v20;
	v22 =	vand.u32 $0x7FFFFFF8, v26;
	v9 =	vld.idx.msk [tilespmem:v23+s4+$0x0], $0xffff  }
0x3c4: {  	v0 =	vand.u32 $0x7FFFFFF8, v0;
	v24 =	vor.u32 v61, v24;
	v15 =	vor.u32 v61, v22;
	v22 =	vld [tilespmem:$0x1FDA0]  }
0x3c5: {  	v30 =	vor.u32 v34, v2;
	v32 =	vor.u32 v34, v20;
	v2 =	vadd.s32 s30, v47;
	[tilespmem:v4+s19+$0x0] =	vst.idx.msk $0xffff, v12  }
0x3c6: {  	v0 =	vor.u32 v61, v0;
	[tilespmem:v3+s19+$0x0] =	vst.idx.msk $0xffff, v11;
	v11 =	vor.u32 v58, v45;
	v4 =	vld.idx.msk [tilespmem:v13+s4+$0x0], $0xffff  }
0x3c7: {  	v31 =	vor.u32 v21, v45;
	v46 =	vor.u32 v21, v44;
	v1 =	vand.u32 $0xFFF8, v2;
	[tilespmem:v6+s19+$0x0] =	vst.idx.msk $0xffff, v19  }
0x3c8: {  	v2 =	vadd.s32 s29, v47;
	v8 =	vadd.s32 s28, v47;
	v17 =	vor.u32 v36, v1;
	[tilespmem:v10+s19+$0x0] =	vst.idx.msk $0xffff, v9;
	v19 =	vld.idx.msk [tilespmem:v18+s4+$0x0], $0xffff  }
0x3c9: {  	v1 =	vand.u32 $0x7FFFFFF8, v2;
	v2 =	vand.u32 $0x7FFFFFF8, v8;
	v27 =	vor.u32 v22, v44;
	v5 =	vld.idx.msk [tilespmem:v5+s4+$0x0], $0xffff  }
0x3ca: {  	v3 =	vor.u32 v21, v43;
	v2 =	vor.u32 v36, v2;
	v13 =	vld.idx.msk [tilespmem:v16+s4+$0x0], $0xffff;
	v16 =	vor.u32 v22, v42  }
0x3cb: {  	v26 =	vor.u32 v22, v45;
	v28 =	vor.u32 v22, v43;
	[tilespmem:v0+s19+$0x0] =	vst.idx.msk $0xffff, v4;
	v0 =	vadd.s32 s26, v49;
	v49 =	vld [tilespmem:$0x1FDE0]  }
0x3cc: {  	v9 =	vadd.s32 s29, v33;
	v10 =	vadd.s32 s28, v33;
	v12 =	vor.u32 v58, v44  }
0x3cd: {  	v57 =	vld [tilespmem:$0x1FDF0];
	v9 =	vand.u32 $0x7FFFFFF8, v9;
	v10 =	vand.u32 $0x7FFFFFF8, v10;
	v22 =	vor.u32 v36, v1;
	[tilespmem:v25+s19+$0x0] =	vst.idx.msk $0xffff, v19  }
0x3ce: {  	v1 =	vor.u32 v58, v43;
	v19 =	vor.u32 v39, v9;
	v27 =	vld.idx.msk [tilespmem:v27+s4+$0x0], $0xffff;
	v0 =	vand.u32 $0x7FFFFFF8, v0  }
0x3cf: {  	v25 =	vor.u32 v58, v42;
	[tilespmem:v7+s19+$0x0] =	vst.idx.msk $0xffff, v13;
	v16 =	vld.idx.msk [tilespmem:v16+s4+$0x0], $0xffff;
	v0 =	vor.u32 v34, v0  }
0x3d0: {  	[tilespmem:v15+s19+$0x0] =	vst.idx.msk $0xffff, v5;
	v9 =	vor.u32 v39, v10;
	v5 =	vadd.s32 s29, v50;
	v23 =	vld.idx.msk [tilespmem:v14+s4+$0x0], $0xffff;
	v8 =	vadd.s32 s29, v49  }
0x3d1: {  	v15 =	vadd.s32 s28, v50;
	v6 =	vand.u32 $0x7FFFFFF8, v8;
	v8 =	vor.u32 v21, v42  }
0x3d2: {  	v10 =	vor.u32 v52, v43;
	v28 =	vld.idx.msk [tilespmem:v28+s4+$0x0], $0xffff;
	v5 =	vand.u32 $0x7FFFFFF8, v5;
	v15 =	vand.u32 $0x7FFFFFF8, v15  }
0x3d3: {  	v14 =	vor.u32 v57, v44;
	v4 =	vadd.s32 s30, v49;
	v7 =	vadd.s32 s28, v49;
	[tilespmem:v30+s19+$0x0] =	vst.idx.msk $0xffff, v27  }
0x3d4: {  	v27 =	vadd.s32 s29, v51;
	v4 =	vand.u32 $0xFFF8, v4;
	[tilespmem:v0+s19+$0x0] =	vst.idx.msk $0xffff, v16;
	v0 =	vadd.s32 s26, v47  }
0x3d5: {  	v7 =	vand.u32 $0x7FFFFFF8, v7;
	[tilespmem:v24+s19+$0x0] =	vst.idx.msk $0xffff, v23;
	v20 =	vor.u32 v38, v4;
	v0 =	vand.u32 $0x7FFFFFF8, v0  }
0x3d6: {  	v4 =	vor.u32 v38, v7;
	v7 =	vadd.s32 s30, v33;
	v0 =	vor.u32 v36, v0;
	v16 =	vld.idx.msk [tilespmem:v8+s4+$0x0], $0xffff  }
0x3d7: {  	s31 =	sadd.s32 $0x4, s31;
	[tilespmem:v32+s19+$0x0] =	vst.idx.msk $0xffff, v28;
	v28 =	vadd.s32 s28, v51;
	v21 =	vor.u32 v57, v45;
	v7 =	vand.u32 $0xFFF8, v7;
	v36 =	vld.idx.msk [tilespmem:v26+s4+$0x0], $0xffff  }
0x3d8: {  	p1 =	slt.u32 s31, $0x1C;
	v23 =	vor.u32 v52, v45;
	v18 =	vor.u32 v39, v7;
	v7 =	vadd.s32 s30, v50  }
.Ltmp2:
0x3d9: {  	v24 =	vor.u32 v52, v44;
	v13 =	vor.u32 v38, v6;
	v7 =	vand.u32 $0xFFF8, v7;
	(pc) =	sbr.rel @p1 .LBB2_7-.Ltmp2, $4  }
0x3da: {  	v6 =	vor.u32 v57, v43;
	v50 =	vld.idx.msk [tilespmem:v46+s4+$0x0], $0xffff;
	v8 =	vor.u32 v48, v7;
	v7 =	vor.u32 v48, v5  }
0x3db: {  	[tilespmem:v0+s19+$0x0] =	vst.idx.msk $0xffff, v16;
	v16 =	vadd.s32 s26, v49;
	v0 =	vor.u32 v48, v15;
	v15 =	vor.u32 v37, v45  }
0x3dc: {  	[tilespmem:v29+s19+$0x0] =	vst.idx.msk $0xffff, v36;
	v49 =	vor.u32 v57, v42;
	v26 =	vld.idx.msk [tilespmem:v25+s4+$0x0], $0xffff;
	v5 =	vand.u32 $0x7FFFFFF8, v16;
	v25 =	vadd.s32 s30, v51  }
0x3dd: {  	s1 =	sadd.s32 $0x40, s1;
	v48 =	vld.idx.msk [tilespmem:v31+s4+$0x0], $0xffff;
	v16 =	vor.u32 v37, v44;
	v47 =	vor.u32 v38, v5;
	v5 =	vor.u32 v37, v43  }
0x3de: {  	_ =	sdelay $0x3  }
0x3df: {  	v3 =	vld.idx.msk [tilespmem:v3+s4+$0x0], $0xffff;
	_ =	sdelay $0x2  }
0x3e0: {  	[tilespmem:v22+s19+$0x0] =	vst.idx.msk $0xffff, v50  }
0x3e1: {  	[tilespmem:v17+s19+$0x0] =	vst.idx.msk $0xffff, v48  }
0x3e2: {  	[tilespmem:v2+s19+$0x0] =	vst.idx.msk $0xffff, v3  }
0x3e3: {  	v2 =	vld [tilespmem:$0x1FEB0]  }
0x3e4: {  	v11 =	vld.idx.msk [tilespmem:v11+s4+$0x0], $0xffff;
	[tilespmem:v47+s19+$0x0] =	vst.idx.msk $0xffff, v26  }
0x3e5: {  	v48 =	vld [tilespmem:$0x1FEC0]  }
0x3e6: {  	v12 =	vld.idx.msk [tilespmem:v12+s4+$0x0], $0xffff  }
0x3e7: {  	v1 =	vld.idx.msk [tilespmem:v1+s4+$0x0], $0xffff  }
0x3e8: {  	v2 =	vadd.s32 s26, v2  }
0x3e9: {  	v2 =	vand.u32 $0x7FFFFFF8, v2  }
0x3ea: {  	v3 =	vld.idx.msk [tilespmem:v49+s4+$0x0], $0xffff;
	[tilespmem:v20+s19+$0x0] =	vst.idx.msk $0xffff, v11;
	v2 =	vor.u32 v48, v2  }
0x3eb: {  	v30 =	vmov v40;
	v40 =	vld [tilespmem:$0x1FE70];
	[tilespmem:v13+s19+$0x0] =	vst.idx.msk $0xffff, v12  }
0x3ec: {  	v17 =	vld.idx.msk [tilespmem:v21+s4+$0x0], $0xffff;
	[tilespmem:v4+s19+$0x0] =	vst.idx.msk $0xffff, v1  }
0x3ed: {  	v34 =	vld [tilespmem:$0x1FE10];
	_ =	sdelay $0x1  }
0x3ee: {  	v12 =	vld.idx.msk [tilespmem:v14+s4+$0x0], $0xffff;
	[tilespmem:v2+s19+$0x0] =	vst.idx.msk $0xffff, v3  }
0x3ef: {  	v11 =	vor.u32 v40, v42;
	v39 =	vld [tilespmem:$0x1FED0]  }
0x3f0: {  	v1 =	vld.idx.msk [tilespmem:v6+s4+$0x0], $0xffff  }
0x3f1: {  	v4 =	vadd.s32 s26, v34;
	[tilespmem:v18+s19+$0x0] =	vst.idx.msk $0xffff, v17  }
0x3f2: {  	v2 =	vand.u32 $0x7FFFFFF8, v4;
	v4 =	vld [tilespmem:$0x1FE90]  }
0x3f3: {  	v6 =	vld.idx.msk [tilespmem:v23+s4+$0x0], $0xffff  }
0x3f4: {  	[tilespmem:v19+s19+$0x0] =	vst.idx.msk $0xffff, v12;
	v3 =	vld.idx.msk [tilespmem:v11+s4+$0x0], $0xffff;
	v2 =	vor.u32 v39, v2  }
0x3f5: {  	[tilespmem:v9+s19+$0x0] =	vst.idx.msk $0xffff, v1;
	v11 =	vld.idx.msk [tilespmem:v24+s4+$0x0], $0xffff  }
0x3f6: {  	v1 =	vld.idx.msk [tilespmem:v10+s4+$0x0], $0xffff  }
0x3f7: {  	v9 =	vld [tilespmem:$0x1FE40]  }
0x3f8: {  	[tilespmem:v8+s19+$0x0] =	vst.idx.msk $0xffff, v6  }
0x3f9: {  	v4 =	vor.u32 v4, v42;
	[tilespmem:v2+s19+$0x0] =	vst.idx.msk $0xffff, v3  }
0x3fa: {  	v12 =	vld [tilespmem:$0x1FE50]  }
0x3fb: {  	[tilespmem:v7+s19+$0x0] =	vst.idx.msk $0xffff, v11  }
0x3fc: {  	v9 =	vadd.s32 s26, v9;
	[tilespmem:v0+s19+$0x0] =	vst.idx.msk $0xffff, v1  }
0x3fd: {  	v2 =	vand.u32 $0x7FFFFFF8, v9;
	v14 =	vld [tilespmem:$0x1FE20]  }
0x3fe: {  	v10 =	vand.u32 $0xFFF8, v25;
	v4 =	vld.idx.msk [tilespmem:v4+s4+$0x0], $0xffff;
	v2 =	vor.u32 v35, v2  }
0x3ff: {  	v6 =	vor.u32 v35, v10;
	v10 =	vld.idx.msk [tilespmem:v15+s4+$0x0], $0xffff;
	v3 =	vand.u32 $0x7FFFFFF8, v27;
	v8 =	vor.u32 v12, v42  }
0x400: {  	v9 =	vand.u32 $0x7FFFFFF8, v28;
	v3 =	vor.u32 v35, v3;
	v11 =	vld.idx.msk [tilespmem:v16+s4+$0x0], $0xffff;
	v7 =	vor.u32 v12, v45  }
0x401: {  	v0 =	vor.u32 v35, v9;
	v5 =	vld.idx.msk [tilespmem:v5+s4+$0x0], $0xffff;
	v1 =	vor.u32 v12, v44  }
0x402: {  	v9 =	vor.u32 v12, v43;
	v12 =	vadd.s32 s26, v14  }
0x403: {  	[tilespmem:v2+s19+$0x0] =	vst.idx.msk $0xffff, v4;
	v13 =	vadd.s32 s30, v14;
	v2 =	vand.u32 $0x7FFFFFF8, v12  }
0x404: {  	[tilespmem:v6+s19+$0x0] =	vst.idx.msk $0xffff, v10;
	v4 =	vadd.s32 s29, v14;
	v12 =	vand.u32 $0xFFF8, v13;
	v2 =	vor.u32 v30, v2;
	v8 =	vld.idx.msk [tilespmem:v8+s4+$0x0], $0xffff  }
0x405: {  	v6 =	vadd.s32 s28, v14;
	[tilespmem:v3+s19+$0x0] =	vst.idx.msk $0xffff, v11;
	v4 =	vand.u32 $0x7FFFFFF8, v4;
	v10 =	vor.u32 v30, v12;
	v7 =	vld.idx.msk [tilespmem:v7+s4+$0x0], $0xffff  }
0x406: {  	[tilespmem:v0+s19+$0x0] =	vst.idx.msk $0xffff, v5;
	v3 =	vand.u32 $0x7FFFFFF8, v6;
	v4 =	vor.u32 v30, v4;
	v1 =	vld.idx.msk [tilespmem:v1+s4+$0x0], $0xffff  }
0x407: {  	v0 =	vor.u32 v30, v3;
	v3 =	vld.idx.msk [tilespmem:v9+s4+$0x0], $0xffff  }
0x408: {  	s0 =	sshll.u32 s24, $0x1  }
0x409: {  	s26 =	sadd.s32 s3, s0;
	[tilespmem:v2+s19+$0x0] =	vst.idx.msk $0xffff, v8  }
0x40a: {  	s0 =	smul.u32 $0xC00, s26;
	[tilespmem:v10+s19+$0x0] =	vst.idx.msk $0xffff, v7  }
0x40b: {  	[tilespmem:v4+s19+$0x0] =	vst.idx.msk $0xffff, v1  }
0x40c: {  	s0 =	sadd.s32 s2, s0;
	[tilespmem:v0+s19+$0x0] =	vst.idx.msk $0xffff, v3  }
0x40d: {  	[hbm4b:s0+s4] =	stream.linear.scatter [tilespmem:s19], [sflag:$0x1], $0x3000, $0x38;
	[tilespmem:$0xE950] =	vst v63  }
0x40e: {  	s0 =	simm.s32 @!p0 $0x2  }
0x40f: {  	_ =	swait.ge @!p0 [sflag:s0], $0x3000  }
0x410: {  	[sflag:s0] =	ssyncset.done @!p0 $0x0  }
0x411: {  	[sflag:s0] =	ssyncadd.s32 @!p0 $0xFFFFD000  }
0x412: {  	v4 =	vld [tilespmem:s25+$0x560]  }
0x413: {  	v0 =	vld [tilespmem:s10+$0x10];
	_ =	sdelay $0x3  }
0x414: {  	v1 =	vld [tilespmem:s10+$0xFFFFFFE0]  }
0x415: {  	v2 =	vld [tilespmem:s10+$0xFFFFFFF0];
	v0 =	vsub.f32 v4, v0  }
0x416: {  	v3 =	vld [tilespmem:s10+$0x0]  }
0x417: {  	v0 =	vmax.f32 v0, $-4.000000000e+00  }
0x418: {  	v0 =	vmin.f32 v0, $4.000000000e+00  }
0x419: {  	v0 =	vadd.f32 $4.000000000e+00, v0  }
0x41a: {  	v1 =	vsub.f32 v4, v1;
	v2 =	vsub.f32 v4, v2  }
0x41b: {  	v3 =	vsub.f32 v4, v3;
	v0 =	vmul.f32 $1.000000000e+01, v0  }
0x41c: {  	v1 =	vmax.f32 v1, $-4.000000000e+00;
	v2 =	vmax.f32 v2, $-4.000000000e+00  }
0x41d: {  	[tilespmem:$0x1FCD0] =	vst v4;
	v3 =	vmax.f32 v3, $-4.000000000e+00;
	v2 =	vmin.f32 v2, $4.000000000e+00;
	v4 =	vadd.f32 $5.000000000e-01, v0  }
0x41e: {  	v1 =	vmin.f32 v1, $4.000000000e+00;
	v3 =	vmin.f32 v3, $4.000000000e+00;
	v2 =	vadd.f32 $4.000000000e+00, v2  }
0x41f: {  	v1 =	vadd.f32 $4.000000000e+00, v1;
	v3 =	vadd.f32 $4.000000000e+00, v3;
	v4 =	vtrunc.f32 v4  }
0x420: {  	v2 =	vmul.f32 $1.000000000e+01, v2;
	v4 =	vcvt.f32.s32 v4  }
0x421: {  	v1 =	vmul.f32 $1.000000000e+01, v1;
	v3 =	vmul.f32 $1.000000000e+01, v3  }
0x422: {  	v7 =	vadd.f32 $5.000000000e-01, v2;
	v6 =	vcvt.s32.f32 v4  }
0x423: {  	v5 =	vadd.f32 $5.000000000e-01, v1;
	v8 =	vadd.f32 $5.000000000e-01, v3  }
0x424: {  	v0 =	vsub.f32 v6, v0;
	v6 =	vtrunc.f32 v7;
	v7 =	vand.u32 $0x1, v4  }
0x425: {  	v5 =	vtrunc.f32 v5;
	v8 =	vtrunc.f32 v8;
	vm1 =	veq.s32 v7, $0x1  }
0x426: {  	vm0 =	veq.f32 v0, $5.000000000e-01;
	v0 =	vcvt.f32.s32 v6;
	v6 =	vcvt.f32.s32 v8  }
0x427: {  	v11 =	vimm.s32 $0x0;
	v5 =	vcvt.f32.s32 v5;
	vm0 =	vmand vm0, vm1  }
0x428: {  	v8 =	vsel vm0, $0xFFFFFFFF, v11;
	v10 =	vcvt.s32.f32 v6  }
0x429: {  	v7 =	vcvt.s32.f32 v5;
	v4 =	vadd.s32 v4, v8  }
0x42a: {  	v41 =	vshll.u32 v4, $0x4;
	v3 =	vsub.f32 v10, v3;
	v10 =	vlaneseq.u32  }
0x42b: {  	v4 =	vor.u32 v10, v41  }
0x42c: {  	v1 =	vsub.f32 v7, v1  }
0x42d: {  	s28 =	simm.s32 $0x900  }
0x42e: {  	vm13 =	veq.f32 v1, $5.000000000e-01;
	v1 =	vadd.s32 s28, v53  }
0x42f: {  	v1 =	vand.u32 $0xFFF8, v1  }
0x430: {  	v1 =	vor.u32 v61, v1;
	vm2 =	veq.f32 v3, $5.000000000e-01;
	v3 =	vld.idx.msk [tilespmem:v4+s4+$0x0], $0xffff  }
0x431: {  	v9 =	vcvt.s32.f32 v0;
	_ =	sdelay $0x1  }
0x432: {  	v7 =	vand.u32 $0x1, v5;
	v2 =	vsub.f32 v9, v2  }
0x433: {  	vm3 =	veq.s32 v7, $0x1;
	v9 =	vand.u32 $0x1, v6  }
0x434: {  	vm0 =	vmand vm13, vm3;
	vm5 =	veq.s32 v9, $0x1;
	vm14 =	veq.f32 v2, $5.000000000e-01;
	[tilespmem:v1+s20+$0x0] =	vst.idx.msk $0xffff, v3  }
0x435: {  	v2 =	vsel vm0, $0xFFFFFFFF, v11;
	vm15 =	vmand vm2, vm5;
	v4 =	vor.u32 v54, v41;
	v38 =	vld [tilespmem:$0x1FE00]  }
0x436: {  	v2 =	vadd.s32 v5, v2;
	v5 =	vsel vm15, $0xFFFFFFFF, v11  }
0x437: {  	v44 =	vshll.u32 v2, $0x4;
	v2 =	vadd.s32 v6, v5  }
0x438: {  	v8 =	vand.u32 $0x1, v0;
	v43 =	vshll.u32 v2, $0x4;
	v2 =	vadd.s32 s28, v55  }
0x439: {  	vm4 =	veq.s32 v8, $0x1;
	v2 =	vand.u32 $0xFFF8, v2  }
0x43a: {  	vm1 =	vmand vm14, vm4;
	v4 =	vld.idx.msk [tilespmem:v4+s4+$0x0], $0xffff;
	v2 =	vor.u32 v38, v2  }
0x43b: {  	v7 =	vsel vm1, $0xFFFFFFFF, v11  }
0x43c: {  	v0 =	vadd.s32 v0, v7  }
0x43d: {  	v45 =	vshll.u32 v0, $0x4;
	v0 =	vor.u32 v10, v44  }
0x43e: {  	v5 =	vor.u32 v10, v45;
	v19 =	vld [tilespmem:$0x1FF70]  }
0x43f: {  	v1 =	vor.u32 v10, v43;
	[tilespmem:v2+s20+$0x0] =	vst.idx.msk $0xffff, v4  }
0x440: {  	s30 =	simm.s32 $0x300;
	s29 =	simm.s32 $0x0;
	v7 =	vor.u32 v56, v41;
	v36 =	vld [tilespmem:$0x1FE80]  }
0x441: {  	s31 =	simm.s32 $0x600;
	v8 =	vor.u32 s29, v53;
	v6 =	vadd.s32 s30, v53  }
0x442: {  	v9 =	vor.u32 v54, v44;
	v3 =	vand.u32 $0xFFF8, v6;
	v6 =	vadd.s32 s31, v53;
	v0 =	vld.idx.msk [tilespmem:v0+s4+$0x0], $0xffff  }
0x443: {  	v3 =	vor.u32 v61, v3;
	v6 =	vand.u32 $0xFFF8, v6;
	v5 =	vld.idx.msk [tilespmem:v5+s4+$0x0], $0xffff;
	v14 =	vadd.s32 s28, v19  }
0x444: {  	v6 =	vor.u32 v61, v6;
	v1 =	vld.idx.msk [tilespmem:v1+s4+$0x0], $0xffff;
	v4 =	vand.u32 $0xFFF8, v14  }
0x445: {  	v7 =	vld.idx.msk [tilespmem:v7+s4+$0x0], $0xffff;
	v4 =	vor.u32 v36, v4  }
0x446: {  	v13 =	vadd.s32 s31, v55;
	v20 =	vld [tilespmem:$0x1FF50]  }
0x447: {  	v13 =	vand.u32 $0xFFF8, v13;
	v12 =	vor.u32 v54, v43;
	v10 =	vor.u32 v54, v45;
	[tilespmem:v8+s20+$0x0] =	vst.idx.msk $0xffff, v0  }
0x448: {  	v2 =	vor.u32 v38, v13;
	v13 =	vor.u32 s29, v55;
	[tilespmem:v3+s20+$0x0] =	vst.idx.msk $0xffff, v5;
	v9 =	vld.idx.msk [tilespmem:v9+s4+$0x0], $0xffff  }
0x449: {  	[tilespmem:v6+s20+$0x0] =	vst.idx.msk $0xffff, v1  }
0x44a: {  	v14 =	vor.u32 v56, v44;
	v8 =	vadd.s32 s31, v19;
	[tilespmem:v4+s20+$0x0] =	vst.idx.msk $0xffff, v7  }
0x44b: {  	v11 =	vadd.s32 s30, v55;
	v8 =	vand.u32 $0xFFF8, v8;
	v17 =	vor.u32 v20, v41;
	v37 =	vld [tilespmem:$0x1FEA0]  }
0x44c: {  	v11 =	vand.u32 $0xFFF8, v11;
	v10 =	vld.idx.msk [tilespmem:v10+s4+$0x0], $0xffff;
	v3 =	vor.u32 v36, v8;
	v8 =	vadd.s32 s30, v59  }
0x44d: {  	v11 =	vor.u32 v38, v11;
	v4 =	vand.u32 $0xFFF8, v8;
	v8 =	vld.idx.msk [tilespmem:v12+s4+$0x0], $0xffff;
	[tilespmem:v13+s20+$0x0] =	vst.idx.msk $0xffff, v9  }
0x44e: {  	v15 =	vor.u32 v56, v45;
	v1 =	vadd.s32 s28, v59;
	v25 =	vld [tilespmem:$0x1FF60]  }
0x44f: {  	v0 =	vor.u32 s29, v19;
	v1 =	vand.u32 $0xFFF8, v1;
	v14 =	vld.idx.msk [tilespmem:v14+s4+$0x0], $0xffff  }
0x450: {  	v12 =	vld.idx.msk [tilespmem:v17+s4+$0x0], $0xffff;
	v1 =	vor.u32 v37, v1  }
0x451: {  	v18 =	vadd.s32 s30, v19  }
0x452: {  	v18 =	vand.u32 $0xFFF8, v18;
	v19 =	vor.u32 v20, v44;
	[tilespmem:v11+s20+$0x0] =	vst.idx.msk $0xffff, v10  }
0x453: {  	v18 =	vor.u32 v36, v18;
	v15 =	vld.idx.msk [tilespmem:v15+s4+$0x0], $0xffff;
	[tilespmem:v2+s20+$0x0] =	vst.idx.msk $0xffff, v8  }
0x454: {  	v23 =	vadd.s32 s31, v25;
	[tilespmem:v0+s20+$0x0] =	vst.idx.msk $0xffff, v14  }
0x455: {  	v10 =	vand.u32 $0xFFF8, v23;
	v23 =	vadd.s32 s28, v25;
	[tilespmem:v1+s20+$0x0] =	vst.idx.msk $0xffff, v12;
	v12 =	vadd.s32 s31, v63  }
0x456: {  	v16 =	vor.u32 v56, v43;
	v2 =	vand.u32 $0xFFF8, v23;
	v12 =	vand.u32 $0xFFF8, v12;
	v23 =	vld [tilespmem:$0x1FF00]  }
0x457: {  	v17 =	vor.u32 v60, v41;
	v47 =	vor.u32 v39, v12;
	v12 =	vld.idx.msk [tilespmem:v19+s4+$0x0], $0xffff  }
0x458: {  	v19 =	vld [tilespmem:$0x1FEE0];
	[tilespmem:v18+s20+$0x0] =	vst.idx.msk $0xffff, v15  }
0x459: {  	v13 =	vadd.s32 s30, v25;
	v26 =	vld [tilespmem:$0x1FF20]  }
0x45a: {  	v13 =	vand.u32 $0xFFF8, v13  }
0x45b: {  	v16 =	vld.idx.msk [tilespmem:v16+s4+$0x0], $0xffff;
	v11 =	vor.u32 v48, v13;
	v13 =	vadd.s32 s30, v63  }
0x45c: {  	v5 =	vor.u32 v20, v45;
	v1 =	vor.u32 v48, v2;
	v2 =	vand.u32 $0xFFF8, v13;
	v13 =	vld.idx.msk [tilespmem:v17+s4+$0x0], $0xffff  }
0x45d: {  	v6 =	vor.u32 v20, v43  }
0x45e: {  	v20 =	vadd.s32 s31, v59;
	v17 =	vor.u32 v62, v41;
	v15 =	vor.u32 v26, v44  }
0x45f: {  	v7 =	vand.u32 $0xFFF8, v20;
	v20 =	vor.u32 s29, v59;
	[tilespmem:$0x1FCE0] =	vst v15  }
0x460: {  	[tilespmem:v3+s20+$0x0] =	vst.idx.msk $0xffff, v16;
	v3 =	vadd.s32 s31, v19  }
0x461: {  	v5 =	vld.idx.msk [tilespmem:v5+s4+$0x0], $0xffff;
	[tilespmem:v1+s20+$0x0] =	vst.idx.msk $0xffff, v13;
	v1 =	vand.u32 $0xFFF8, v3  }
0x462: {  	v6 =	vld.idx.msk [tilespmem:v6+s4+$0x0], $0xffff;
	v1 =	vor.u32 v35, v1  }
0x463: {  	v13 =	vld.idx.msk [tilespmem:v17+s4+$0x0], $0xffff;
	[tilespmem:$0x1FCF0] =	vst v1  }
0x464: {  	v21 =	vor.u32 v60, v44;
	v4 =	vor.u32 v37, v4;
	[tilespmem:v20+s20+$0x0] =	vst.idx.msk $0xffff, v12  }
0x465: {  	v9 =	vor.u32 v60, v45;
	v14 =	vadd.s32 s30, v19;
	v20 =	vld [tilespmem:$0x1FF30]  }
0x466: {  	v7 =	vor.u32 v37, v7;
	v14 =	vand.u32 $0xFFF8, v14;
	v15 =	vadd.s32 s28, v63  }
0x467: {  	v52 =	vor.u32 v35, v14;
	v14 =	vor.u32 v26, v43;
	v15 =	vand.u32 $0xFFF8, v15  }
0x468: {  	v22 =	vor.u32 v60, v43;
	v3 =	vor.u32 v39, v15;
	[tilespmem:$0x1FD00] =	vst v14  }
0x469: {  	v24 =	vor.u32 s29, v25;
	v1 =	vor.u32 v23, v41;
	v15 =	vld.idx.msk [tilespmem:v21+s4+$0x0], $0xffff;
	[tilespmem:v4+s20+$0x0] =	vst.idx.msk $0xffff, v5  }
0x46a: {  	v5 =	vld.idx.msk [tilespmem:v9+s4+$0x0], $0xffff;
	v12 =	vadd.s32 s30, v20  }
0x46b: {  	v0 =	vor.u32 s29, v63;
	v63 =	vld [tilespmem:$0x1FEF0];
	[tilespmem:v7+s20+$0x0] =	vst.idx.msk $0xffff, v6;
	v14 =	vadd.s32 s31, v20;
	v12 =	vand.u32 $0xFFF8, v12  }
0x46c: {  	v7 =	vadd.s32 s28, v19;
	v16 =	vand.u32 $0xFFF8, v14;
	v14 =	vor.u32 v30, v12;
	v12 =	vld [tilespmem:$0x1FF40]  }
0x46d: {  	v25 =	vor.u32 v62, v44;
	[tilespmem:v3+s20+$0x0] =	vst.idx.msk $0xffff, v13;
	v3 =	vand.u32 $0xFFF8, v7;
	v7 =	vld.idx.msk [tilespmem:v22+s4+$0x0], $0xffff  }
0x46e: {  	v10 =	vor.u32 v48, v10;
	[tilespmem:v24+s20+$0x0] =	vst.idx.msk $0xffff, v15;
	v1 =	vld.idx.msk [tilespmem:v1+s4+$0x0], $0xffff  }
0x46f: {  	v8 =	vor.u32 v62, v45;
	v9 =	vor.u32 v35, v3;
	v58 =	vld [tilespmem:$0x1FDA0];
	[tilespmem:v11+s20+$0x0] =	vst.idx.msk $0xffff, v5  }
0x470: {  	v57 =	vld [tilespmem:$0x1FDB0]  }
0x471: {  	v4 =	vadd.s32 s30, v63;
	v6 =	vadd.s32 s31, v63  }
0x472: {  	v32 =	vor.u32 v62, v43;
	v4 =	vand.u32 $0xFFF8, v4;
	v3 =	vand.u32 $0xFFF8, v6;
	v6 =	vld.idx.msk [tilespmem:v25+s4+$0x0], $0xffff  }
0x473: {  	v18 =	vor.u32 v61, v4;
	v4 =	vor.u32 v26, v41;
	v31 =	vld [tilespmem:$0x1FDC0];
	[tilespmem:v10+s20+$0x0] =	vst.idx.msk $0xffff, v7  }
0x474: {  	v33 =	vor.u32 v39, v2;
	v2 =	vor.u32 v23, v44;
	v8 =	vld.idx.msk [tilespmem:v8+s4+$0x0], $0xffff;
	[tilespmem:v9+s20+$0x0] =	vst.idx.msk $0xffff, v1  }
0x475: {  	v5 =	vadd.s32 s30, v57;
	v9 =	vld [tilespmem:$0x1FF10]  }
0x476: {  	v7 =	vadd.s32 s28, v20;
	v5 =	vand.u32 $0xFFF8, v5  }
0x477: {  	v7 =	vand.u32 $0xFFF8, v7;
	v15 =	vor.u32 v38, v5;
	v5 =	vld.idx.msk [tilespmem:v32+s4+$0x0], $0xffff  }
0x478: {  	v1 =	vor.u32 v30, v7;
	v4 =	vld.idx.msk [tilespmem:v4+s4+$0x0], $0xffff;
	[tilespmem:v0+s20+$0x0] =	vst.idx.msk $0xffff, v6  }
0x479: {  	v62 =	vor.u32 s29, v19;
	v17 =	vld.idx.msk [tilespmem:v2+s4+$0x0], $0xffff  }
0x47a: {  	v46 =	vor.u32 v23, v45;
	v11 =	vadd.s32 s31, v57;
	[tilespmem:v33+s20+$0x0] =	vst.idx.msk $0xffff, v8;
	v7 =	vadd.s32 s30, v9  }
0x47b: {  	v11 =	vand.u32 $0xFFF8, v11;
	v8 =	vld [tilespmem:$0x1FDE0];
	v6 =	vadd.s32 s31, v9;
	v0 =	vand.u32 $0xFFF8, v7  }
0x47c: {  	v10 =	vor.u32 v38, v11;
	v11 =	vor.u32 v36, v0;
	v0 =	vand.u32 $0xFFF8, v6;
	v6 =	vld [tilespmem:$0x1FDD0];
	[tilespmem:v47+s20+$0x0] =	vst.idx.msk $0xffff, v5  }
0x47d: {  	[tilespmem:v1+s20+$0x0] =	vst.idx.msk $0xffff, v4  }
0x47e: {  	[tilespmem:v62+s20+$0x0] =	vst.idx.msk $0xffff, v17  }
0x47f: {  	v60 =	vor.u32 v23, v43;
	v55 =	vor.u32 v30, v16;
	v29 =	vor.u32 v12, v44;
	v17 =	vld [tilespmem:$0x1FEB0]  }
0x480: {  	v27 =	vor.u32 v12, v45;
	v28 =	vor.u32 v12, v43;
	v2 =	vadd.s32 s30, v8  }
0x481: {  	v30 =	vor.u32 v12, v41;
	v46 =	vld.idx.msk [tilespmem:v46+s4+$0x0], $0xffff;
	v5 =	vadd.s32 s31, v8;
	v2 =	vand.u32 $0xFFF8, v2  }
0x482: {  	v7 =	vor.u32 v36, v0;
	v0 =	vadd.s32 s28, v63;
	v1 =	vand.u32 $0xFFF8, v5  }
0x483: {  	v12 =	vor.u32 v6, v44;
	v13 =	vor.u32 v6, v45;
	v16 =	vor.u32 v6, v43  }
0x484: {  	v32 =	vld.idx.msk [tilespmem:v60+s4+$0x0], $0xffff;
	v6 =	vand.u32 $0xFFF8, v0;
	v0 =	vor.u32 v37, v2;
	v2 =	vadd.s32 s30, v17  }
0x485: {  	v5 =	vld [tilespmem:$0x1FDF0];
	v1 =	vor.u32 v37, v1;
	v37 =	vadd.s32 s31, v17;
	v2 =	vand.u32 $0xFFF8, v2  }
0x486: {  	v33 =	vld [tilespmem:$0x1FCE0];
	[tilespmem:v52+s20+$0x0] =	vst.idx.msk $0xffff, v46;
	v56 =	vor.u32 v48, v2;
	v2 =	vand.u32 $0xFFF8, v37  }
0x487: {  	v60 =	vor.u32 v48, v2;
	v2 =	vld [tilespmem:$0x1FCF0];
	_ =	sdelay $0x1  }
0x488: {  	v30 =	vld.idx.msk [tilespmem:v30+s4+$0x0], $0xffff;
	v54 =	vor.u32 v61, v6;
	_ =	sdelay $0x4  }
0x489: {  	v59 =	vadd.s32 s28, v57;
	[tilespmem:v54+s20+$0x0] =	vst.idx.msk $0xffff, v30  }
0x48a: {  	v62 =	vor.u32 s29, v17;
	v17 =	vand.u32 $0xFFF8, v59;
	[tilespmem:v2+s20+$0x0] =	vst.idx.msk $0xffff, v32  }
0x48b: {  	v42 =	vadd.s32 s30, v34;
	v48 =	vor.u32 v38, v17;
	v17 =	vld [tilespmem:$0x1FD00]  }
0x48c: {  	v51 =	vor.u32 v26, v45;
	v53 =	vor.u32 s29, v20;
	v26 =	vor.u32 s29, v63  }
0x48d: {  	v21 =	vor.u32 v61, v3;
	v24 =	vor.u32 v58, v44;
	v36 =	vor.u32 v58, v41  }
0x48e: {  	v23 =	vor.u32 v58, v45;
	v22 =	vor.u32 v58, v43;
	v3 =	vor.u32 v31, v44  }
0x48f: {  	v25 =	vor.u32 s29, v57;
	v19 =	vor.u32 v31, v45;
	v20 =	vor.u32 v31, v43;
	v33 =	vld.idx.msk [tilespmem:v33+s4+$0x0], $0xffff  }
0x490: {  	v57 =	vor.u32 v40, v43;
	v50 =	vor.u32 v31, v41;
	v9 =	vor.u32 s29, v9  }
0x491: {  	v63 =	vor.u32 v40, v45;
	v47 =	vld.idx.msk [tilespmem:v51+s4+$0x0], $0xffff;
	v6 =	vor.u32 s29, v8;
	v30 =	vadd.s32 s31, v34  }
0x492: {  	v8 =	vor.u32 v5, v44;
	v4 =	vor.u32 v5, v45;
	v30 =	vand.u32 $0xFFF8, v30;
	v49 =	vld.idx.msk [tilespmem:v36+s4+$0x0], $0xffff  }
0x493: {  	v5 =	vor.u32 v5, v43;
	v46 =	vor.u32 v39, v30;
	v51 =	vld.idx.msk [tilespmem:v17+s4+$0x0], $0xffff;
	v17 =	vand.u32 $0xFFF8, v42  }
0x494: {  	s1 =	sadd.s32 $0x40, s10;
	s0 =	simm.s32 $0x0;
	v2 =	vor.u32 v40, v44;
	[tilespmem:v53+s20+$0x0] =	vst.idx.msk $0xffff, v33;
	v53 =	vor.u32 s29, v34;
	v52 =	vor.u32 v39, v17  }
.LBB2_9:
0x495: {  	v34 =	vld [tilespmem:$0x1FE40];
	_ =	sdelay $0x4  }
0x496: {  	v31 =	vadd.s32 s30, v34  }
0x497: {  	v37 =	vld [tilespmem:$0x1FE90];
	v31 =	vand.u32 $0xFFF8, v31  }
0x498: {  	v33 =	vld [tilespmem:$0x1FF10];
	v61 =	vadd.s32 s31, v34;
	v31 =	vor.u32 v35, v31  }
0x499: {  	v39 =	vld [tilespmem:$0x1FE80];
	[tilespmem:$0x1FC90] =	vst v31;
	v31 =	vand.u32 $0xFFF8, v61  }
0x49a: {  	[tilespmem:v55+s20+$0x0] =	vst.idx.msk $0xffff, v51;
	v55 =	vor.u32 v35, v31;
	v35 =	vld [tilespmem:$0x1FE50]  }
0x49b: {  	v30 =	vld [tilespmem:s1+$0x10]  }
0x49c: {  	v29 =	vld.idx.msk [tilespmem:v29+s4+$0x0], $0xffff  }
0x49d: {  	v40 =	vld [tilespmem:$0x1FEB0];
	[tilespmem:v48+s20+$0x0] =	vst.idx.msk $0xffff, v49;
	v33 =	vadd.s32 s28, v33  }
0x49e: {  	[tilespmem:v14+s20+$0x0] =	vst.idx.msk $0xffff, v47;
	v47 =	vand.u32 $0xFFF8, v33;
	v31 =	vld.idx.msk [tilespmem:v50+s4+$0x0], $0xffff  }
0x49f: {  	v17 =	vor.u32 v37, v44;
	v50 =	vor.u32 v35, v44;
	v44 =	vor.u32 v39, v47;
	v47 =	vld [tilespmem:$0x1FDD0]  }
0x4a0: {  	v48 =	vld [tilespmem:s1+$0xFFFFFFE0]  }
0x4a1: {  	v32 =	vld [tilespmem:s1+$0xFFFFFFF0]  }
0x4a2: {  	v27 =	vld.idx.msk [tilespmem:v27+s4+$0x0], $0xffff  }
0x4a3: {  	v54 =	vld [tilespmem:s1+$0x0]  }
0x4a4: {  	v33 =	vld [tilespmem:$0x1FCD0];
	v38 =	vor.u32 v47, v41  }
0x4a5: {  	v28 =	vld.idx.msk [tilespmem:v28+s4+$0x0], $0xffff;
	[tilespmem:v26+s20+$0x0] =	vst.idx.msk $0xffff, v29  }
0x4a6: {  	v24 =	vld.idx.msk [tilespmem:v24+s4+$0x0], $0xffff  }
0x4a7: {  	v61 =	vld [tilespmem:$0x1FE20]  }
0x4a8: {  	v51 =	vor.u32 v37, v43;
	v36 =	vor.u32 v35, v45;
	[tilespmem:v44+s20+$0x0] =	vst.idx.msk $0xffff, v31;
	v31 =	vld [tilespmem:$0x1FDE0]  }
0x4a9: {  	v30 =	vsub.f32 v33, v30;
	[tilespmem:$0x1FCA0] =	vst v36;
	v36 =	vor.u32 v35, v43;
	v43 =	vld.idx.msk [tilespmem:v38+s4+$0x0], $0xffff  }
0x4aa: {  	v14 =	vor.u32 v37, v45;
	[tilespmem:v18+s20+$0x0] =	vst.idx.msk $0xffff, v27;
	v38 =	vld [tilespmem:$0x1FEA0]  }
0x4ab: {  	v58 =	vor.u32 s29, v34;
	v23 =	vld.idx.msk [tilespmem:v23+s4+$0x0], $0xffff;
	v32 =	vsub.f32 v33, v32;
	v30 =	vmax.f32 v30, $-4.000000000e+00  }
0x4ac: {  	v18 =	vld [tilespmem:$0x1FDF0];
	[tilespmem:v21+s20+$0x0] =	vst.idx.msk $0xffff, v28;
	v54 =	vsub.f32 v33, v54;
	v48 =	vsub.f32 v33, v48;
	v30 =	vmin.f32 v30, $4.000000000e+00  }
0x4ad: {  	v22 =	vld.idx.msk [tilespmem:v22+s4+$0x0], $0xffff;
	[tilespmem:v25+s20+$0x0] =	vst.idx.msk $0xffff, v24;
	v42 =	vadd.s32 s30, v61;
	v30 =	vadd.f32 $4.000000000e+00, v30;
	v31 =	vadd.s32 s28, v31  }
0x4ae: {  	v3 =	vld.idx.msk [tilespmem:v3+s4+$0x0], $0xffff;
	v59 =	vadd.s32 s31, v61;
	v33 =	vmax.f32 v54, $-4.000000000e+00;
	v31 =	vand.u32 $0xFFF8, v31  }
0x4af: {  	v48 =	vmax.f32 v48, $-4.000000000e+00;
	v54 =	vld [tilespmem:$0x1FE70];
	v30 =	vmul.f32 $1.000000000e+01, v30;
	v26 =	vor.u32 v38, v31  }
0x4b0: {  	v32 =	vmax.f32 v32, $-4.000000000e+00;
	v45 =	vand.u32 $0xFFF8, v42;
	v29 =	vmin.f32 v48, $4.000000000e+00;
	v42 =	vld [tilespmem:$0x1FE10];
	[tilespmem:v15+s20+$0x0] =	vst.idx.msk $0xffff, v23  }
0x4b1: {  	v18 =	vor.u32 v18, v41;
	v27 =	vadd.f32 $4.000000000e+00, v29;
	[tilespmem:$0x1FCB0] =	vst v36;
	v36 =	vld [tilespmem:$0x1FEC0];
	v29 =	vadd.f32 $5.000000000e-01, v30  }
0x4b2: {  	v49 =	vand.u32 $0xFFF8, v59;
	v32 =	vmin.f32 v32, $4.000000000e+00;
	[tilespmem:v10+s20+$0x0] =	vst.idx.msk $0xffff, v22;
	v31 =	vmin.f32 v33, $4.000000000e+00;
	v33 =	vld [tilespmem:$0x1FF90]  }
0x4b3: {  	v48 =	vor.u32 s29, v61;
	v21 =	vadd.f32 $4.000000000e+00, v32;
	v19 =	vld.idx.msk [tilespmem:v19+s4+$0x0], $0xffff;
	[tilespmem:v9+s20+$0x0] =	vst.idx.msk $0xffff, v3;
	v29 =	vtrunc.f32 v29  }
0x4b4: {  	v27 =	vmul.f32 $1.000000000e+01, v27;
	v20 =	vld.idx.msk [tilespmem:v20+s4+$0x0], $0xffff;
	v29 =	vcvt.f32.s32 v29;
	[tilespmem:v26+s20+$0x0] =	vst.idx.msk $0xffff, v43;
	v26 =	vadd.s32 s28, v40  }
0x4b5: {  	v21 =	vmul.f32 $1.000000000e+01, v21;
	v12 =	vld.idx.msk [tilespmem:v12+s4+$0x0], $0xffff;
	v28 =	vadd.f32 $4.000000000e+00, v31;
	v26 =	vand.u32 $0xFFF8, v26  }
0x4b6: {  	v59 =	vcvt.s32.f32 v29;
	v31 =	vadd.f32 $5.000000000e-01, v27;
	v18 =	vld.idx.msk [tilespmem:v18+s4+$0x0], $0xffff;
	v24 =	vor.u32 v36, v26  }
0x4b7: {  	v28 =	vmul.f32 $1.000000000e+01, v28;
	v44 =	vor.u32 v33, v45;
	v45 =	vadd.f32 $5.000000000e-01, v21  }
0x4b8: {  	v15 =	vor.u32 v54, v41;
	[tilespmem:v11+s20+$0x0] =	vst.idx.msk $0xffff, v19;
	v30 =	vsub.f32 v59, v30;
	v59 =	vld [tilespmem:$0x1FED0];
	v25 =	vtrunc.f32 v31  }
0x4b9: {  	v13 =	vld.idx.msk [tilespmem:v13+s4+$0x0], $0xffff;
	[tilespmem:v7+s20+$0x0] =	vst.idx.msk $0xffff, v20;
	v23 =	vcvt.f32.s32 v25;
	v26 =	vadd.f32 $5.000000000e-01, v28;
	v25 =	vtrunc.f32 v45  }
0x4ba: {  	[tilespmem:v6+s20+$0x0] =	vst.idx.msk $0xffff, v12;
	vm0 =	veq.f32 v30, $5.000000000e-01;
	v31 =	vimm.s32 $0x0;
	v10 =	vcvt.f32.s32 v25  }
0x4bb: {  	v7 =	vld.idx.msk [tilespmem:v16+s4+$0x0], $0xffff;
	v25 =	vand.u32 $0x1, v29;
	v22 =	vtrunc.f32 v26;
	[tilespmem:v24+s20+$0x0] =	vst.idx.msk $0xffff, v18;
	v18 =	vadd.s32 s28, v42  }
0x4bc: {  	v8 =	vld.idx.msk [tilespmem:v8+s4+$0x0], $0xffff;
	vm1 =	veq.s32 v25, $0x1;
	v25 =	vcvt.s32.f32 v23;
	v18 =	vand.u32 $0xFFF8, v18  }
0x4bd: {  	v22 =	vcvt.f32.s32 v22;
	vm0 =	vmand vm0, vm1;
	v15 =	vld.idx.msk [tilespmem:v15+s4+$0x0], $0xffff;
	v3 =	vor.u32 v59, v18  }
0x4be: {  	v11 =	vor.u32 v37, v41;
	v16 =	vld [tilespmem:$0x1FE60];
	[tilespmem:v0+s20+$0x0] =	vst.idx.msk $0xffff, v13;
	v26 =	vsel vm0, $0xFFFFFFFF, v31;
	v24 =	vcvt.s32.f32 v10  }
0x4bf: {  	v4 =	vld.idx.msk [tilespmem:v4+s4+$0x0], $0xffff;
	v9 =	vsub.f32 v25, v27;
	v25 =	vand.u32 $0x1, v23;
	v30 =	vcvt.s32.f32 v22  }
0x4c0: {  	v20 =	vld [tilespmem:$0x1FFC0];
	[tilespmem:v1+s20+$0x0] =	vst.idx.msk $0xffff, v7;
	v26 =	vadd.s32 v29, v26;
	v27 =	vand.u32 $0x1, v22;
	v19 =	vsub.f32 v24, v21  }
0x4c1: {  	v5 =	vld.idx.msk [tilespmem:v5+s4+$0x0], $0xffff;
	[tilespmem:v62+s20+$0x0] =	vst.idx.msk $0xffff, v8;
	vm3 =	veq.s32 v25, $0x1;
	vm13 =	veq.f32 v9, $5.000000000e-01;
	vm5 =	veq.s32 v27, $0x1  }
0x4c2: {  	v18 =	vshll.u32 v26, $0x4;
	vm14 =	veq.f32 v19, $5.000000000e-01;
	v19 =	vld [tilespmem:$0x1FFA0];
	[tilespmem:v3+s20+$0x0] =	vst.idx.msk $0xffff, v15;
	v3 =	vadd.s32 s28, v34  }
0x4c3: {  	v2 =	vld.idx.msk [tilespmem:v2+s4+$0x0], $0xffff;
	v21 =	vsub.f32 v30, v28;
	v28 =	vlaneseq.u32;
	v3 =	vand.u32 $0xFFF8, v3  }
0x4c4: {  	vm0 =	vmand vm13, vm3;
	v24 =	vor.u32 v28, v18;
	v3 =	vor.u32 v16, v3;
	v16 =	vld [tilespmem:$0x1FE30]  }
0x4c5: {  	s29 =	sadd.s32 $0xC00, s29;
	v25 =	vld [tilespmem:$0x1FF50];
	v26 =	vand.u32 $0x1, v10;
	v12 =	vsel vm0, $0xFFFFFFFF, v31;
	vm2 =	veq.f32 v21, $5.000000000e-01  }
0x4c6: {  	s15 =	sadd.s32 $0x900, s29;
	vm4 =	veq.s32 v26, $0x1;
	v21 =	vld [tilespmem:$0x1FFB0];
	v0 =	vadd.s32 v23, v12;
	vm15 =	vmand vm2, vm5  }
0x4c7: {  	v26 =	vld [tilespmem:$0x1FF60];
	vm1 =	vmand vm14, vm4;
	v13 =	vsel vm15, $0xFFFFFFFF, v31;
	v9 =	vadd.s32 s15, v19  }
0x4c8: {  	[tilespmem:$0x1FCC0] =	vst v44;
	v44 =	vshll.u32 v0, $0x4;
	v1 =	vadd.s32 v22, v13;
	v11 =	vld.idx.msk [tilespmem:v11+s4+$0x0], $0xffff;
	v9 =	vand.u32 $0xFFF8, v9  }
0x4c9: {  	v15 =	vld.idx.msk [tilespmem:v24+s4+$0x0], $0xffff;
	v43 =	vshll.u32 v1, $0x4;
	v1 =	vor.u32 v28, v44;
	v9 =	vor.u32 v16, v9  }
0x4ca: {  	v6 =	vor.u32 v35, v41;
	v23 =	vld [tilespmem:$0x1FF70];
	v12 =	vsel vm1, $0xFFFFFFFF, v31  }
0x4cb: {  	[tilespmem:v56+s20+$0x0] =	vst.idx.msk $0xffff, v4;
	v34 =	vld [tilespmem:$0x1FE00];
	v0 =	vadd.s32 v10, v12;
	v16 =	vor.u32 v21, v18  }
0x4cc: {  	[tilespmem:v60+s20+$0x0] =	vst.idx.msk $0xffff, v5;
	v22 =	vld [tilespmem:$0x1FD90];
	v45 =	vshll.u32 v0, $0x4  }
0x4cd: {  	v0 =	vadd.s32 s28, v61;
	v61 =	vld [tilespmem:$0x1FE30];
	s28 =	smov.u32 s15;
	v7 =	vor.u32 v28, v45;
	[tilespmem:v3+s20+$0x0] =	vst.idx.msk $0xffff, v11  }
0x4ce: {  	v0 =	vand.u32 $0xFFF8, v0;
	v4 =	vor.u32 s29, v19;
	v1 =	vld.idx.msk [tilespmem:v1+s4+$0x0], $0xffff;
	v3 =	vadd.s32 s28, v20;
	[tilespmem:v9+s20+$0x0] =	vst.idx.msk $0xffff, v15  }
0x4cf: {  	s30 =	sadd.s32 $0x300, s29;
	v5 =	vor.u32 v21, v44;
	v0 =	vor.u32 v33, v0;
	v3 =	vand.u32 $0xFFF8, v3;
	v6 =	vld.idx.msk [tilespmem:v6+s4+$0x0], $0xffff  }
0x4d0: {  	s31 =	sadd.s32 $0x600, s29;
	v41 =	vmovc v18;
	v10 =	vadd.s32 s30, v19;
	v11 =	vor.u32 v28, v43;
	v3 =	vor.u32 v34, v3;
	v9 =	vld.idx.msk [tilespmem:v16+s4+$0x0], $0xffff  }
0x4d1: {  	v13 =	vld.idx.msk [tilespmem:v63+s4+$0x0], $0xffff;
	v8 =	vand.u32 $0xFFF8, v10;
	v10 =	vadd.s32 s31, v19;
	v12 =	vor.u32 v22, v41  }
0x4d2: {  	v10 =	vand.u32 $0xFFF8, v10;
	v8 =	vor.u32 v61, v8;
	v7 =	vld.idx.msk [tilespmem:v7+s4+$0x0], $0xffff  }
0x4d3: {  	v19 =	vadd.s32 s31, v20;
	v10 =	vor.u32 v61, v10;
	v18 =	vor.u32 v21, v43;
	v28 =	vld [tilespmem:$0x1FFF0];
	[tilespmem:v4+s20+$0x0] =	vst.idx.msk $0xffff, v1  }
0x4d4: {  	v1 =	vor.u32 s29, v23;
	v15 =	vor.u32 v21, v45;
	v5 =	vld.idx.msk [tilespmem:v5+s4+$0x0], $0xffff;
	v16 =	vadd.s32 s30, v20;
	[tilespmem:v0+s20+$0x0] =	vst.idx.msk $0xffff, v6  }
0x4d5: {  	v4 =	vadd.s32 s30, v23;
	v0 =	vand.u32 $0xFFF8, v16;
	v6 =	vld.idx.msk [tilespmem:v11+s4+$0x0], $0xffff;
	v11 =	vand.u32 $0xFFF8, v19;
	[tilespmem:v3+s20+$0x0] =	vst.idx.msk $0xffff, v9  }
0x4d6: {  	[tilespmem:v53+s20+$0x0] =	vst.idx.msk $0xffff, v2;
	v3 =	vadd.s32 s28, v23;
	v9 =	vor.u32 v34, v11;
	v11 =	vld.idx.msk [tilespmem:v12+s4+$0x0], $0xffff;
	v12 =	vor.u32 s29, v20  }
0x4d7: {  	v17 =	vld.idx.msk [tilespmem:v17+s4+$0x0], $0xffff;
	v16 =	vor.u32 v22, v44;
	v23 =	vadd.s32 s31, v23;
	v3 =	vand.u32 $0xFFF8, v3  }
0x4d8: {  	[tilespmem:v8+s20+$0x0] =	vst.idx.msk $0xffff, v7;
	v7 =	vand.u32 $0xFFF8, v23;
	v23 =	vld [tilespmem:$0x1FFD0];
	v3 =	vor.u32 v39, v3  }
0x4d9: {  	v21 =	vor.u32 v22, v43;
	v8 =	vld.idx.msk [tilespmem:v15+s4+$0x0], $0xffff;
	v0 =	vor.u32 v34, v0  }
0x4da: {  	v19 =	vld.idx.msk [tilespmem:v57+s4+$0x0], $0xffff;
	v20 =	vor.u32 v22, v45;
	v22 =	vor.u32 v25, v41;
	[tilespmem:v10+s20+$0x0] =	vst.idx.msk $0xffff, v6  }
0x4db: {  	v15 =	vld.idx.msk [tilespmem:v18+s4+$0x0], $0xffff;
	[tilespmem:v12+s20+$0x0] =	vst.idx.msk $0xffff, v5  }
0x4dc: {  	v24 =	vor.u32 v25, v44;
	[tilespmem:v52+s20+$0x0] =	vst.idx.msk $0xffff, v13;
	v6 =	vor.u32 v39, v7;
	v16 =	vld.idx.msk [tilespmem:v16+s4+$0x0], $0xffff  }
0x4dd: {  	v7 =	vor.u32 v25, v45;
	[tilespmem:v3+s20+$0x0] =	vst.idx.msk $0xffff, v11;
	v3 =	vadd.s32 s28, v23;
	v11 =	vor.u32 v25, v43;
	v25 =	vld [tilespmem:$0x1FFE0]  }
0x4de: {  	v4 =	vand.u32 $0xFFF8, v4;
	v14 =	vld.idx.msk [tilespmem:v14+s4+$0x0], $0xffff;
	v3 =	vand.u32 $0xFFF8, v3  }
0x4df: {  	v4 =	vor.u32 v39, v4;
	[tilespmem:v0+s20+$0x0] =	vst.idx.msk $0xffff, v8;
	v22 =	vld.idx.msk [tilespmem:v22+s4+$0x0], $0xffff;
	v3 =	vor.u32 v38, v3  }
0x4e0: {  	v0 =	vadd.s32 s30, v26;
	v10 =	vadd.s32 s30, v23;
	v18 =	vadd.s32 s31, v23;
	v20 =	vld.idx.msk [tilespmem:v20+s4+$0x0], $0xffff;
	[tilespmem:v9+s20+$0x0] =	vst.idx.msk $0xffff, v15  }
0x4e1: {  	v5 =	vor.u32 s29, v23;
	v2 =	vand.u32 $0xFFF8, v10;
	v10 =	vand.u32 $0xFFF8, v18;
	v21 =	vld.idx.msk [tilespmem:v21+s4+$0x0], $0xffff;
	[tilespmem:v1+s20+$0x0] =	vst.idx.msk $0xffff, v16  }
0x4e2: {  	v13 =	vor.u32 v38, v2;
	[tilespmem:v46+s20+$0x0] =	vst.idx.msk $0xffff, v19;
	v2 =	vor.u32 v25, v41;
	v19 =	vld.idx.msk [tilespmem:v24+s4+$0x0], $0xffff  }
0x4e3: {  	v23 =	vadd.s32 s31, v26;
	v12 =	vor.u32 v25, v44;
	v18 =	vor.u32 v25, v45;
	v24 =	vld [tilespmem:$0x1FEE0]  }
0x4e4: {  	v8 =	vor.u32 v25, v43;
	v25 =	vor.u32 s29, v26;
	[tilespmem:v3+s20+$0x0] =	vst.idx.msk $0xffff, v22;
	v3 =	vadd.s32 s28, v26;
	v26 =	vld [tilespmem:$0x1FF80];
	_ =	sdelay $0x1  }
0x4e5: {  	v35 =	vld [tilespmem:$0x1FE60]  }
0x4e6: {  	v9 =	vand.u32 $0xFFF8, v23;
	v15 =	vadd.s32 s30, v28;
	v23 =	vld.idx.msk [tilespmem:v2+s4+$0x0], $0xffff;
	v2 =	vand.u32 $0xFFF8, v3  }
0x4e7: {  	v3 =	vor.u32 v36, v2;
	v2 =	vand.u32 $0xFFF8, v15;
	v15 =	vadd.s32 s31, v28  }
0x4e8: {  	[tilespmem:v4+s20+$0x0] =	vst.idx.msk $0xffff, v20;
	v20 =	vadd.s32 s30, v24;
	v22 =	vor.u32 v26, v44;
	v30 =	vor.u32 v26, v45  }
0x4e9: {  	v16 =	vor.u32 v59, v2;
	v2 =	vand.u32 $0xFFF8, v15;
	v15 =	vld.idx.msk [tilespmem:v51+s4+$0x0], $0xffff;
	v20 =	vand.u32 $0xFFF8, v20  }
0x4ea: {  	v31 =	vor.u32 v26, v43;
	v26 =	vor.u32 v26, v41;
	v53 =	vor.u32 v35, v20;
	v20 =	vld [tilespmem:$0x1FC90]  }
0x4eb: {  	v27 =	vld [tilespmem:$0x1FF00];
	[tilespmem:v6+s20+$0x0] =	vst.idx.msk $0xffff, v21  }
0x4ec: {  	v10 =	vor.u32 v38, v10;
	v11 =	vld.idx.msk [tilespmem:v11+s4+$0x0], $0xffff  }
0x4ed: {  	v7 =	vld.idx.msk [tilespmem:v7+s4+$0x0], $0xffff;
	[tilespmem:v3+s20+$0x0] =	vst.idx.msk $0xffff, v23;
	v3 =	vadd.s32 s28, v28  }
0x4ee: {  	v3 =	vand.u32 $0xFFF8, v3;
	[tilespmem:v55+s20+$0x0] =	vst.idx.msk $0xffff, v15;
	v15 =	vld [tilespmem:$0x1FF30]  }
0x4ef: {  	[tilespmem:v58+s20+$0x0] =	vst.idx.msk $0xffff, v17;
	v23 =	vld.idx.msk [tilespmem:v26+s4+$0x0], $0xffff;
	v3 =	vor.u32 v59, v3  }
0x4f0: {  	v37 =	vld [tilespmem:$0x1FEF0];
	[tilespmem:v5+s20+$0x0] =	vst.idx.msk $0xffff, v19  }
0x4f1: {  	[tilespmem:v10+s20+$0x0] =	vst.idx.msk $0xffff, v11  }
0x4f2: {  	[tilespmem:v20+s20+$0x0] =	vst.idx.msk $0xffff, v14;
	v20 =	vor.u32 v27, v41  }
0x4f3: {  	v63 =	vld [tilespmem:$0x1FDB0];
	[tilespmem:v13+s20+$0x0] =	vst.idx.msk $0xffff, v7;
	v7 =	vadd.s32 s31, v15  }
0x4f4: {  	v12 =	vld.idx.msk [tilespmem:v12+s4+$0x0], $0xffff;
	v7 =	vand.u32 $0xFFF8, v7;
	[tilespmem:v3+s20+$0x0] =	vst.idx.msk $0xffff, v23;
	v3 =	vadd.s32 s28, v24  }
0x4f5: {  	v8 =	vld.idx.msk [tilespmem:v8+s4+$0x0], $0xffff;
	v55 =	vor.u32 v33, v7;
	v7 =	vadd.s32 s31, v37;
	v3 =	vand.u32 $0xFFF8, v3  }
0x4f6: {  	v9 =	vor.u32 v36, v9;
	v11 =	vor.u32 v35, v3;
	v3 =	vand.u32 $0xFFF8, v7;
	v7 =	vld [tilespmem:$0x1FCA0]  }
0x4f7: {  	v21 =	vadd.s32 s31, v24;
	v10 =	vld.idx.msk [tilespmem:v20+s4+$0x0], $0xffff  }
0x4f8: {  	v60 =	vld [tilespmem:$0x1FF20];
	v0 =	vand.u32 $0xFFF8, v0;
	v17 =	vand.u32 $0xFFF8, v21  }
0x4f9: {  	v62 =	vld [tilespmem:$0x1FF40];
	v0 =	vor.u32 v36, v0;
	v46 =	vor.u32 v35, v17;
	v5 =	vadd.s32 s30, v15  }
0x4fa: {  	v51 =	vld.idx.msk [tilespmem:v50+s4+$0x0], $0xffff;
	[tilespmem:v25+s20+$0x0] =	vst.idx.msk $0xffff, v12;
	v12 =	vadd.s32 s30, v63;
	v17 =	vor.u32 s29, v15;
	v5 =	vand.u32 $0xFFF8, v5  }
0x4fb: {  	v13 =	vld.idx.msk [tilespmem:v18+s4+$0x0], $0xffff;
	v14 =	vor.u32 v33, v5;
	v5 =	vadd.s32 s30, v37;
	[tilespmem:v9+s20+$0x0] =	vst.idx.msk $0xffff, v8;
	v9 =	vand.u32 $0xFFF8, v12  }
0x4fc: {  	v5 =	vand.u32 $0xFFF8, v5;
	[tilespmem:v11+s20+$0x0] =	vst.idx.msk $0xffff, v10;
	v11 =	vadd.s32 s28, v15;
	v15 =	vor.u32 v34, v9;
	v9 =	vld [tilespmem:$0x1FDC0]  }
0x4fd: {  	v12 =	vld [tilespmem:$0x1FF10];
	v18 =	vor.u32 v61, v5;
	v5 =	vor.u32 v60, v41  }
0x4fe: {  	v50 =	vld.idx.msk [tilespmem:v7+s4+$0x0], $0xffff  }
0x4ff: {  	v49 =	vor.u32 v33, v49;
	v8 =	vadd.s32 s31, v63;
	v7 =	vld.idx.msk [tilespmem:v22+s4+$0x0], $0xffff  }
0x500: {  	v32 =	vor.u32 v27, v44;
	v1 =	vor.u32 s29, v28;
	v8 =	vand.u32 $0xFFF8, v8;
	[tilespmem:v0+s20+$0x0] =	vst.idx.msk $0xffff, v13;
	v0 =	vld [tilespmem:$0x1FDC0]  }
0x501: {  	v10 =	vor.u32 v34, v8;
	v8 =	vand.u32 $0xFFF8, v11;
	v19 =	vor.u32 v9, v45;
	v9 =	vld [tilespmem:$0x1FCB0]  }
0x502: {  	v29 =	vor.u32 v62, v44;
	v56 =	vor.u32 v60, v45;
	v5 =	vld.idx.msk [tilespmem:v5+s4+$0x0], $0xffff;
	v8 =	vor.u32 v33, v8  }
0x503: {  	v58 =	vor.u32 v60, v43;
	v4 =	vor.u32 v59, v2;
	v2 =	vor.u32 v60, v44;
	v60 =	vld [tilespmem:$0x1FDA0]  }
0x504: {  	v52 =	vor.u32 v27, v45;
	v6 =	vor.u32 v27, v43;
	v28 =	vor.u32 v62, v43;
	v13 =	vld.idx.msk [tilespmem:v31+s4+$0x0], $0xffff  }
0x505: {  	v27 =	vor.u32 v62, v45;
	v31 =	vor.u32 v62, v41;
	[tilespmem:v48+s20+$0x0] =	vst.idx.msk $0xffff, v51;
	v62 =	vld [tilespmem:$0x1FDE0]  }
0x506: {  	v21 =	vor.u32 v61, v3;
	v3 =	vor.u32 v0, v44;
	v0 =	vld.idx.msk [tilespmem:v30+s4+$0x0], $0xffff;
	[tilespmem:v1+s20+$0x0] =	vst.idx.msk $0xffff, v7  }
0x507: {  	v57 =	vor.u32 s29, v24;
	v26 =	vor.u32 s29, v37;
	v11 =	vadd.s32 s30, v12;
	[tilespmem:v8+s20+$0x0] =	vst.idx.msk $0xffff, v5;
	v5 =	vld [tilespmem:$0x1FCC0]  }
0x508: {  	v25 =	vor.u32 s29, v63;
	v1 =	vand.u32 $0xFFF8, v11;
	v7 =	vadd.s32 s31, v12;
	v32 =	vld.idx.msk [tilespmem:v32+s4+$0x0], $0xffff  }
0x509: {  	v24 =	vor.u32 v60, v44;
	v11 =	vor.u32 v39, v1;
	v1 =	vand.u32 $0xFFF8, v7;
	v30 =	vld.idx.msk [tilespmem:v9+s4+$0x0], $0xffff  }
0x50a: {  	v23 =	vor.u32 v60, v45;
	v7 =	vor.u32 v39, v1;
	v1 =	vadd.s32 s31, v62;
	v9 =	vld [tilespmem:$0x1FDC0]  }
0x50b: {  	v22 =	vor.u32 v60, v43;
	v33 =	vld [tilespmem:$0x1FDC0];
	v39 =	vadd.s32 s31, v40;
	v1 =	vand.u32 $0xFFF8, v1;
	[tilespmem:v4+s20+$0x0] =	vst.idx.msk $0xffff, v13  }
0x50c: {  	v1 =	vor.u32 v38, v1;
	[tilespmem:v16+s20+$0x0] =	vst.idx.msk $0xffff, v0;
	v0 =	vadd.s32 s30, v62;
	v16 =	vmov v47;
	v51 =	vld.idx.msk [tilespmem:v6+s4+$0x0], $0xffff  }
0x50d: {  	v13 =	vor.u32 v16, v45;
	v4 =	vadd.s32 s28, v37;
	v0 =	vand.u32 $0xFFF8, v0;
	v6 =	vmovc v62;
	v62 =	vld [tilespmem:$0x1FDF0]  }
0x50e: {  	v16 =	vor.u32 v16, v43;
	[tilespmem:v57+s20+$0x0] =	vst.idx.msk $0xffff, v32;
	v57 =	vor.u32 v54, v43;
	v4 =	vand.u32 $0xFFF8, v4  }
0x50f: {  	v31 =	vld.idx.msk [tilespmem:v31+s4+$0x0], $0xffff;
	v48 =	vor.u32 v61, v4;
	v20 =	vor.u32 v9, v43;
	v9 =	vor.u32 s29, v12  }
0x510: {  	v12 =	vor.u32 v47, v44;
	v47 =	vld.idx.msk [tilespmem:v52+s4+$0x0], $0xffff;
	[tilespmem:v49+s20+$0x0] =	vst.idx.msk $0xffff, v30;
	v30 =	vor.u32 v60, v41  }
0x511: {  	v0 =	vor.u32 v38, v0;
	v6 =	vor.u32 s29, v6;
	[tilespmem:v5+s20+$0x0] =	vst.idx.msk $0xffff, v50;
	v5 =	vadd.s32 s30, v40  }
0x512: {  	s0 =	sadd.s32 $0x4, s0;
	v32 =	vld.idx.msk [tilespmem:v2+s4+$0x0], $0xffff;
	v50 =	vor.u32 v33, v41;
	v8 =	vor.u32 v62, v44;
	v4 =	vor.u32 v62, v45  }
0x513: {  	p0 =	slt.u32 s0, $0x1C;
	v2 =	vand.u32 $0xFFF8, v5;
	v5 =	vor.u32 v62, v43;
	v62 =	vor.u32 s29, v40;
	[tilespmem:v46+s20+$0x0] =	vst.idx.msk $0xffff, v51  }
.Ltmp3:
0x514: {  	v40 =	vadd.s32 s30, v42;
	[tilespmem:v48+s20+$0x0] =	vst.idx.msk $0xffff, v31;
	v31 =	vadd.s32 s28, v63;
	v63 =	vor.u32 v54, v45;
	(pc) =	sbr.rel @p0 .LBB2_9-.Ltmp3, $4  }
0x515: {  	[tilespmem:v53+s20+$0x0] =	vst.idx.msk $0xffff, v47;
	v49 =	vld.idx.msk [tilespmem:v30+s4+$0x0], $0xffff;
	v30 =	vand.u32 $0xFFF8, v31;
	v31 =	vadd.s32 s31, v42;
	v53 =	vor.u32 s29, v42  }
0x516: {  	v47 =	vld.idx.msk [tilespmem:v56+s4+$0x0], $0xffff;
	v56 =	vor.u32 v36, v2;
	v2 =	vand.u32 $0xFFF8, v39;
	v48 =	vor.u32 v34, v30  }
0x517: {  	[tilespmem:v17+s20+$0x0] =	vst.idx.msk $0xffff, v32;
	v30 =	vand.u32 $0xFFF8, v40;
	v31 =	vand.u32 $0xFFF8, v31;
	v60 =	vor.u32 v36, v2  }
0x518: {  	s1 =	sadd.s32 $0x40, s1;
	v51 =	vld.idx.msk [tilespmem:v58+s4+$0x0], $0xffff;
	v2 =	vor.u32 v54, v44;
	v52 =	vor.u32 v59, v30;
	v46 =	vor.u32 v59, v31  }
0x519: {  	_ =	sdelay $0x3  }
0x51a: {  	[tilespmem:v14+s20+$0x0] =	vst.idx.msk $0xffff, v47;
	v14 =	vld.idx.msk [tilespmem:v29+s4+$0x0], $0xffff  }
0x51b: {  	v17 =	vld.idx.msk [tilespmem:v27+s4+$0x0], $0xffff;
	[tilespmem:v55+s20+$0x0] =	vst.idx.msk $0xffff, v51  }
0x51c: {  	v27 =	vld.idx.msk [tilespmem:v28+s4+$0x0], $0xffff;
	_ =	sdelay $0x2  }
0x51d: {  	[tilespmem:v26+s20+$0x0] =	vst.idx.msk $0xffff, v14  }
0x51e: {  	[tilespmem:v18+s20+$0x0] =	vst.idx.msk $0xffff, v17  }
0x51f: {  	[tilespmem:v21+s20+$0x0] =	vst.idx.msk $0xffff, v27  }
0x520: {  	v47 =	vld [tilespmem:$0x1FF10]  }
0x521: {  	v14 =	vld.idx.msk [tilespmem:v24+s4+$0x0], $0xffff;
	[tilespmem:v48+s20+$0x0] =	vst.idx.msk $0xffff, v49  }
0x522: {  	v36 =	vld [tilespmem:$0x1FE80];
	_ =	sdelay $0x1  }
0x523: {  	v17 =	vld.idx.msk [tilespmem:v23+s4+$0x0], $0xffff  }
0x524: {  	v18 =	vld.idx.msk [tilespmem:v22+s4+$0x0], $0xffff;
	v21 =	vadd.s32 s28, v47  }
0x525: {  	v22 =	vld.idx.msk [tilespmem:v50+s4+$0x0], $0xffff;
	[tilespmem:v25+s20+$0x0] =	vst.idx.msk $0xffff, v14;
	v21 =	vand.u32 $0xFFF8, v21  }
0x526: {  	v50 =	vld [tilespmem:$0x1FDD0];
	v21 =	vor.u32 v36, v21;
	_ =	sdelay $0x1  }
0x527: {  	[tilespmem:v15+s20+$0x0] =	vst.idx.msk $0xffff, v17  }
0x528: {  	[tilespmem:v10+s20+$0x0] =	vst.idx.msk $0xffff, v18  }
0x529: {  	v17 =	vld [tilespmem:$0x1FDE0]  }
0x52a: {  	v3 =	vld.idx.msk [tilespmem:v3+s4+$0x0], $0xffff;
	v14 =	vor.u32 v50, v41;
	[tilespmem:v21+s20+$0x0] =	vst.idx.msk $0xffff, v22  }
0x52b: {  	v40 =	vld [tilespmem:$0x1FEA0];
	_ =	sdelay $0x1  }
0x52c: {  	v15 =	vld.idx.msk [tilespmem:v19+s4+$0x0], $0xffff  }
0x52d: {  	v10 =	vld.idx.msk [tilespmem:v20+s4+$0x0], $0xffff;
	v17 =	vadd.s32 s28, v17  }
0x52e: {  	v17 =	vand.u32 $0xFFF8, v17;
	v14 =	vld.idx.msk [tilespmem:v14+s4+$0x0], $0xffff;
	[tilespmem:v9+s20+$0x0] =	vst.idx.msk $0xffff, v3  }
0x52f: {  	v3 =	vld [tilespmem:$0x1FDF0];
	v17 =	vor.u32 v40, v17;
	_ =	sdelay $0x1  }
0x530: {  	[tilespmem:v11+s20+$0x0] =	vst.idx.msk $0xffff, v15  }
0x531: {  	[tilespmem:v7+s20+$0x0] =	vst.idx.msk $0xffff, v10  }
0x532: {  	v10 =	vld [tilespmem:$0x1FEB0]  }
0x533: {  	v9 =	vld.idx.msk [tilespmem:v12+s4+$0x0], $0xffff;
	v3 =	vor.u32 v3, v41;
	[tilespmem:v17+s20+$0x0] =	vst.idx.msk $0xffff, v14  }
0x534: {  	v39 =	vld [tilespmem:$0x1FEC0];
	_ =	sdelay $0x1  }
0x535: {  	v11 =	vld.idx.msk [tilespmem:v13+s4+$0x0], $0xffff  }
0x536: {  	v7 =	vld.idx.msk [tilespmem:v16+s4+$0x0], $0xffff;
	v10 =	vadd.s32 s28, v10  }
0x537: {  	v10 =	vand.u32 $0xFFF8, v10;
	v3 =	vld.idx.msk [tilespmem:v3+s4+$0x0], $0xffff;
	[tilespmem:v6+s20+$0x0] =	vst.idx.msk $0xffff, v9  }
0x538: {  	v6 =	vld [tilespmem:$0x1FE70];
	v10 =	vor.u32 v39, v10  }
0x539: {  	v8 =	vld.idx.msk [tilespmem:v8+s4+$0x0], $0xffff  }
0x53a: {  	[tilespmem:v0+s20+$0x0] =	vst.idx.msk $0xffff, v11  }
0x53b: {  	[tilespmem:v1+s20+$0x0] =	vst.idx.msk $0xffff, v7;
	v0 =	vld.idx.msk [tilespmem:v4+s4+$0x0], $0xffff  }
0x53c: {  	v4 =	vld [tilespmem:$0x1FE10]  }
0x53d: {  	v1 =	vld.idx.msk [tilespmem:v5+s4+$0x0], $0xffff;
	v6 =	vor.u32 v6, v41;
	[tilespmem:v10+s20+$0x0] =	vst.idx.msk $0xffff, v3  }
0x53e: {  	v59 =	vmov v33;
	v33 =	vld [tilespmem:$0x1FED0];
	[tilespmem:v62+s20+$0x0] =	vst.idx.msk $0xffff, v8  }
0x53f: {  	v38 =	vld [tilespmem:$0x1FE90];
	_ =	sdelay $0x1  }
0x540: {  	v4 =	vadd.s32 s28, v4;
	[tilespmem:v56+s20+$0x0] =	vst.idx.msk $0xffff, v0  }
0x541: {  	v3 =	vand.u32 $0xFFF8, v4;
	v4 =	vld.idx.msk [tilespmem:v6+s4+$0x0], $0xffff;
	[tilespmem:v60+s20+$0x0] =	vst.idx.msk $0xffff, v1  }
0x542: {  	v37 =	vld [tilespmem:$0x1FE40];
	v3 =	vor.u32 v33, v3  }
0x543: {  	v2 =	vld.idx.msk [tilespmem:v2+s4+$0x0], $0xffff;
	v5 =	vor.u32 v38, v41;
	_ =	sdelay $0x2  }
0x544: {  	v6 =	vld.idx.msk [tilespmem:v63+s4+$0x0], $0xffff  }
0x545: {  	v7 =	vld.idx.msk [tilespmem:v57+s4+$0x0], $0xffff;
	v0 =	vor.u32 v38, v44;
	v10 =	vadd.s32 s28, v37;
	[tilespmem:v3+s20+$0x0] =	vst.idx.msk $0xffff, v4  }
0x546: {  	[tilespmem:v53+s20+$0x0] =	vst.idx.msk $0xffff, v2;
	v3 =	vand.u32 $0xFFF8, v10;
	v5 =	vld.idx.msk [tilespmem:v5+s4+$0x0], $0xffff  }
0x547: {  	v1 =	vor.u32 v38, v45;
	v3 =	vor.u32 v35, v3;
	v11 =	vld [tilespmem:$0x1FE50];
	_ =	sdelay $0x1  }
0x548: {  	v9 =	vor.u32 v38, v43;
	v8 =	vadd.s32 s30, v37;
	[tilespmem:v52+s20+$0x0] =	vst.idx.msk $0xffff, v6  }
0x549: {  	v8 =	vand.u32 $0xFFF8, v8;
	v0 =	vld.idx.msk [tilespmem:v0+s4+$0x0], $0xffff;
	[tilespmem:v46+s20+$0x0] =	vst.idx.msk $0xffff, v7  }
0x54a: {  	v4 =	vor.u32 v35, v8;
	v8 =	vor.u32 s29, v37;
	v13 =	vld [tilespmem:$0x1FE20]  }
0x54b: {  	v2 =	vadd.s32 s31, v37;
	v1 =	vld.idx.msk [tilespmem:v1+s4+$0x0], $0xffff;
	v6 =	vor.u32 v11, v44;
	[tilespmem:v3+s20+$0x0] =	vst.idx.msk $0xffff, v5  }
0x54c: {  	v2 =	vand.u32 $0xFFF8, v2;
	v10 =	vor.u32 v11, v41;
	v53 =	vld [tilespmem:$0x1FF90]  }
0x54d: {  	v2 =	vor.u32 v35, v2;
	v9 =	vld.idx.msk [tilespmem:v9+s4+$0x0], $0xffff;
	v7 =	vor.u32 v11, v45  }
0x54e: {  	v11 =	vor.u32 v11, v43  }
0x54f: {  	v12 =	vadd.s32 s28, v13;
	[tilespmem:v8+s20+$0x0] =	vst.idx.msk $0xffff, v0  }
0x550: {  	v5 =	vadd.s32 s30, v13;
	v8 =	vor.u32 s29, v13;
	[tilespmem:v4+s20+$0x0] =	vst.idx.msk $0xffff, v1;
	v3 =	vand.u32 $0xFFF8, v12;
	v1 =	vld.idx.msk [tilespmem:v6+s4+$0x0], $0xffff  }
0x551: {  	v0 =	vadd.s32 s31, v13;
	v5 =	vand.u32 $0xFFF8, v5;
	v10 =	vld.idx.msk [tilespmem:v10+s4+$0x0], $0xffff;
	v3 =	vor.u32 v53, v3  }
0x552: {  	[tilespmem:v2+s20+$0x0] =	vst.idx.msk $0xffff, v9;
	v0 =	vand.u32 $0xFFF8, v0;
	v2 =	vld.idx.msk [tilespmem:v7+s4+$0x0], $0xffff;
	v4 =	vor.u32 v53, v5  }
0x553: {  	v0 =	vor.u32 v53, v0;
	v5 =	vld.idx.msk [tilespmem:v11+s4+$0x0], $0xffff;
	_ =	sdelay $0x1  }
0x554: {  	[tilespmem:v8+s20+$0x0] =	vst.idx.msk $0xffff, v1  }
0x555: {  	[tilespmem:v3+s20+$0x0] =	vst.idx.msk $0xffff, v10  }
0x556: {  	[tilespmem:v4+s20+$0x0] =	vst.idx.msk $0xffff, v2  }
0x557: {  	[tilespmem:v0+s20+$0x0] =	vst.idx.msk $0xffff, v5  }
0x558: {  	v41 =	vld [tilespmem:s25+$0x960]  }
0x559: {  	v0 =	vld [tilespmem:s11+$0x0];
	_ =	sdelay $0x2  }
0x55a: {  	v1 =	vld [tilespmem:s11+$0xFFFFFFD0]  }
0x55b: {  	v2 =	vld [tilespmem:s11+$0xFFFFFFE0]  }
0x55c: {  	v3 =	vld [tilespmem:s11+$0xFFFFFFF0];
	v0 =	vsub.f32 v41, v0;
	_ =	sdelay $0x1  }
0x55d: {  	v0 =	vmax.f32 v0, $-4.000000000e+00  }
0x55e: {  	v0 =	vmin.f32 v0, $4.000000000e+00  }
0x55f: {  	v1 =	vsub.f32 v41, v1;
	v0 =	vadd.f32 $4.000000000e+00, v0  }
0x560: {  	v2 =	vsub.f32 v41, v2;
	v3 =	vsub.f32 v41, v3  }
0x561: {  	v1 =	vmax.f32 v1, $-4.000000000e+00;
	v0 =	vmul.f32 $1.000000000e+01, v0  }
0x562: {  	v2 =	vmax.f32 v2, $-4.000000000e+00;
	v3 =	vmax.f32 v3, $-4.000000000e+00;
	v1 =	vmin.f32 v1, $4.000000000e+00  }
0x563: {  	v2 =	vmin.f32 v2, $4.000000000e+00;
	v1 =	vadd.f32 $4.000000000e+00, v1;
	v4 =	vadd.f32 $5.000000000e-01, v0  }
0x564: {  	v3 =	vmin.f32 v3, $4.000000000e+00;
	v2 =	vadd.f32 $4.000000000e+00, v2  }
0x565: {  	v3 =	vadd.f32 $4.000000000e+00, v3;
	v1 =	vmul.f32 $1.000000000e+01, v1;
	v4 =	vtrunc.f32 v4  }
0x566: {  	v2 =	vmul.f32 $1.000000000e+01, v2;
	v4 =	vcvt.f32.s32 v4  }
0x567: {  	v3 =	vmul.f32 $1.000000000e+01, v3;
	v5 =	vadd.f32 $5.000000000e-01, v1  }
0x568: {  	v6 =	vadd.f32 $5.000000000e-01, v2;
	v7 =	vcvt.s32.f32 v4  }
0x569: {  	v11 =	vimm.s32 $0x0;
	v8 =	vadd.f32 $5.000000000e-01, v3;
	v5 =	vtrunc.f32 v5  }
0x56a: {  	v6 =	vtrunc.f32 v6;
	v5 =	vcvt.f32.s32 v5;
	v0 =	vsub.f32 v7, v0  }
0x56b: {  	v8 =	vtrunc.f32 v8;
	v6 =	vcvt.f32.s32 v6;
	v7 =	vand.u32 $0x1, v4  }
0x56c: {  	vm1 =	veq.s32 v7, $0x1;
	v7 =	vcvt.s32.f32 v5;
	vm0 =	veq.f32 v0, $5.000000000e-01  }
0x56d: {  	v0 =	vcvt.f32.s32 v8;
	v8 =	vcvt.s32.f32 v6;
	vm0 =	vmand vm0, vm1  }
0x56e: {  	v1 =	vsub.f32 v7, v1;
	v9 =	vsel vm0, $0xFFFFFFFF, v11  }
0x56f: {  	v54 =	vld [tilespmem:$0x1FFA0];
	v10 =	vcvt.s32.f32 v0;
	v2 =	vsub.f32 v8, v2;
	v4 =	vadd.s32 v4, v9  }
0x570: {  	v8 =	vand.u32 $0x1, v0;
	v9 =	vlaneseq.u32;
	v42 =	vshll.u32 v4, $0x4  }
0x571: {  	vm12 =	veq.f32 v1, $5.000000000e-01;
	v1 =	vand.u32 $0x1, v6;
	v7 =	vor.u32 v9, v42  }
0x572: {  	vm4 =	veq.s32 v8, $0x1;
	v4 =	vand.u32 $0x1, v5;
	v3 =	vsub.f32 v10, v3  }
0x573: {  	s28 =	simm.s32 $0x910;
	vm2 =	veq.f32 v2, $5.000000000e-01;
	vm14 =	veq.s32 v1, $0x1;
	vm13 =	veq.s32 v4, $0x1  }
0x574: {  	v1 =	vadd.s32 s28, v54;
	vm1 =	vmand vm2, vm14;
	vm0 =	vmand vm12, vm13  }
0x575: {  	v56 =	vld [tilespmem:$0x1FFB0];
	v1 =	vand.u32 $0x7FFFFFF8, v1;
	vm3 =	veq.f32 v3, $5.000000000e-01;
	v2 =	vsel vm0, $0xFFFFFFFF, v11  }
0x576: {  	v3 =	vsel vm1, $0xFFFFFFFF, v11;
	v1 =	vor.u32 v61, v1;
	v2 =	vadd.s32 v5, v2;
	v5 =	vld.idx.msk [tilespmem:v7+s4+$0x0], $0xffff  }
0x577: {  	vm15 =	vmand vm3, vm4;
	v3 =	vadd.s32 v6, v3  }
0x578: {  	v4 =	vsel vm15, $0xFFFFFFFF, v11;
	v44 =	vshll.u32 v3, $0x4  }
0x579: {  	v0 =	vadd.s32 v0, v4;
	v45 =	vshll.u32 v2, $0x4;
	v2 =	vor.u32 v9, v44  }
0x57a: {  	v58 =	vld [tilespmem:$0x1FFC0];
	v43 =	vshll.u32 v0, $0x4;
	v0 =	vor.u32 v9, v45  }
0x57b: {  	v4 =	vor.u32 v56, v42;
	[tilespmem:v1+s20+$0x0] =	vst.idx.msk $0xffff, v5  }
0x57c: {  	s31 =	simm.s32 $0x10;
	s30 =	simm.s32 $0x310;
	v34 =	vld [tilespmem:$0x1FE00]  }
0x57d: {  	s29 =	simm.s32 $0x610;
	v6 =	vadd.s32 s31, v54;
	v7 =	vadd.s32 s30, v54;
	v60 =	vld [tilespmem:$0x1FD90]  }
0x57e: {  	v8 =	vadd.s32 s29, v54;
	v6 =	vand.u32 $0xFFF8, v6;
	v7 =	vand.u32 $0x7FFFFFF8, v7;
	v2 =	vld.idx.msk [tilespmem:v2+s4+$0x0], $0xffff  }
0x57f: {  	v3 =	vor.u32 v9, v43;
	v9 =	vadd.s32 s28, v58;
	v7 =	vor.u32 v61, v7;
	v0 =	vld.idx.msk [tilespmem:v0+s4+$0x0], $0xffff  }
0x580: {  	v1 =	vor.u32 v61, v6;
	v6 =	vand.u32 $0x7FFFFFF8, v9;
	v9 =	vor.u32 v56, v44;
	v4 =	vld.idx.msk [tilespmem:v4+s4+$0x0], $0xffff  }
0x581: {  	v5 =	vand.u32 $0x7FFFFFF8, v8;
	v8 =	vor.u32 v56, v45;
	v55 =	vld [tilespmem:$0x1FF70];
	v6 =	vor.u32 v34, v6  }
0x582: {  	v10 =	vor.u32 v60, v42;
	_ =	sdelay $0x1  }
0x583: {  	v11 =	vadd.s32 s31, v58;
	v3 =	vld.idx.msk [tilespmem:v3+s4+$0x0], $0xffff;
	[tilespmem:v7+s20+$0x0] =	vst.idx.msk $0xffff, v2  }
0x584: {  	v12 =	vadd.s32 s30, v58;
	v11 =	vand.u32 $0xFFF8, v11;
	v5 =	vor.u32 v61, v5;
	[tilespmem:v1+s20+$0x0] =	vst.idx.msk $0xffff, v0;
	v9 =	vld.idx.msk [tilespmem:v9+s4+$0x0], $0xffff  }
0x585: {  	v12 =	vand.u32 $0x7FFFFFF8, v12;
	v11 =	vor.u32 v34, v11;
	v16 =	vadd.s32 s28, v55;
	v8 =	vld.idx.msk [tilespmem:v8+s4+$0x0], $0xffff;
	[tilespmem:v6+s20+$0x0] =	vst.idx.msk $0xffff, v4  }
0x586: {  	v12 =	vor.u32 v34, v12;
	v16 =	vand.u32 $0x7FFFFFF8, v16;
	v10 =	vld.idx.msk [tilespmem:v10+s4+$0x0], $0xffff  }
0x587: {  	v16 =	vor.u32 v36, v16;
	v30 =	vld [tilespmem:$0x1FF50];
	_ =	sdelay $0x1  }
0x588: {  	[tilespmem:v5+s20+$0x0] =	vst.idx.msk $0xffff, v3  }
0x589: {  	v13 =	vor.u32 v56, v43;
	v62 =	vld [tilespmem:$0x1FFD0];
	[tilespmem:v11+s20+$0x0] =	vst.idx.msk $0xffff, v8  }
0x58a: {  	v15 =	vor.u32 v60, v45;
	[tilespmem:v12+s20+$0x0] =	vst.idx.msk $0xffff, v9  }
0x58b: {  	v7 =	vor.u32 v30, v42;
	[tilespmem:v16+s20+$0x0] =	vst.idx.msk $0xffff, v10  }
0x58c: {  	v14 =	vadd.s32 s29, v58;
	v63 =	vld [tilespmem:$0x1FFE0]  }
0x58d: {  	v14 =	vand.u32 $0x7FFFFFF8, v14;
	v0 =	vadd.s32 s31, v55  }
0x58e: {  	v14 =	vor.u32 v34, v14;
	v0 =	vand.u32 $0xFFF8, v0;
	v5 =	vld.idx.msk [tilespmem:v13+s4+$0x0], $0xffff;
	v10 =	vadd.s32 s28, v62  }
0x58f: {  	v4 =	vor.u32 v60, v44;
	v9 =	vld.idx.msk [tilespmem:v15+s4+$0x0], $0xffff;
	v13 =	vadd.s32 s31, v62;
	v10 =	vand.u32 $0x7FFFFFF8, v10  }
0x590: {  	v6 =	vor.u32 v60, v43;
	v13 =	vand.u32 $0xFFF8, v13;
	v10 =	vor.u32 v40, v10;
	v7 =	vld.idx.msk [tilespmem:v7+s4+$0x0], $0xffff  }
0x591: {  	v0 =	vor.u32 v36, v0;
	v51 =	vld [tilespmem:$0x1FF60];
	v8 =	vor.u32 v40, v13;
	v13 =	vor.u32 v63, v42  }
0x592: {  	v1 =	vadd.s32 s30, v55  }
0x593: {  	v1 =	vand.u32 $0x7FFFFFF8, v1  }
0x594: {  	v1 =	vor.u32 v36, v1;
	v4 =	vld.idx.msk [tilespmem:v4+s4+$0x0], $0xffff;
	v3 =	vor.u32 v30, v45;
	[tilespmem:v14+s20+$0x0] =	vst.idx.msk $0xffff, v5  }
0x595: {  	v2 =	vadd.s32 s29, v55;
	v6 =	vld.idx.msk [tilespmem:v6+s4+$0x0], $0xffff;
	[tilespmem:v10+s20+$0x0] =	vst.idx.msk $0xffff, v7  }
0x596: {  	v2 =	vand.u32 $0x7FFFFFF8, v2;
	[tilespmem:v0+s20+$0x0] =	vst.idx.msk $0xffff, v9;
	v7 =	vadd.s32 s28, v51;
	v13 =	vld.idx.msk [tilespmem:v13+s4+$0x0], $0xffff  }
0x597: {  	v2 =	vor.u32 v36, v2;
	v7 =	vand.u32 $0x7FFFFFF8, v7;
	v52 =	vld [tilespmem:$0x1FFF0]  }
0x598: {  	v17 =	vor.u32 v30, v44;
	v32 =	vld [tilespmem:$0x1FF80];
	v7 =	vor.u32 v39, v7  }
0x599: {  	[tilespmem:v1+s20+$0x0] =	vst.idx.msk $0xffff, v4;
	v1 =	vld.idx.msk [tilespmem:v3+s4+$0x0], $0xffff;
	_ =	sdelay $0x1  }
0x59a: {  	v18 =	vor.u32 v30, v43  }
0x59b: {  	[tilespmem:v2+s20+$0x0] =	vst.idx.msk $0xffff, v6  }
0x59c: {  	v19 =	vadd.s32 s30, v62;
	v17 =	vld.idx.msk [tilespmem:v17+s4+$0x0], $0xffff;
	[tilespmem:v7+s20+$0x0] =	vst.idx.msk $0xffff, v13  }
0x59d: {  	v20 =	vadd.s32 s29, v62;
	v16 =	vand.u32 $0x7FFFFFF8, v19;
	v15 =	vor.u32 v63, v45;
	v22 =	vld [tilespmem:$0x1FF00];
	[tilespmem:v8+s20+$0x0] =	vst.idx.msk $0xffff, v1  }
0x59e: {  	v11 =	vand.u32 $0x7FFFFFF8, v20;
	v12 =	vor.u32 v40, v16;
	v3 =	vor.u32 v32, v42;
	v26 =	vld [tilespmem:$0x1FEE0]  }
0x59f: {  	v11 =	vor.u32 v40, v11;
	v19 =	vor.u32 v63, v44;
	v18 =	vld.idx.msk [tilespmem:v18+s4+$0x0], $0xffff  }
0x5a0: {  	v16 =	vadd.s32 s31, v51;
	v5 =	vor.u32 v63, v43  }
0x5a1: {  	v14 =	vadd.s32 s30, v51;
	v16 =	vand.u32 $0xFFF8, v16;
	v21 =	vadd.s32 s28, v52  }
0x5a2: {  	v20 =	vadd.s32 s29, v51;
	v10 =	vor.u32 v39, v16;
	v21 =	vand.u32 $0x7FFFFFF8, v21;
	v15 =	vld.idx.msk [tilespmem:v15+s4+$0x0], $0xffff  }
0x5a3: {  	v14 =	vand.u32 $0x7FFFFFF8, v14;
	v21 =	vor.u32 v33, v21;
	[tilespmem:v12+s20+$0x0] =	vst.idx.msk $0xffff, v17;
	v3 =	vld.idx.msk [tilespmem:v3+s4+$0x0], $0xffff;
	v17 =	vadd.s32 s29, v26  }
0x5a4: {  	v20 =	vand.u32 $0x7FFFFFF8, v20;
	v14 =	vor.u32 v39, v14;
	[tilespmem:v11+s20+$0x0] =	vst.idx.msk $0xffff, v18;
	v11 =	vand.u32 $0x7FFFFFF8, v17;
	v17 =	vld.idx.msk [tilespmem:v19+s4+$0x0], $0xffff  }
0x5a5: {  	v0 =	vor.u32 v39, v20;
	v5 =	vld.idx.msk [tilespmem:v5+s4+$0x0], $0xffff  }
0x5a6: {  	v16 =	vor.u32 v32, v45;
	v28 =	vld [tilespmem:$0x1FF30]  }
0x5a7: {  	v27 =	vld [tilespmem:$0x1FF20];
	v7 =	vor.u32 v22, v45;
	v13 =	vor.u32 v22, v44;
	[tilespmem:v10+s20+$0x0] =	vst.idx.msk $0xffff, v15  }
0x5a8: {  	v9 =	vadd.s32 s31, v52;
	v8 =	vor.u32 v22, v43;
	v22 =	vor.u32 v22, v42;
	[tilespmem:v21+s20+$0x0] =	vst.idx.msk $0xffff, v3  }
0x5a9: {  	v4 =	vor.u32 v32, v44;
	v20 =	vor.u32 v32, v43;
	v6 =	vadd.s32 s30, v52;
	[tilespmem:v14+s20+$0x0] =	vst.idx.msk $0xffff, v17  }
0x5aa: {  	v2 =	vand.u32 $0xFFF8, v9;
	v9 =	vadd.s32 s29, v52;
	v1 =	vadd.s32 s31, v26;
	v29 =	vld [tilespmem:$0x1FF40];
	[tilespmem:v0+s20+$0x0] =	vst.idx.msk $0xffff, v5  }
0x5ab: {  	v12 =	vadd.s32 s30, v26;
	v26 =	vadd.s32 s28, v26;
	v24 =	vadd.s32 s31, v28;
	v31 =	vld [tilespmem:$0x1FEF0]  }
0x5ac: {  	v3 =	vand.u32 $0xFFF8, v24;
	v21 =	vadd.s32 s29, v28;
	v24 =	vand.u32 $0x7FFFFFF8, v26  }
0x5ad: {  	v6 =	vand.u32 $0x7FFFFFF8, v6;
	v15 =	vand.u32 $0x7FFFFFF8, v21;
	v21 =	vor.u32 v35, v24;
	v22 =	vld.idx.msk [tilespmem:v22+s4+$0x0], $0xffff  }
0x5ae: {  	v2 =	vor.u32 v33, v2;
	v16 =	vld.idx.msk [tilespmem:v16+s4+$0x0], $0xffff;
	v24 =	vor.u32 v53, v3;
	v3 =	vor.u32 v27, v42  }
0x5af: {  	v46 =	vor.u32 v59, v44;
	v9 =	vand.u32 $0x7FFFFFF8, v9;
	v6 =	vor.u32 v33, v6  }
0x5b0: {  	v9 =	vor.u32 v33, v9;
	v1 =	vand.u32 $0xFFF8, v1;
	v4 =	vld.idx.msk [tilespmem:v4+s4+$0x0], $0xffff;
	v17 =	vadd.s32 s31, v31  }
0x5b1: {  	v12 =	vand.u32 $0x7FFFFFF8, v12;
	v26 =	vadd.s32 s28, v28;
	v17 =	vand.u32 $0xFFF8, v17  }
0x5b2: {  	v25 =	vadd.s32 s30, v28;
	v20 =	vld.idx.msk [tilespmem:v20+s4+$0x0], $0xffff;
	[tilespmem:v21+s20+$0x0] =	vst.idx.msk $0xffff, v22;
	v28 =	vor.u32 v61, v17;
	v17 =	vand.u32 $0x7FFFFFF8, v26  }
0x5b3: {  	v18 =	vor.u32 v27, v45;
	[tilespmem:v2+s20+$0x0] =	vst.idx.msk $0xffff, v16;
	v3 =	vld.idx.msk [tilespmem:v3+s4+$0x0], $0xffff;
	v2 =	vor.u32 v53, v17  }
0x5b4: {  	v19 =	vor.u32 v27, v44;
	v23 =	vor.u32 v27, v43;
	v1 =	vor.u32 v35, v1;
	v48 =	vld [tilespmem:$0x1FDB0]  }
0x5b5: {  	v10 =	vand.u32 $0x7FFFFFF8, v25;
	[tilespmem:v6+s20+$0x0] =	vst.idx.msk $0xffff, v4;
	v4 =	vor.u32 v29, v42;
	v6 =	vld.idx.msk [tilespmem:v7+s4+$0x0], $0xffff;
	v25 =	vadd.s32 s30, v31  }
0x5b6: {  	v12 =	vor.u32 v35, v12;
	v11 =	vor.u32 v35, v11;
	v13 =	vld.idx.msk [tilespmem:v13+s4+$0x0], $0xffff;
	v21 =	vand.u32 $0x7FFFFFF8, v25  }
0x5b7: {  	v10 =	vor.u32 v53, v10;
	v25 =	vor.u32 v61, v21;
	v21 =	vld [tilespmem:$0x1FDA0];
	[tilespmem:v9+s20+$0x0] =	vst.idx.msk $0xffff, v20  }
0x5b8: {  	v15 =	vor.u32 v53, v15;
	v8 =	vld.idx.msk [tilespmem:v8+s4+$0x0], $0xffff;
	[tilespmem:v2+s20+$0x0] =	vst.idx.msk $0xffff, v3;
	v2 =	vadd.s32 s28, v31  }
0x5b9: {  	v14 =	vor.u32 v29, v45;
	v0 =	vor.u32 v29, v44;
	v2 =	vand.u32 $0x7FFFFFF8, v2  }
0x5ba: {  	v27 =	vadd.s32 s29, v31;
	v9 =	vadd.s32 s30, v48;
	[tilespmem:v1+s20+$0x0] =	vst.idx.msk $0xffff, v6;
	v4 =	vld.idx.msk [tilespmem:v4+s4+$0x0], $0xffff;
	v6 =	vor.u32 v61, v2  }
0x5bb: {  	v5 =	vor.u32 v29, v43;
	v22 =	vand.u32 $0x7FFFFFF8, v27;
	v9 =	vand.u32 $0x7FFFFFF8, v9  }
0x5bc: {  	v49 =	vor.u32 v34, v9;
	v9 =	vld.idx.msk [tilespmem:v18+s4+$0x0], $0xffff;
	[tilespmem:v12+s20+$0x0] =	vst.idx.msk $0xffff, v13;
	v18 =	vor.u32 v21, v42  }
0x5bd: {  	v16 =	vadd.s32 s31, v48;
	v7 =	vor.u32 v61, v22;
	v17 =	vadd.s32 s29, v48;
	v13 =	vld.idx.msk [tilespmem:v19+s4+$0x0], $0xffff;
	[tilespmem:v11+s20+$0x0] =	vst.idx.msk $0xffff, v8  }
0x5be: {  	v16 =	vand.u32 $0xFFF8, v16;
	v17 =	vand.u32 $0x7FFFFFF8, v17;
	v1 =	vadd.s32 s31, v47;
	v8 =	vld.idx.msk [tilespmem:v23+s4+$0x0], $0xffff  }
0x5bf: {  	v16 =	vor.u32 v34, v16;
	v57 =	vor.u32 v34, v17;
	v1 =	vand.u32 $0xFFF8, v1;
	[tilespmem:v6+s20+$0x0] =	vst.idx.msk $0xffff, v4  }
0x5c0: {  	v17 =	vor.u32 v36, v1;
	v26 =	vor.u32 v21, v45;
	v4 =	vadd.s32 s28, v48;
	v61 =	vld [tilespmem:$0x1FDE0]  }
0x5c1: {  	v27 =	vor.u32 v21, v44;
	v18 =	vld.idx.msk [tilespmem:v18+s4+$0x0], $0xffff;
	v4 =	vand.u32 $0x7FFFFFF8, v4;
	[tilespmem:v24+s20+$0x0] =	vst.idx.msk $0xffff, v9  }
0x5c2: {  	v29 =	vor.u32 v21, v43;
	[tilespmem:v10+s20+$0x0] =	vst.idx.msk $0xffff, v13;
	v23 =	vor.u32 v34, v4;
	v24 =	vld.idx.msk [tilespmem:v14+s4+$0x0], $0xffff  }
0x5c3: {  	v12 =	vadd.s32 s29, v47;
	v31 =	vor.u32 v59, v45;
	v3 =	vor.u32 v59, v43;
	v34 =	vld [tilespmem:$0x1FDF0];
	[tilespmem:v15+s20+$0x0] =	vst.idx.msk $0xffff, v8  }
0x5c4: {  	v11 =	vor.u32 v50, v45;
	v2 =	vadd.s32 s30, v47;
	v10 =	vor.u32 v59, v42;
	v32 =	vld [tilespmem:$0x1FEB0]  }
0x5c5: {  	v1 =	vand.u32 $0x7FFFFFF8, v2;
	v2 =	vand.u32 $0x7FFFFFF8, v12;
	v12 =	vor.u32 v50, v44  }
0x5c6: {  	v22 =	vor.u32 v36, v1;
	v0 =	vld.idx.msk [tilespmem:v0+s4+$0x0], $0xffff;
	v19 =	vadd.s32 s30, v61;
	v9 =	vadd.s32 s29, v61  }
0x5c7: {  	v15 =	vadd.s32 s28, v47;
	v5 =	vld.idx.msk [tilespmem:v5+s4+$0x0], $0xffff;
	v4 =	vand.u32 $0x7FFFFFF8, v19;
	v9 =	vand.u32 $0x7FFFFFF8, v9;
	[tilespmem:v23+s20+$0x0] =	vst.idx.msk $0xffff, v18  }
0x5c8: {  	v15 =	vand.u32 $0x7FFFFFF8, v15;
	[tilespmem:v28+s20+$0x0] =	vst.idx.msk $0xffff, v24;
	v13 =	vor.u32 v40, v4;
	v4 =	vor.u32 v40, v9  }
0x5c9: {  	v8 =	vadd.s32 s31, v32;
	v9 =	vadd.s32 s30, v32;
	v19 =	vadd.s32 s29, v32;
	v32 =	vld.idx.msk [tilespmem:v10+s4+$0x0], $0xffff  }
0x5ca: {  	v2 =	vor.u32 v36, v2;
	v15 =	vor.u32 v36, v15;
	v6 =	vadd.s32 s31, v61;
	v10 =	vld [tilespmem:$0x1FE10]  }
0x5cb: {  	v1 =	vor.u32 v50, v43;
	v6 =	vand.u32 $0xFFF8, v6;
	v36 =	vld.idx.msk [tilespmem:v26+s4+$0x0], $0xffff;
	[tilespmem:v25+s20+$0x0] =	vst.idx.msk $0xffff, v0  }
0x5cc: {  	v21 =	vor.u32 v34, v45;
	v14 =	vor.u32 v34, v44;
	v20 =	vor.u32 v40, v6;
	v0 =	vld [tilespmem:$0x1FE70]  }
0x5cd: {  	v6 =	vor.u32 v34, v43;
	v25 =	vor.u32 v50, v42;
	v8 =	vand.u32 $0xFFF8, v8  }
0x5ce: {  	v9 =	vand.u32 $0x7FFFFFF8, v9;
	v18 =	vor.u32 v39, v8;
	v8 =	vand.u32 $0x7FFFFFF8, v19  }
0x5cf: {  	v27 =	vld.idx.msk [tilespmem:v27+s4+$0x0], $0xffff;
	v19 =	vor.u32 v39, v9;
	v9 =	vor.u32 v39, v8;
	[tilespmem:v15+s20+$0x0] =	vst.idx.msk $0xffff, v32  }
0x5d0: {  	v28 =	vadd.s32 s31, v10;
	v15 =	vadd.s32 s28, v61;
	[tilespmem:v16+s20+$0x0] =	vst.idx.msk $0xffff, v36;
	v16 =	vor.u32 v38, v44  }
0x5d1: {  	[tilespmem:v7+s20+$0x0] =	vst.idx.msk $0xffff, v5;
	v36 =	vimm.s32 $0x0;
	v23 =	vor.u32 v0, v45;
	v24 =	vor.u32 v0, v44;
	v5 =	vmovc v0  }
0x5d2: {  	v8 =	vmovc v10;
	v0 =	vadd.s32 s30, v10;
	v7 =	vand.u32 $0xFFF8, v28;
	v10 =	vor.u32 v5, v43;
	v5 =	vld.idx.msk [tilespmem:v29+s4+$0x0], $0xffff  }
0x5d3: {  	v26 =	vadd.s32 s29, v8;
	v28 =	vand.u32 $0x7FFFFFF8, v15;
	v15 =	vor.u32 v38, v45  }
0x5d4: {  	v48 =	vld.idx.msk [tilespmem:v31+s4+$0x0], $0xffff;
	[tilespmem:v49+s20+$0x0] =	vst.idx.msk $0xffff, v27;
	v49 =	vor.u32 v34, v42;
	v27 =	vadd.s32 s30, v37;
	v0 =	vand.u32 $0x7FFFFFF8, v0  }
0x5d5: {  	v8 =	vor.u32 v33, v7;
	v26 =	vand.u32 $0x7FFFFFF8, v26;
	v47 =	vor.u32 v40, v28;
	v50 =	vld.idx.msk [tilespmem:v46+s4+$0x0], $0xffff  }
0x5d6: {  	v28 =	vadd.s32 s29, v37;
	v40 =	vmovc v53;
	v7 =	vor.u32 v33, v0;
	v0 =	vor.u32 v33, v26;
	v26 =	vld.idx.msk [tilespmem:v25+s4+$0x0], $0xffff  }
0x5d7: {  	s1 =	simm.s32 $0x0;
	s0 =	sadd.s32 $0x40, s11;
	v34 =	vlaneseq.u32;
	v25 =	vadd.s32 s31, v37;
	[tilespmem:v57+s20+$0x0] =	vst.idx.msk $0xffff, v5;
	v5 =	vor.u32 v38, v43;
	v57 =	vmovc v59;
	v38 =	vmovc v60  }
.LBB2_11:
0x5d8: {  	v30 =	vld [tilespmem:s0+$0x0]  }
0x5d9: {  	v32 =	vld [tilespmem:s0+$0xFFFFFFE0]  }
0x5da: {  	v59 =	vld [tilespmem:$0x1FEB0]  }
0x5db: {  	v61 =	vld [tilespmem:$0x1FE20]  }
0x5dc: {  	v33 =	vld [tilespmem:$0x1FEC0]  }
0x5dd: {  	v25 =	vand.u32 $0xFFF8, v25;
	v27 =	vand.u32 $0x7FFFFFF8, v27;
	v31 =	vand.u32 $0x7FFFFFF8, v28;
	v60 =	vld [tilespmem:$0x1FE70]  }
0x5de: {  	v29 =	vor.u32 v35, v25;
	v28 =	vor.u32 v35, v27;
	v25 =	vor.u32 v35, v31;
	v35 =	vld [tilespmem:$0x1FE50]  }
0x5df: {  	v31 =	vld [tilespmem:s0+$0xFFFFFFF0]  }
0x5e0: {  	[tilespmem:v47+s20+$0x0] =	vst.idx.msk $0xffff, v26;
	v47 =	vld [tilespmem:s0+$0xFFFFFFD0]  }
0x5e1: {  	[tilespmem:v22+s20+$0x0] =	vst.idx.msk $0xffff, v50;
	v22 =	vld.idx.msk [tilespmem:v3+s4+$0x0], $0xffff  }
0x5e2: {  	[tilespmem:v17+s20+$0x0] =	vst.idx.msk $0xffff, v48;
	v50 =	vld [tilespmem:$0x1FE10];
	v39 =	vadd.s32 s28, v59;
	v53 =	vadd.s32 s31, v61;
	v17 =	vadd.s32 s30, v61  }
0x5e3: {  	v37 =	vadd.s32 s29, v61;
	v11 =	vld.idx.msk [tilespmem:v11+s4+$0x0], $0xffff;
	v27 =	vor.u32 v35, v44;
	v44 =	vand.u32 $0x7FFFFFF8, v39  }
0x5e4: {  	v30 =	vsub.f32 v41, v30;
	v26 =	vor.u32 v35, v43;
	v43 =	vld.idx.msk [tilespmem:v49+s4+$0x0], $0xffff;
	v44 =	vor.u32 v33, v44  }
0x5e5: {  	v3 =	vsub.f32 v41, v32;
	v46 =	vor.u32 v35, v45;
	v49 =	vor.u32 v60, v42  }
0x5e6: {  	v12 =	vld.idx.msk [tilespmem:v12+s4+$0x0], $0xffff;
	v39 =	vand.u32 $0xFFF8, v53;
	v45 =	vand.u32 $0x7FFFFFF8, v37;
	v30 =	vmax.f32 v30, $-4.000000000e+00  }
0x5e7: {  	v53 =	vmax.f32 v3, $-4.000000000e+00;
	v30 =	vmin.f32 v30, $4.000000000e+00;
	v37 =	vsub.f32 v41, v47;
	[tilespmem:v2+s20+$0x0] =	vst.idx.msk $0xffff, v22  }
0x5e8: {  	v3 =	vor.u32 v40, v39;
	v30 =	vadd.f32 $4.000000000e+00, v30;
	v39 =	vadd.s32 s28, v50;
	[tilespmem:v20+s20+$0x0] =	vst.idx.msk $0xffff, v11;
	v11 =	vld.idx.msk [tilespmem:v1+s4+$0x0], $0xffff  }
0x5e9: {  	v31 =	vsub.f32 v41, v31;
	v32 =	vmax.f32 v37, $-4.000000000e+00;
	[tilespmem:v44+s20+$0x0] =	vst.idx.msk $0xffff, v43;
	v43 =	vand.u32 $0x7FFFFFF8, v39;
	v39 =	vld [tilespmem:$0x1FED0]  }
0x5ea: {  	v48 =	vmin.f32 v53, $4.000000000e+00;
	v30 =	vmul.f32 $1.000000000e+01, v30;
	v37 =	vld [tilespmem:$0x1FE90];
	v2 =	vmin.f32 v32, $4.000000000e+00  }
0x5eb: {  	v31 =	vmax.f32 v31, $-4.000000000e+00;
	[tilespmem:v13+s20+$0x0] =	vst.idx.msk $0xffff, v12;
	v12 =	vadd.f32 $4.000000000e+00, v48;
	v21 =	vld.idx.msk [tilespmem:v21+s4+$0x0], $0xffff;
	v32 =	vadd.f32 $4.000000000e+00, v2  }
0x5ec: {  	v17 =	vand.u32 $0x7FFFFFF8, v17;
	v31 =	vmin.f32 v31, $4.000000000e+00;
	v14 =	vld.idx.msk [tilespmem:v14+s4+$0x0], $0xffff;
	v53 =	vadd.f32 $5.000000000e-01, v30  }
0x5ed: {  	v12 =	vmul.f32 $1.000000000e+01, v12;
	v49 =	vld.idx.msk [tilespmem:v49+s4+$0x0], $0xffff;
	v2 =	vor.u32 v40, v17;
	v17 =	vmul.f32 $1.000000000e+01, v32  }
0x5ee: {  	v13 =	vadd.f32 $4.000000000e+00, v31;
	v31 =	vtrunc.f32 v53;
	v53 =	vld [tilespmem:$0x1FE40];
	v22 =	vor.u32 v39, v43  }
0x5ef: {  	v48 =	vadd.f32 $5.000000000e-01, v12;
	v32 =	vadd.f32 $5.000000000e-01, v17  }
0x5f0: {  	[tilespmem:v4+s20+$0x0] =	vst.idx.msk $0xffff, v11;
	v4 =	vld [tilespmem:$0x1FE60];
	v20 =	vor.u32 v37, v42;
	v31 =	vcvt.f32.s32 v31  }
0x5f1: {  	[tilespmem:v18+s20+$0x0] =	vst.idx.msk $0xffff, v21;
	v6 =	vld.idx.msk [tilespmem:v6+s4+$0x0], $0xffff;
	v21 =	vtrunc.f32 v48;
	v11 =	vtrunc.f32 v32  }
0x5f2: {  	[tilespmem:v19+s20+$0x0] =	vst.idx.msk $0xffff, v14;
	v14 =	vcvt.f32.s32 v21;
	v21 =	vand.u32 $0x1, v31;
	v11 =	vcvt.f32.s32 v11  }
0x5f3: {  	v13 =	vmul.f32 $1.000000000e+01, v13;
	vm1 =	veq.s32 v21, $0x1;
	[tilespmem:v22+s20+$0x0] =	vst.idx.msk $0xffff, v49;
	v22 =	vadd.s32 s28, v53  }
0x5f4: {  	v49 =	vcvt.s32.f32 v31;
	v21 =	vcvt.s32.f32 v11;
	v22 =	vand.u32 $0x7FFFFFF8, v22  }
0x5f5: {  	v20 =	vld.idx.msk [tilespmem:v20+s4+$0x0], $0xffff;
	v4 =	vor.u32 v4, v22;
	v22 =	vadd.f32 $5.000000000e-01, v13  }
0x5f6: {  	[tilespmem:v9+s20+$0x0] =	vst.idx.msk $0xffff, v6;
	v30 =	vsub.f32 v49, v30;
	v6 =	vsub.f32 v21, v17  }
0x5f7: {  	v1 =	vor.u32 v40, v45;
	v18 =	vor.u32 v35, v42;
	v23 =	vld.idx.msk [tilespmem:v23+s4+$0x0], $0xffff  }
0x5f8: {  	v19 =	vtrunc.f32 v22;
	vm0 =	veq.f32 v30, $5.000000000e-01;
	vm12 =	veq.f32 v6, $5.000000000e-01  }
0x5f9: {  	v6 =	vand.u32 $0x1, v14;
	v19 =	vcvt.f32.s32 v19;
	vm0 =	vmand vm0, vm1  }
0x5fa: {  	v22 =	vld.idx.msk [tilespmem:v24+s4+$0x0], $0xffff;
	vm14 =	veq.s32 v6, $0x1;
	v24 =	vsel vm0, $0xFFFFFFFF, v36;
	[tilespmem:v4+s20+$0x0] =	vst.idx.msk $0xffff, v20;
	v4 =	vadd.s32 s28, v61  }
0x5fb: {  	v10 =	vld.idx.msk [tilespmem:v10+s4+$0x0], $0xffff;
	v20 =	vcvt.s32.f32 v14;
	v30 =	vcvt.s32.f32 v19;
	v24 =	vadd.s32 v31, v24  }
0x5fc: {  	[tilespmem:v8+s20+$0x0] =	vst.idx.msk $0xffff, v23;
	v8 =	vand.u32 $0x1, v19;
	v4 =	vand.u32 $0x7FFFFFF8, v4;
	v42 =	vshll.u32 v24, $0x4  }
0x5fd: {  	v18 =	vld.idx.msk [tilespmem:v18+s4+$0x0], $0xffff;
	v4 =	vor.u32 v40, v4;
	v9 =	vsub.f32 v20, v12;
	v12 =	vand.u32 $0x1, v11  }
0x5fe: {  	vm4 =	veq.s32 v8, $0x1;
	v13 =	vsub.f32 v30, v13;
	vm13 =	veq.s32 v12, $0x1  }
0x5ff: {  	v61 =	vld [tilespmem:$0x1FE30];
	v17 =	vor.u32 v34, v42;
	vm2 =	veq.f32 v9, $5.000000000e-01;
	vm0 =	vmand vm12, vm13  }
0x600: {  	v15 =	vld.idx.msk [tilespmem:v15+s4+$0x0], $0xffff;
	[tilespmem:v0+s20+$0x0] =	vst.idx.msk $0xffff, v10;
	vm3 =	veq.f32 v13, $5.000000000e-01;
	vm1 =	vmand vm2, vm14;
	v6 =	vsel vm0, $0xFFFFFFFF, v36  }
0x601: {  	s28 =	sadd.s32 $0xC00, s28;
	[tilespmem:v7+s20+$0x0] =	vst.idx.msk $0xffff, v22;
	vm15 =	vmand vm3, vm4;
	v8 =	vsel vm1, $0xFFFFFFFF, v36;
	v0 =	vadd.s32 v11, v6  }
0x602: {  	v7 =	vld.idx.msk [tilespmem:v16+s4+$0x0], $0xffff;
	v6 =	vsel vm15, $0xFFFFFFFF, v36;
	[tilespmem:v4+s20+$0x0] =	vst.idx.msk $0xffff, v18;
	v4 =	vadd.s32 s28, v54;
	v45 =	vshll.u32 v0, $0x4  }
0x603: {  	v5 =	vld.idx.msk [tilespmem:v5+s4+$0x0], $0xffff;
	v6 =	vadd.s32 v19, v6;
	v4 =	vand.u32 $0x7FFFFFF8, v4;
	v0 =	vor.u32 v34, v45  }
0x604: {  	v8 =	vadd.s32 v14, v8;
	v9 =	vld.idx.msk [tilespmem:v17+s4+$0x0], $0xffff;
	v43 =	vshll.u32 v6, $0x4;
	v4 =	vor.u32 v61, v4  }
0x605: {  	[tilespmem:v29+s20+$0x0] =	vst.idx.msk $0xffff, v15;
	s31 =	sadd.s32 $0xFFFFF700, s28;
	v44 =	vshll.u32 v8, $0x4;
	v8 =	vor.u32 v34, v43  }
0x606: {  	v12 =	vadd.s32 s31, v54;
	v11 =	vld.idx.msk [tilespmem:v46+s4+$0x0], $0xffff;
	v6 =	vor.u32 v34, v44  }
0x607: {  	s30 =	sadd.s32 $0xFFFFFA00, s28;
	s29 =	sadd.s32 $0xFFFFFD00, s28;
	v10 =	vor.u32 v56, v42;
	[tilespmem:v28+s20+$0x0] =	vst.idx.msk $0xffff, v7;
	v7 =	vand.u32 $0xFFF8, v12;
	v34 =	vld [tilespmem:$0x1FE00]  }
0x608: {  	v13 =	vadd.s32 s30, v54;
	[tilespmem:v25+s20+$0x0] =	vst.idx.msk $0xffff, v5;
	v14 =	vadd.s32 s29, v54;
	v7 =	vor.u32 v61, v7;
	v0 =	vld.idx.msk [tilespmem:v0+s4+$0x0], $0xffff  }
0x609: {  	v12 =	vand.u32 $0x7FFFFFF8, v13;
	v13 =	vand.u32 $0x7FFFFFF8, v14;
	[tilespmem:v4+s20+$0x0] =	vst.idx.msk $0xffff, v9;
	v9 =	vld.idx.msk [tilespmem:v27+s4+$0x0], $0xffff  }
0x60a: {  	v5 =	vor.u32 v61, v12;
	v12 =	vor.u32 v61, v13;
	v4 =	vadd.s32 s28, v58;
	v8 =	vld.idx.msk [tilespmem:v8+s4+$0x0], $0xffff  }
0x60b: {  	v14 =	vor.u32 v56, v45;
	v6 =	vld.idx.msk [tilespmem:v6+s4+$0x0], $0xffff;
	v4 =	vand.u32 $0x7FFFFFF8, v4  }
0x60c: {  	v19 =	vor.u32 v56, v43;
	[tilespmem:v3+s20+$0x0] =	vst.idx.msk $0xffff, v11;
	v10 =	vld.idx.msk [tilespmem:v10+s4+$0x0], $0xffff;
	v4 =	vor.u32 v34, v4  }
0x60d: {  	v20 =	vld [tilespmem:$0x1FF50];
	v15 =	vor.u32 v56, v44;
	[tilespmem:v7+s20+$0x0] =	vst.idx.msk $0xffff, v0  }
0x60e: {  	v16 =	vor.u32 v38, v42;
	v36 =	vld [tilespmem:$0x1FE80];
	v17 =	vadd.s32 s31, v58;
	[tilespmem:v2+s20+$0x0] =	vst.idx.msk $0xffff, v9  }
0x60f: {  	v13 =	vld.idx.msk [tilespmem:v26+s4+$0x0], $0xffff;
	v3 =	vand.u32 $0xFFF8, v17;
	v17 =	vadd.s32 s29, v58;
	[tilespmem:v12+s20+$0x0] =	vst.idx.msk $0xffff, v8  }
0x610: {  	v18 =	vadd.s32 s30, v58;
	v3 =	vor.u32 v34, v3;
	v17 =	vand.u32 $0x7FFFFFF8, v17;
	v14 =	vld.idx.msk [tilespmem:v14+s4+$0x0], $0xffff;
	[tilespmem:v5+s20+$0x0] =	vst.idx.msk $0xffff, v6  }
0x611: {  	v11 =	vand.u32 $0x7FFFFFF8, v18;
	v9 =	vor.u32 v34, v17;
	v12 =	vld.idx.msk [tilespmem:v19+s4+$0x0], $0xffff;
	[tilespmem:v4+s20+$0x0] =	vst.idx.msk $0xffff, v10;
	v4 =	vadd.s32 s28, v55  }
0x612: {  	v11 =	vor.u32 v34, v11;
	v2 =	vor.u32 v38, v45;
	v15 =	vld.idx.msk [tilespmem:v15+s4+$0x0], $0xffff;
	v4 =	vand.u32 $0x7FFFFFF8, v4  }
0x613: {  	v10 =	vor.u32 v38, v44;
	v16 =	vld.idx.msk [tilespmem:v16+s4+$0x0], $0xffff;
	v4 =	vor.u32 v36, v4  }
0x614: {  	v17 =	vor.u32 v38, v43;
	[tilespmem:v1+s20+$0x0] =	vst.idx.msk $0xffff, v13  }
0x615: {  	v0 =	vadd.s32 s31, v55;
	v6 =	vor.u32 v20, v42;
	v38 =	vld [tilespmem:$0x1FEA0];
	[tilespmem:v3+s20+$0x0] =	vst.idx.msk $0xffff, v14  }
0x616: {  	v28 =	vld [tilespmem:$0x1FF30];
	v46 =	vor.u32 v57, v44;
	v7 =	vadd.s32 s30, v55;
	v0 =	vand.u32 $0xFFF8, v0;
	[tilespmem:v9+s20+$0x0] =	vst.idx.msk $0xffff, v12  }
0x617: {  	v7 =	vand.u32 $0x7FFFFFF8, v7;
	v5 =	vadd.s32 s29, v55;
	v0 =	vor.u32 v36, v0;
	v2 =	vld.idx.msk [tilespmem:v2+s4+$0x0], $0xffff;
	[tilespmem:v11+s20+$0x0] =	vst.idx.msk $0xffff, v15  }
0x618: {  	v7 =	vor.u32 v36, v7;
	v5 =	vand.u32 $0x7FFFFFF8, v5;
	v10 =	vld.idx.msk [tilespmem:v10+s4+$0x0], $0xffff;
	[tilespmem:v4+s20+$0x0] =	vst.idx.msk $0xffff, v16;
	v4 =	vadd.s32 s28, v62  }
0x619: {  	v19 =	vor.u32 v20, v44;
	v5 =	vor.u32 v36, v5;
	v15 =	vld.idx.msk [tilespmem:v17+s4+$0x0], $0xffff;
	v4 =	vand.u32 $0x7FFFFFF8, v4  }
0x61a: {  	v8 =	vor.u32 v20, v45;
	v1 =	vadd.s32 s30, v62;
	v6 =	vld.idx.msk [tilespmem:v6+s4+$0x0], $0xffff;
	v4 =	vor.u32 v38, v4  }
0x61b: {  	v20 =	vor.u32 v20, v43;
	v13 =	vadd.s32 s29, v62;
	v1 =	vand.u32 $0x7FFFFFF8, v1  }
0x61c: {  	v21 =	vld [tilespmem:$0x1FF80];
	v13 =	vand.u32 $0x7FFFFFF8, v13;
	v14 =	vor.u32 v63, v45;
	v11 =	vor.u32 v63, v42;
	[tilespmem:v0+s20+$0x0] =	vst.idx.msk $0xffff, v2  }
0x61d: {  	v26 =	vld [tilespmem:$0x1FEE0];
	v18 =	vadd.s32 s31, v62;
	v1 =	vor.u32 v38, v1;
	v9 =	vor.u32 v38, v13;
	[tilespmem:v7+s20+$0x0] =	vst.idx.msk $0xffff, v10  }
0x61e: {  	v13 =	vor.u32 v63, v44;
	v16 =	vand.u32 $0xFFF8, v18;
	[tilespmem:v5+s20+$0x0] =	vst.idx.msk $0xffff, v15;
	v10 =	vld.idx.msk [tilespmem:v19+s4+$0x0], $0xffff  }
0x61f: {  	v24 =	vadd.s32 s31, v28;
	v3 =	vor.u32 v38, v16;
	v8 =	vld.idx.msk [tilespmem:v8+s4+$0x0], $0xffff;
	[tilespmem:v4+s20+$0x0] =	vst.idx.msk $0xffff, v6;
	v4 =	vadd.s32 s28, v51  }
0x620: {  	v12 =	vadd.s32 s31, v51;
	v17 =	vadd.s32 s30, v51;
	v19 =	vld.idx.msk [tilespmem:v20+s4+$0x0], $0xffff;
	v4 =	vand.u32 $0x7FFFFFF8, v4  }
0x621: {  	v18 =	vadd.s32 s29, v51;
	v16 =	vor.u32 v63, v43;
	v11 =	vld.idx.msk [tilespmem:v11+s4+$0x0], $0xffff;
	v4 =	vor.u32 v33, v4  }
0x622: {  	v35 =	vld [tilespmem:$0x1FE60];
	v12 =	vand.u32 $0xFFF8, v12;
	v17 =	vand.u32 $0x7FFFFFF8, v17;
	v18 =	vand.u32 $0x7FFFFFF8, v18  }
0x623: {  	v22 =	vld [tilespmem:$0x1FF00];
	v0 =	vadd.s32 s31, v52;
	v2 =	vor.u32 v33, v18;
	v7 =	vor.u32 v21, v42;
	[tilespmem:v1+s20+$0x0] =	vst.idx.msk $0xffff, v10  }
0x624: {  	v6 =	vor.u32 v33, v12;
	v12 =	vor.u32 v33, v17;
	[tilespmem:v3+s20+$0x0] =	vst.idx.msk $0xffff, v8;
	v13 =	vld.idx.msk [tilespmem:v13+s4+$0x0], $0xffff  }
0x625: {  	v18 =	vor.u32 v21, v44;
	v15 =	vadd.s32 s30, v52;
	v14 =	vld.idx.msk [tilespmem:v14+s4+$0x0], $0xffff;
	v10 =	vadd.s32 s29, v26;
	[tilespmem:v9+s20+$0x0] =	vst.idx.msk $0xffff, v19  }
0x626: {  	v17 =	vor.u32 v21, v45;
	v9 =	vand.u32 $0x7FFFFFF8, v10;
	v10 =	vld.idx.msk [tilespmem:v16+s4+$0x0], $0xffff;
	[tilespmem:v4+s20+$0x0] =	vst.idx.msk $0xffff, v11;
	v4 =	vadd.s32 s28, v52  }
0x627: {  	v27 =	vld [tilespmem:$0x1FF20];
	v5 =	vor.u32 v21, v43;
	v15 =	vand.u32 $0x7FFFFFF8, v15;
	v4 =	vand.u32 $0x7FFFFFF8, v4  }
0x628: {  	v0 =	vand.u32 $0xFFF8, v0;
	v15 =	vor.u32 v39, v15;
	v7 =	vld.idx.msk [tilespmem:v7+s4+$0x0], $0xffff;
	v4 =	vor.u32 v39, v4  }
0x629: {  	v31 =	vld [tilespmem:$0x1FEF0];
	v20 =	vadd.s32 s29, v52;
	v21 =	vor.u32 v22, v44;
	v8 =	vor.u32 v22, v43;
	[tilespmem:v12+s20+$0x0] =	vst.idx.msk $0xffff, v13  }
0x62a: {  	v11 =	vor.u32 v22, v45;
	v22 =	vor.u32 v22, v42;
	[tilespmem:v6+s20+$0x0] =	vst.idx.msk $0xffff, v14;
	v13 =	vld.idx.msk [tilespmem:v18+s4+$0x0], $0xffff  }
0x62b: {  	v25 =	vadd.s32 s30, v28;
	v0 =	vor.u32 v39, v0;
	v20 =	vand.u32 $0x7FFFFFF8, v20;
	v17 =	vld.idx.msk [tilespmem:v17+s4+$0x0], $0xffff;
	[tilespmem:v2+s20+$0x0] =	vst.idx.msk $0xffff, v10  }
0x62c: {  	v23 =	vor.u32 v27, v43;
	v20 =	vor.u32 v39, v20;
	v3 =	vadd.s32 s31, v26;
	v2 =	vld.idx.msk [tilespmem:v5+s4+$0x0], $0xffff  }
0x62d: {  	v48 =	vld [tilespmem:$0x1FDB0];
	v1 =	vadd.s32 s30, v26;
	v19 =	vor.u32 v27, v44;
	[tilespmem:v4+s20+$0x0] =	vst.idx.msk $0xffff, v7;
	v4 =	vadd.s32 s28, v26  }
0x62e: {  	v16 =	vor.u32 v27, v45;
	v12 =	vor.u32 v27, v42;
	v27 =	vld [tilespmem:$0x1FF40];
	v4 =	vand.u32 $0x7FFFFFF8, v4  }
0x62f: {  	v3 =	vand.u32 $0xFFF8, v3;
	v1 =	vand.u32 $0x7FFFFFF8, v1;
	v22 =	vld.idx.msk [tilespmem:v22+s4+$0x0], $0xffff;
	[tilespmem:v15+s20+$0x0] =	vst.idx.msk $0xffff, v13;
	v4 =	vor.u32 v35, v4  }
0x630: {  	v1 =	vor.u32 v35, v1;
	v6 =	vand.u32 $0x7FFFFFF8, v25;
	v25 =	vadd.s32 s30, v31;
	[tilespmem:v0+s20+$0x0] =	vst.idx.msk $0xffff, v17;
	v17 =	vld.idx.msk [tilespmem:v21+s4+$0x0], $0xffff  }
0x631: {  	v3 =	vor.u32 v35, v3;
	v9 =	vor.u32 v35, v9;
	v25 =	vand.u32 $0x7FFFFFF8, v25;
	[tilespmem:v20+s20+$0x0] =	vst.idx.msk $0xffff, v2  }
0x632: {  	v6 =	vor.u32 v40, v6;
	v25 =	vor.u32 v61, v25;
	v0 =	vadd.s32 s31, v48;
	v8 =	vld.idx.msk [tilespmem:v8+s4+$0x0], $0xffff  }
0x633: {  	v7 =	vand.u32 $0xFFF8, v24;
	v24 =	vadd.s32 s29, v28;
	v18 =	vor.u32 v27, v44  }
0x634: {  	v47 =	vld [tilespmem:$0x1FF10];
	v5 =	vor.u32 v27, v43;
	v26 =	vadd.s32 s29, v31;
	v0 =	vand.u32 $0xFFF8, v0;
	[tilespmem:v4+s20+$0x0] =	vst.idx.msk $0xffff, v22  }
0x635: {  	v11 =	vld.idx.msk [tilespmem:v11+s4+$0x0], $0xffff;
	v14 =	vand.u32 $0x7FFFFFF8, v24;
	v7 =	vor.u32 v40, v7;
	v4 =	vadd.s32 s28, v28;
	[tilespmem:v1+s20+$0x0] =	vst.idx.msk $0xffff, v17  }
0x636: {  	v24 =	vadd.s32 s31, v31;
	v13 =	vor.u32 v27, v42;
	v4 =	vand.u32 $0x7FFFFFF8, v4;
	v19 =	vld.idx.msk [tilespmem:v19+s4+$0x0], $0xffff  }
0x637: {  	v2 =	vadd.s32 s30, v48;
	v20 =	vadd.s32 s29, v48;
	[tilespmem:v9+s20+$0x0] =	vst.idx.msk $0xffff, v8;
	v12 =	vld.idx.msk [tilespmem:v12+s4+$0x0], $0xffff;
	v4 =	vor.u32 v40, v4  }
0x638: {  	v29 =	vor.u32 v34, v0;
	v10 =	vor.u32 v40, v14;
	v22 =	vand.u32 $0x7FFFFFF8, v26;
	v9 =	vld.idx.msk [tilespmem:v23+s4+$0x0], $0xffff  }
0x639: {  	v0 =	vadd.s32 s28, v31;
	v31 =	vor.u32 v57, v45;
	v15 =	vor.u32 v61, v22;
	v22 =	vld [tilespmem:$0x1FDA0]  }
0x63a: {  	v14 =	vor.u32 v27, v45;
	v24 =	vand.u32 $0xFFF8, v24;
	v2 =	vand.u32 $0x7FFFFFF8, v2;
	[tilespmem:v3+s20+$0x0] =	vst.idx.msk $0xffff, v11  }
0x63b: {  	v49 =	vld [tilespmem:$0x1FDD0];
	v20 =	vand.u32 $0x7FFFFFF8, v20;
	v24 =	vor.u32 v61, v24;
	v30 =	vor.u32 v34, v2;
	[tilespmem:v6+s20+$0x0] =	vst.idx.msk $0xffff, v19  }
0x63c: {  	v0 =	vand.u32 $0x7FFFFFF8, v0;
	v32 =	vor.u32 v34, v20;
	v2 =	vadd.s32 s31, v47;
	[tilespmem:v4+s20+$0x0] =	vst.idx.msk $0xffff, v12;
	v19 =	vld.idx.msk [tilespmem:v18+s4+$0x0], $0xffff  }
0x63d: {  	v0 =	vor.u32 v61, v0;
	v1 =	vand.u32 $0xFFF8, v2;
	v2 =	vadd.s32 s30, v47;
	[tilespmem:v10+s20+$0x0] =	vst.idx.msk $0xffff, v9;
	v4 =	vld.idx.msk [tilespmem:v13+s4+$0x0], $0xffff  }
0x63e: {  	v8 =	vadd.s32 s29, v47;
	v17 =	vor.u32 v36, v1;
	v27 =	vor.u32 v22, v44;
	v5 =	vld.idx.msk [tilespmem:v5+s4+$0x0], $0xffff  }
0x63f: {  	v1 =	vand.u32 $0x7FFFFFF8, v2;
	v2 =	vand.u32 $0x7FFFFFF8, v8;
	v28 =	vor.u32 v22, v43;
	v13 =	vld.idx.msk [tilespmem:v16+s4+$0x0], $0xffff  }
0x640: {  	v3 =	vor.u32 v57, v43;
	v11 =	vor.u32 v49, v45;
	v2 =	vor.u32 v36, v2  }
0x641: {  	v26 =	vor.u32 v22, v45;
	v16 =	vor.u32 v22, v42;
	[tilespmem:v25+s20+$0x0] =	vst.idx.msk $0xffff, v19  }
0x642: {  	v9 =	vadd.s32 s30, v59;
	v10 =	vadd.s32 s29, v59;
	[tilespmem:v0+s20+$0x0] =	vst.idx.msk $0xffff, v4;
	v0 =	vadd.s32 s28, v48;
	v48 =	vld [tilespmem:$0x1FDE0]  }
0x643: {  	v12 =	vor.u32 v49, v44;
	v9 =	vand.u32 $0x7FFFFFF8, v9;
	v10 =	vand.u32 $0x7FFFFFF8, v10;
	[tilespmem:v15+s20+$0x0] =	vst.idx.msk $0xffff, v5;
	v27 =	vld.idx.msk [tilespmem:v27+s4+$0x0], $0xffff  }
0x644: {  	v22 =	vor.u32 v36, v1;
	v1 =	vor.u32 v49, v43;
	[tilespmem:v7+s20+$0x0] =	vst.idx.msk $0xffff, v13;
	v28 =	vld.idx.msk [tilespmem:v28+s4+$0x0], $0xffff  }
0x645: {  	v19 =	vor.u32 v33, v9;
	v25 =	vor.u32 v49, v42;
	v0 =	vand.u32 $0x7FFFFFF8, v0;
	v23 =	vld.idx.msk [tilespmem:v14+s4+$0x0], $0xffff  }
0x646: {  	v9 =	vor.u32 v33, v10;
	v5 =	vadd.s32 s30, v50;
	v16 =	vld.idx.msk [tilespmem:v16+s4+$0x0], $0xffff;
	v0 =	vor.u32 v34, v0  }
0x647: {  	v10 =	vor.u32 v60, v43;
	v15 =	vadd.s32 s29, v50;
	v8 =	vadd.s32 s30, v48  }
0x648: {  	v5 =	vand.u32 $0x7FFFFFF8, v5;
	[tilespmem:v30+s20+$0x0] =	vst.idx.msk $0xffff, v27;
	v6 =	vand.u32 $0x7FFFFFF8, v8;
	v8 =	vor.u32 v57, v42  }
0x649: {  	v15 =	vand.u32 $0x7FFFFFF8, v15;
	v34 =	vmovc v54;
	v54 =	vld [tilespmem:$0x1FDF0];
	v4 =	vadd.s32 s31, v48;
	v7 =	vadd.s32 s29, v48;
	[tilespmem:v32+s20+$0x0] =	vst.idx.msk $0xffff, v28  }
0x64a: {  	v27 =	vadd.s32 s30, v53;
	v28 =	vadd.s32 s29, v53;
	v4 =	vand.u32 $0xFFF8, v4;
	[tilespmem:v24+s20+$0x0] =	vst.idx.msk $0xffff, v23  }
0x64b: {  	v7 =	vand.u32 $0x7FFFFFF8, v7;
	v20 =	vor.u32 v38, v4;
	[tilespmem:v0+s20+$0x0] =	vst.idx.msk $0xffff, v16;
	v0 =	vadd.s32 s28, v47  }
0x64c: {  	v4 =	vor.u32 v38, v7;
	v7 =	vadd.s32 s31, v59;
	v59 =	vld.idx.msk [tilespmem:v26+s4+$0x0], $0xffff;
	v0 =	vand.u32 $0x7FFFFFF8, v0  }
0x64d: {  	v23 =	vor.u32 v60, v45;
	v24 =	vor.u32 v60, v44;
	v0 =	vor.u32 v36, v0;
	v16 =	vld.idx.msk [tilespmem:v8+s4+$0x0], $0xffff  }
0x64e: {  	s1 =	sadd.s32 $0x4, s1;
	v13 =	vor.u32 v38, v6;
	v21 =	vor.u32 v54, v45;
	v7 =	vand.u32 $0xFFF8, v7  }
0x64f: {  	p0 =	slt.u32 s1, $0x1C;
	v14 =	vor.u32 v54, v44;
	v18 =	vor.u32 v33, v7;
	v7 =	vadd.s32 s31, v50  }
.Ltmp4:
0x650: {  	v6 =	vor.u32 v54, v43;
	v49 =	vor.u32 v54, v42;
	v54 =	vmovc v34;
	v7 =	vand.u32 $0xFFF8, v7;
	(pc) =	sbr.rel @p0 .LBB2_11-.Ltmp4, $4  }
0x651: {  	v34 =	vlaneseq.u32;
	v50 =	vld.idx.msk [tilespmem:v46+s4+$0x0], $0xffff;
	v8 =	vor.u32 v39, v7;
	v7 =	vor.u32 v39, v5;
	[tilespmem:v29+s20+$0x0] =	vst.idx.msk $0xffff, v59  }
0x652: {  	v36 =	vimm.s32 $0x0;
	[tilespmem:v0+s20+$0x0] =	vst.idx.msk $0xffff, v16;
	v16 =	vadd.s32 s28, v48;
	v0 =	vor.u32 v39, v15;
	v48 =	vld.idx.msk [tilespmem:v31+s4+$0x0], $0xffff  }
0x653: {  	v15 =	vor.u32 v37, v45;
	v26 =	vld.idx.msk [tilespmem:v25+s4+$0x0], $0xffff;
	v5 =	vand.u32 $0x7FFFFFF8, v16;
	v25 =	vadd.s32 s31, v53  }
0x654: {  	s0 =	sadd.s32 $0x40, s0;
	v16 =	vor.u32 v37, v44;
	v47 =	vor.u32 v38, v5;
	v38 =	vld [tilespmem:$0x1FD90];
	v5 =	vor.u32 v37, v43  }
0x655: {  	_ =	sdelay $0x3  }
0x656: {  	v3 =	vld.idx.msk [tilespmem:v3+s4+$0x0], $0xffff;
	_ =	sdelay $0x2  }
0x657: {  	[tilespmem:v22+s20+$0x0] =	vst.idx.msk $0xffff, v50  }
0x658: {  	[tilespmem:v17+s20+$0x0] =	vst.idx.msk $0xffff, v48  }
0x659: {  	v11 =	vld.idx.msk [tilespmem:v11+s4+$0x0], $0xffff;
	[tilespmem:v2+s20+$0x0] =	vst.idx.msk $0xffff, v3  }
0x65a: {  	v33 =	vld [tilespmem:$0x1FEB0]  }
0x65b: {  	[tilespmem:v47+s20+$0x0] =	vst.idx.msk $0xffff, v26  }
0x65c: {  	v39 =	vld [tilespmem:$0x1FEC0];
	_ =	sdelay $0x1  }
0x65d: {  	v12 =	vld.idx.msk [tilespmem:v12+s4+$0x0], $0xffff  }
0x65e: {  	v1 =	vld.idx.msk [tilespmem:v1+s4+$0x0], $0xffff;
	[tilespmem:v20+s20+$0x0] =	vst.idx.msk $0xffff, v11;
	v2 =	vadd.s32 s28, v33  }
0x65f: {  	v50 =	vld [tilespmem:$0x1FE70];
	v2 =	vand.u32 $0x7FFFFFF8, v2  }
0x660: {  	v3 =	vld.idx.msk [tilespmem:v49+s4+$0x0], $0xffff;
	v2 =	vor.u32 v39, v2;
	_ =	sdelay $0x1  }
0x661: {  	[tilespmem:v13+s20+$0x0] =	vst.idx.msk $0xffff, v12  }
0x662: {  	v17 =	vld.idx.msk [tilespmem:v21+s4+$0x0], $0xffff;
	[tilespmem:v4+s20+$0x0] =	vst.idx.msk $0xffff, v1  }
0x663: {  	v49 =	vld [tilespmem:$0x1FE10];
	v11 =	vor.u32 v50, v42  }
0x664: {  	v12 =	vld.idx.msk [tilespmem:v14+s4+$0x0], $0xffff;
	[tilespmem:v2+s20+$0x0] =	vst.idx.msk $0xffff, v3  }
0x665: {  	v59 =	vld [tilespmem:$0x1FED0]  }
0x666: {  	v1 =	vld.idx.msk [tilespmem:v6+s4+$0x0], $0xffff;
	_ =	sdelay $0x1  }
0x667: {  	v4 =	vadd.s32 s28, v49;
	v3 =	vld.idx.msk [tilespmem:v11+s4+$0x0], $0xffff;
	[tilespmem:v18+s20+$0x0] =	vst.idx.msk $0xffff, v17  }
0x668: {  	v2 =	vand.u32 $0x7FFFFFF8, v4;
	v6 =	vld.idx.msk [tilespmem:v23+s4+$0x0], $0xffff  }
0x669: {  	v37 =	vld [tilespmem:$0x1FE90];
	[tilespmem:v19+s20+$0x0] =	vst.idx.msk $0xffff, v12;
	v2 =	vor.u32 v59, v2  }
0x66a: {  	[tilespmem:v9+s20+$0x0] =	vst.idx.msk $0xffff, v1;
	v11 =	vld.idx.msk [tilespmem:v24+s4+$0x0], $0xffff  }
0x66b: {  	v1 =	vld.idx.msk [tilespmem:v10+s4+$0x0], $0xffff  }
0x66c: {  	v53 =	vld [tilespmem:$0x1FE40]  }
0x66d: {  	[tilespmem:v8+s20+$0x0] =	vst.idx.msk $0xffff, v6  }
0x66e: {  	v4 =	vor.u32 v37, v42;
	[tilespmem:v2+s20+$0x0] =	vst.idx.msk $0xffff, v3  }
0x66f: {  	v12 =	vld [tilespmem:$0x1FE50]  }
0x670: {  	[tilespmem:v7+s20+$0x0] =	vst.idx.msk $0xffff, v11  }
0x671: {  	v9 =	vadd.s32 s28, v53;
	[tilespmem:v0+s20+$0x0] =	vst.idx.msk $0xffff, v1  }
0x672: {  	v2 =	vand.u32 $0x7FFFFFF8, v9;
	v14 =	vld [tilespmem:$0x1FE20]  }
0x673: {  	v10 =	vand.u32 $0xFFF8, v25;
	v4 =	vld.idx.msk [tilespmem:v4+s4+$0x0], $0xffff;
	v2 =	vor.u32 v35, v2  }
0x674: {  	v6 =	vor.u32 v35, v10;
	v10 =	vld.idx.msk [tilespmem:v15+s4+$0x0], $0xffff;
	v3 =	vand.u32 $0x7FFFFFF8, v27;
	v8 =	vor.u32 v12, v42  }
0x675: {  	v9 =	vand.u32 $0x7FFFFFF8, v28;
	v3 =	vor.u32 v35, v3;
	v11 =	vld.idx.msk [tilespmem:v16+s4+$0x0], $0xffff;
	v7 =	vor.u32 v12, v45  }
0x676: {  	v0 =	vor.u32 v35, v9;
	v5 =	vld.idx.msk [tilespmem:v5+s4+$0x0], $0xffff;
	v1 =	vor.u32 v12, v44  }
0x677: {  	v9 =	vor.u32 v12, v43;
	v12 =	vadd.s32 s28, v14  }
0x678: {  	[tilespmem:v2+s20+$0x0] =	vst.idx.msk $0xffff, v4;
	v13 =	vadd.s32 s31, v14;
	v2 =	vand.u32 $0x7FFFFFF8, v12  }
0x679: {  	[tilespmem:v6+s20+$0x0] =	vst.idx.msk $0xffff, v10;
	v4 =	vadd.s32 s30, v14;
	v12 =	vand.u32 $0xFFF8, v13;
	v2 =	vor.u32 v40, v2;
	v8 =	vld.idx.msk [tilespmem:v8+s4+$0x0], $0xffff  }
0x67a: {  	v6 =	vadd.s32 s29, v14;
	[tilespmem:v3+s20+$0x0] =	vst.idx.msk $0xffff, v11;
	v4 =	vand.u32 $0x7FFFFFF8, v4;
	v10 =	vor.u32 v40, v12;
	v7 =	vld.idx.msk [tilespmem:v7+s4+$0x0], $0xffff  }
0x67b: {  	[tilespmem:v0+s20+$0x0] =	vst.idx.msk $0xffff, v5;
	v3 =	vand.u32 $0x7FFFFFF8, v6;
	v4 =	vor.u32 v40, v4;
	v1 =	vld.idx.msk [tilespmem:v1+s4+$0x0], $0xffff  }
0x67c: {  	v0 =	vor.u32 v40, v3;
	v3 =	vld.idx.msk [tilespmem:v9+s4+$0x0], $0xffff;
	_ =	sdelay $0x1  }
0x67d: {  	[tilespmem:v2+s20+$0x0] =	vst.idx.msk $0xffff, v8  }
0x67e: {  	[tilespmem:v10+s20+$0x0] =	vst.idx.msk $0xffff, v7  }
0x67f: {  	[tilespmem:v4+s20+$0x0] =	vst.idx.msk $0xffff, v1  }
0x680: {  	[tilespmem:v0+s20+$0x0] =	vst.idx.msk $0xffff, v3  }
0x681: {  	v4 =	vld [tilespmem:s25+$0xD60]  }
0x682: {  	v0 =	vld [tilespmem:s12+$0x0];
	_ =	sdelay $0x4  }
0x683: {  	v1 =	vld [tilespmem:s12+$0xFFFFFFD0];
	v0 =	vsub.f32 v4, v0  }
0x684: {  	v2 =	vld [tilespmem:s12+$0xFFFFFFE0]  }
0x685: {  	v3 =	vld [tilespmem:s12+$0xFFFFFFF0];
	v0 =	vmax.f32 v0, $-4.000000000e+00  }
0x686: {  	v0 =	vmin.f32 v0, $4.000000000e+00  }
0x687: {  	v0 =	vadd.f32 $4.000000000e+00, v0;
	_ =	sdelay $0x1  }
0x688: {  	v1 =	vsub.f32 v4, v1;
	v0 =	vmul.f32 $1.000000000e+01, v0  }
0x689: {  	v2 =	vsub.f32 v4, v2;
	v3 =	vsub.f32 v4, v3  }
0x68a: {  	[tilespmem:$0x1FC80] =	vst v4;
	v1 =	vmax.f32 v1, $-4.000000000e+00;
	v4 =	vadd.f32 $5.000000000e-01, v0  }
0x68b: {  	v2 =	vmax.f32 v2, $-4.000000000e+00;
	v3 =	vmax.f32 v3, $-4.000000000e+00;
	v1 =	vmin.f32 v1, $4.000000000e+00  }
0x68c: {  	v2 =	vmin.f32 v2, $4.000000000e+00;
	v1 =	vadd.f32 $4.000000000e+00, v1;
	v4 =	vtrunc.f32 v4  }
0x68d: {  	v3 =	vmin.f32 v3, $4.000000000e+00;
	v2 =	vadd.f32 $4.000000000e+00, v2;
	v4 =	vcvt.f32.s32 v4  }
0x68e: {  	v3 =	vadd.f32 $4.000000000e+00, v3;
	v1 =	vmul.f32 $1.000000000e+01, v1  }
0x68f: {  	v2 =	vmul.f32 $1.000000000e+01, v2;
	v7 =	vcvt.s32.f32 v4  }
0x690: {  	v3 =	vmul.f32 $1.000000000e+01, v3;
	v5 =	vadd.f32 $5.000000000e-01, v1  }
0x691: {  	v6 =	vadd.f32 $5.000000000e-01, v2;
	v0 =	vsub.f32 v7, v0  }
0x692: {  	v8 =	vadd.f32 $5.000000000e-01, v3;
	v5 =	vtrunc.f32 v5;
	v7 =	vand.u32 $0x1, v4  }
0x693: {  	v5 =	vcvt.f32.s32 v5;
	vm1 =	veq.s32 v7, $0x1;
	vm0 =	veq.f32 v0, $5.000000000e-01  }
0x694: {  	v6 =	vtrunc.f32 v6;
	v8 =	vtrunc.f32 v8;
	vm0 =	vmand vm0, vm1  }
0x695: {  	v6 =	vcvt.f32.s32 v6;
	v7 =	vcvt.s32.f32 v5;
	v9 =	vsel vm0, $0xFFFFFFFF, v36  }
0x696: {  	v0 =	vcvt.f32.s32 v8;
	v4 =	vadd.s32 v4, v9  }
0x697: {  	v8 =	vcvt.s32.f32 v6;
	v1 =	vsub.f32 v7, v1;
	v42 =	vshll.u32 v4, $0x4  }
0x698: {  	v10 =	vcvt.s32.f32 v0;
	v7 =	vor.u32 v34, v42  }
0x699: {  	v2 =	vsub.f32 v8, v2;
	vm12 =	veq.f32 v1, $5.000000000e-01;
	v4 =	vand.u32 $0x1, v5  }
0x69a: {  	s25 =	simm.s32 $0x920;
	v1 =	vand.u32 $0x1, v6;
	v3 =	vsub.f32 v10, v3;
	vm13 =	veq.s32 v4, $0x1  }
0x69b: {  	vm14 =	veq.s32 v1, $0x1;
	v1 =	vadd.s32 s25, v54;
	vm0 =	vmand vm12, vm13  }
0x69c: {  	vm2 =	veq.f32 v2, $5.000000000e-01;
	v1 =	vand.u32 $0x7FFFFFF8, v1;
	v2 =	vsel vm0, $0xFFFFFFFF, v36  }
0x69d: {  	v8 =	vand.u32 $0x1, v0;
	v1 =	vor.u32 v61, v1;
	v2 =	vadd.s32 v5, v2;
	v5 =	vld.idx.msk [tilespmem:v7+s4+$0x0], $0xffff  }
0x69e: {  	vm4 =	veq.s32 v8, $0x1;
	vm3 =	veq.f32 v3, $5.000000000e-01  }
0x69f: {  	vm15 =	vmand vm3, vm4  }
0x6a0: {  	v4 =	vsel vm15, $0xFFFFFFFF, v36  }
0x6a1: {  	v0 =	vadd.s32 v0, v4;
	v45 =	vshll.u32 v2, $0x4  }
0x6a2: {  	v43 =	vshll.u32 v0, $0x4;
	v0 =	vor.u32 v34, v45;
	[tilespmem:v1+s20+$0x0] =	vst.idx.msk $0xffff, v5  }
0x6a3: {  	vm1 =	vmand vm2, vm14;
	v4 =	vor.u32 v56, v42;
	v41 =	vld [tilespmem:$0x1FE00]  }
0x6a4: {  	s30 =	simm.s32 $0x20;
	v3 =	vsel vm1, $0xFFFFFFFF, v36  }
0x6a5: {  	v3 =	vadd.s32 v6, v3;
	v6 =	vadd.s32 s30, v54  }
0x6a6: {  	v9 =	vadd.s32 s25, v58;
	v6 =	vand.u32 $0xFFF8, v6  }
0x6a7: {  	v44 =	vshll.u32 v3, $0x4;
	v1 =	vor.u32 v61, v6;
	v6 =	vand.u32 $0x7FFFFFF8, v9;
	v0 =	vld.idx.msk [tilespmem:v0+s4+$0x0], $0xffff  }
0x6a8: {  	v2 =	vor.u32 v34, v44;
	v4 =	vld.idx.msk [tilespmem:v4+s4+$0x0], $0xffff;
	v6 =	vor.u32 v41, v6;
	_ =	sdelay $0x2  }
0x6a9: {  	s29 =	simm.s32 $0x320;
	s28 =	simm.s32 $0x620  }
0x6aa: {  	v8 =	vadd.s32 s28, v54;
	v7 =	vadd.s32 s29, v54;
	v3 =	vor.u32 v34, v43;
	[tilespmem:v1+s20+$0x0] =	vst.idx.msk $0xffff, v0  }
0x6ab: {  	v7 =	vand.u32 $0x7FFFFFF8, v7;
	v2 =	vld.idx.msk [tilespmem:v2+s4+$0x0], $0xffff;
	v5 =	vand.u32 $0x7FFFFFF8, v8;
	v8 =	vor.u32 v56, v45;
	[tilespmem:v6+s20+$0x0] =	vst.idx.msk $0xffff, v4  }
0x6ac: {  	v10 =	vor.u32 v38, v42;
	v7 =	vor.u32 v61, v7;
	v36 =	vld [tilespmem:$0x1FE80];
	_ =	sdelay $0x1  }
0x6ad: {  	v11 =	vadd.s32 s30, v58  }
0x6ae: {  	v11 =	vand.u32 $0xFFF8, v11;
	v16 =	vadd.s32 s25, v55;
	v5 =	vor.u32 v61, v5;
	v3 =	vld.idx.msk [tilespmem:v3+s4+$0x0], $0xffff  }
0x6af: {  	v16 =	vand.u32 $0x7FFFFFF8, v16;
	v11 =	vor.u32 v41, v11;
	v8 =	vld.idx.msk [tilespmem:v8+s4+$0x0], $0xffff  }
0x6b0: {  	v10 =	vld.idx.msk [tilespmem:v10+s4+$0x0], $0xffff;
	[tilespmem:v7+s20+$0x0] =	vst.idx.msk $0xffff, v2;
	v16 =	vor.u32 v36, v16  }
0x6b1: {  	v18 =	vld [tilespmem:$0x1FF50]  }
0x6b2: {  	v9 =	vor.u32 v56, v44  }
0x6b3: {  	v12 =	vadd.s32 s29, v58;
	[tilespmem:v5+s20+$0x0] =	vst.idx.msk $0xffff, v3  }
0x6b4: {  	v12 =	vand.u32 $0x7FFFFFF8, v12;
	v15 =	vor.u32 v38, v45;
	v13 =	vor.u32 v56, v43;
	[tilespmem:v11+s20+$0x0] =	vst.idx.msk $0xffff, v8  }
0x6b5: {  	v0 =	vadd.s32 s30, v55;
	v1 =	vadd.s32 s29, v55;
	v4 =	vor.u32 v38, v44;
	[tilespmem:v16+s20+$0x0] =	vst.idx.msk $0xffff, v10  }
0x6b6: {  	v6 =	vor.u32 v38, v43;
	v2 =	vadd.s32 s28, v55;
	v55 =	vmovc v38;
	v7 =	vor.u32 v18, v42;
	v38 =	vld [tilespmem:$0x1FEA0]  }
0x6b7: {  	v14 =	vadd.s32 s28, v58;
	v12 =	vor.u32 v41, v12;
	v9 =	vld.idx.msk [tilespmem:v9+s4+$0x0], $0xffff  }
0x6b8: {  	v14 =	vand.u32 $0x7FFFFFF8, v14  }
0x6b9: {  	v14 =	vor.u32 v41, v14;
	v10 =	vadd.s32 s25, v62  }
0x6ba: {  	v0 =	vand.u32 $0xFFF8, v0;
	v5 =	vld.idx.msk [tilespmem:v13+s4+$0x0], $0xffff;
	v13 =	vadd.s32 s30, v62;
	v10 =	vand.u32 $0x7FFFFFF8, v10  }
0x6bb: {  	v13 =	vand.u32 $0xFFF8, v13;
	v0 =	vor.u32 v36, v0;
	v7 =	vld.idx.msk [tilespmem:v7+s4+$0x0], $0xffff;
	v10 =	vor.u32 v38, v10  }
0x6bc: {  	[tilespmem:v12+s20+$0x0] =	vst.idx.msk $0xffff, v9;
	v9 =	vld.idx.msk [tilespmem:v15+s4+$0x0], $0xffff;
	v8 =	vor.u32 v38, v13;
	v13 =	vor.u32 v63, v42  }
0x6bd: {  	v1 =	vand.u32 $0x7FFFFFF8, v1  }
0x6be: {  	v20 =	vadd.s32 s28, v62;
	v1 =	vor.u32 v36, v1;
	v3 =	vor.u32 v18, v45;
	v4 =	vld.idx.msk [tilespmem:v4+s4+$0x0], $0xffff  }
0x6bf: {  	v2 =	vand.u32 $0x7FFFFFF8, v2;
	v11 =	vand.u32 $0x7FFFFFF8, v20;
	[tilespmem:v14+s20+$0x0] =	vst.idx.msk $0xffff, v5  }
0x6c0: {  	v20 =	vadd.s32 s28, v51;
	v2 =	vor.u32 v36, v2;
	v6 =	vld.idx.msk [tilespmem:v6+s4+$0x0], $0xffff;
	[tilespmem:v10+s20+$0x0] =	vst.idx.msk $0xffff, v7;
	v7 =	vadd.s32 s25, v51  }
0x6c1: {  	v20 =	vand.u32 $0x7FFFFFF8, v20;
	v17 =	vor.u32 v18, v44;
	[tilespmem:v0+s20+$0x0] =	vst.idx.msk $0xffff, v9;
	v13 =	vld.idx.msk [tilespmem:v13+s4+$0x0], $0xffff;
	v7 =	vand.u32 $0x7FFFFFF8, v7  }
0x6c2: {  	v18 =	vor.u32 v18, v43;
	v0 =	vor.u32 v39, v20;
	v20 =	vld [tilespmem:$0x1FF80];
	v7 =	vor.u32 v39, v7  }
0x6c3: {  	[tilespmem:v1+s20+$0x0] =	vst.idx.msk $0xffff, v4;
	v1 =	vld.idx.msk [tilespmem:v3+s4+$0x0], $0xffff  }
0x6c4: {  	v19 =	vadd.s32 s29, v62  }
0x6c5: {  	v16 =	vand.u32 $0x7FFFFFF8, v19  }
0x6c6: {  	v12 =	vor.u32 v38, v16;
	[tilespmem:v2+s20+$0x0] =	vst.idx.msk $0xffff, v6;
	v17 =	vld.idx.msk [tilespmem:v17+s4+$0x0], $0xffff  }
0x6c7: {  	v15 =	vor.u32 v63, v45;
	v11 =	vor.u32 v38, v11;
	v18 =	vld.idx.msk [tilespmem:v18+s4+$0x0], $0xffff;
	[tilespmem:v7+s20+$0x0] =	vst.idx.msk $0xffff, v13  }
0x6c8: {  	v22 =	vld [tilespmem:$0x1FF00];
	[tilespmem:v8+s20+$0x0] =	vst.idx.msk $0xffff, v1  }
0x6c9: {  	v21 =	vadd.s32 s25, v52;
	v3 =	vor.u32 v20, v42;
	v26 =	vld [tilespmem:$0x1FEE0]  }
0x6ca: {  	v21 =	vand.u32 $0x7FFFFFF8, v21;
	v19 =	vor.u32 v63, v44  }
0x6cb: {  	v5 =	vor.u32 v63, v43;
	v14 =	vadd.s32 s29, v51;
	v16 =	vadd.s32 s30, v51;
	[tilespmem:v12+s20+$0x0] =	vst.idx.msk $0xffff, v17  }
0x6cc: {  	v21 =	vor.u32 v59, v21;
	v14 =	vand.u32 $0x7FFFFFF8, v14;
	v16 =	vand.u32 $0xFFF8, v16;
	v15 =	vld.idx.msk [tilespmem:v15+s4+$0x0], $0xffff;
	[tilespmem:v11+s20+$0x0] =	vst.idx.msk $0xffff, v18  }
0x6cd: {  	v14 =	vor.u32 v39, v14;
	v10 =	vor.u32 v39, v16;
	v16 =	vor.u32 v20, v45;
	v28 =	vld [tilespmem:$0x1FF30]  }
0x6ce: {  	v3 =	vld.idx.msk [tilespmem:v3+s4+$0x0], $0xffff;
	v7 =	vor.u32 v22, v45;
	v13 =	vor.u32 v22, v44;
	v17 =	vadd.s32 s28, v26  }
0x6cf: {  	v8 =	vor.u32 v22, v43;
	v22 =	vor.u32 v22, v42;
	v11 =	vand.u32 $0x7FFFFFF8, v17;
	v17 =	vld.idx.msk [tilespmem:v19+s4+$0x0], $0xffff  }
0x6d0: {  	v9 =	vadd.s32 s30, v52;
	v5 =	vld.idx.msk [tilespmem:v5+s4+$0x0], $0xffff  }
0x6d1: {  	v2 =	vand.u32 $0xFFF8, v9;
	v27 =	vld [tilespmem:$0x1FF20]  }
0x6d2: {  	v6 =	vadd.s32 s29, v52;
	v4 =	vor.u32 v20, v44;
	v12 =	vadd.s32 s29, v26;
	[tilespmem:v10+s20+$0x0] =	vst.idx.msk $0xffff, v15  }
0x6d3: {  	v1 =	vadd.s32 s30, v26;
	v26 =	vadd.s32 s25, v26;
	v24 =	vadd.s32 s30, v28;
	v16 =	vld.idx.msk [tilespmem:v16+s4+$0x0], $0xffff;
	[tilespmem:v21+s20+$0x0] =	vst.idx.msk $0xffff, v3  }
0x6d4: {  	v3 =	vand.u32 $0xFFF8, v24;
	v21 =	vadd.s32 s28, v28;
	v24 =	vand.u32 $0x7FFFFFF8, v26;
	v22 =	vld.idx.msk [tilespmem:v22+s4+$0x0], $0xffff;
	[tilespmem:v14+s20+$0x0] =	vst.idx.msk $0xffff, v17  }
0x6d5: {  	v20 =	vor.u32 v20, v43;
	v15 =	vand.u32 $0x7FFFFFF8, v21;
	v21 =	vor.u32 v35, v24;
	v29 =	vld [tilespmem:$0x1FF40];
	[tilespmem:v0+s20+$0x0] =	vst.idx.msk $0xffff, v5  }
0x6d6: {  	v2 =	vor.u32 v59, v2;
	v24 =	vor.u32 v40, v3;
	v3 =	vor.u32 v27, v42;
	v31 =	vld [tilespmem:$0x1FEF0]  }
0x6d7: {  	v9 =	vadd.s32 s28, v52;
	v6 =	vand.u32 $0x7FFFFFF8, v6  }
0x6d8: {  	v9 =	vand.u32 $0x7FFFFFF8, v9;
	v6 =	vor.u32 v59, v6;
	v4 =	vld.idx.msk [tilespmem:v4+s4+$0x0], $0xffff  }
0x6d9: {  	v46 =	vor.u32 v57, v44;
	v9 =	vor.u32 v59, v9  }
0x6da: {  	v1 =	vand.u32 $0xFFF8, v1;
	v12 =	vand.u32 $0x7FFFFFF8, v12;
	v18 =	vor.u32 v27, v45;
	v20 =	vld.idx.msk [tilespmem:v20+s4+$0x0], $0xffff;
	[tilespmem:v21+s20+$0x0] =	vst.idx.msk $0xffff, v22  }
0x6db: {  	v25 =	vadd.s32 s29, v28;
	v1 =	vor.u32 v35, v1;
	[tilespmem:v2+s20+$0x0] =	vst.idx.msk $0xffff, v16;
	v3 =	vld.idx.msk [tilespmem:v3+s4+$0x0], $0xffff;
	v17 =	vadd.s32 s30, v31  }
0x6dc: {  	v10 =	vand.u32 $0x7FFFFFF8, v25;
	v26 =	vadd.s32 s25, v28;
	v48 =	vld [tilespmem:$0x1FDB0];
	v17 =	vand.u32 $0xFFF8, v17  }
0x6dd: {  	[tilespmem:v6+s20+$0x0] =	vst.idx.msk $0xffff, v4;
	v6 =	vld.idx.msk [tilespmem:v7+s4+$0x0], $0xffff;
	v25 =	vadd.s32 s29, v31;
	v28 =	vor.u32 v61, v17;
	v17 =	vand.u32 $0x7FFFFFF8, v26  }
0x6de: {  	v19 =	vor.u32 v27, v44;
	v13 =	vld.idx.msk [tilespmem:v13+s4+$0x0], $0xffff;
	v21 =	vand.u32 $0x7FFFFFF8, v25;
	v2 =	vor.u32 v40, v17  }
0x6df: {  	v12 =	vor.u32 v35, v12;
	v25 =	vor.u32 v61, v21;
	v21 =	vld [tilespmem:$0x1FDA0];
	[tilespmem:v9+s20+$0x0] =	vst.idx.msk $0xffff, v20  }
0x6e0: {  	v23 =	vor.u32 v27, v43;
	v11 =	vor.u32 v35, v11;
	v4 =	vor.u32 v29, v42;
	v8 =	vld.idx.msk [tilespmem:v8+s4+$0x0], $0xffff  }
0x6e1: {  	v10 =	vor.u32 v40, v10;
	v15 =	vor.u32 v40, v15;
	v14 =	vor.u32 v29, v45  }
0x6e2: {  	v0 =	vor.u32 v29, v44;
	v5 =	vor.u32 v29, v43;
	v27 =	vadd.s32 s28, v31;
	[tilespmem:v1+s20+$0x0] =	vst.idx.msk $0xffff, v6  }
0x6e3: {  	v22 =	vand.u32 $0x7FFFFFF8, v27;
	v16 =	vadd.s32 s30, v48;
	[tilespmem:v2+s20+$0x0] =	vst.idx.msk $0xffff, v3;
	v2 =	vadd.s32 s25, v31  }
0x6e4: {  	v7 =	vor.u32 v61, v22;
	v9 =	vadd.s32 s29, v48;
	v2 =	vand.u32 $0x7FFFFFF8, v2;
	v47 =	vld [tilespmem:$0x1FF10];
	[tilespmem:v12+s20+$0x0] =	vst.idx.msk $0xffff, v13  }
0x6e5: {  	v17 =	vadd.s32 s28, v48;
	v16 =	vand.u32 $0xFFF8, v16;
	v4 =	vld.idx.msk [tilespmem:v4+s4+$0x0], $0xffff;
	[tilespmem:v11+s20+$0x0] =	vst.idx.msk $0xffff, v8;
	v6 =	vor.u32 v61, v2  }
0x6e6: {  	v9 =	vand.u32 $0x7FFFFFF8, v9;
	v17 =	vand.u32 $0x7FFFFFF8, v17;
	v16 =	vor.u32 v41, v16;
	v61 =	vld [tilespmem:$0x1FDD0]  }
0x6e7: {  	v30 =	vor.u32 v41, v9;
	v32 =	vor.u32 v41, v17;
	v9 =	vld.idx.msk [tilespmem:v18+s4+$0x0], $0xffff;
	v18 =	vor.u32 v21, v42  }
0x6e8: {  	v26 =	vor.u32 v21, v45;
	v27 =	vor.u32 v21, v44;
	v29 =	vor.u32 v21, v43;
	v13 =	vld.idx.msk [tilespmem:v19+s4+$0x0], $0xffff  }
0x6e9: {  	v31 =	vor.u32 v57, v45;
	v3 =	vor.u32 v57, v43;
	v1 =	vadd.s32 s30, v47  }
0x6ea: {  	v8 =	vld.idx.msk [tilespmem:v23+s4+$0x0], $0xffff;
	v2 =	vadd.s32 s29, v47;
	v12 =	vadd.s32 s28, v47;
	v1 =	vand.u32 $0xFFF8, v1;
	[tilespmem:v6+s20+$0x0] =	vst.idx.msk $0xffff, v4  }
0x6eb: {  	v11 =	vor.u32 v61, v45;
	v4 =	vadd.s32 s25, v48;
	v17 =	vor.u32 v36, v1;
	v60 =	vld [tilespmem:$0x1FDE0]  }
0x6ec: {  	v1 =	vand.u32 $0x7FFFFFF8, v2;
	v2 =	vand.u32 $0x7FFFFFF8, v12;
	v12 =	vor.u32 v61, v44;
	v18 =	vld.idx.msk [tilespmem:v18+s4+$0x0], $0xffff;
	[tilespmem:v24+s20+$0x0] =	vst.idx.msk $0xffff, v9  }
0x6ed: {  	v4 =	vand.u32 $0x7FFFFFF8, v4;
	[tilespmem:v10+s20+$0x0] =	vst.idx.msk $0xffff, v13;
	v10 =	vor.u32 v57, v42;
	v22 =	vor.u32 v36, v1  }
0x6ee: {  	v23 =	vor.u32 v41, v4;
	v41 =	vmovc v51;
	v51 =	vmovc v56;
	v56 =	vmov v62;
	v62 =	vmov v54;
	v54 =	vld [tilespmem:$0x1FDF0]  }
0x6ef: {  	v2 =	vor.u32 v36, v2;
	v24 =	vld.idx.msk [tilespmem:v14+s4+$0x0], $0xffff;
	[tilespmem:v15+s20+$0x0] =	vst.idx.msk $0xffff, v8;
	v15 =	vadd.s32 s25, v47  }
0x6f0: {  	v1 =	vor.u32 v61, v43;
	v0 =	vld.idx.msk [tilespmem:v0+s4+$0x0], $0xffff;
	v8 =	vadd.s32 s30, v33;
	v15 =	vand.u32 $0x7FFFFFF8, v15  }
0x6f1: {  	v8 =	vand.u32 $0xFFF8, v8;
	v15 =	vor.u32 v36, v15;
	v6 =	vadd.s32 s30, v60  }
0x6f2: {  	v19 =	vadd.s32 s29, v60;
	v9 =	vadd.s32 s28, v60;
	v6 =	vand.u32 $0xFFF8, v6  }
0x6f3: {  	v5 =	vld.idx.msk [tilespmem:v5+s4+$0x0], $0xffff;
	v4 =	vand.u32 $0x7FFFFFF8, v19;
	v9 =	vand.u32 $0x7FFFFFF8, v9;
	v21 =	vor.u32 v54, v45;
	[tilespmem:v23+s20+$0x0] =	vst.idx.msk $0xffff, v18  }
0x6f4: {  	v14 =	vor.u32 v54, v44;
	v19 =	vadd.s32 s28, v33;
	[tilespmem:v28+s20+$0x0] =	vst.idx.msk $0xffff, v24;
	v18 =	vor.u32 v39, v8  }
0x6f5: {  	v28 =	vadd.s32 s30, v49;
	[tilespmem:v25+s20+$0x0] =	vst.idx.msk $0xffff, v0;
	v25 =	vor.u32 v61, v42;
	v23 =	vor.u32 v50, v45  }
0x6f6: {  	v24 =	vor.u32 v50, v44;
	v0 =	vadd.s32 s29, v49;
	v20 =	vor.u32 v38, v6;
	v34 =	vld.idx.msk [tilespmem:v10+s4+$0x0], $0xffff  }
0x6f7: {  	v13 =	vor.u32 v38, v4;
	v4 =	vor.u32 v38, v9;
	v9 =	vadd.s32 s29, v33;
	v36 =	vld.idx.msk [tilespmem:v26+s4+$0x0], $0xffff  }
0x6f8: {  	v6 =	vor.u32 v54, v43;
	v8 =	vand.u32 $0x7FFFFFF8, v19;
	v27 =	vld.idx.msk [tilespmem:v27+s4+$0x0], $0xffff;
	v10 =	vor.u32 v50, v43  }
0x6f9: {  	[tilespmem:v7+s20+$0x0] =	vst.idx.msk $0xffff, v5;
	v7 =	vand.u32 $0xFFF8, v28;
	v0 =	vand.u32 $0x7FFFFFF8, v0;
	v9 =	vand.u32 $0x7FFFFFF8, v9  }
0x6fa: {  	v26 =	vadd.s32 s28, v49;
	v49 =	vor.u32 v54, v42;
	v5 =	vld.idx.msk [tilespmem:v29+s4+$0x0], $0xffff;
	v19 =	vor.u32 v39, v9  }
0x6fb: {  	v26 =	vand.u32 $0x7FFFFFF8, v26;
	v9 =	vor.u32 v39, v8;
	v8 =	vor.u32 v59, v7;
	[tilespmem:v15+s20+$0x0] =	vst.idx.msk $0xffff, v34  }
0x6fc: {  	v7 =	vor.u32 v59, v0;
	v0 =	vor.u32 v59, v26;
	[tilespmem:v16+s20+$0x0] =	vst.idx.msk $0xffff, v36;
	v26 =	vld.idx.msk [tilespmem:v25+s4+$0x0], $0xffff  }
0x6fd: {  	v15 =	vadd.s32 s25, v60;
	[tilespmem:v30+s20+$0x0] =	vst.idx.msk $0xffff, v27;
	v16 =	vor.u32 v37, v44;
	v27 =	vadd.s32 s29, v53;
	v48 =	vld.idx.msk [tilespmem:v31+s4+$0x0], $0xffff  }
0x6fe: {  	v28 =	vand.u32 $0x7FFFFFF8, v15;
	v15 =	vor.u32 v37, v45;
	v25 =	vadd.s32 s30, v53;
	v50 =	vld.idx.msk [tilespmem:v46+s4+$0x0], $0xffff  }
0x6ff: {  	s1 =	simm.s32 $0x0;
	s0 =	sadd.s32 $0x40, s12;
	[tilespmem:v32+s20+$0x0] =	vst.idx.msk $0xffff, v5;
	v5 =	vor.u32 v37, v43;
	v47 =	vor.u32 v38, v28;
	v28 =	vadd.s32 s28, v53  }
.LBB2_13:
0x700: {  	v30 =	vld [tilespmem:s0+$0x0]  }
0x701: {  	v32 =	vld [tilespmem:s0+$0xFFFFFFE0]  }
0x702: {  	v33 =	vld [tilespmem:$0x1FEB0]  }
0x703: {  	v61 =	vld [tilespmem:$0x1FE20]  }
0x704: {  	v38 =	vld [tilespmem:$0x1FEC0]  }
0x705: {  	v25 =	vand.u32 $0xFFF8, v25;
	v27 =	vand.u32 $0x7FFFFFF8, v27;
	v31 =	vand.u32 $0x7FFFFFF8, v28;
	v34 =	vld [tilespmem:$0x1FC80]  }
0x706: {  	v29 =	vor.u32 v35, v25;
	v28 =	vor.u32 v35, v27;
	v25 =	vor.u32 v35, v31;
	v35 =	vld [tilespmem:$0x1FE50]  }
0x707: {  	v60 =	vld [tilespmem:$0x1FE70]  }
0x708: {  	v31 =	vld [tilespmem:s0+$0xFFFFFFF0]  }
0x709: {  	[tilespmem:v47+s20+$0x0] =	vst.idx.msk $0xffff, v26;
	v47 =	vld [tilespmem:s0+$0xFFFFFFD0]  }
0x70a: {  	[tilespmem:v22+s20+$0x0] =	vst.idx.msk $0xffff, v50;
	v22 =	vld.idx.msk [tilespmem:v3+s4+$0x0], $0xffff;
	v54 =	vadd.s32 s25, v33  }
0x70b: {  	[tilespmem:v17+s20+$0x0] =	vst.idx.msk $0xffff, v48;
	v50 =	vld [tilespmem:$0x1FE10];
	v59 =	vadd.s32 s30, v61;
	v27 =	vor.u32 v35, v44;
	v44 =	vand.u32 $0x7FFFFFF8, v54  }
0x70c: {  	v17 =	vadd.s32 s29, v61;
	v26 =	vor.u32 v35, v43;
	v43 =	vld.idx.msk [tilespmem:v49+s4+$0x0], $0xffff;
	v44 =	vor.u32 v38, v44  }
0x70d: {  	v53 =	vadd.s32 s28, v61;
	v30 =	vsub.f32 v34, v30;
	v3 =	vsub.f32 v34, v32;
	v11 =	vld.idx.msk [tilespmem:v11+s4+$0x0], $0xffff  }
0x70e: {  	v12 =	vld.idx.msk [tilespmem:v12+s4+$0x0], $0xffff;
	v46 =	vor.u32 v35, v45;
	v54 =	vor.u32 v60, v42;
	v59 =	vand.u32 $0xFFF8, v59  }
0x70f: {  	v30 =	vmax.f32 v30, $-4.000000000e+00;
	v36 =	vmax.f32 v3, $-4.000000000e+00;
	v3 =	vor.u32 v40, v59  }
0x710: {  	v59 =	vld [tilespmem:$0x1FE90];
	v30 =	vmin.f32 v30, $4.000000000e+00;
	v37 =	vsub.f32 v34, v47;
	v39 =	vadd.s32 s25, v50;
	[tilespmem:v2+s20+$0x0] =	vst.idx.msk $0xffff, v22  }
0x711: {  	v31 =	vsub.f32 v34, v31;
	v30 =	vadd.f32 $4.000000000e+00, v30;
	[tilespmem:v44+s20+$0x0] =	vst.idx.msk $0xffff, v43;
	v43 =	vand.u32 $0x7FFFFFF8, v39;
	v39 =	vld [tilespmem:$0x1FED0]  }
0x712: {  	v45 =	vand.u32 $0x7FFFFFF8, v53;
	v53 =	vmin.f32 v36, $4.000000000e+00;
	[tilespmem:v20+s20+$0x0] =	vst.idx.msk $0xffff, v11;
	v11 =	vld.idx.msk [tilespmem:v1+s4+$0x0], $0xffff;
	v32 =	vmax.f32 v37, $-4.000000000e+00  }
0x713: {  	[tilespmem:v13+s20+$0x0] =	vst.idx.msk $0xffff, v12;
	v12 =	vadd.f32 $4.000000000e+00, v53;
	v53 =	vld [tilespmem:$0x1FE40];
	v30 =	vmul.f32 $1.000000000e+01, v30;
	v2 =	vmin.f32 v32, $4.000000000e+00  }
0x714: {  	v17 =	vand.u32 $0x7FFFFFF8, v17;
	v31 =	vmax.f32 v31, $-4.000000000e+00;
	v21 =	vld.idx.msk [tilespmem:v21+s4+$0x0], $0xffff;
	v32 =	vadd.f32 $4.000000000e+00, v2  }
0x715: {  	v31 =	vmin.f32 v31, $4.000000000e+00;
	v14 =	vld.idx.msk [tilespmem:v14+s4+$0x0], $0xffff;
	v12 =	vmul.f32 $1.000000000e+01, v12;
	v36 =	vadd.f32 $5.000000000e-01, v30  }
0x716: {  	v54 =	vld.idx.msk [tilespmem:v54+s4+$0x0], $0xffff;
	v2 =	vor.u32 v40, v17;
	v17 =	vmul.f32 $1.000000000e+01, v32;
	v22 =	vor.u32 v39, v43  }
0x717: {  	v13 =	vadd.f32 $4.000000000e+00, v31;
	v37 =	vadd.f32 $5.000000000e-01, v12;
	v31 =	vtrunc.f32 v36  }
0x718: {  	v20 =	vor.u32 v59, v42;
	[tilespmem:v4+s20+$0x0] =	vst.idx.msk $0xffff, v11;
	v4 =	vld [tilespmem:$0x1FE60];
	v31 =	vcvt.f32.s32 v31;
	v32 =	vadd.f32 $5.000000000e-01, v17  }
0x719: {  	v13 =	vmul.f32 $1.000000000e+01, v13;
	[tilespmem:v18+s20+$0x0] =	vst.idx.msk $0xffff, v21;
	v21 =	vtrunc.f32 v37  }
0x71a: {  	v6 =	vld.idx.msk [tilespmem:v6+s4+$0x0], $0xffff;
	[tilespmem:v19+s20+$0x0] =	vst.idx.msk $0xffff, v14;
	v48 =	vcvt.s32.f32 v31;
	v11 =	vtrunc.f32 v32  }
0x71b: {  	v14 =	vcvt.f32.s32 v21;
	v11 =	vcvt.f32.s32 v11;
	[tilespmem:v22+s20+$0x0] =	vst.idx.msk $0xffff, v54;
	v22 =	vadd.s32 s25, v53  }
0x71c: {  	v23 =	vld.idx.msk [tilespmem:v23+s4+$0x0], $0xffff;
	v21 =	vand.u32 $0x1, v31;
	v30 =	vsub.f32 v48, v30;
	v22 =	vand.u32 $0x7FFFFFF8, v22  }
0x71d: {  	vm1 =	veq.s32 v21, $0x1;
	v21 =	vcvt.s32.f32 v11;
	v20 =	vld.idx.msk [tilespmem:v20+s4+$0x0], $0xffff;
	v4 =	vor.u32 v4, v22  }
0x71e: {  	v49 =	vimm.s32 $0x0;
	vm0 =	veq.f32 v30, $5.000000000e-01;
	v22 =	vadd.f32 $5.000000000e-01, v13  }
0x71f: {  	v1 =	vor.u32 v40, v45;
	[tilespmem:v9+s20+$0x0] =	vst.idx.msk $0xffff, v6;
	vm0 =	vmand vm0, vm1;
	v6 =	vsub.f32 v21, v17  }
0x720: {  	v18 =	vor.u32 v35, v42;
	v19 =	vtrunc.f32 v22;
	v22 =	vld.idx.msk [tilespmem:v24+s4+$0x0], $0xffff;
	v24 =	vsel vm0, $0xFFFFFFFF, v49  }
0x721: {  	[tilespmem:v8+s20+$0x0] =	vst.idx.msk $0xffff, v23;
	vm12 =	veq.f32 v6, $5.000000000e-01;
	v6 =	vand.u32 $0x1, v14;
	v19 =	vcvt.f32.s32 v19  }
0x722: {  	v10 =	vld.idx.msk [tilespmem:v10+s4+$0x0], $0xffff;
	v24 =	vadd.s32 v31, v24;
	vm14 =	veq.s32 v6, $0x1;
	[tilespmem:v4+s20+$0x0] =	vst.idx.msk $0xffff, v20;
	v20 =	vcvt.s32.f32 v14  }
0x723: {  	v15 =	vld.idx.msk [tilespmem:v15+s4+$0x0], $0xffff;
	v42 =	vshll.u32 v24, $0x4;
	v4 =	vadd.s32 s25, v61;
	v30 =	vcvt.s32.f32 v19  }
0x724: {  	v4 =	vand.u32 $0x7FFFFFF8, v4;
	v9 =	vsub.f32 v20, v12;
	v12 =	vand.u32 $0x1, v11  }
0x725: {  	v8 =	vand.u32 $0x1, v19;
	v18 =	vld.idx.msk [tilespmem:v18+s4+$0x0], $0xffff;
	v4 =	vor.u32 v40, v4;
	vm13 =	veq.s32 v12, $0x1  }
0x726: {  	v13 =	vsub.f32 v30, v13;
	v20 =	vlaneseq.u32;
	vm0 =	vmand vm12, vm13  }
0x727: {  	[tilespmem:v0+s20+$0x0] =	vst.idx.msk $0xffff, v10;
	v61 =	vld [tilespmem:$0x1FE30];
	vm4 =	veq.s32 v8, $0x1;
	v17 =	vor.u32 v20, v42;
	v6 =	vsel vm0, $0xFFFFFFFF, v49  }
0x728: {  	[tilespmem:v29+s20+$0x0] =	vst.idx.msk $0xffff, v15;
	vm2 =	veq.f32 v9, $5.000000000e-01;
	vm3 =	veq.f32 v13, $5.000000000e-01;
	v0 =	vadd.s32 v11, v6  }
0x729: {  	v5 =	vld.idx.msk [tilespmem:v5+s4+$0x0], $0xffff;
	s25 =	sadd.s32 $0xC00, s25;
	[tilespmem:v7+s20+$0x0] =	vst.idx.msk $0xffff, v22;
	vm1 =	vmand vm2, vm14;
	vm15 =	vmand vm3, vm4;
	v45 =	vshll.u32 v0, $0x4  }
0x72a: {  	v7 =	vld.idx.msk [tilespmem:v16+s4+$0x0], $0xffff;
	v6 =	vsel vm15, $0xFFFFFFFF, v49;
	[tilespmem:v4+s20+$0x0] =	vst.idx.msk $0xffff, v18;
	v4 =	vadd.s32 s25, v62;
	v0 =	vor.u32 v20, v45  }
0x72b: {  	v8 =	vsel vm1, $0xFFFFFFFF, v49;
	v11 =	vld.idx.msk [tilespmem:v46+s4+$0x0], $0xffff;
	v6 =	vadd.s32 v19, v6;
	v4 =	vand.u32 $0x7FFFFFF8, v4  }
0x72c: {  	v8 =	vadd.s32 v14, v8;
	v9 =	vld.idx.msk [tilespmem:v17+s4+$0x0], $0xffff;
	v43 =	vshll.u32 v6, $0x4;
	v4 =	vor.u32 v61, v4  }
0x72d: {  	v34 =	vld [tilespmem:$0x1FE00];
	s30 =	sadd.s32 $0xFFFFF700, s25;
	v44 =	vshll.u32 v8, $0x4;
	v8 =	vor.u32 v20, v43  }
0x72e: {  	v36 =	vld [tilespmem:$0x1FE80];
	v10 =	vor.u32 v51, v42;
	s29 =	sadd.s32 $0xFFFFFA00, s25;
	v12 =	vadd.s32 s30, v62;
	[tilespmem:v25+s20+$0x0] =	vst.idx.msk $0xffff, v5;
	v6 =	vor.u32 v20, v44  }
0x72f: {  	s28 =	sadd.s32 $0xFFFFFD00, s25;
	v13 =	vadd.s32 s29, v62;
	v18 =	vadd.s32 s29, v58;
	[tilespmem:v28+s20+$0x0] =	vst.idx.msk $0xffff, v7;
	v7 =	vand.u32 $0xFFF8, v12;
	v0 =	vld.idx.msk [tilespmem:v0+s4+$0x0], $0xffff  }
0x730: {  	v14 =	vadd.s32 s28, v62;
	v7 =	vor.u32 v61, v7;
	[tilespmem:v3+s20+$0x0] =	vst.idx.msk $0xffff, v11;
	v11 =	vand.u32 $0x7FFFFFF8, v18;
	v18 =	vld [tilespmem:$0x1FF70]  }
0x731: {  	v12 =	vand.u32 $0x7FFFFFF8, v13;
	v13 =	vand.u32 $0x7FFFFFF8, v14;
	[tilespmem:v4+s20+$0x0] =	vst.idx.msk $0xffff, v9;
	v9 =	vld.idx.msk [tilespmem:v27+s4+$0x0], $0xffff  }
0x732: {  	v5 =	vor.u32 v61, v12;
	v12 =	vor.u32 v61, v13;
	v4 =	vadd.s32 s25, v58;
	v8 =	vld.idx.msk [tilespmem:v8+s4+$0x0], $0xffff  }
0x733: {  	v14 =	vor.u32 v51, v45;
	v6 =	vld.idx.msk [tilespmem:v6+s4+$0x0], $0xffff;
	v4 =	vand.u32 $0x7FFFFFF8, v4  }
0x734: {  	v19 =	vor.u32 v51, v43;
	v10 =	vld.idx.msk [tilespmem:v10+s4+$0x0], $0xffff;
	v4 =	vor.u32 v34, v4  }
0x735: {  	v17 =	vadd.s32 s30, v58;
	v13 =	vld.idx.msk [tilespmem:v26+s4+$0x0], $0xffff;
	v15 =	vor.u32 v51, v44;
	[tilespmem:v7+s20+$0x0] =	vst.idx.msk $0xffff, v0  }
0x736: {  	v16 =	vor.u32 v55, v42;
	v20 =	vld [tilespmem:$0x1FF50];
	v3 =	vand.u32 $0xFFF8, v17;
	[tilespmem:v2+s20+$0x0] =	vst.idx.msk $0xffff, v9  }
0x737: {  	v46 =	vor.u32 v57, v44;
	v17 =	vadd.s32 s28, v58;
	v3 =	vor.u32 v34, v3;
	v27 =	vld [tilespmem:$0x1FF20];
	[tilespmem:v12+s20+$0x0] =	vst.idx.msk $0xffff, v8  }
0x738: {  	v11 =	vor.u32 v34, v11;
	v17 =	vand.u32 $0x7FFFFFF8, v17;
	v14 =	vld.idx.msk [tilespmem:v14+s4+$0x0], $0xffff;
	[tilespmem:v5+s20+$0x0] =	vst.idx.msk $0xffff, v6  }
0x739: {  	v9 =	vor.u32 v34, v17;
	v12 =	vld.idx.msk [tilespmem:v19+s4+$0x0], $0xffff;
	[tilespmem:v4+s20+$0x0] =	vst.idx.msk $0xffff, v10;
	v4 =	vadd.s32 s25, v18  }
0x73a: {  	v0 =	vadd.s32 s30, v18;
	v2 =	vor.u32 v55, v45;
	v15 =	vld.idx.msk [tilespmem:v15+s4+$0x0], $0xffff;
	v4 =	vand.u32 $0x7FFFFFF8, v4  }
0x73b: {  	v7 =	vadd.s32 s29, v18;
	v10 =	vor.u32 v55, v44;
	v16 =	vld.idx.msk [tilespmem:v16+s4+$0x0], $0xffff;
	v4 =	vor.u32 v36, v4  }
0x73c: {  	v17 =	vor.u32 v55, v43;
	v0 =	vand.u32 $0xFFF8, v0;
	v8 =	vor.u32 v20, v45;
	[tilespmem:v1+s20+$0x0] =	vst.idx.msk $0xffff, v13  }
0x73d: {  	v37 =	vld [tilespmem:$0x1FEA0];
	v7 =	vand.u32 $0x7FFFFFF8, v7;
	v23 =	vor.u32 v27, v43;
	v6 =	vor.u32 v20, v42;
	[tilespmem:v3+s20+$0x0] =	vst.idx.msk $0xffff, v14  }
0x73e: {  	v5 =	vadd.s32 s28, v18;
	v0 =	vor.u32 v36, v0;
	v7 =	vor.u32 v36, v7;
	[tilespmem:v9+s20+$0x0] =	vst.idx.msk $0xffff, v12  }
0x73f: {  	v19 =	vor.u32 v20, v44;
	v20 =	vor.u32 v20, v43;
	v2 =	vld.idx.msk [tilespmem:v2+s4+$0x0], $0xffff;
	[tilespmem:v11+s20+$0x0] =	vst.idx.msk $0xffff, v15  }
0x740: {  	v1 =	vadd.s32 s29, v56;
	v5 =	vand.u32 $0x7FFFFFF8, v5;
	v10 =	vld.idx.msk [tilespmem:v10+s4+$0x0], $0xffff;
	[tilespmem:v4+s20+$0x0] =	vst.idx.msk $0xffff, v16;
	v4 =	vadd.s32 s25, v56  }
0x741: {  	v13 =	vadd.s32 s28, v56;
	v5 =	vor.u32 v36, v5;
	v15 =	vld.idx.msk [tilespmem:v17+s4+$0x0], $0xffff;
	v4 =	vand.u32 $0x7FFFFFF8, v4  }
0x742: {  	v18 =	vadd.s32 s30, v56;
	v1 =	vand.u32 $0x7FFFFFF8, v1;
	v6 =	vld.idx.msk [tilespmem:v6+s4+$0x0], $0xffff;
	v4 =	vor.u32 v37, v4  }
0x743: {  	v35 =	vld [tilespmem:$0x1FE60];
	v13 =	vand.u32 $0x7FFFFFF8, v13;
	v1 =	vor.u32 v37, v1;
	v14 =	vor.u32 v63, v45  }
0x744: {  	v21 =	vld [tilespmem:$0x1FF80];
	v9 =	vor.u32 v37, v13;
	v12 =	vadd.s32 s30, v41;
	v11 =	vor.u32 v63, v42;
	[tilespmem:v0+s20+$0x0] =	vst.idx.msk $0xffff, v2  }
0x745: {  	v26 =	vld [tilespmem:$0x1FEE0];
	v13 =	vor.u32 v63, v44;
	v17 =	vadd.s32 s29, v41;
	v16 =	vand.u32 $0xFFF8, v18;
	[tilespmem:v7+s20+$0x0] =	vst.idx.msk $0xffff, v10  }
0x746: {  	v12 =	vand.u32 $0xFFF8, v12;
	v17 =	vand.u32 $0x7FFFFFF8, v17;
	v3 =	vor.u32 v37, v16;
	[tilespmem:v5+s20+$0x0] =	vst.idx.msk $0xffff, v15;
	v10 =	vld.idx.msk [tilespmem:v19+s4+$0x0], $0xffff  }
0x747: {  	v18 =	vadd.s32 s28, v41;
	v16 =	vor.u32 v63, v43;
	v8 =	vld.idx.msk [tilespmem:v8+s4+$0x0], $0xffff;
	[tilespmem:v4+s20+$0x0] =	vst.idx.msk $0xffff, v6;
	v4 =	vadd.s32 s25, v41  }
0x748: {  	v18 =	vand.u32 $0x7FFFFFF8, v18;
	v0 =	vadd.s32 s30, v52;
	v19 =	vld.idx.msk [tilespmem:v20+s4+$0x0], $0xffff;
	v4 =	vand.u32 $0x7FFFFFF8, v4  }
0x749: {  	v2 =	vor.u32 v38, v18;
	v18 =	vor.u32 v21, v44;
	v11 =	vld.idx.msk [tilespmem:v11+s4+$0x0], $0xffff;
	v4 =	vor.u32 v38, v4  }
0x74a: {  	v22 =	vld [tilespmem:$0x1FF00];
	v5 =	vor.u32 v21, v43;
	v0 =	vand.u32 $0xFFF8, v0;
	v15 =	vadd.s32 s29, v52  }
0x74b: {  	v28 =	vld [tilespmem:$0x1FF30];
	v7 =	vor.u32 v21, v42;
	v0 =	vor.u32 v39, v0;
	v20 =	vadd.s32 s28, v52;
	[tilespmem:v1+s20+$0x0] =	vst.idx.msk $0xffff, v10  }
0x74c: {  	v6 =	vor.u32 v38, v12;
	v12 =	vor.u32 v38, v17;
	[tilespmem:v3+s20+$0x0] =	vst.idx.msk $0xffff, v8;
	v13 =	vld.idx.msk [tilespmem:v13+s4+$0x0], $0xffff  }
0x74d: {  	v15 =	vand.u32 $0x7FFFFFF8, v15;
	v20 =	vand.u32 $0x7FFFFFF8, v20;
	v14 =	vld.idx.msk [tilespmem:v14+s4+$0x0], $0xffff;
	v10 =	vadd.s32 s28, v26;
	[tilespmem:v9+s20+$0x0] =	vst.idx.msk $0xffff, v19  }
0x74e: {  	v17 =	vor.u32 v21, v45;
	v9 =	vand.u32 $0x7FFFFFF8, v10;
	v10 =	vld.idx.msk [tilespmem:v16+s4+$0x0], $0xffff;
	[tilespmem:v4+s20+$0x0] =	vst.idx.msk $0xffff, v11;
	v4 =	vadd.s32 s25, v52  }
0x74f: {  	v54 =	vld [tilespmem:$0x1FDB0];
	v15 =	vor.u32 v39, v15;
	v20 =	vor.u32 v39, v20;
	v4 =	vand.u32 $0x7FFFFFF8, v4  }
0x750: {  	v21 =	vor.u32 v22, v44;
	v3 =	vadd.s32 s30, v26;
	v7 =	vld.idx.msk [tilespmem:v7+s4+$0x0], $0xffff;
	v4 =	vor.u32 v39, v4  }
0x751: {  	v31 =	vld [tilespmem:$0x1FEF0];
	v8 =	vor.u32 v22, v43;
	v3 =	vand.u32 $0xFFF8, v3;
	v1 =	vadd.s32 s29, v26;
	[tilespmem:v12+s20+$0x0] =	vst.idx.msk $0xffff, v13  }
0x752: {  	v11 =	vor.u32 v22, v45;
	v22 =	vor.u32 v22, v42;
	[tilespmem:v6+s20+$0x0] =	vst.idx.msk $0xffff, v14;
	v13 =	vld.idx.msk [tilespmem:v18+s4+$0x0], $0xffff  }
0x753: {  	v25 =	vadd.s32 s29, v28;
	v3 =	vor.u32 v35, v3;
	v1 =	vand.u32 $0x7FFFFFF8, v1;
	v17 =	vld.idx.msk [tilespmem:v17+s4+$0x0], $0xffff;
	[tilespmem:v2+s20+$0x0] =	vst.idx.msk $0xffff, v10  }
0x754: {  	v19 =	vor.u32 v27, v44;
	v16 =	vor.u32 v27, v45;
	v1 =	vor.u32 v35, v1;
	v2 =	vld.idx.msk [tilespmem:v5+s4+$0x0], $0xffff  }
0x755: {  	v9 =	vor.u32 v35, v9;
	v12 =	vor.u32 v27, v42;
	v27 =	vld [tilespmem:$0x1FF40];
	[tilespmem:v4+s20+$0x0] =	vst.idx.msk $0xffff, v7;
	v4 =	vadd.s32 s25, v26  }
0x756: {  	v6 =	vand.u32 $0x7FFFFFF8, v25;
	v25 =	vadd.s32 s29, v31;
	v4 =	vand.u32 $0x7FFFFFF8, v4  }
0x757: {  	v24 =	vadd.s32 s30, v28;
	v25 =	vand.u32 $0x7FFFFFF8, v25;
	v22 =	vld.idx.msk [tilespmem:v22+s4+$0x0], $0xffff;
	[tilespmem:v15+s20+$0x0] =	vst.idx.msk $0xffff, v13;
	v4 =	vor.u32 v35, v4  }
0x758: {  	v6 =	vor.u32 v40, v6;
	v25 =	vor.u32 v61, v25;
	[tilespmem:v0+s20+$0x0] =	vst.idx.msk $0xffff, v17;
	v17 =	vld.idx.msk [tilespmem:v21+s4+$0x0], $0xffff  }
0x759: {  	v0 =	vadd.s32 s30, v54;
	v7 =	vand.u32 $0xFFF8, v24;
	v24 =	vadd.s32 s28, v28;
	[tilespmem:v20+s20+$0x0] =	vst.idx.msk $0xffff, v2  }
0x75a: {  	v18 =	vor.u32 v27, v44;
	v5 =	vor.u32 v27, v43;
	v26 =	vadd.s32 s28, v31;
	v8 =	vld.idx.msk [tilespmem:v8+s4+$0x0], $0xffff  }
0x75b: {  	v47 =	vld [tilespmem:$0x1FF10];
	v0 =	vand.u32 $0xFFF8, v0;
	v14 =	vand.u32 $0x7FFFFFF8, v24;
	v7 =	vor.u32 v40, v7  }
0x75c: {  	v49 =	vld [tilespmem:$0x1FDD0];
	v24 =	vadd.s32 s30, v31;
	v13 =	vor.u32 v27, v42;
	v2 =	vadd.s32 s29, v54;
	[tilespmem:v4+s20+$0x0] =	vst.idx.msk $0xffff, v22  }
0x75d: {  	v11 =	vld.idx.msk [tilespmem:v11+s4+$0x0], $0xffff;
	v20 =	vadd.s32 s28, v54;
	v29 =	vor.u32 v34, v0;
	v4 =	vadd.s32 s25, v28;
	[tilespmem:v1+s20+$0x0] =	vst.idx.msk $0xffff, v17  }
0x75e: {  	v0 =	vadd.s32 s25, v31;
	v31 =	vor.u32 v57, v45;
	v4 =	vand.u32 $0x7FFFFFF8, v4;
	v19 =	vld.idx.msk [tilespmem:v19+s4+$0x0], $0xffff  }
0x75f: {  	v10 =	vor.u32 v40, v14;
	[tilespmem:v9+s20+$0x0] =	vst.idx.msk $0xffff, v8;
	v12 =	vld.idx.msk [tilespmem:v12+s4+$0x0], $0xffff;
	v4 =	vor.u32 v40, v4  }
0x760: {  	v14 =	vor.u32 v27, v45;
	v24 =	vand.u32 $0xFFF8, v24;
	v2 =	vand.u32 $0x7FFFFFF8, v2;
	v9 =	vld.idx.msk [tilespmem:v23+s4+$0x0], $0xffff  }
0x761: {  	v48 =	vld [tilespmem:$0x1FDE0];
	v20 =	vand.u32 $0x7FFFFFF8, v20;
	v24 =	vor.u32 v61, v24;
	v22 =	vand.u32 $0x7FFFFFF8, v26  }
0x762: {  	v0 =	vand.u32 $0x7FFFFFF8, v0;
	v30 =	vor.u32 v34, v2;
	[tilespmem:v3+s20+$0x0] =	vst.idx.msk $0xffff, v11;
	v15 =	vor.u32 v61, v22;
	v22 =	vld [tilespmem:$0x1FDA0]  }
0x763: {  	v32 =	vor.u32 v34, v20;
	v2 =	vadd.s32 s30, v47;
	v0 =	vor.u32 v61, v0;
	[tilespmem:v6+s20+$0x0] =	vst.idx.msk $0xffff, v19  }
0x764: {  	v3 =	vor.u32 v57, v43;
	v11 =	vor.u32 v49, v45;
	[tilespmem:v4+s20+$0x0] =	vst.idx.msk $0xffff, v12;
	v19 =	vld.idx.msk [tilespmem:v18+s4+$0x0], $0xffff  }
0x765: {  	v1 =	vand.u32 $0xFFF8, v2;
	v2 =	vadd.s32 s29, v47;
	v8 =	vadd.s32 s28, v47;
	[tilespmem:v10+s20+$0x0] =	vst.idx.msk $0xffff, v9;
	v4 =	vld.idx.msk [tilespmem:v13+s4+$0x0], $0xffff  }
0x766: {  	v17 =	vor.u32 v36, v1;
	v1 =	vand.u32 $0x7FFFFFF8, v2;
	v2 =	vand.u32 $0x7FFFFFF8, v8;
	v5 =	vld.idx.msk [tilespmem:v5+s4+$0x0], $0xffff  }
0x767: {  	v8 =	vadd.s32 s29, v48;
	v2 =	vor.u32 v36, v2;
	v13 =	vld.idx.msk [tilespmem:v16+s4+$0x0], $0xffff;
	v16 =	vor.u32 v22, v42  }
0x768: {  	v26 =	vor.u32 v22, v45;
	v27 =	vor.u32 v22, v44;
	v28 =	vor.u32 v22, v43  }
0x769: {  	v6 =	vand.u32 $0x7FFFFFF8, v8;
	v8 =	vor.u32 v57, v42;
	v9 =	vadd.s32 s29, v33  }
0x76a: {  	v10 =	vadd.s32 s28, v33;
	v12 =	vor.u32 v49, v44;
	[tilespmem:v0+s20+$0x0] =	vst.idx.msk $0xffff, v4;
	v0 =	vadd.s32 s25, v54  }
0x76b: {  	v9 =	vand.u32 $0x7FFFFFF8, v9;
	v22 =	vor.u32 v36, v1;
	[tilespmem:v25+s20+$0x0] =	vst.idx.msk $0xffff, v19;
	v0 =	vand.u32 $0x7FFFFFF8, v0  }
0x76c: {  	v1 =	vor.u32 v49, v43;
	[tilespmem:v15+s20+$0x0] =	vst.idx.msk $0xffff, v5;
	v16 =	vld.idx.msk [tilespmem:v16+s4+$0x0], $0xffff;
	v0 =	vor.u32 v34, v0  }
0x76d: {  	v10 =	vand.u32 $0x7FFFFFF8, v10;
	v19 =	vor.u32 v38, v9;
	v25 =	vor.u32 v49, v42;
	[tilespmem:v7+s20+$0x0] =	vst.idx.msk $0xffff, v13  }
0x76e: {  	v9 =	vor.u32 v38, v10;
	v5 =	vadd.s32 s29, v50;
	v10 =	vor.u32 v60, v43;
	v23 =	vld.idx.msk [tilespmem:v14+s4+$0x0], $0xffff  }
0x76f: {  	v15 =	vadd.s32 s28, v50;
	v4 =	vadd.s32 s30, v48;
	v7 =	vadd.s32 s28, v48;
	v54 =	vld [tilespmem:$0x1FDF0]  }
0x770: {  	v13 =	vor.u32 v37, v6;
	v27 =	vld.idx.msk [tilespmem:v27+s4+$0x0], $0xffff;
	v5 =	vand.u32 $0x7FFFFFF8, v5;
	v4 =	vand.u32 $0xFFF8, v4  }
0x771: {  	v28 =	vld.idx.msk [tilespmem:v28+s4+$0x0], $0xffff;
	v7 =	vand.u32 $0x7FFFFFF8, v7;
	v20 =	vor.u32 v37, v4;
	[tilespmem:v0+s20+$0x0] =	vst.idx.msk $0xffff, v16;
	v0 =	vadd.s32 s25, v47  }
0x772: {  	v4 =	vor.u32 v37, v7;
	v7 =	vadd.s32 s30, v33;
	v0 =	vand.u32 $0x7FFFFFF8, v0  }
0x773: {  	v15 =	vand.u32 $0x7FFFFFF8, v15;
	v7 =	vand.u32 $0xFFF8, v7;
	[tilespmem:v24+s20+$0x0] =	vst.idx.msk $0xffff, v23;
	v16 =	vld.idx.msk [tilespmem:v8+s4+$0x0], $0xffff;
	v0 =	vor.u32 v36, v0  }
0x774: {  	s1 =	sadd.s32 $0x4, s1;
	v18 =	vor.u32 v38, v7;
	v7 =	vadd.s32 s30, v50;
	v21 =	vor.u32 v54, v45;
	v36 =	vld.idx.msk [tilespmem:v26+s4+$0x0], $0xffff  }
0x775: {  	p0 =	slt.u32 s1, $0x1C;
	v14 =	vor.u32 v54, v44;
	v6 =	vor.u32 v54, v43;
	v7 =	vand.u32 $0xFFF8, v7;
	[tilespmem:v30+s20+$0x0] =	vst.idx.msk $0xffff, v27  }
.Ltmp5:
0x776: {  	v49 =	vor.u32 v54, v42;
	v27 =	vadd.s32 s29, v53;
	[tilespmem:v32+s20+$0x0] =	vst.idx.msk $0xffff, v28;
	v28 =	vadd.s32 s28, v53;
	(pc) =	sbr.rel @p0 .LBB2_13-.Ltmp5, $4  }
0x777: {  	v23 =	vor.u32 v60, v45;
	v24 =	vor.u32 v60, v44;
	v50 =	vld.idx.msk [tilespmem:v46+s4+$0x0], $0xffff;
	v8 =	vor.u32 v39, v7  }
0x778: {  	v7 =	vor.u32 v39, v5;
	[tilespmem:v0+s20+$0x0] =	vst.idx.msk $0xffff, v16;
	v16 =	vadd.s32 s25, v48;
	v0 =	vor.u32 v39, v15  }
0x779: {  	[tilespmem:v29+s20+$0x0] =	vst.idx.msk $0xffff, v36;
	v15 =	vor.u32 v59, v45;
	v26 =	vld.idx.msk [tilespmem:v25+s4+$0x0], $0xffff;
	v5 =	vand.u32 $0x7FFFFFF8, v16;
	v25 =	vadd.s32 s30, v53  }
0x77a: {  	s0 =	sadd.s32 $0x40, s0;
	v48 =	vld.idx.msk [tilespmem:v31+s4+$0x0], $0xffff;
	v16 =	vor.u32 v59, v44;
	v47 =	vor.u32 v37, v5;
	v5 =	vor.u32 v59, v43  }
0x77b: {  	_ =	sdelay $0x3  }
0x77c: {  	v3 =	vld.idx.msk [tilespmem:v3+s4+$0x0], $0xffff;
	_ =	sdelay $0x2  }
0x77d: {  	[tilespmem:v22+s20+$0x0] =	vst.idx.msk $0xffff, v50  }
0x77e: {  	[tilespmem:v17+s20+$0x0] =	vst.idx.msk $0xffff, v48  }
0x77f: {  	[tilespmem:v2+s20+$0x0] =	vst.idx.msk $0xffff, v3  }
0x780: {  	v22 =	vld [tilespmem:$0x1FEB0]  }
0x781: {  	v11 =	vld.idx.msk [tilespmem:v11+s4+$0x0], $0xffff;
	[tilespmem:v47+s20+$0x0] =	vst.idx.msk $0xffff, v26  }
0x782: {  	v29 =	vld [tilespmem:$0x1FEC0];
	_ =	sdelay $0x1  }
0x783: {  	v12 =	vld.idx.msk [tilespmem:v12+s4+$0x0], $0xffff  }
0x784: {  	v1 =	vld.idx.msk [tilespmem:v1+s4+$0x0], $0xffff;
	v50 =	vadd.s32 s25, v22  }
0x785: {  	v2 =	vand.u32 $0x7FFFFFF8, v50  }
0x786: {  	v38 =	vmov v52;
	v52 =	vld.idx.msk [tilespmem:v49+s4+$0x0], $0xffff;
	[tilespmem:v20+s20+$0x0] =	vst.idx.msk $0xffff, v11;
	v2 =	vor.u32 v29, v2  }
0x787: {  	v20 =	vld [tilespmem:$0x1FE70]  }
0x788: {  	v17 =	vld.idx.msk [tilespmem:v21+s4+$0x0], $0xffff;
	[tilespmem:v13+s20+$0x0] =	vst.idx.msk $0xffff, v12  }
0x789: {  	[tilespmem:v4+s20+$0x0] =	vst.idx.msk $0xffff, v1;
	v12 =	vld.idx.msk [tilespmem:v14+s4+$0x0], $0xffff  }
0x78a: {  	v14 =	vld [tilespmem:$0x1FE10]  }
0x78b: {  	[tilespmem:v2+s20+$0x0] =	vst.idx.msk $0xffff, v52  }
0x78c: {  	v53 =	vor.u32 v20, v42;
	v30 =	vld [tilespmem:$0x1FED0]  }
0x78d: {  	v1 =	vld.idx.msk [tilespmem:v6+s4+$0x0], $0xffff  }
0x78e: {  	[tilespmem:v18+s20+$0x0] =	vst.idx.msk $0xffff, v17  }
0x78f: {  	v54 =	vadd.s32 s25, v14;
	v21 =	vld [tilespmem:$0x1FE90]  }
0x790: {  	v55 =	vand.u32 $0x7FFFFFF8, v54;
	v59 =	vld.idx.msk [tilespmem:v23+s4+$0x0], $0xffff  }
0x791: {  	[tilespmem:v19+s20+$0x0] =	vst.idx.msk $0xffff, v12;
	v3 =	vld.idx.msk [tilespmem:v53+s4+$0x0], $0xffff;
	v2 =	vor.u32 v30, v55  }
0x792: {  	[tilespmem:v9+s20+$0x0] =	vst.idx.msk $0xffff, v1;
	v60 =	vld.idx.msk [tilespmem:v24+s4+$0x0], $0xffff  }
0x793: {  	v1 =	vld.idx.msk [tilespmem:v10+s4+$0x0], $0xffff  }
0x794: {  	v17 =	vld [tilespmem:$0x1FE40]  }
0x795: {  	[tilespmem:v8+s20+$0x0] =	vst.idx.msk $0xffff, v59  }
0x796: {  	v57 =	vor.u32 v21, v42;
	[tilespmem:v2+s20+$0x0] =	vst.idx.msk $0xffff, v3  }
0x797: {  	v18 =	vld [tilespmem:$0x1FE50]  }
0x798: {  	[tilespmem:v7+s20+$0x0] =	vst.idx.msk $0xffff, v60  }
0x799: {  	v32 =	vadd.s32 s25, v17;
	v46 =	vld.idx.msk [tilespmem:v15+s4+$0x0], $0xffff;
	[tilespmem:v0+s20+$0x0] =	vst.idx.msk $0xffff, v1  }
0x79a: {  	v34 =	vand.u32 $0x7FFFFFF8, v32;
	v15 =	vld [tilespmem:$0x1FE20]  }
0x79b: {  	v33 =	vand.u32 $0xFFF8, v25;
	v2 =	vor.u32 v35, v34;
	v4 =	vld.idx.msk [tilespmem:v57+s4+$0x0], $0xffff  }
0x79c: {  	v36 =	vand.u32 $0x7FFFFFF8, v27;
	v39 =	vor.u32 v35, v33;
	v42 =	vor.u32 v18, v42  }
0x79d: {  	v37 =	vand.u32 $0x7FFFFFF8, v28;
	v3 =	vor.u32 v35, v36;
	v11 =	vld.idx.msk [tilespmem:v16+s4+$0x0], $0xffff;
	v47 =	vor.u32 v18, v45  }
0x79e: {  	v48 =	vor.u32 v35, v37;
	v5 =	vld.idx.msk [tilespmem:v5+s4+$0x0], $0xffff;
	v49 =	vor.u32 v18, v44  }
0x79f: {  	v50 =	vor.u32 v18, v43;
	v12 =	vadd.s32 s25, v15  }
0x7a0: {  	[tilespmem:v2+s20+$0x0] =	vst.idx.msk $0xffff, v4;
	v13 =	vadd.s32 s30, v15;
	v52 =	vand.u32 $0x7FFFFFF8, v12  }
0x7a1: {  	[tilespmem:v39+s20+$0x0] =	vst.idx.msk $0xffff, v46;
	v53 =	vadd.s32 s29, v15;
	v12 =	vand.u32 $0xFFF8, v13;
	v2 =	vor.u32 v40, v52;
	v8 =	vld.idx.msk [tilespmem:v42+s4+$0x0], $0xffff  }
0x7a2: {  	v54 =	vadd.s32 s28, v15;
	[tilespmem:v3+s20+$0x0] =	vst.idx.msk $0xffff, v11;
	v4 =	vand.u32 $0x7FFFFFF8, v53;
	v55 =	vor.u32 v40, v12;
	v7 =	vld.idx.msk [tilespmem:v47+s4+$0x0], $0xffff  }
0x7a3: {  	[tilespmem:v48+s20+$0x0] =	vst.idx.msk $0xffff, v5;
	v57 =	vand.u32 $0x7FFFFFF8, v54;
	v4 =	vor.u32 v40, v4;
	v1 =	vld.idx.msk [tilespmem:v49+s4+$0x0], $0xffff  }
0x7a4: {  	v59 =	vor.u32 v40, v57;
	v60 =	vld.idx.msk [tilespmem:v50+s4+$0x0], $0xffff;
	_ =	sdelay $0x1  }
0x7a5: {  	[tilespmem:v2+s20+$0x0] =	vst.idx.msk $0xffff, v8  }
0x7a6: {  	[tilespmem:v55+s20+$0x0] =	vst.idx.msk $0xffff, v7  }
0x7a7: {  	[tilespmem:v4+s20+$0x0] =	vst.idx.msk $0xffff, v1  }
0x7a8: {  	[tilespmem:v59+s20+$0x0] =	vst.idx.msk $0xffff, v60  }
0x7a9: {  	v26 =	vld [tilespmem:$0x1FF00]  }
0x7aa: {  	v57 =	vld [tilespmem:$0x1FF40]  }
0x7ab: {  	v27 =	vld [tilespmem:$0x1FEE0]  }
0x7ac: {  	v19 =	vld [tilespmem:$0x1FF20]  }
0x7ad: {  	v16 =	vld [tilespmem:$0x1FF30]  }
0x7ae: {  	s24 =	sadd.s32 $0x1, s24;
	v28 =	vld [tilespmem:$0x1FEF0]  }
0x7af: {  	s0 =	smul.u32 $0x6000, s26;
	p0 =	sne.s32 s24, $0x20;
	v52 =	vld [tilespmem:$0x1FF10]  }
.Ltmp6:
0x7b0: {  	v15 =	vld [tilespmem:$0x1FE80];
	(pc) =	sbr.rel @p0 .LBB2_2-.Ltmp6, $4  }
0x7b1: {  	s0 =	sshrl.u32 s0, $0x3;
	v23 =	vld [tilespmem:$0x1FEA0]  }
0x7b2: {  	s0 =	sadd.s32 s2, s0;
	v36 =	vld [tilespmem:$0x1FF70]  }
0x7b3: {  	s0 =	sadd.s32 $0xC00, s0;
	v25 =	vld [tilespmem:$0x1FF80]  }
0x7b4: {  	v24 =	vlaneseq.u32;
	v34 =	vimm.s32 $0x0;
	v39 =	vmov v41;
	[hbm4b:s0+s4] =	stream.linear.scatter [tilespmem:s20], [sflag:$0x2], $0x3000, $0x38;
	v21 =	vld [tilespmem:$0x1FF50]  }
0x7b5: {  	s23 =	sadd.s32 $0x1, s23  }
0x7b6: {  	_ =	swait.ge [sflag:s21], $0x3000;
	p0 =	sne.s32 s23, s13  }
.Ltmp7:
0x7b7: {  	[sflag:s21] =	ssyncset.done $0x0;
	(pc) =	sbr.rel @p0 .LBB2_1-.Ltmp7, $4  }
0x7b8: {  	[sflag:s21] =	ssyncadd.s32 $0xFFFFD000  }
0x7b9: {  	_ =	swait.ge [sflag:s22], $0x3000  }
0x7ba: {  	[sflag:s22] =	ssyncset.done $0x0  }
0x7bb: {  	[sflag:s22] =	ssyncadd.s32 $0xFFFFD000  }
0x7bc: {  	_ =	sfence.sel $0x180000  }
0x7bd: {  	[bflag:$0x0] =	sbarrier.arrive $0xFFFF  }
0x7be: {  	_ =	strace $0x90000047  }
0x7bf: {  	s0 =	stileid.u32;
	[bflag:$0x2] =	sbarrier.arrive $0xFFFF  }
0x7c0: {  	p0 =	sne.s32 s0, $0x0;
	s0 =	rddreg [dreg:$0x2]  }
0x7c1: {  	s0 =	sadd.s32 @!p0 $0x100000, s0  }
0x7c2: {  	[sflag:s0] =	ssyncadd.tile.s32 @!p0 $0x1;
	_ =	shalt  }
.Lfunc_end2:
_tile_overlayer_lowered:
.L_overlay_start_2:
0x7c3: {  	(tag) =	ssettag $0x2  }
0x7c4: {  	s0 =	rddreg [dreg:$0x0];
	s2 =	stileid.u32  }
0x7c5: {  	s1 =	rddreg [dreg:$0x1];
	p0 =	sne.s32 s2, $0x0  }
0x7c6: {  	s3 =	rddreg [dreg:$0x2];
	[bflag:$0x3] =	sbarrier.arrive $0xFFFF;
	s2 =	simm.s32 @!p0 $0x1C03  }
0x7c7: {  	[timem:s3], [sflag:s2] =	dma.local @!p0 [hbm:s0], s1  }
0x7c8: {  	s0 =	simm.s32 @!p0 $0x3  }
0x7c9: {  	_ =	swait.ge @!p0 [sflag:s0], s1  }
0x7ca: {  	s1 =	ssub.s32 @!p0 $0x0, s1;
	[sflag:s0] =	ssyncset.done @!p0 $0x0  }
0x7cb: {  	[sflag:s0] =	ssyncadd.s32 @!p0 s1  }
0x7cc: {  	[bflag:$0x3] =	sbarrier.arrive $0xFFFF  }
0x7cd: {  	_ =	shalt  }

// kernel: sparse-core-data-format-call.cloned.1.call-start
scs
called_computation_lowered:
.L_overlay_start_0:
0x0: {  	s2 =	sld [smem:$0x3FD9]  }
0x1: {  	s3 =	sld [smem:$0x3FFE];
	_ =	sdelay $0x1  }
0x2: {  	s1 =	srdreg.scid  }
0x3: {  	s0 =	sand.u32 $0x1, s1  }
0x4: {  	s18 =	sshll.u32 s0, $0xA;
	s2 =	sadd.s32 s3, s2  }
0x5: {  	s2 =	sadd.s32 s2, s18  }
0x6: {  	[smem:$0x3FC5] =	sst s2  }
0x7: {  	_ = 	snop  }
0x8: {  	s2 =	sld [smem:$0x3FD0];
	(tm) =	ssettm $0x1  }
0x9: {  	s19 =	sld [smem:$0x3FFB];
	_ =	sdelay $0x3  }
0xa: {  	_ =	strace s19  }
0xb: {  	s3 =	sld [smem:$0x3FFC];
	_ =	sdelay $0x3  }
0xc: {  	_ =	strace s3  }
0xd: {  	s3 =	sld [smem:$0x3FFD];
	_ =	sdelay $0x3  }
0xe: {  	_ =	strace s3  }
0xf: {  	_ =	strace $0x8FFFFFFF  }
0x10: {  	s20 =	sld [smem:$0x3FDB];
	_ =	sdelay $0x1  }
0x11: {  	s4 =	simm.s32 $_scs_section_size  }
0x12: {  	s5 =	simm.s32 $_size__tile_overlayer_lowered;
	s6 =	simm.s32 $_tile_overlayer_lowered  }
0x13: {  	s23 =	simm.s32 $0x1BFF;
	s22 =	sshll.u32 s6, $0x1;
	s3 =	sadd.s32 s4, s20  }
0x14: {  	s7 =	simm.s32 $0x0;
	s21 =	sshll.u32 s5, $0x1;
	s5 =	sadd.s32 s22, s3  }
0x15: {  	[timem:s7], [sflag:s23] =	dma.local [hbm:s5], s21  }
0x16: {  	_ =	swait.ge [sflag:s23], s21  }
0x17: {  	s4 =	ssub.s32 $0x0, s21;
	[sflag:s23] =	ssyncset.done $0x0  }
0x18: {  	[sflag:s23] =	ssyncadd.s32 s4;
	_ =	sdelay $0x1  }
0x19: {  	s24 =	simm.s32 $0x1B8B  }
0x1a: {  	_ =	swait.ge [sflag:s24], $0x1  }
0x1b: {  	[sflag:s24] =	ssyncset.done $0x0  }
0x1c: {  	s26 =	simm.s32 $0x1B8E;
	s25 =	sld [smem:$0x3FFE];
	[sflag:s24] =	ssyncadd.s32 $0xFFFFFFFF  }
0x1d: {  	s27 =	simm.s32 $execute0_lowered;
	[smem:$0x3FD2] =	sst s26  }
0x1e: {  	s5 =	sshll.u32 s27, $0x1;
	_ =	strace $0x80000049;
	[dreg:$0x1] =	wrdreg $0xFFFFFFFF  }
0x1f: {  	s28 =	simm.s32 $_size_execute0_lowered;
	s3 =	sadd.s32 s3, s5;
	[dreg:$0x0] =	wrdreg $0x0  }
0x20: {  	s5 =	sshll.u32 s28, $0x1;
	[dreg:$0x2] =	wrdreg s3  }
0x21: {  	[dreg:$0x3] =	wrdreg s5  }
0x22: {  	[dreg:$0x4] =	wrdreg $0xC0  }
0x23: {  	_ =	task [dreg:s7], $0x5FFFF  }
0x24: {  	[dreg:$0x1] =	wrdreg $0xFFFFFFFF  }
0x25: {  	[dreg:$0x0] =	wrdreg $0x60  }
0x26: {  	[dreg:$0x2] =	wrdreg s25  }
0x27: {  	[dreg:$0x3] =	wrdreg s2  }
0x28: {  	[dreg:$0x4] =	wrdreg $0x9  }
0x29: {  	_ =	task.clear_ibuf [dreg:s7], $0x5FFFF;
	_ =	strace $0x90000049  }
0x2a: {  	s29 =	simm.s32 $0x9;
	_ =	strace $0x8000004B  }
0x2b: {  	_ =	swait.ge [sflag:s29], $0x1  }
0x2c: {  	[sflag:s29] =	ssyncadd.s32 $0xFFFFFFFF  }
0x2d: {  	_ =	strace $0x9000004B  }
0x2e: {  	_ =	sfence  }
0x2f: {  	s30 =	sld [smem:$0x0];
	_ =	sdelay $0x2  }
0x30: {  	s31 =	sshll.u32 s1, $0xD;
	s1 =	sshrl.u32 s1, $0x2  }
0x31: {  	s3 =	sand.u32 $0x4000, s31;
	s1 =	sadd.s32 s1, s30  }
0x32: {  	s0 =	sor.u32 s3, s0;
	s1 =	sshll.u32 s1, $0x11  }
0x33: {  	s0 =	sor.u32 s1, s0  }
0x34: {  	s0 =	sadd.s32 $0x8F2B, s0  }
0x35: {  	[sflag:s0] =	ssyncadd.remote.s32 $0x1  }
0x36: {  	_ =	sfence.sel $0xFFFF  }
0x37: {  	[dreg:$0x0] =	wrdreg $0xFFFFFFFF;
	(pc) =	sbr.abs _section_cstart, $3  }
0x38: {  	[dreg:$0x1] =	wrdreg $0xFFFFFFFF  }
0x39: {  	_ =	task.clear_ibuf [dreg:s7], $0x2FFFF;
	_ =	strace $0x9FFFFFFF  }
0x3a: {  	(tm) =	ssettm $0x7FFFFFFF  }
0x3b: {  	_ =	shalt  }
tec
execute0_lowered:
.L_overlay_start_1:
0x0: {  	(tag) =	ssettag $0x1  }
0x1: {  	s3 =	rddreg [dreg:$0x0]  }
0x2: {  	s2 =	rddreg [dreg:$0x1]  }
0x3: {  	s1 =	srdreg.scid;
	s0 =	rddreg [dreg:$0x2];
	_ =	strace $0x8000004A  }
0x4: {  	s7 =	simm.s32 $0x2;
	s15 =	simm.s32 $0x0;
	p0 =	por $0x0, $0x0  }
0x5: {  	s16 =	simm.s32 $0x0;
	s17 =	simm.s32 $0x0;
	s8 =	simm.s32 $0x0  }
0x6: {  	s10 =	simm.s32 $0x0;
	s11 =	simm.s32 $0x0;
	s12 =	simm.s32 $0x0  }
.Ltmp0:
0x7: {  	s9 =	simm.s32 $0x0;
	s4 =	sshll.u32 s1, $0x4;
	(pc) =	sbr.rel .LBB1_1-.Ltmp0, $4  }
0x8: {  	s1 =	stileid.u32;
	s3 =	sadd.s32 $0x800, s3;
	s4 =	sand.u32 $0x10, s4  }
0x9: {  	s5 =	sand.u32 $0x3, s1;
	s6 =	sor.u32 s1, s4;
	s4 =	simm.s32 $0x1  }
0xa: {  	s14 =	smov.u32 s5;
	[sflag:s4] =	ssyncpa.u1 $0x0;
	s6 =	sshrl.u32 s6, $0x2  }
0xb: {  	[sflag:s7] =	ssyncpa.u1 $0x0;
	s7 =	simm.s32 $0x1000;
	s13 =	smov.u32 s6  }
.LBB1_5:
0xc: {  	p1 =	slt.u32 s9, $0x2;
	s18 =	smov.u32 s17  }
0xd: {  	p2 =	sgt.s32 @!p1 s17, $0x3;
	s19 =	sshra.s32 @!p1 s17, $0x1F;
	s20 =	sshra.s32 @!p1 s16, $0x1F  }
0xe: {  	p2 =	por !p2, p1;
	s17 =	sand.u32 @!p1 s19, s17;
	s19 =	smov.u32 s16  }
0xf: {  	s18 =	simm.s32 @p2 $0x3;
	p2 =	sgt.s32 @!p1 s16, $0x1FF;
	s16 =	sand.u32 @!p1 s20, s16  }
0x10: {  	s20 =	sshra.s32 @!p1 s15, $0x1F;
	s17 =	ssub.s32 @!p1 s18, s17;
	p3 =	por !p2, p1  }
0x11: {  	s18 =	sadd.s32 @!p1 $0xFFFFFFFD, s17;
	s19 =	simm.s32 @p3 $0x1FF;
	s17 =	ssub.s32 @!p1 $0x4, s17  }
0x12: {  	p3 =	sgt.s32 @!p1 s15, $0x180;
	p2 =	sgt.s32 @!p1 s18, $0x0;
	s16 =	ssub.s32 @!p1 s19, s16  }
0x13: {  	p3 =	por !p3, p1;
	s19 =	smov.u32 s15;
	s15 =	sand.u32 @!p1 s20, s15  }
0x14: {  	s17 =	smul.u32 @!p1 $0x30, s17;
	s18 =	sadd.s32 @!p1 $0xFFFFFE01, s16;
	s19 =	simm.s32 @p3 $0x180  }
0x15: {  	s16 =	ssub.s32 @!p1 $0x200, s16;
	p3 =	sgt.s32 @!p1 s18, $0x0;
	s15 =	ssub.s32 @!p1 s19, s15  }
0x16: {  	p2 =	por !p2, p1;
	p3 =	por !p3, p1;
	s18 =	sadd.s32 @!p1 $0xFFFFFE80, s15  }
0x17: {  	s17 =	simm.s32 @!p2 $0x0;
	s16 =	simm.s32 @!p3 $0x0;
	p3 =	sgt.s32 @!p1 s18, $0x7F  }
0x18: {  	s15 =	ssub.s32 @!p1 $0x200, s15;
	p2 =	por !p3, p1;
	s16 =	smul.u32 @!p1 s16, s17  }
0x19: {  	s19 =	smov.u32 s13;
	s18 =	sadd.s32 $0x80, s12;
	s15 =	simm.s32 @!p2 $0x0  }
0x1a: {  	p2 =	sgt.s32 s18, $0x1FF;
	s15 =	smul.u32 @!p1 s15, s16;
	s16 =	sadd.s32 $0x8, s13  }
0x1b: {  	s19 =	smov.u32 @p2 s16  }
0x1c: {  	s21 =	smov.u32 s14;
	s16 =	sadd.s32 $0x4, s14;
	p3 =	sgt.s32 s19, $0x1FF  }
0x1d: {  	s9 =	sadd.s32 $0x1, s9;
	p0 =	por !p0, !p0;
	s21 =	smov.u32 @p3 s16  }
0x1e: {  	s20 =	simm.s32 @!p1 $0x2;
	s18 =	simm.s32 @p2 $0x0;
	p2 =	sgt.s32 s21, $0x3  }
0x1f: {  	s17 =	smov.u32 s11;
	s21 =	smov.u32 @p2 s5;
	p2 =	sne.s32 s9, $0x102  }
.Ltmp1:
0x20: {  	s11 =	smov.u32 s14;
	s15 =	sand.u32 @!p1 $0x3FFFFFF0, s15;
	(pc) =	sbr.rel @!p2 .LBB1_6-.Ltmp1, $4  }
0x21: {  	_ =	swait.ge @!p1 [sflag:s20], s15;
	s22 =	ssub.s32 @!p1 $0x0, s15;
	s15 =	smov.u32 s8  }
0x22: {  	s16 =	smov.u32 s10;
	s19 =	smov.u32 @p3 s6;
	s8 =	smov.u32 s12  }
0x23: {  	s10 =	smov.u32 s13;
	s12 =	smov.u32 s18;
	[sflag:s20] =	ssyncset.done @!p1 $0x0  }
0x24: {  	s13 =	smov.u32 s19;
	[sflag:s20] =	ssyncadd.s32 @!p1 s22;
	s14 =	smov.u32 s21  }
.LBB1_1:
0x25: {  	p1 =	sgt.u32 s9, $0xFF  }
0x26: {  	s18 =	sxor.u32 @!p1 $0xFFFFFFFF, s9;
	s19 =	sshll.u32 @!p1 s14, $0x16;
	s20 =	sshll.u32 @!p1 s13, $0xD  }
0x27: {  	s21 =	sshll.u32 @!p1 s12, $0x4;
	s18 =	sshll.u32 @!p1 s18, $0xD;
	s19 =	sadd.s32 @!p1 s3, s19  }
0x28: {  	s21 =	sand.u32 @!p1 $0x1FF0, s21;
	s18 =	sand.u32 @!p1 $0x2000, s18;
	s19 =	sadd.s32 @!p1 s20, s19  }
0x29: {  	s20 =	simm.s32 @!p1 $0x40;
	s19 =	sadd.s32 @!p1 s21, s19;
	s21 =	simm.s32 @!p1 $0x80  }
0x2a: {  	[tilespmem:s18], [sflag:$0x1] =	stream.strided.gather @!p1 [hbm4b:s19+s20], $0x2000, s21, s20, $0x38;
	[tilespmem:$0x8080] =	vst v63  }
0x2b: {  	p1 =	seq.s32 s9, $0x0  }
0x2c: {  	p2 =	seq.s32 @!p1 s9, $0x101  }
0x2d: {  	p1 =	por p1, p2  }
.Ltmp2:
0x2e: {  	_ = 	snop;
	(pc) =	sbr.rel @p1 .LBB1_5-.Ltmp2, $1  }
0x2f: {  	_ =	sdelay $0x3  }
0x30: {  	s18 =	simm.s32 $0x1  }
0x31: {  	_ =	swait.ge [sflag:s4], $0x2000;
	s18 =	simm.s32 @!p0 $0x0  }
0x32: {  	[sflag:s4] =	ssyncset.done $0x0;
	s19 =	sshll.u32 s18, $0xD  }
0x33: {  	[sflag:s4] =	ssyncadd.s32 $0xFFFFE000;
	s22 =	sor.u32 $0x20, s19  }
0x34: {  	s18 =	smul.u32 $0x8100, s18;
	v3 =	vld [tilespmem:s22+$0x10]  }
0x35: {  	s30 =	sand.u32 $0x1, s9;
	v2 =	vld [tilespmem:s22+$0xFFFFFFF0]  }
0x36: {  	s19 =	smul.u32 $0x8100, s30;
	s18 =	sshrl.u32 s18, $0x2;
	v0 =	vld [tilespmem:s22+$0x0]  }
0x37: {  	v1 =	vld [tilespmem:s22+$0xFFFFFFE0];
	s20 =	sor.u32 $0x4000, s18  }
0x38: {  	s31 =	sshrl.u32 s19, $0x2;
	s19 =	sadd.s32 $0x0, s20  }
0x39: {  	s21 =	simm.s32 $0x4;
	s22 =	sadd.s32 $0x40, s22;
	s18 =	sor.u32 $0x4000, s31;
	[tilespmem:s19+$0x1830 ss:$0x81] =	vst.msk $0xffff, v3  }
.LBB1_3:
0x3a: {  	v3 =	vld [tilespmem:s22+$0x10];
	p1 =	sne.s32 s21, $0x1FC;
	[tilespmem:s19+$0x810 ss:$0x81] =	vst.msk $0xffff, v2;
	s23 =	smov.u32 s21;
	s21 =	sadd.s32 $0x4, s21  }
.Ltmp3:
0x3b: {  	v2 =	vld [tilespmem:s22+$0xFFFFFFF0];
	[tilespmem:s19+$0x1020 ss:$0x81] =	vst.msk $0xffff, v0;
	(pc) =	sbr.rel @p1 .LBB1_3-.Ltmp3, $4  }
0x3c: {  	v0 =	vld [tilespmem:s22+$0x0];
	[tilespmem:s19+$0x0 ss:$0x81] =	vst.msk $0xffff, v1  }
0x3d: {  	s19 =	sshra.s32 s23, $0x2;
	v1 =	vld [tilespmem:s22+$0xFFFFFFE0]  }
0x3e: {  	s19 =	sadd.s32 s19, s20  }
0x3f: {  	s22 =	sadd.s32 $0x40, s22;
	[tilespmem:s19+$0x1830 ss:$0x81] =	vst.msk $0xffff, v3  }
0x40: {  	s20 =	sshrl.u32 s8, $0x6  }
0x41: {  	p1 =	sgt.s32 s11, $0x3;
	s21 =	smov.u32 s11;
	s22 =	sshra.s32 s11, $0x1F  }
0x42: {  	s24 =	sshra.s32 s10, $0x1F;
	p2 =	sgt.s32 s8, $0x180;
	s30 =	sshra.s32 s8, $0x1F  }
0x43: {  	s26 =	smul.u32 $0xC00, s10;
	s27 =	sshrl.u32 s8, $0x3;
	s28 =	sand.u32 $0x7, s8  }
0x44: {  	s20 =	sand.u32 $0x7FFFFE, s20;
	s21 =	simm.s32 @!p1 $0x3;
	s22 =	sand.u32 s22, s11  }
0x45: {  	p1 =	sgt.s32 s10, $0x1FF;
	s24 =	sand.u32 s24, s10;
	s21 =	ssub.s32 s21, s22  }
0x46: {  	s23 =	smulhi.u32 $0x5555556, s20;
	s22 =	smov.u32 s10;
	s25 =	sadd.s32 $0xFFFFFFFD, s21  }
0x47: {  	s22 =	simm.s32 @!p1 $0x1FF;
	s21 =	ssub.s32 $0x4, s21;
	p1 =	sgt.s32 s25, $0x0  }
0x48: {  	s22 =	ssub.s32 s22, s24;
	s24 =	smov.u32 s8;
	s21 =	smul.u32 $0x30, s21  }
0x49: {  	s23 =	smul.u32 $0x30, s23;
	s25 =	sand.u32 s30, s8;
	s29 =	sadd.s32 $0xFFFFFE01, s22  }
0x4a: {  	s24 =	simm.s32 @!p2 $0x180;
	s22 =	ssub.s32 $0x200, s22;
	p2 =	sgt.s32 s29, $0x0  }
0x4b: {  	s24 =	ssub.s32 s24, s25;
	s21 =	simm.s32 @p1 $0x0;
	s25 =	smul.u32 $0x180000, s11  }
0x4c: {  	s20 =	ssub.s32 s20, s23;
	s22 =	simm.s32 @p2 $0x0;
	s31 =	sadd.s32 $0xFFFFFE80, s24  }
0x4d: {  	s21 =	smul.u32 s22, s21;
	p1 =	sgt.s32 s31, $0x7F;
	s22 =	ssub.s32 $0x200, s24  }
.Ltmp4:
0x4e: {  	s24 =	sadd.s32 s2, s25;
	s22 =	simm.s32 @p1 $0x0;
	(pc) =	sbr.rel .LBB1_5-.Ltmp4, $4  }
0x4f: {  	[tilespmem:s19+$0x810 ss:$0x81] =	vst.msk $0xffff, v2;
	s23 =	sadd.s32 s26, s24;
	s21 =	smul.u32 s22, s21;
	s22 =	sand.u32 $0xF, s27  }
0x50: {  	[tilespmem:s19+$0x1020 ss:$0x81] =	vst.msk $0xffff, v0;
	s29 =	sshll.u32 s28, $0x12;
	s20 =	sshll.u32 s20, $0x6;
	s22 =	sadd.s32 s22, s23  }
0x51: {  	[tilespmem:s19+$0x0 ss:$0x81] =	vst.msk $0xffff, v1;
	s31 =	sor.u32 $0x400, s29;
	s30 =	sand.u32 $0x3FFFFFF0, s21;
	s20 =	sadd.s32 s20, s22  }
0x52: {  	[hbm4b:s20+s31] =	stream.strided.scatter [tilespmem:s18], [sflag:$0x2], s30, s7, s31, $0x20;
	[tilespmem:$0x8080] =	vst v63  }
.LBB1_6:
0x53: {  	_ =	sfence.sel $0x180000  }
0x54: {  	s2 =	simm.s32 $0x1;
	[bflag:$0x0] =	sbarrier.arrive $0xFFFF  }
0x55: {  	s31 =	simm.s32 $0x2;
	[sflag:s2] =	ssyncpa.u1 $0x1  }
0x56: {  	[sflag:s31] =	ssyncpa.u1 $0x1  }
0x57: {  	p0 =	sne.s32 s1, $0x0;
	_ =	strace $0x9000004A  }
0x58: {  	s0 =	sadd.s32 @!p0 $0x100000, s0;
	[bflag:$0x2] =	sbarrier.arrive $0xFFFF  }
0x59: {  	[sflag:s0] =	ssyncadd.tile.s32 @!p0 $0x1;
	_ =	shalt  }
.Lfunc_end1:
_tile_overlayer_lowered:
.L_overlay_start_2:
0x5a: {  	(tag) =	ssettag $0x2  }
0x5b: {  	s0 =	rddreg [dreg:$0x0];
	s2 =	stileid.u32  }
0x5c: {  	s1 =	rddreg [dreg:$0x1];
	p0 =	sne.s32 s2, $0x0  }
0x5d: {  	s3 =	rddreg [dreg:$0x2];
	[bflag:$0x3] =	sbarrier.arrive $0xFFFF;
	s2 =	simm.s32 @!p0 $0x1C01  }
0x5e: {  	[timem:s3], [sflag:s2] =	dma.local @!p0 [hbm:s0], s1  }
0x5f: {  	s0 =	simm.s32 @!p0 $0x1  }
0x60: {  	_ =	swait.ge @!p0 [sflag:s0], s1  }
0x61: {  	s1 =	ssub.s32 @!p0 $0x0, s1;
	[sflag:s0] =	ssyncset.done @!p0 $0x0  }
0x62: {  	[sflag:s0] =	ssyncadd.s32 @!p0 s1  }
0x63: {  	[bflag:$0x3] =	sbarrier.arrive $0xFFFF  }
0x64: {  	_ =	shalt  }

</sc_bundles>
